<compile_context>
chip_gen: v7x
topology: tpu7x:2x2x1
jax: 0.10.2.dev20260603
libtpu: 0.0.44.dev20260713+nightly
codegen_flags: <defaults>
</compile_context>

<pallas_src>
import functools

import jax
import jax.numpy as jnp
from jax import lax
from jax.experimental import pallas as pl
from jax.experimental.pallas import tpu as pltpu
from jax.experimental.pallas import tpu_sc as plsc

D = 128
N_PAD = 10240
E_PAD = 327680
NC = 2
NS = 16
BLK = 32
EDGES_PER_TILE = E_PAD // (NC * NS)
NBLK = EDGES_PER_TILE // BLK
ROWS_PER_TILE = N_PAD // NS


def _split_mm_kernel(x_ref, w_ref, o_ref):
    o_ref[...] = jnp.dot(x_ref[...], w_ref[0],
                         preferred_element_type=jnp.float32)


def _tc_split_matmul(x, w2, block_rows):
    rows, k = x.shape
    nh = w2.shape[0]
    dout = w2.shape[2]
    nb = rows // block_rows
    return pl.pallas_call(
        _split_mm_kernel,
        grid=(nh, nb),
        in_specs=[
            pl.BlockSpec((block_rows, k), lambda h, i: (i, 0)),
            pl.BlockSpec((1, k, dout), lambda h, i: (h, 0, 0)),
        ],
        out_specs=pl.BlockSpec((block_rows, dout), lambda h, i: (h * nb + i, 0)),
        out_shape=jax.ShapeDtypeStruct((nh * rows, dout), jnp.float32),
    )(x, w2)


def _mm_kernel(x_ref, w_ref, o_ref):
    o_ref[...] = jnp.dot(x_ref[...], w_ref[...], preferred_element_type=jnp.float32)


def _tc_matmul(x, w, block_rows):
    rows, k = x.shape
    dout = w.shape[1]
    return pl.pallas_call(
        _mm_kernel,
        grid=(rows // block_rows,),
        in_specs=[
            pl.BlockSpec((block_rows, k), lambda i: (i, 0)),
            pl.BlockSpec((k, dout), lambda i: (0, 0)),
        ],
        out_specs=pl.BlockSpec((block_rows, dout), lambda i: (i, 0)),
        out_shape=jax.ShapeDtypeStruct((rows, dout), jnp.float32),
    )(x, w)


def _node_kernel(nf_ref, r0_ref, r1_ref, w1_ref, w2_ref, o_ref):
    r = r0_ref[...] + r1_ref[...]
    y = (jnp.dot(nf_ref[...], w1_ref[...], preferred_element_type=jnp.float32)
         + jnp.dot(r, w2_ref[...], preferred_element_type=jnp.float32))
    o_ref[...] = jnp.maximum(y, jnp.float32(0.01) * y)


def _tc_node_mlp(nf_pad, r0, r1, w1, w2, block_rows=2048):
    rows = nf_pad.shape[0]
    spec = pl.BlockSpec((block_rows, D), lambda i: (i, 0))
    wspec = pl.BlockSpec((D, D), lambda i: (0, 0))
    return pl.pallas_call(
        _node_kernel,
        grid=(rows // block_rows,),
        in_specs=[spec, spec, spec, wspec, wspec],
        out_specs=spec,
        out_shape=jax.ShapeDtypeStruct((rows, D), jnp.float32),
    )(nf_pad, r0, r1, w1, w2)


def _sc_edge_body(tab_hbm, c_hbm, isrc_hbm, idst_hbm, isrcb_hbm, idstb_hbm,
                  out_hbm, *refs):
    (gix0, six0, dix0, asb0, bdb0, adb0, bsb0, cb0,
     gix1, six1, dix1, asb1, bdb1, adb1, bsb1, cb1,
     accum,
     sgx0, ssx0, sg0, ssc0, sgx1, ssx1, sg1, ssc1) = refs
    sets = (
        (gix0, six0, dix0, asb0, bdb0, adb0, bsb0, cb0, sgx0, ssx0, sg0, ssc0),
        (gix1, six1, dix1, asb1, bdb1, adb1, bsb1, cb1, sgx1, ssx1, sg1, ssc1),
    )
    cid = lax.axis_index("c")
    sid = lax.axis_index("s")

    def _zrow(i, carry):
        for j in range(D // 16):
            asb0[i, pl.ds(j * 16, 16)] = jnp.zeros((16,), jnp.float32)
        return carry
    lax.fori_loop(0, BLK, _zrow, 0)

    rows0 = sid * ROWS_PER_TILE
    ZROWS = 128

    def _zacc(k, carry):
        for i in range(ZROWS // BLK):
            pltpu.sync_copy(asb0, accum.at[pl.ds(rows0 + k * ZROWS + i * BLK,
                                                 BLK)])
        return carry
    lax.fori_loop(0, ROWS_PER_TILE // ZROWS, _zacc, 0)
    plsc.subcore_barrier()

    tile_base = (cid * NS + sid) * EDGES_PER_TILE

    def _gidx(b, s, wait):
        gix, semgx = s[0], s[8]
        base = tile_base + b * BLK
        pairs = (
            (isrc_hbm.at[pl.ds(base, BLK)], gix.at[0]),
            (idst_hbm.at[pl.ds(base, BLK)], gix.at[1]),
            (isrcb_hbm.at[pl.ds(base, BLK)], gix.at[2]),
            (idstb_hbm.at[pl.ds(base, BLK)], gix.at[3]),
        )
        for src, dst in pairs:
            if wait:
                pltpu.make_async_copy(src, dst, semgx).wait()
            else:
                pltpu.async_copy(src, dst, semgx)

    def _sidx(b, s, wait):
        six, dix, semsx = s[1], s[2], s[9]
        base = tile_base + b * BLK
        pairs = (
            (isrc_hbm.at[pl.ds(base, BLK)], six),
            (idst_hbm.at[pl.ds(base, BLK)], dix),
        )
        for src, dst in pairs:
            if wait:
                pltpu.make_async_copy(src, dst, semsx).wait()
            else:
                pltpu.async_copy(src, dst, semsx)

    def _gathers(b, s, wait):
        gix, asb, bdb, adb, bsb, cb, semg = s[0], s[3], s[4], s[5], s[6], s[7], s[10]
        base = tile_base + b * BLK
        pairs = (
            (tab_hbm.at[gix.at[0]], asb),
            (tab_hbm.at[gix.at[3]], bdb),
            (tab_hbm.at[gix.at[1]], adb),
            (tab_hbm.at[gix.at[2]], bsb),
            (c_hbm.at[pl.ds(base, BLK)], cb),
        )
        for src, dst in pairs:
            if wait:
                pltpu.make_async_copy(src, dst, semg).wait()
            else:
                pltpu.async_copy(src, dst, semg)

    def _scatter(s, wait):
        six, dix, asb, bsb, semsc = s[1], s[2], s[3], s[6], s[11]
        if wait:
            pltpu.make_async_copy(asb, accum.at[dix], semsc).wait()
            pltpu.make_async_copy(bsb, accum.at[six], semsc).wait()
        else:
            pltpu.async_copy(asb, accum.at[dix], semsc, add=True)
            pltpu.async_copy(bsb, accum.at[six], semsc, add=True)

    def _compute(s):
        asb, bdb, adb, bsb, cb = s[3], s[4], s[5], s[6], s[7]

        def _edge(e, ecarry):
            for j in range(D // 16):
                lo = j * 16
                a_s = asb[e, pl.ds(lo, 16)]
                b_d = bdb[e, pl.ds(lo, 16)]
                a_d = adb[e, pl.ds(lo, 16)]
                b_s = bsb[e, pl.ds(lo, 16)]
                c = cb[e, pl.ds(lo, 16)]
                f = a_s + b_d + c
                r = b_s + a_d + c
                asb[e, pl.ds(lo, 16)] = jnp.maximum(f, jnp.float32(0.01) * f)
                bsb[e, pl.ds(lo, 16)] = jnp.maximum(r, jnp.float32(0.01) * r)
            return ecarry
        lax.fori_loop(0, BLK, _edge, 0)

    def _phase(b, p, first, last):
        s, o = sets[p], sets[1 - p]
        if not last:
            _gidx(b + 1, o, wait=True)
            if not first:
                _scatter(o, wait=True)
            _gathers(b + 1, o, wait=False)
            if not first:
                _sidx(b + 1, o, wait=False)
        else:
            _scatter(o, wait=True)
        _gathers(b, s, wait=True)
        if not last:
            @pl.when(b + 2 <= NBLK - 1)
            def _():
                _gidx(b + 2, s, wait=False)
        _compute(s)
        _sidx(b, s, wait=True)
        _scatter(s, wait=False)

    _gidx(0, sets[0], wait=False)
    _sidx(0, sets[0], wait=False)
    _gidx(1, sets[1], wait=False)
    _sidx(1, sets[1], wait=False)
    _gidx(0, sets[0], wait=True)
    _gathers(0, sets[0], wait=False)

    _phase(0, 0, first=True, last=False)
    _phase(1, 1, first=False, last=False)

    def _body(g, carry):
        b0 = 2 * g
        _phase(b0, 0, first=False, last=False)
        _phase(b0 + 1, 1, first=False, last=False)
        return carry
    lax.fori_loop(1, NBLK // 2 - 1, _body, 0)

    _phase(NBLK - 2, 0, first=False, last=False)
    _phase(NBLK - 1, 1, first=False, last=True)
    _scatter(sets[1], wait=True)

    plsc.subcore_barrier()
    out_base = cid * N_PAD + rows0

    def _wout(k, carry):
        pltpu.sync_copy(accum.at[pl.ds(rows0 + k * BLK, BLK)], asb0)
        pltpu.sync_copy(asb0, out_hbm.at[pl.ds(out_base + k * BLK, BLK)])
        return carry
    lax.fori_loop(0, ROWS_PER_TILE // BLK, _wout, 0)


def _sc_edge_pass(tab, c_all, isrc, idst, isrcb, idstb):
    mesh = plsc.VectorSubcoreMesh(core_axis_name="c", subcore_axis_name="s")
    set_types = [
        pltpu.VMEM((4, BLK), jnp.int32),
        pltpu.VMEM((BLK,), jnp.int32),
        pltpu.VMEM((BLK,), jnp.int32),
        pltpu.VMEM((BLK, D), jnp.float32),
        pltpu.VMEM((BLK, D), jnp.float32),
        pltpu.VMEM((BLK, D), jnp.float32),
        pltpu.VMEM((BLK, D), jnp.float32),
        pltpu.VMEM((BLK, D), jnp.float32),
    ]
    sem_types = [pltpu.SemaphoreType.DMA] * 4
    fn = functools.partial(
        pl.kernel,
        mesh=mesh,
        out_type=jax.ShapeDtypeStruct((NC * N_PAD, D), jnp.float32),
        scratch_types=(
            set_types + set_types
            + [pltpu.VMEM_SHARED((N_PAD, D), jnp.float32)]
            + sem_types + sem_types
        ),
    )(_sc_edge_body)
    return fn(tab, c_all, isrc, idst, isrcb, idstb)


def kernel(nf, ef, W_edge, W_node, edge_index):
    n, d = nf.shape
    e = ef.shape[0]

    src = edge_index[0].astype(jnp.int32)
    dst = edge_index[1].astype(jnp.int32)
    pad_idx = jnp.full((E_PAD - e,), n, dtype=jnp.int32)
    isrc = jnp.concatenate([src, pad_idx])
    idst = jnp.concatenate([dst, pad_idx])
    isrcb = isrc + N_PAD
    idstb = idst + N_PAD

    nf_pad = jnp.pad(nf, ((0, N_PAD - n), (0, 0)))
    ef_pad = jnp.pad(ef, ((0, E_PAD - e), (0, 0)))

    ws_t = W_edge[:, :d].T
    wd_t = W_edge[:, d:2 * d].T
    wc_t = W_edge[:, 2 * d:].T
    w_ab = jnp.stack([ws_t, wd_t])

    tab = _tc_split_matmul(nf_pad, w_ab, block_rows=2048)
    c_all = _tc_matmul(ef_pad, wc_t, block_rows=4096)

    red = _sc_edge_pass(tab, c_all, isrc, idst, isrcb, idstb)
    r0 = red[:N_PAD]
    r1 = red[N_PAD:]

    w_n1 = W_node[:, :d].T
    w_n2 = W_node[:, d:].T

    out = _tc_node_mlp(nf_pad, r0, r1, w_n1, w_n2)
    return out[:n]

# --- scband reference (transcript-rebuilt; emitter-appended) ---
"""Pipeline reference for scband-gnnlayer-49795850829975 (READ-ONLY COPY).

The authoritative reference and input builder live on the scoring server;
editing this copy changes nothing except your own understanding.
"""

import jax, jax.numpy as jnp
import numpy as np

N = 10000
E = 320000
IN_DIM = 128
OUT_DIM = 128
EF_DIM = 16

def setup_inputs(seed: int = 0) -> dict:
    key = jax.random.key(seed)
    k1, k2, k3, k4, k5 = jax.random.split(key, 5)
    nf = jax.random.normal(k1, (N, IN_DIM), dtype=jnp.float32)
    ef = jax.random.normal(k2, (E, EF_DIM), dtype=jnp.float32)
    edge_index = jax.random.randint(k3, (2, E), 0, N)
    # learned params (bias=False Linears)
    W_edge = jax.random.normal(k4, (OUT_DIM, 2 * IN_DIM + EF_DIM), dtype=jnp.float32) * 0.05
    W_node = jax.random.normal(k5, (OUT_DIM, OUT_DIM + IN_DIM), dtype=jnp.float32) * 0.05
    return {"nf": nf, "ef": ef, "W_edge": W_edge, "W_node": W_node, "edge_index": edge_index}

def reference(nf, ef, W_edge, W_node, edge_index):
    n_nodes = nf.shape[0]
    src = edge_index[0]
    dst = edge_index[1]
    # module adds reverse edges and copies edge features onto them
    src_all = jnp.concatenate([src, dst], axis=0)
    dst_all = jnp.concatenate([dst, src], axis=0)
    ef_all = jnp.concatenate([ef, ef], axis=0)
    # message_func: concat(src_nf, dst_nf, ef) -> Linear -> LeakyReLU
    e_in = jnp.concatenate([nf[src_all], nf[dst_all], ef_all], axis=-1)
    msg = jax.nn.leaky_relu(e_in @ W_edge.T, negative_slope=0.01)
    # reduce_func: sum over mailbox (scatter-add by destination node)
    red_msg = jax.ops.segment_sum(msg, dst_all, num_segments=n_nodes)
    # apply_node_func: concat(nf, red_msg) -> Linear -> LeakyReLU
    out_nf = jax.nn.leaky_relu(jnp.concatenate([nf, red_msg], axis=-1) @ W_node.T, negative_slope=0.01)
    return out_nf

if __name__ == "__main__":
    import jax
    _d = setup_inputs()
    print(jax.jit(kernel)(*tuple(_d.values())))

</pallas_src>

<mosaic_0001>
#map = affine_map<(d0, d1) -> (0, 0)>
#map1 = affine_map<(d0, d1) -> (0)>
module attributes {stable_mosaic.version = 14 : i64} {
  func.func @_sc_edge_body(%arg0: i32, %arg1: i32, %arg2: memref<20480x128xf32, #tpu.memory_space<hbm>>, %arg3: memref<327680x128xf32, #tpu.memory_space<hbm>>, %arg4: memref<327680xi32, #tpu.memory_space<hbm>>, %arg5: memref<327680xi32, #tpu.memory_space<hbm>>, %arg6: memref<327680xi32, #tpu.memory_space<hbm>>, %arg7: memref<327680xi32, #tpu.memory_space<hbm>>, %arg8: memref<20480x128xf32, #tpu.memory_space<hbm>>, %arg9: memref<4x32xi32, #tpu.memory_space<vmem>>, %arg10: memref<32xi32, #tpu.memory_space<vmem>>, %arg11: memref<32xi32, #tpu.memory_space<vmem>>, %arg12: memref<32x128xf32, #tpu.memory_space<vmem>>, %arg13: memref<32x128xf32, #tpu.memory_space<vmem>>, %arg14: memref<32x128xf32, #tpu.memory_space<vmem>>, %arg15: memref<32x128xf32, #tpu.memory_space<vmem>>, %arg16: memref<32x128xf32, #tpu.memory_space<vmem>>, %arg17: memref<4x32xi32, #tpu.memory_space<vmem>>, %arg18: memref<32xi32, #tpu.memory_space<vmem>>, %arg19: memref<32xi32, #tpu.memory_space<vmem>>, %arg20: memref<32x128xf32, #tpu.memory_space<vmem>>, %arg21: memref<32x128xf32, #tpu.memory_space<vmem>>, %arg22: memref<32x128xf32, #tpu.memory_space<vmem>>, %arg23: memref<32x128xf32, #tpu.memory_space<vmem>>, %arg24: memref<32x128xf32, #tpu.memory_space<vmem>>, %arg25: memref<10240x128xf32, #tpu.memory_space<vmem_shared>>, %arg26: memref<!tpu.dma_semaphore, #tpu.memory_space<semaphore_mem>>, %arg27: memref<!tpu.dma_semaphore, #tpu.memory_space<semaphore_mem>>, %arg28: memref<!tpu.dma_semaphore, #tpu.memory_space<semaphore_mem>>, %arg29: memref<!tpu.dma_semaphore, #tpu.memory_space<semaphore_mem>>, %arg30: memref<!tpu.dma_semaphore, #tpu.memory_space<semaphore_mem>>, %arg31: memref<!tpu.dma_semaphore, #tpu.memory_space<semaphore_mem>>, %arg32: memref<!tpu.dma_semaphore, #tpu.memory_space<semaphore_mem>>, %arg33: memref<!tpu.dma_semaphore, #tpu.memory_space<semaphore_mem>>) attributes {dimension_semantics = [#tpu.dimension_semantics<core_parallel>, #tpu.dimension_semantics<subcore_parallel>], iteration_bounds = array<i64: 2, 16>, scalar_prefetch = 0 : i64, scratch_operands = 25 : i64, tpu.core_type = #tpu.core_type<sc_vector_subcore>, window_params = [{transform_indices = #map}, {transform_indices = #map}, {transform_indices = #map1}, {transform_indices = #map1}, {transform_indices = #map1}, {transform_indices = #map1}, {transform_indices = #map}]} {
    %scan3A = arith.constant 0 : i32
    %scan3A_0 = arith.constant 0 : i32
    %scan3A_1 = arith.constant 32 : i32
    %scan3A_2 = arith.addi %scan3A_0, %scan3A_1 : i32
    %scan3A_3 = arith.constant 1 : i32
    scf.for %scan3A_726 = %scan3A_0 to %scan3A_2 step %scan3A_3  : i32 {
      %broadcast_in_dim3A = arith.constant 0.000000e+00 : f32
      %broadcast_in_dim3A_727 = vector.broadcast %broadcast_in_dim3A : f32 to vector<16xf32>
      %swap3A = arith.index_cast %scan3A_726 : i32 to index
      %swap3A_728 = arith.constant 0 : index
      %swap3A_729 = tpu.vector_load %arg12[%swap3A, %swap3A_728] {strides = array<i32>} : memref<32x128xf32, #tpu.memory_space<vmem>>, vector<1x16xf32>,
      %swap3A_730 = vector.shape_cast %swap3A_729 : vector<1x16xf32> to vector<16xf32>
      %swap3A_731 = vector.shape_cast %broadcast_in_dim3A_727 : vector<16xf32> to vector<1x16xf32>
      tpu.vector_store %arg12[%swap3A, %swap3A_728], %swap3A_731 {strides = array<i32>} : memref<32x128xf32, #tpu.memory_space<vmem>>, vector<1x16xf32>,
      %broadcast_in_dim3A_732 = arith.constant 0.000000e+00 : f32
      %broadcast_in_dim3A_733 = vector.broadcast %broadcast_in_dim3A_732 : f32 to vector<16xf32>
      %swap3A_734 = arith.index_cast %scan3A_726 : i32 to index
      %swap3A_735 = arith.constant 16 : index
      %swap3A_736 = tpu.vector_load %arg12[%swap3A_734, %swap3A_735] {strides = array<i32>} : memref<32x128xf32, #tpu.memory_space<vmem>>, vector<1x16xf32>,
      %swap3A_737 = vector.shape_cast %swap3A_736 : vector<1x16xf32> to vector<16xf32>
      %swap3A_738 = vector.shape_cast %broadcast_in_dim3A_733 : vector<16xf32> to vector<1x16xf32>
      tpu.vector_store %arg12[%swap3A_734, %swap3A_735], %swap3A_738 {strides = array<i32>} : memref<32x128xf32, #tpu.memory_space<vmem>>, vector<1x16xf32>,
      %broadcast_in_dim3A_739 = arith.constant 0.000000e+00 : f32
      %broadcast_in_dim3A_740 = vector.broadcast %broadcast_in_dim3A_739 : f32 to vector<16xf32>
      %swap3A_741 = arith.index_cast %scan3A_726 : i32 to index
      %swap3A_742 = arith.constant 32 : index
      %swap3A_743 = tpu.vector_load %arg12[%swap3A_741, %swap3A_742] {strides = array<i32>} : memref<32x128xf32, #tpu.memory_space<vmem>>, vector<1x16xf32>,
      %swap3A_744 = vector.shape_cast %swap3A_743 : vector<1x16xf32> to vector<16xf32>
      %swap3A_745 = vector.shape_cast %broadcast_in_dim3A_740 : vector<16xf32> to vector<1x16xf32>
      tpu.vector_store %arg12[%swap3A_741, %swap3A_742], %swap3A_745 {strides = array<i32>} : memref<32x128xf32, #tpu.memory_space<vmem>>, vector<1x16xf32>,
      %broadcast_in_dim3A_746 = arith.constant 0.000000e+00 : f32
      %broadcast_in_dim3A_747 = vector.broadcast %broadcast_in_dim3A_746 : f32 to vector<16xf32>
      %swap3A_748 = arith.index_cast %scan3A_726 : i32 to index
      %swap3A_749 = arith.constant 48 : index
      %swap3A_750 = tpu.vector_load %arg12[%swap3A_748, %swap3A_749] {strides = array<i32>} : memref<32x128xf32, #tpu.memory_space<vmem>>, vector<1x16xf32>,
      %swap3A_751 = vector.shape_cast %swap3A_750 : vector<1x16xf32> to vector<16xf32>
      %swap3A_752 = vector.shape_cast %broadcast_in_dim3A_747 : vector<16xf32> to vector<1x16xf32>
      tpu.vector_store %arg12[%swap3A_748, %swap3A_749], %swap3A_752 {strides = array<i32>} : memref<32x128xf32, #tpu.memory_space<vmem>>, vector<1x16xf32>,
      %broadcast_in_dim3A_753 = arith.constant 0.000000e+00 : f32
      %broadcast_in_dim3A_754 = vector.broadcast %broadcast_in_dim3A_753 : f32 to vector<16xf32>
      %swap3A_755 = arith.index_cast %scan3A_726 : i32 to index
      %swap3A_756 = arith.constant 64 : index
      %swap3A_757 = tpu.vector_load %arg12[%swap3A_755, %swap3A_756] {strides = array<i32>} : memref<32x128xf32, #tpu.memory_space<vmem>>, vector<1x16xf32>,
      %swap3A_758 = vector.shape_cast %swap3A_757 : vector<1x16xf32> to vector<16xf32>
      %swap3A_759 = vector.shape_cast %broadcast_in_dim3A_754 : vector<16xf32> to vector<1x16xf32>
      tpu.vector_store %arg12[%swap3A_755, %swap3A_756], %swap3A_759 {strides = array<i32>} : memref<32x128xf32, #tpu.memory_space<vmem>>, vector<1x16xf32>,
      %broadcast_in_dim3A_760 = arith.constant 0.000000e+00 : f32
      %broadcast_in_dim3A_761 = vector.broadcast %broadcast_in_dim3A_760 : f32 to vector<16xf32>
      %swap3A_762 = arith.index_cast %scan3A_726 : i32 to index
      %swap3A_763 = arith.constant 80 : index
      %swap3A_764 = tpu.vector_load %arg12[%swap3A_762, %swap3A_763] {strides = array<i32>} : memref<32x128xf32, #tpu.memory_space<vmem>>, vector<1x16xf32>,
      %swap3A_765 = vector.shape_cast %swap3A_764 : vector<1x16xf32> to vector<16xf32>
      %swap3A_766 = vector.shape_cast %broadcast_in_dim3A_761 : vector<16xf32> to vector<1x16xf32>
      tpu.vector_store %arg12[%swap3A_762, %swap3A_763], %swap3A_766 {strides = array<i32>} : memref<32x128xf32, #tpu.memory_space<vmem>>, vector<1x16xf32>,
      %broadcast_in_dim3A_767 = arith.constant 0.000000e+00 : f32
      %broadcast_in_dim3A_768 = vector.broadcast %broadcast_in_dim3A_767 : f32 to vector<16xf32>
      %swap3A_769 = arith.index_cast %scan3A_726 : i32 to index
      %swap3A_770 = arith.constant 96 : index
      %swap3A_771 = tpu.vector_load %arg12[%swap3A_769, %swap3A_770] {strides = array<i32>} : memref<32x128xf32, #tpu.memory_space<vmem>>, vector<1x16xf32>,
      %swap3A_772 = vector.shape_cast %swap3A_771 : vector<1x16xf32> to vector<16xf32>
      %swap3A_773 = vector.shape_cast %broadcast_in_dim3A_768 : vector<16xf32> to vector<1x16xf32>
      tpu.vector_store %arg12[%swap3A_769, %swap3A_770], %swap3A_773 {strides = array<i32>} : memref<32x128xf32, #tpu.memory_space<vmem>>, vector<1x16xf32>,
      %broadcast_in_dim3A_774 = arith.constant 0.000000e+00 : f32
      %broadcast_in_dim3A_775 = vector.broadcast %broadcast_in_dim3A_774 : f32 to vector<16xf32>
      %swap3A_776 = arith.index_cast %scan3A_726 : i32 to index
      %swap3A_777 = arith.constant 112 : index
      %swap3A_778 = tpu.vector_load %arg12[%swap3A_776, %swap3A_777] {strides = array<i32>} : memref<32x128xf32, #tpu.memory_space<vmem>>, vector<1x16xf32>,
      %swap3A_779 = vector.shape_cast %swap3A_778 : vector<1x16xf32> to vector<16xf32>
      %swap3A_780 = vector.shape_cast %broadcast_in_dim3A_775 : vector<16xf32> to vector<1x16xf32>
      tpu.vector_store %arg12[%swap3A_776, %swap3A_777], %swap3A_780 {strides = array<i32>} : memref<32x128xf32, #tpu.memory_space<vmem>>, vector<1x16xf32>,
    }
    %scan3A_4 = arith.constant 32 : i32
    %mul3A = arith.constant 640 : i32
    %mul3A_5 = arith.muli %arg1, %mul3A : i32
    %scan3A_6 = arith.constant 0 : i32
    %scan3A_7 = arith.constant 0 : i32
    %scan3A_8 = arith.constant 5 : i32
    %scan3A_9 = arith.addi %scan3A_7, %scan3A_8 : i32
    %scan3A_10 = arith.constant 1 : i32
    scf.for %scan3A_726 = %scan3A_7 to %scan3A_9 step %scan3A_10  : i32 {
      %mul3A_727 = arith.constant 128 : i32
      %mul3A_728 = arith.muli %scan3A_726, %mul3A_727 : i32
      %add3A_729 = arith.addi %mul3A_5, %mul3A_728 : i32
      %add3A_730 = arith.constant 0 : i32
      %add3A_731 = arith.addi %add3A_729, %add3A_730 : i32
      "tpu.region"() ({
        %run_scoped3A = tpu.sem_alloc : memref<!tpu.dma_semaphore, #tpu.memory_space<semaphore_mem>>
        %dma_start3A_747 = arith.constant 0 : i32
        %dma_start3A_748 = tpu.memref_slice %arg25[%add3A_731, %dma_start3A_747] : memref<10240x128xf32, #tpu.memory_space<vmem_shared>> -> memref<32x128xf32, #tpu.memory_space<vmem_shared>>
        %dma_start3A_749 = arith.constant 0 : i32
        %dma_start3A_750 = tpu.memref_slice %arg25[%add3A_731, %dma_start3A_749] : memref<10240x128xf32, #tpu.memory_space<vmem_shared>> -> memref<32x128xf32, #tpu.memory_space<vmem_shared>>
        tpu.enqueue_dma source(%arg12 : memref<32x128xf32, #tpu.memory_space<vmem>>) target(%dma_start3A_750 : memref<32x128xf32, #tpu.memory_space<vmem_shared>>) target_semaphore(%run_scoped3A : memref<!tpu.dma_semaphore, #tpu.memory_space<semaphore_mem>>)
        %dma_wait3A_751 = arith.constant 0 : i32
        %dma_wait3A_752 = tpu.memref_slice %arg25[%add3A_731, %dma_wait3A_751] : memref<10240x128xf32, #tpu.memory_space<vmem_shared>> -> memref<32x128xf32, #tpu.memory_space<vmem_shared>>
        %dma_wait3A_753 = arith.constant 0 : i32
        %dma_wait3A_754 = tpu.memref_slice %arg25[%add3A_731, %dma_wait3A_753] : memref<10240x128xf32, #tpu.memory_space<vmem_shared>> -> memref<32x128xf32, #tpu.memory_space<vmem_shared>>
        tpu.wait_dma2 semaphore(%run_scoped3A : memref<!tpu.dma_semaphore, #tpu.memory_space<semaphore_mem>>) src(%arg12 : memref<32x128xf32, #tpu.memory_space<vmem>>) dst(%dma_wait3A_754 : memref<32x128xf32, #tpu.memory_space<vmem_shared>>)
        tpu.yield
      }) : () -> ()
      %mul3A_732 = arith.constant 128 : i32
      %mul3A_733 = arith.muli %scan3A_726, %mul3A_732 : i32
      %add3A_734 = arith.addi %mul3A_5, %mul3A_733 : i32
      %add3A_735 = arith.constant 32 : i32
      %add3A_736 = arith.addi %add3A_734, %add3A_735 : i32
      "tpu.region"() ({
        %run_scoped3A = tpu.sem_alloc : memref<!tpu.dma_semaphore, #tpu.memory_space<semaphore_mem>>
        %dma_start3A_747 = arith.constant 0 : i32
        %dma_start3A_748 = tpu.memref_slice %arg25[%add3A_736, %dma_start3A_747] : memref<10240x128xf32, #tpu.memory_space<vmem_shared>> -> memref<32x128xf32, #tpu.memory_space<vmem_shared>>
        %dma_start3A_749 = arith.constant 0 : i32
        %dma_start3A_750 = tpu.memref_slice %arg25[%add3A_736, %dma_start3A_749] : memref<10240x128xf32, #tpu.memory_space<vmem_shared>> -> memref<32x128xf32, #tpu.memory_space<vmem_shared>>
        tpu.enqueue_dma source(%arg12 : memref<32x128xf32, #tpu.memory_space<vmem>>) target(%dma_start3A_750 : memref<32x128xf32, #tpu.memory_space<vmem_shared>>) target_semaphore(%run_scoped3A : memref<!tpu.dma_semaphore, #tpu.memory_space<semaphore_mem>>)
        %dma_wait3A_751 = arith.constant 0 : i32
        %dma_wait3A_752 = tpu.memref_slice %arg25[%add3A_736, %dma_wait3A_751] : memref<10240x128xf32, #tpu.memory_space<vmem_shared>> -> memref<32x128xf32, #tpu.memory_space<vmem_shared>>
        %dma_wait3A_753 = arith.constant 0 : i32
        %dma_wait3A_754 = tpu.memref_slice %arg25[%add3A_736, %dma_wait3A_753] : memref<10240x128xf32, #tpu.memory_space<vmem_shared>> -> memref<32x128xf32, #tpu.memory_space<vmem_shared>>
        tpu.wait_dma2 semaphore(%run_scoped3A : memref<!tpu.dma_semaphore, #tpu.memory_space<semaphore_mem>>) src(%arg12 : memref<32x128xf32, #tpu.memory_space<vmem>>) dst(%dma_wait3A_754 : memref<32x128xf32, #tpu.memory_space<vmem_shared>>)
        tpu.yield
      }) : () -> ()
      %mul3A_737 = arith.constant 128 : i32
      %mul3A_738 = arith.muli %scan3A_726, %mul3A_737 : i32
      %add3A_739 = arith.addi %mul3A_5, %mul3A_738 : i32
      %add3A_740 = arith.constant 64 : i32
      %add3A_741 = arith.addi %add3A_739, %add3A_740 : i32
      "tpu.region"() ({
        %run_scoped3A = tpu.sem_alloc : memref<!tpu.dma_semaphore, #tpu.memory_space<semaphore_mem>>
        %dma_start3A_747 = arith.constant 0 : i32
        %dma_start3A_748 = tpu.memref_slice %arg25[%add3A_741, %dma_start3A_747] : memref<10240x128xf32, #tpu.memory_space<vmem_shared>> -> memref<32x128xf32, #tpu.memory_space<vmem_shared>>
        %dma_start3A_749 = arith.constant 0 : i32
        %dma_start3A_750 = tpu.memref_slice %arg25[%add3A_741, %dma_start3A_749] : memref<10240x128xf32, #tpu.memory_space<vmem_shared>> -> memref<32x128xf32, #tpu.memory_space<vmem_shared>>
        tpu.enqueue_dma source(%arg12 : memref<32x128xf32, #tpu.memory_space<vmem>>) target(%dma_start3A_750 : memref<32x128xf32, #tpu.memory_space<vmem_shared>>) target_semaphore(%run_scoped3A : memref<!tpu.dma_semaphore, #tpu.memory_space<semaphore_mem>>)
        %dma_wait3A_751 = arith.constant 0 : i32
        %dma_wait3A_752 = tpu.memref_slice %arg25[%add3A_741, %dma_wait3A_751] : memref<10240x128xf32, #tpu.memory_space<vmem_shared>> -> memref<32x128xf32, #tpu.memory_space<vmem_shared>>
        %dma_wait3A_753 = arith.constant 0 : i32
        %dma_wait3A_754 = tpu.memref_slice %arg25[%add3A_741, %dma_wait3A_753] : memref<10240x128xf32, #tpu.memory_space<vmem_shared>> -> memref<32x128xf32, #tpu.memory_space<vmem_shared>>
        tpu.wait_dma2 semaphore(%run_scoped3A : memref<!tpu.dma_semaphore, #tpu.memory_space<semaphore_mem>>) src(%arg12 : memref<32x128xf32, #tpu.memory_space<vmem>>) dst(%dma_wait3A_754 : memref<32x128xf32, #tpu.memory_space<vmem_shared>>)
        tpu.yield
      }) : () -> ()
      %mul3A_742 = arith.constant 128 : i32
      %mul3A_743 = arith.muli %scan3A_726, %mul3A_742 : i32
      %add3A_744 = arith.addi %mul3A_5, %mul3A_743 : i32
      %add3A_745 = arith.constant 96 : i32
      %add3A_746 = arith.addi %add3A_744, %add3A_745 : i32
      "tpu.region"() ({
        %run_scoped3A = tpu.sem_alloc : memref<!tpu.dma_semaphore, #tpu.memory_space<semaphore_mem>>
        %dma_start3A_747 = arith.constant 0 : i32
        %dma_start3A_748 = tpu.memref_slice %arg25[%add3A_746, %dma_start3A_747] : memref<10240x128xf32, #tpu.memory_space<vmem_shared>> -> memref<32x128xf32, #tpu.memory_space<vmem_shared>>
        %dma_start3A_749 = arith.constant 0 : i32
        %dma_start3A_750 = tpu.memref_slice %arg25[%add3A_746, %dma_start3A_749] : memref<10240x128xf32, #tpu.memory_space<vmem_shared>> -> memref<32x128xf32, #tpu.memory_space<vmem_shared>>
        tpu.enqueue_dma source(%arg12 : memref<32x128xf32, #tpu.memory_space<vmem>>) target(%dma_start3A_750 : memref<32x128xf32, #tpu.memory_space<vmem_shared>>) target_semaphore(%run_scoped3A : memref<!tpu.dma_semaphore, #tpu.memory_space<semaphore_mem>>)
        %dma_wait3A_751 = arith.constant 0 : i32
        %dma_wait3A_752 = tpu.memref_slice %arg25[%add3A_746, %dma_wait3A_751] : memref<10240x128xf32, #tpu.memory_space<vmem_shared>> -> memref<32x128xf32, #tpu.memory_space<vmem_shared>>
        %dma_wait3A_753 = arith.constant 0 : i32
        %dma_wait3A_754 = tpu.memref_slice %arg25[%add3A_746, %dma_wait3A_753] : memref<10240x128xf32, #tpu.memory_space<vmem_shared>> -> memref<32x128xf32, #tpu.memory_space<vmem_shared>>
        tpu.wait_dma2 semaphore(%run_scoped3A : memref<!tpu.dma_semaphore, #tpu.memory_space<semaphore_mem>>) src(%arg12 : memref<32x128xf32, #tpu.memory_space<vmem>>) dst(%dma_wait3A_754 : memref<32x128xf32, #tpu.memory_space<vmem_shared>>)
        tpu.yield
      }) : () -> ()
    }
    %scan3A_11 = arith.constant 5 : i32
    %barrier3A = arith.constant 0 : index
    tpu.barrier barrier_id(%barrier3A)
    %mul3A_12 = arith.constant 16 : i32
    %mul3A_13 = arith.muli %arg0, %mul3A_12 : i32
    %add3A = arith.addi %mul3A_13, %arg1 : i32
    %mul3A_14 = arith.constant 10240 : i32
    %mul3A_15 = arith.muli %add3A, %mul3A_14 : i32
    %add3A_16 = arith.constant 0 : i32
    %add3A_17 = arith.addi %mul3A_15, %add3A_16 : i32
    %dma_start3A = arith.constant 0 : i32
    %dma_start3A_18 = arith.constant 0 : i32
    %dma_start3A_19 = tpu.memref_slice %arg9[%dma_start3A, %dma_start3A_18] : memref<4x32xi32, #tpu.memory_space<vmem>> -> memref<1x32xi32, #tpu.memory_space<vmem>>
    %dma_start3A_20 = tpu.memref_squeeze %dma_start3A_19 : memref<1x32xi32, #tpu.memory_space<vmem>> -> memref<32xi32, #tpu.memory_space<vmem>>
    %dma_start3A_21 = tpu.memref_slice %arg4[%add3A_17] : memref<327680xi32, #tpu.memory_space<hbm>> -> memref<32xi32, #tpu.memory_space<hbm>>
    %dma_start3A_22 = arith.constant 0 : i32
    %dma_start3A_23 = tpu.memref_slice %arg9[%dma_start3A, %dma_start3A_22] : memref<4x32xi32, #tpu.memory_space<vmem>> -> memref<1x32xi32, #tpu.memory_space<vmem>>
    %dma_start3A_24 = tpu.memref_squeeze %dma_start3A_23 : memref<1x32xi32, #tpu.memory_space<vmem>> -> memref<32xi32, #tpu.memory_space<vmem>>
    %dma_start3A_25 = tpu.memref_slice %arg4[%add3A_17] : memref<327680xi32, #tpu.memory_space<hbm>> -> memref<32xi32, #tpu.memory_space<hbm>>
    tpu.enqueue_dma source(%dma_start3A_25 : memref<32xi32, #tpu.memory_space<hbm>>) target(%dma_start3A_24 : memref<32xi32, #tpu.memory_space<vmem>>) target_semaphore(%arg26 : memref<!tpu.dma_semaphore, #tpu.memory_space<semaphore_mem>>)
    %dma_start3A_26 = arith.constant 1 : i32
    %dma_start3A_27 = arith.constant 0 : i32
    %dma_start3A_28 = tpu.memref_slice %arg9[%dma_start3A_26, %dma_start3A_27] : memref<4x32xi32, #tpu.memory_space<vmem>> -> memref<1x32xi32, #tpu.memory_space<vmem>>
    %dma_start3A_29 = tpu.memref_squeeze %dma_start3A_28 : memref<1x32xi32, #tpu.memory_space<vmem>> -> memref<32xi32, #tpu.memory_space<vmem>>
    %dma_start3A_30 = tpu.memref_slice %arg5[%add3A_17] : memref<327680xi32, #tpu.memory_space<hbm>> -> memref<32xi32, #tpu.memory_space<hbm>>
    %dma_start3A_31 = arith.constant 0 : i32
    %dma_start3A_32 = tpu.memref_slice %arg9[%dma_start3A_26, %dma_start3A_31] : memref<4x32xi32, #tpu.memory_space<vmem>> -> memref<1x32xi32, #tpu.memory_space<vmem>>
    %dma_start3A_33 = tpu.memref_squeeze %dma_start3A_32 : memref<1x32xi32, #tpu.memory_space<vmem>> -> memref<32xi32, #tpu.memory_space<vmem>>
    %dma_start3A_34 = tpu.memref_slice %arg5[%add3A_17] : memref<327680xi32, #tpu.memory_space<hbm>> -> memref<32xi32, #tpu.memory_space<hbm>>
    tpu.enqueue_dma source(%dma_start3A_34 : memref<32xi32, #tpu.memory_space<hbm>>) target(%dma_start3A_33 : memref<32xi32, #tpu.memory_space<vmem>>) target_semaphore(%arg26 : memref<!tpu.dma_semaphore, #tpu.memory_space<semaphore_mem>>)
    %dma_start3A_35 = arith.constant 2 : i32
    %dma_start3A_36 = arith.constant 0 : i32
    %dma_start3A_37 = tpu.memref_slice %arg9[%dma_start3A_35, %dma_start3A_36] : memref<4x32xi32, #tpu.memory_space<vmem>> -> memref<1x32xi32, #tpu.memory_space<vmem>>
    %dma_start3A_38 = tpu.memref_squeeze %dma_start3A_37 : memref<1x32xi32, #tpu.memory_space<vmem>> -> memref<32xi32, #tpu.memory_space<vmem>>
    %dma_start3A_39 = tpu.memref_slice %arg6[%add3A_17] : memref<327680xi32, #tpu.memory_space<hbm>> -> memref<32xi32, #tpu.memory_space<hbm>>
    %dma_start3A_40 = arith.constant 0 : i32
    %dma_start3A_41 = tpu.memref_slice %arg9[%dma_start3A_35, %dma_start3A_40] : memref<4x32xi32, #tpu.memory_space<vmem>> -> memref<1x32xi32, #tpu.memory_space<vmem>>
    %dma_start3A_42 = tpu.memref_squeeze %dma_start3A_41 : memref<1x32xi32, #tpu.memory_space<vmem>> -> memref<32xi32, #tpu.memory_space<vmem>>
    %dma_start3A_43 = tpu.memref_slice %arg6[%add3A_17] : memref<327680xi32, #tpu.memory_space<hbm>> -> memref<32xi32, #tpu.memory_space<hbm>>
    tpu.enqueue_dma source(%dma_start3A_43 : memref<32xi32, #tpu.memory_space<hbm>>) target(%dma_start3A_42 : memref<32xi32, #tpu.memory_space<vmem>>) target_semaphore(%arg26 : memref<!tpu.dma_semaphore, #tpu.memory_space<semaphore_mem>>)
    %dma_start3A_44 = arith.constant 3 : i32
    %dma_start3A_45 = arith.constant 0 : i32
    %dma_start3A_46 = tpu.memref_slice %arg9[%dma_start3A_44, %dma_start3A_45] : memref<4x32xi32, #tpu.memory_space<vmem>> -> memref<1x32xi32, #tpu.memory_space<vmem>>
    %dma_start3A_47 = tpu.memref_squeeze %dma_start3A_46 : memref<1x32xi32, #tpu.memory_space<vmem>> -> memref<32xi32, #tpu.memory_space<vmem>>
    %dma_start3A_48 = tpu.memref_slice %arg7[%add3A_17] : memref<327680xi32, #tpu.memory_space<hbm>> -> memref<32xi32, #tpu.memory_space<hbm>>
    %dma_start3A_49 = arith.constant 0 : i32
    %dma_start3A_50 = tpu.memref_slice %arg9[%dma_start3A_44, %dma_start3A_49] : memref<4x32xi32, #tpu.memory_space<vmem>> -> memref<1x32xi32, #tpu.memory_space<vmem>>
    %dma_start3A_51 = tpu.memref_squeeze %dma_start3A_50 : memref<1x32xi32, #tpu.memory_space<vmem>> -> memref<32xi32, #tpu.memory_space<vmem>>
    %dma_start3A_52 = tpu.memref_slice %arg7[%add3A_17] : memref<327680xi32, #tpu.memory_space<hbm>> -> memref<32xi32, #tpu.memory_space<hbm>>
    tpu.enqueue_dma source(%dma_start3A_52 : memref<32xi32, #tpu.memory_space<hbm>>) target(%dma_start3A_51 : memref<32xi32, #tpu.memory_space<vmem>>) target_semaphore(%arg26 : memref<!tpu.dma_semaphore, #tpu.memory_space<semaphore_mem>>)
    %add3A_53 = arith.constant 0 : i32
    %add3A_54 = arith.addi %mul3A_15, %add3A_53 : i32
    %dma_start3A_55 = tpu.memref_slice %arg4[%add3A_54] : memref<327680xi32, #tpu.memory_space<hbm>> -> memref<32xi32, #tpu.memory_space<hbm>>
    %dma_start3A_56 = tpu.memref_slice %arg4[%add3A_54] : memref<327680xi32, #tpu.memory_space<hbm>> -> memref<32xi32, #tpu.memory_space<hbm>>
    tpu.enqueue_dma source(%dma_start3A_56 : memref<32xi32, #tpu.memory_space<hbm>>) target(%arg10 : memref<32xi32, #tpu.memory_space<vmem>>) target_semaphore(%arg27 : memref<!tpu.dma_semaphore, #tpu.memory_space<semaphore_mem>>)
    %dma_start3A_57 = tpu.memref_slice %arg5[%add3A_54] : memref<327680xi32, #tpu.memory_space<hbm>> -> memref<32xi32, #tpu.memory_space<hbm>>
    %dma_start3A_58 = tpu.memref_slice %arg5[%add3A_54] : memref<327680xi32, #tpu.memory_space<hbm>> -> memref<32xi32, #tpu.memory_space<hbm>>
    tpu.enqueue_dma source(%dma_start3A_58 : memref<32xi32, #tpu.memory_space<hbm>>) target(%arg11 : memref<32xi32, #tpu.memory_space<vmem>>) target_semaphore(%arg27 : memref<!tpu.dma_semaphore, #tpu.memory_space<semaphore_mem>>)
    %add3A_59 = arith.constant 32 : i32
    %add3A_60 = arith.addi %mul3A_15, %add3A_59 : i32
    %dma_start3A_61 = arith.constant 0 : i32
    %dma_start3A_62 = arith.constant 0 : i32
    %dma_start3A_63 = tpu.memref_slice %arg17[%dma_start3A_61, %dma_start3A_62] : memref<4x32xi32, #tpu.memory_space<vmem>> -> memref<1x32xi32, #tpu.memory_space<vmem>>
    %dma_start3A_64 = tpu.memref_squeeze %dma_start3A_63 : memref<1x32xi32, #tpu.memory_space<vmem>> -> memref<32xi32, #tpu.memory_space<vmem>>
    %dma_start3A_65 = tpu.memref_slice %arg4[%add3A_60] : memref<327680xi32, #tpu.memory_space<hbm>> -> memref<32xi32, #tpu.memory_space<hbm>>
    %dma_start3A_66 = arith.constant 0 : i32
    %dma_start3A_67 = tpu.memref_slice %arg17[%dma_start3A_61, %dma_start3A_66] : memref<4x32xi32, #tpu.memory_space<vmem>> -> memref<1x32xi32, #tpu.memory_space<vmem>>
    %dma_start3A_68 = tpu.memref_squeeze %dma_start3A_67 : memref<1x32xi32, #tpu.memory_space<vmem>> -> memref<32xi32, #tpu.memory_space<vmem>>
    %dma_start3A_69 = tpu.memref_slice %arg4[%add3A_60] : memref<327680xi32, #tpu.memory_space<hbm>> -> memref<32xi32, #tpu.memory_space<hbm>>
    tpu.enqueue_dma source(%dma_start3A_69 : memref<32xi32, #tpu.memory_space<hbm>>) target(%dma_start3A_68 : memref<32xi32, #tpu.memory_space<vmem>>) target_semaphore(%arg30 : memref<!tpu.dma_semaphore, #tpu.memory_space<semaphore_mem>>)
    %dma_start3A_70 = arith.constant 1 : i32
    %dma_start3A_71 = arith.constant 0 : i32
    %dma_start3A_72 = tpu.memref_slice %arg17[%dma_start3A_70, %dma_start3A_71] : memref<4x32xi32, #tpu.memory_space<vmem>> -> memref<1x32xi32, #tpu.memory_space<vmem>>
    %dma_start3A_73 = tpu.memref_squeeze %dma_start3A_72 : memref<1x32xi32, #tpu.memory_space<vmem>> -> memref<32xi32, #tpu.memory_space<vmem>>
    %dma_start3A_74 = tpu.memref_slice %arg5[%add3A_60] : memref<327680xi32, #tpu.memory_space<hbm>> -> memref<32xi32, #tpu.memory_space<hbm>>
    %dma_start3A_75 = arith.constant 0 : i32
    %dma_start3A_76 = tpu.memref_slice %arg17[%dma_start3A_70, %dma_start3A_75] : memref<4x32xi32, #tpu.memory_space<vmem>> -> memref<1x32xi32, #tpu.memory_space<vmem>>
    %dma_start3A_77 = tpu.memref_squeeze %dma_start3A_76 : memref<1x32xi32, #tpu.memory_space<vmem>> -> memref<32xi32, #tpu.memory_space<vmem>>
    %dma_start3A_78 = tpu.memref_slice %arg5[%add3A_60] : memref<327680xi32, #tpu.memory_space<hbm>> -> memref<32xi32, #tpu.memory_space<hbm>>
    tpu.enqueue_dma source(%dma_start3A_78 : memref<32xi32, #tpu.memory_space<hbm>>) target(%dma_start3A_77 : memref<32xi32, #tpu.memory_space<vmem>>) target_semaphore(%arg30 : memref<!tpu.dma_semaphore, #tpu.memory_space<semaphore_mem>>)
    %dma_start3A_79 = arith.constant 2 : i32
    %dma_start3A_80 = arith.constant 0 : i32
    %dma_start3A_81 = tpu.memref_slice %arg17[%dma_start3A_79, %dma_start3A_80] : memref<4x32xi32, #tpu.memory_space<vmem>> -> memref<1x32xi32, #tpu.memory_space<vmem>>
    %dma_start3A_82 = tpu.memref_squeeze %dma_start3A_81 : memref<1x32xi32, #tpu.memory_space<vmem>> -> memref<32xi32, #tpu.memory_space<vmem>>
    %dma_start3A_83 = tpu.memref_slice %arg6[%add3A_60] : memref<327680xi32, #tpu.memory_space<hbm>> -> memref<32xi32, #tpu.memory_space<hbm>>
    %dma_start3A_84 = arith.constant 0 : i32
    %dma_start3A_85 = tpu.memref_slice %arg17[%dma_start3A_79, %dma_start3A_84] : memref<4x32xi32, #tpu.memory_space<vmem>> -> memref<1x32xi32, #tpu.memory_space<vmem>>
    %dma_start3A_86 = tpu.memref_squeeze %dma_start3A_85 : memref<1x32xi32, #tpu.memory_space<vmem>> -> memref<32xi32, #tpu.memory_space<vmem>>
    %dma_start3A_87 = tpu.memref_slice %arg6[%add3A_60] : memref<327680xi32, #tpu.memory_space<hbm>> -> memref<32xi32, #tpu.memory_space<hbm>>
    tpu.enqueue_dma source(%dma_start3A_87 : memref<32xi32, #tpu.memory_space<hbm>>) target(%dma_start3A_86 : memref<32xi32, #tpu.memory_space<vmem>>) target_semaphore(%arg30 : memref<!tpu.dma_semaphore, #tpu.memory_space<semaphore_mem>>)
    %dma_start3A_88 = arith.constant 3 : i32
    %dma_start3A_89 = arith.constant 0 : i32
    %dma_start3A_90 = tpu.memref_slice %arg17[%dma_start3A_88, %dma_start3A_89] : memref<4x32xi32, #tpu.memory_space<vmem>> -> memref<1x32xi32, #tpu.memory_space<vmem>>
    %dma_start3A_91 = tpu.memref_squeeze %dma_start3A_90 : memref<1x32xi32, #tpu.memory_space<vmem>> -> memref<32xi32, #tpu.memory_space<vmem>>
    %dma_start3A_92 = tpu.memref_slice %arg7[%add3A_60] : memref<327680xi32, #tpu.memory_space<hbm>> -> memref<32xi32, #tpu.memory_space<hbm>>
    %dma_start3A_93 = arith.constant 0 : i32
    %dma_start3A_94 = tpu.memref_slice %arg17[%dma_start3A_88, %dma_start3A_93] : memref<4x32xi32, #tpu.memory_space<vmem>> -> memref<1x32xi32, #tpu.memory_space<vmem>>
    %dma_start3A_95 = tpu.memref_squeeze %dma_start3A_94 : memref<1x32xi32, #tpu.memory_space<vmem>> -> memref<32xi32, #tpu.memory_space<vmem>>
    %dma_start3A_96 = tpu.memref_slice %arg7[%add3A_60] : memref<327680xi32, #tpu.memory_space<hbm>> -> memref<32xi32, #tpu.memory_space<hbm>>
    tpu.enqueue_dma source(%dma_start3A_96 : memref<32xi32, #tpu.memory_space<hbm>>) target(%dma_start3A_95 : memref<32xi32, #tpu.memory_space<vmem>>) target_semaphore(%arg30 : memref<!tpu.dma_semaphore, #tpu.memory_space<semaphore_mem>>)
    %add3A_97 = arith.constant 32 : i32
    %add3A_98 = arith.addi %mul3A_15, %add3A_97 : i32
    %dma_start3A_99 = tpu.memref_slice %arg4[%add3A_98] : memref<327680xi32, #tpu.memory_space<hbm>> -> memref<32xi32, #tpu.memory_space<hbm>>
    %dma_start3A_100 = tpu.memref_slice %arg4[%add3A_98] : memref<327680xi32, #tpu.memory_space<hbm>> -> memref<32xi32, #tpu.memory_space<hbm>>
    tpu.enqueue_dma source(%dma_start3A_100 : memref<32xi32, #tpu.memory_space<hbm>>) target(%arg18 : memref<32xi32, #tpu.memory_space<vmem>>) target_semaphore(%arg31 : memref<!tpu.dma_semaphore, #tpu.memory_space<semaphore_mem>>)
    %dma_start3A_101 = tpu.memref_slice %arg5[%add3A_98] : memref<327680xi32, #tpu.memory_space<hbm>> -> memref<32xi32, #tpu.memory_space<hbm>>
    %dma_start3A_102 = tpu.memref_slice %arg5[%add3A_98] : memref<327680xi32, #tpu.memory_space<hbm>> -> memref<32xi32, #tpu.memory_space<hbm>>
    tpu.enqueue_dma source(%dma_start3A_102 : memref<32xi32, #tpu.memory_space<hbm>>) target(%arg19 : memref<32xi32, #tpu.memory_space<vmem>>) target_semaphore(%arg31 : memref<!tpu.dma_semaphore, #tpu.memory_space<semaphore_mem>>)
    %add3A_103 = arith.constant 0 : i32
    %add3A_104 = arith.addi %mul3A_15, %add3A_103 : i32
    %dma_wait3A = arith.constant 0 : i32
    %dma_wait3A_105 = arith.constant 0 : i32
    %dma_wait3A_106 = tpu.memref_slice %arg9[%dma_wait3A, %dma_wait3A_105] : memref<4x32xi32, #tpu.memory_space<vmem>> -> memref<1x32xi32, #tpu.memory_space<vmem>>
    %dma_wait3A_107 = tpu.memref_squeeze %dma_wait3A_106 : memref<1x32xi32, #tpu.memory_space<vmem>> -> memref<32xi32, #tpu.memory_space<vmem>>
    %dma_wait3A_108 = tpu.memref_slice %arg4[%add3A_104] : memref<327680xi32, #tpu.memory_space<hbm>> -> memref<32xi32, #tpu.memory_space<hbm>>
    %dma_wait3A_109 = arith.constant 0 : i32
    %dma_wait3A_110 = tpu.memref_slice %arg9[%dma_wait3A, %dma_wait3A_109] : memref<4x32xi32, #tpu.memory_space<vmem>> -> memref<1x32xi32, #tpu.memory_space<vmem>>
    %dma_wait3A_111 = tpu.memref_squeeze %dma_wait3A_110 : memref<1x32xi32, #tpu.memory_space<vmem>> -> memref<32xi32, #tpu.memory_space<vmem>>
    %dma_wait3A_112 = tpu.memref_slice %arg4[%add3A_104] : memref<327680xi32, #tpu.memory_space<hbm>> -> memref<32xi32, #tpu.memory_space<hbm>>
    tpu.wait_dma2 semaphore(%arg26 : memref<!tpu.dma_semaphore, #tpu.memory_space<semaphore_mem>>) src(%dma_wait3A_112 : memref<32xi32, #tpu.memory_space<hbm>>) dst(%dma_wait3A_111 : memref<32xi32, #tpu.memory_space<vmem>>)
    %dma_wait3A_113 = arith.constant 1 : i32
    %dma_wait3A_114 = arith.constant 0 : i32
    %dma_wait3A_115 = tpu.memref_slice %arg9[%dma_wait3A_113, %dma_wait3A_114] : memref<4x32xi32, #tpu.memory_space<vmem>> -> memref<1x32xi32, #tpu.memory_space<vmem>>
    %dma_wait3A_116 = tpu.memref_squeeze %dma_wait3A_115 : memref<1x32xi32, #tpu.memory_space<vmem>> -> memref<32xi32, #tpu.memory_space<vmem>>
    %dma_wait3A_117 = tpu.memref_slice %arg5[%add3A_104] : memref<327680xi32, #tpu.memory_space<hbm>> -> memref<32xi32, #tpu.memory_space<hbm>>
    %dma_wait3A_118 = arith.constant 0 : i32
    %dma_wait3A_119 = tpu.memref_slice %arg9[%dma_wait3A_113, %dma_wait3A_118] : memref<4x32xi32, #tpu.memory_space<vmem>> -> memref<1x32xi32, #tpu.memory_space<vmem>>
    %dma_wait3A_120 = tpu.memref_squeeze %dma_wait3A_119 : memref<1x32xi32, #tpu.memory_space<vmem>> -> memref<32xi32, #tpu.memory_space<vmem>>
    %dma_wait3A_121 = tpu.memref_slice %arg5[%add3A_104] : memref<327680xi32, #tpu.memory_space<hbm>> -> memref<32xi32, #tpu.memory_space<hbm>>
    tpu.wait_dma2 semaphore(%arg26 : memref<!tpu.dma_semaphore, #tpu.memory_space<semaphore_mem>>) src(%dma_wait3A_121 : memref<32xi32, #tpu.memory_space<hbm>>) dst(%dma_wait3A_120 : memref<32xi32, #tpu.memory_space<vmem>>)
    %dma_wait3A_122 = arith.constant 2 : i32
    %dma_wait3A_123 = arith.constant 0 : i32
    %dma_wait3A_124 = tpu.memref_slice %arg9[%dma_wait3A_122, %dma_wait3A_123] : memref<4x32xi32, #tpu.memory_space<vmem>> -> memref<1x32xi32, #tpu.memory_space<vmem>>
    %dma_wait3A_125 = tpu.memref_squeeze %dma_wait3A_124 : memref<1x32xi32, #tpu.memory_space<vmem>> -> memref<32xi32, #tpu.memory_space<vmem>>
    %dma_wait3A_126 = tpu.memref_slice %arg6[%add3A_104] : memref<327680xi32, #tpu.memory_space<hbm>> -> memref<32xi32, #tpu.memory_space<hbm>>
    %dma_wait3A_127 = arith.constant 0 : i32
    %dma_wait3A_128 = tpu.memref_slice %arg9[%dma_wait3A_122, %dma_wait3A_127] : memref<4x32xi32, #tpu.memory_space<vmem>> -> memref<1x32xi32, #tpu.memory_space<vmem>>
    %dma_wait3A_129 = tpu.memref_squeeze %dma_wait3A_128 : memref<1x32xi32, #tpu.memory_space<vmem>> -> memref<32xi32, #tpu.memory_space<vmem>>
    %dma_wait3A_130 = tpu.memref_slice %arg6[%add3A_104] : memref<327680xi32, #tpu.memory_space<hbm>> -> memref<32xi32, #tpu.memory_space<hbm>>
    tpu.wait_dma2 semaphore(%arg26 : memref<!tpu.dma_semaphore, #tpu.memory_space<semaphore_mem>>) src(%dma_wait3A_130 : memref<32xi32, #tpu.memory_space<hbm>>) dst(%dma_wait3A_129 : memref<32xi32, #tpu.memory_space<vmem>>)
    %dma_wait3A_131 = arith.constant 3 : i32
    %dma_wait3A_132 = arith.constant 0 : i32
    %dma_wait3A_133 = tpu.memref_slice %arg9[%dma_wait3A_131, %dma_wait3A_132] : memref<4x32xi32, #tpu.memory_space<vmem>> -> memref<1x32xi32, #tpu.memory_space<vmem>>
    %dma_wait3A_134 = tpu.memref_squeeze %dma_wait3A_133 : memref<1x32xi32, #tpu.memory_space<vmem>> -> memref<32xi32, #tpu.memory_space<vmem>>
    %dma_wait3A_135 = tpu.memref_slice %arg7[%add3A_104] : memref<327680xi32, #tpu.memory_space<hbm>> -> memref<32xi32, #tpu.memory_space<hbm>>
    %dma_wait3A_136 = arith.constant 0 : i32
    %dma_wait3A_137 = tpu.memref_slice %arg9[%dma_wait3A_131, %dma_wait3A_136] : memref<4x32xi32, #tpu.memory_space<vmem>> -> memref<1x32xi32, #tpu.memory_space<vmem>>
    %dma_wait3A_138 = tpu.memref_squeeze %dma_wait3A_137 : memref<1x32xi32, #tpu.memory_space<vmem>> -> memref<32xi32, #tpu.memory_space<vmem>>
    %dma_wait3A_139 = tpu.memref_slice %arg7[%add3A_104] : memref<327680xi32, #tpu.memory_space<hbm>> -> memref<32xi32, #tpu.memory_space<hbm>>
    tpu.wait_dma2 semaphore(%arg26 : memref<!tpu.dma_semaphore, #tpu.memory_space<semaphore_mem>>) src(%dma_wait3A_139 : memref<32xi32, #tpu.memory_space<hbm>>) dst(%dma_wait3A_138 : memref<32xi32, #tpu.memory_space<vmem>>)
    %add3A_140 = arith.constant 0 : i32
    %add3A_141 = arith.addi %mul3A_15, %add3A_140 : i32
    %dma_start3A_142 = arith.constant 0 : i32
    %dma_start3A_143 = arith.constant 0 : i32
    %dma_start3A_144 = tpu.memref_slice %arg9[%dma_start3A_142, %dma_start3A_143] : memref<4x32xi32, #tpu.memory_space<vmem>> -> memref<1x32xi32, #tpu.memory_space<vmem>>
    %dma_start3A_145 = tpu.memref_squeeze %dma_start3A_144 : memref<1x32xi32, #tpu.memory_space<vmem>> -> memref<32xi32, #tpu.memory_space<vmem>>
    %dma_start3A_146 = arith.constant 0 : i32
    %dma_start3A_147 = arith.constant 0 : i32
    %dma_start3A_148 = tpu.memref_slice %arg2[%dma_start3A_146, %dma_start3A_147] : memref<20480x128xf32, #tpu.memory_space<hbm>> -> memref<20480x128xf32, #tpu.memory_space<hbm>>
    tpu.enqueue_indirect_dma source(%dma_start3A_148 : memref<20480x128xf32, #tpu.memory_space<hbm>>) target(%arg12 : memref<32x128xf32, #tpu.memory_space<vmem>>) offsets(%dma_start3A_145 : memref<32xi32, #tpu.memory_space<vmem>>) semaphore(%arg28 : memref<!tpu.dma_semaphore, #tpu.memory_space<semaphore_mem>>)
    %dma_start3A_149 = arith.constant 3 : i32
    %dma_start3A_150 = arith.constant 0 : i32
    %dma_start3A_151 = tpu.memref_slice %arg9[%dma_start3A_149, %dma_start3A_150] : memref<4x32xi32, #tpu.memory_space<vmem>> -> memref<1x32xi32, #tpu.memory_space<vmem>>
    %dma_start3A_152 = tpu.memref_squeeze %dma_start3A_151 : memref<1x32xi32, #tpu.memory_space<vmem>> -> memref<32xi32, #tpu.memory_space<vmem>>
    %dma_start3A_153 = arith.constant 0 : i32
    %dma_start3A_154 = arith.constant 0 : i32
    %dma_start3A_155 = tpu.memref_slice %arg2[%dma_start3A_153, %dma_start3A_154] : memref<20480x128xf32, #tpu.memory_space<hbm>> -> memref<20480x128xf32, #tpu.memory_space<hbm>>
    tpu.enqueue_indirect_dma source(%dma_start3A_155 : memref<20480x128xf32, #tpu.memory_space<hbm>>) target(%arg13 : memref<32x128xf32, #tpu.memory_space<vmem>>) offsets(%dma_start3A_152 : memref<32xi32, #tpu.memory_space<vmem>>) semaphore(%arg28 : memref<!tpu.dma_semaphore, #tpu.memory_space<semaphore_mem>>)
    %dma_start3A_156 = arith.constant 1 : i32
    %dma_start3A_157 = arith.constant 0 : i32
    %dma_start3A_158 = tpu.memref_slice %arg9[%dma_start3A_156, %dma_start3A_157] : memref<4x32xi32, #tpu.memory_space<vmem>> -> memref<1x32xi32, #tpu.memory_space<vmem>>
    %dma_start3A_159 = tpu.memref_squeeze %dma_start3A_158 : memref<1x32xi32, #tpu.memory_space<vmem>> -> memref<32xi32, #tpu.memory_space<vmem>>
    %dma_start3A_160 = arith.constant 0 : i32
    %dma_start3A_161 = arith.constant 0 : i32
    %dma_start3A_162 = tpu.memref_slice %arg2[%dma_start3A_160, %dma_start3A_161] : memref<20480x128xf32, #tpu.memory_space<hbm>> -> memref<20480x128xf32, #tpu.memory_space<hbm>>
    tpu.enqueue_indirect_dma source(%dma_start3A_162 : memref<20480x128xf32, #tpu.memory_space<hbm>>) target(%arg14 : memref<32x128xf32, #tpu.memory_space<vmem>>) offsets(%dma_start3A_159 : memref<32xi32, #tpu.memory_space<vmem>>) semaphore(%arg28 : memref<!tpu.dma_semaphore, #tpu.memory_space<semaphore_mem>>)
    %dma_start3A_163 = arith.constant 2 : i32
    %dma_start3A_164 = arith.constant 0 : i32
    %dma_start3A_165 = tpu.memref_slice %arg9[%dma_start3A_163, %dma_start3A_164] : memref<4x32xi32, #tpu.memory_space<vmem>> -> memref<1x32xi32, #tpu.memory_space<vmem>>
    %dma_start3A_166 = tpu.memref_squeeze %dma_start3A_165 : memref<1x32xi32, #tpu.memory_space<vmem>> -> memref<32xi32, #tpu.memory_space<vmem>>
    %dma_start3A_167 = arith.constant 0 : i32
    %dma_start3A_168 = arith.constant 0 : i32
    %dma_start3A_169 = tpu.memref_slice %arg2[%dma_start3A_167, %dma_start3A_168] : memref<20480x128xf32, #tpu.memory_space<hbm>> -> memref<20480x128xf32, #tpu.memory_space<hbm>>
    tpu.enqueue_indirect_dma source(%dma_start3A_169 : memref<20480x128xf32, #tpu.memory_space<hbm>>) target(%arg15 : memref<32x128xf32, #tpu.memory_space<vmem>>) offsets(%dma_start3A_166 : memref<32xi32, #tpu.memory_space<vmem>>) semaphore(%arg28 : memref<!tpu.dma_semaphore, #tpu.memory_space<semaphore_mem>>)
    %dma_start3A_170 = arith.constant 0 : i32
    %dma_start3A_171 = tpu.memref_slice %arg3[%add3A_141, %dma_start3A_170] : memref<327680x128xf32, #tpu.memory_space<hbm>> -> memref<32x128xf32, #tpu.memory_space<hbm>>
    %dma_start3A_172 = arith.constant 0 : i32
    %dma_start3A_173 = tpu.memref_slice %arg3[%add3A_141, %dma_start3A_172] : memref<327680x128xf32, #tpu.memory_space<hbm>> -> memref<32x128xf32, #tpu.memory_space<hbm>>
    tpu.enqueue_dma source(%dma_start3A_173 : memref<32x128xf32, #tpu.memory_space<hbm>>) target(%arg16 : memref<32x128xf32, #tpu.memory_space<vmem>>) target_semaphore(%arg28 : memref<!tpu.dma_semaphore, #tpu.memory_space<semaphore_mem>>)
    %add3A_174 = arith.constant 32 : i32
    %add3A_175 = arith.addi %mul3A_15, %add3A_174 : i32
    %dma_wait3A_176 = arith.constant 0 : i32
    %dma_wait3A_177 = arith.constant 0 : i32
    %dma_wait3A_178 = tpu.memref_slice %arg17[%dma_wait3A_176, %dma_wait3A_177] : memref<4x32xi32, #tpu.memory_space<vmem>> -> memref<1x32xi32, #tpu.memory_space<vmem>>
    %dma_wait3A_179 = tpu.memref_squeeze %dma_wait3A_178 : memref<1x32xi32, #tpu.memory_space<vmem>> -> memref<32xi32, #tpu.memory_space<vmem>>
    %dma_wait3A_180 = tpu.memref_slice %arg4[%add3A_175] : memref<327680xi32, #tpu.memory_space<hbm>> -> memref<32xi32, #tpu.memory_space<hbm>>
    %dma_wait3A_181 = arith.constant 0 : i32
    %dma_wait3A_182 = tpu.memref_slice %arg17[%dma_wait3A_176, %dma_wait3A_181] : memref<4x32xi32, #tpu.memory_space<vmem>> -> memref<1x32xi32, #tpu.memory_space<vmem>>
    %dma_wait3A_183 = tpu.memref_squeeze %dma_wait3A_182 : memref<1x32xi32, #tpu.memory_space<vmem>> -> memref<32xi32, #tpu.memory_space<vmem>>
    %dma_wait3A_184 = tpu.memref_slice %arg4[%add3A_175] : memref<327680xi32, #tpu.memory_space<hbm>> -> memref<32xi32, #tpu.memory_space<hbm>>
    tpu.wait_dma2 semaphore(%arg30 : memref<!tpu.dma_semaphore, #tpu.memory_space<semaphore_mem>>) src(%dma_wait3A_184 : memref<32xi32, #tpu.memory_space<hbm>>) dst(%dma_wait3A_183 : memref<32xi32, #tpu.memory_space<vmem>>)
    %dma_wait3A_185 = arith.constant 1 : i32
    %dma_wait3A_186 = arith.constant 0 : i32
    %dma_wait3A_187 = tpu.memref_slice %arg17[%dma_wait3A_185, %dma_wait3A_186] : memref<4x32xi32, #tpu.memory_space<vmem>> -> memref<1x32xi32, #tpu.memory_space<vmem>>
    %dma_wait3A_188 = tpu.memref_squeeze %dma_wait3A_187 : memref<1x32xi32, #tpu.memory_space<vmem>> -> memref<32xi32, #tpu.memory_space<vmem>>
    %dma_wait3A_189 = tpu.memref_slice %arg5[%add3A_175] : memref<327680xi32, #tpu.memory_space<hbm>> -> memref<32xi32, #tpu.memory_space<hbm>>
    %dma_wait3A_190 = arith.constant 0 : i32
    %dma_wait3A_191 = tpu.memref_slice %arg17[%dma_wait3A_185, %dma_wait3A_190] : memref<4x32xi32, #tpu.memory_space<vmem>> -> memref<1x32xi32, #tpu.memory_space<vmem>>
    %dma_wait3A_192 = tpu.memref_squeeze %dma_wait3A_191 : memref<1x32xi32, #tpu.memory_space<vmem>> -> memref<32xi32, #tpu.memory_space<vmem>>
    %dma_wait3A_193 = tpu.memref_slice %arg5[%add3A_175] : memref<327680xi32, #tpu.memory_space<hbm>> -> memref<32xi32, #tpu.memory_space<hbm>>
    tpu.wait_dma2 semaphore(%arg30 : memref<!tpu.dma_semaphore, #tpu.memory_space<semaphore_mem>>) src(%dma_wait3A_193 : memref<32xi32, #tpu.memory_space<hbm>>) dst(%dma_wait3A_192 : memref<32xi32, #tpu.memory_space<vmem>>)
    %dma_wait3A_194 = arith.constant 2 : i32
    %dma_wait3A_195 = arith.constant 0 : i32
    %dma_wait3A_196 = tpu.memref_slice %arg17[%dma_wait3A_194, %dma_wait3A_195] : memref<4x32xi32, #tpu.memory_space<vmem>> -> memref<1x32xi32, #tpu.memory_space<vmem>>
    %dma_wait3A_197 = tpu.memref_squeeze %dma_wait3A_196 : memref<1x32xi32, #tpu.memory_space<vmem>> -> memref<32xi32, #tpu.memory_space<vmem>>
    %dma_wait3A_198 = tpu.memref_slice %arg6[%add3A_175] : memref<327680xi32, #tpu.memory_space<hbm>> -> memref<32xi32, #tpu.memory_space<hbm>>
    %dma_wait3A_199 = arith.constant 0 : i32
    %dma_wait3A_200 = tpu.memref_slice %arg17[%dma_wait3A_194, %dma_wait3A_199] : memref<4x32xi32, #tpu.memory_space<vmem>> -> memref<1x32xi32, #tpu.memory_space<vmem>>
    %dma_wait3A_201 = tpu.memref_squeeze %dma_wait3A_200 : memref<1x32xi32, #tpu.memory_space<vmem>> -> memref<32xi32, #tpu.memory_space<vmem>>
    %dma_wait3A_202 = tpu.memref_slice %arg6[%add3A_175] : memref<327680xi32, #tpu.memory_space<hbm>> -> memref<32xi32, #tpu.memory_space<hbm>>
    tpu.wait_dma2 semaphore(%arg30 : memref<!tpu.dma_semaphore, #tpu.memory_space<semaphore_mem>>) src(%dma_wait3A_202 : memref<32xi32, #tpu.memory_space<hbm>>) dst(%dma_wait3A_201 : memref<32xi32, #tpu.memory_space<vmem>>)
    %dma_wait3A_203 = arith.constant 3 : i32
    %dma_wait3A_204 = arith.constant 0 : i32
    %dma_wait3A_205 = tpu.memref_slice %arg17[%dma_wait3A_203, %dma_wait3A_204] : memref<4x32xi32, #tpu.memory_space<vmem>> -> memref<1x32xi32, #tpu.memory_space<vmem>>
    %dma_wait3A_206 = tpu.memref_squeeze %dma_wait3A_205 : memref<1x32xi32, #tpu.memory_space<vmem>> -> memref<32xi32, #tpu.memory_space<vmem>>
    %dma_wait3A_207 = tpu.memref_slice %arg7[%add3A_175] : memref<327680xi32, #tpu.memory_space<hbm>> -> memref<32xi32, #tpu.memory_space<hbm>>
    %dma_wait3A_208 = arith.constant 0 : i32
    %dma_wait3A_209 = tpu.memref_slice %arg17[%dma_wait3A_203, %dma_wait3A_208] : memref<4x32xi32, #tpu.memory_space<vmem>> -> memref<1x32xi32, #tpu.memory_space<vmem>>
    %dma_wait3A_210 = tpu.memref_squeeze %dma_wait3A_209 : memref<1x32xi32, #tpu.memory_space<vmem>> -> memref<32xi32, #tpu.memory_space<vmem>>
    %dma_wait3A_211 = tpu.memref_slice %arg7[%add3A_175] : memref<327680xi32, #tpu.memory_space<hbm>> -> memref<32xi32, #tpu.memory_space<hbm>>
    tpu.wait_dma2 semaphore(%arg30 : memref<!tpu.dma_semaphore, #tpu.memory_space<semaphore_mem>>) src(%dma_wait3A_211 : memref<32xi32, #tpu.memory_space<hbm>>) dst(%dma_wait3A_210 : memref<32xi32, #tpu.memory_space<vmem>>)
    %add3A_212 = arith.constant 32 : i32
    %add3A_213 = arith.addi %mul3A_15, %add3A_212 : i32
    %dma_start3A_214 = arith.constant 0 : i32
    %dma_start3A_215 = arith.constant 0 : i32
    %dma_start3A_216 = tpu.memref_slice %arg17[%dma_start3A_214, %dma_start3A_215] : memref<4x32xi32, #tpu.memory_space<vmem>> -> memref<1x32xi32, #tpu.memory_space<vmem>>
    %dma_start3A_217 = tpu.memref_squeeze %dma_start3A_216 : memref<1x32xi32, #tpu.memory_space<vmem>> -> memref<32xi32, #tpu.memory_space<vmem>>
    %dma_start3A_218 = arith.constant 0 : i32
    %dma_start3A_219 = arith.constant 0 : i32
    %dma_start3A_220 = tpu.memref_slice %arg2[%dma_start3A_218, %dma_start3A_219] : memref<20480x128xf32, #tpu.memory_space<hbm>> -> memref<20480x128xf32, #tpu.memory_space<hbm>>
    tpu.enqueue_indirect_dma source(%dma_start3A_220 : memref<20480x128xf32, #tpu.memory_space<hbm>>) target(%arg20 : memref<32x128xf32, #tpu.memory_space<vmem>>) offsets(%dma_start3A_217 : memref<32xi32, #tpu.memory_space<vmem>>) semaphore(%arg32 : memref<!tpu.dma_semaphore, #tpu.memory_space<semaphore_mem>>)
    %dma_start3A_221 = arith.constant 3 : i32
    %dma_start3A_222 = arith.constant 0 : i32
    %dma_start3A_223 = tpu.memref_slice %arg17[%dma_start3A_221, %dma_start3A_222] : memref<4x32xi32, #tpu.memory_space<vmem>> -> memref<1x32xi32, #tpu.memory_space<vmem>>
    %dma_start3A_224 = tpu.memref_squeeze %dma_start3A_223 : memref<1x32xi32, #tpu.memory_space<vmem>> -> memref<32xi32, #tpu.memory_space<vmem>>
    %dma_start3A_225 = arith.constant 0 : i32
    %dma_start3A_226 = arith.constant 0 : i32
    %dma_start3A_227 = tpu.memref_slice %arg2[%dma_start3A_225, %dma_start3A_226] : memref<20480x128xf32, #tpu.memory_space<hbm>> -> memref<20480x128xf32, #tpu.memory_space<hbm>>
    tpu.enqueue_indirect_dma source(%dma_start3A_227 : memref<20480x128xf32, #tpu.memory_space<hbm>>) target(%arg21 : memref<32x128xf32, #tpu.memory_space<vmem>>) offsets(%dma_start3A_224 : memref<32xi32, #tpu.memory_space<vmem>>) semaphore(%arg32 : memref<!tpu.dma_semaphore, #tpu.memory_space<semaphore_mem>>)
    %dma_start3A_228 = arith.constant 1 : i32
    %dma_start3A_229 = arith.constant 0 : i32
    %dma_start3A_230 = tpu.memref_slice %arg17[%dma_start3A_228, %dma_start3A_229] : memref<4x32xi32, #tpu.memory_space<vmem>> -> memref<1x32xi32, #tpu.memory_space<vmem>>
    %dma_start3A_231 = tpu.memref_squeeze %dma_start3A_230 : memref<1x32xi32, #tpu.memory_space<vmem>> -> memref<32xi32, #tpu.memory_space<vmem>>
    %dma_start3A_232 = arith.constant 0 : i32
    %dma_start3A_233 = arith.constant 0 : i32
    %dma_start3A_234 = tpu.memref_slice %arg2[%dma_start3A_232, %dma_start3A_233] : memref<20480x128xf32, #tpu.memory_space<hbm>> -> memref<20480x128xf32, #tpu.memory_space<hbm>>
    tpu.enqueue_indirect_dma source(%dma_start3A_234 : memref<20480x128xf32, #tpu.memory_space<hbm>>) target(%arg22 : memref<32x128xf32, #tpu.memory_space<vmem>>) offsets(%dma_start3A_231 : memref<32xi32, #tpu.memory_space<vmem>>) semaphore(%arg32 : memref<!tpu.dma_semaphore, #tpu.memory_space<semaphore_mem>>)
    %dma_start3A_235 = arith.constant 2 : i32
    %dma_start3A_236 = arith.constant 0 : i32
    %dma_start3A_237 = tpu.memref_slice %arg17[%dma_start3A_235, %dma_start3A_236] : memref<4x32xi32, #tpu.memory_space<vmem>> -> memref<1x32xi32, #tpu.memory_space<vmem>>
    %dma_start3A_238 = tpu.memref_squeeze %dma_start3A_237 : memref<1x32xi32, #tpu.memory_space<vmem>> -> memref<32xi32, #tpu.memory_space<vmem>>
    %dma_start3A_239 = arith.constant 0 : i32
    %dma_start3A_240 = arith.constant 0 : i32
    %dma_start3A_241 = tpu.memref_slice %arg2[%dma_start3A_239, %dma_start3A_240] : memref<20480x128xf32, #tpu.memory_space<hbm>> -> memref<20480x128xf32, #tpu.memory_space<hbm>>
    tpu.enqueue_indirect_dma source(%dma_start3A_241 : memref<20480x128xf32, #tpu.memory_space<hbm>>) target(%arg23 : memref<32x128xf32, #tpu.memory_space<vmem>>) offsets(%dma_start3A_238 : memref<32xi32, #tpu.memory_space<vmem>>) semaphore(%arg32 : memref<!tpu.dma_semaphore, #tpu.memory_space<semaphore_mem>>)
    %dma_start3A_242 = arith.constant 0 : i32
    %dma_start3A_243 = tpu.memref_slice %arg3[%add3A_213, %dma_start3A_242] : memref<327680x128xf32, #tpu.memory_space<hbm>> -> memref<32x128xf32, #tpu.memory_space<hbm>>
    %dma_start3A_244 = arith.constant 0 : i32
    %dma_start3A_245 = tpu.memref_slice %arg3[%add3A_213, %dma_start3A_244] : memref<327680x128xf32, #tpu.memory_space<hbm>> -> memref<32x128xf32, #tpu.memory_space<hbm>>
    tpu.enqueue_dma source(%dma_start3A_245 : memref<32x128xf32, #tpu.memory_space<hbm>>) target(%arg24 : memref<32x128xf32, #tpu.memory_space<vmem>>) target_semaphore(%arg32 : memref<!tpu.dma_semaphore, #tpu.memory_space<semaphore_mem>>)
    %add3A_246 = arith.constant 0 : i32
    %add3A_247 = arith.addi %mul3A_15, %add3A_246 : i32
    %dma_wait3A_248 = arith.constant 0 : i32
    %dma_wait3A_249 = arith.constant 0 : i32
    %dma_wait3A_250 = tpu.memref_slice %arg9[%dma_wait3A_248, %dma_wait3A_249] : memref<4x32xi32, #tpu.memory_space<vmem>> -> memref<1x32xi32, #tpu.memory_space<vmem>>
    %dma_wait3A_251 = tpu.memref_squeeze %dma_wait3A_250 : memref<1x32xi32, #tpu.memory_space<vmem>> -> memref<32xi32, #tpu.memory_space<vmem>>
    %dma_wait3A_252 = arith.constant 0 : i32
    %dma_wait3A_253 = arith.constant 0 : i32
    %dma_wait3A_254 = tpu.memref_slice %arg2[%dma_wait3A_252, %dma_wait3A_253] : memref<20480x128xf32, #tpu.memory_space<hbm>> -> memref<20480x128xf32, #tpu.memory_space<hbm>>
    tpu.wait_indirect_dma semaphore(%arg28 : memref<!tpu.dma_semaphore, #tpu.memory_space<semaphore_mem>>) src(%dma_wait3A_254 : memref<20480x128xf32, #tpu.memory_space<hbm>>) dst(%arg12 : memref<32x128xf32, #tpu.memory_space<vmem>>)
    %dma_wait3A_255 = arith.constant 3 : i32
    %dma_wait3A_256 = arith.constant 0 : i32
    %dma_wait3A_257 = tpu.memref_slice %arg9[%dma_wait3A_255, %dma_wait3A_256] : memref<4x32xi32, #tpu.memory_space<vmem>> -> memref<1x32xi32, #tpu.memory_space<vmem>>
    %dma_wait3A_258 = tpu.memref_squeeze %dma_wait3A_257 : memref<1x32xi32, #tpu.memory_space<vmem>> -> memref<32xi32, #tpu.memory_space<vmem>>
    %dma_wait3A_259 = arith.constant 0 : i32
    %dma_wait3A_260 = arith.constant 0 : i32
    %dma_wait3A_261 = tpu.memref_slice %arg2[%dma_wait3A_259, %dma_wait3A_260] : memref<20480x128xf32, #tpu.memory_space<hbm>> -> memref<20480x128xf32, #tpu.memory_space<hbm>>
    tpu.wait_indirect_dma semaphore(%arg28 : memref<!tpu.dma_semaphore, #tpu.memory_space<semaphore_mem>>) src(%dma_wait3A_261 : memref<20480x128xf32, #tpu.memory_space<hbm>>) dst(%arg13 : memref<32x128xf32, #tpu.memory_space<vmem>>)
    %dma_wait3A_262 = arith.constant 1 : i32
    %dma_wait3A_263 = arith.constant 0 : i32
    %dma_wait3A_264 = tpu.memref_slice %arg9[%dma_wait3A_262, %dma_wait3A_263] : memref<4x32xi32, #tpu.memory_space<vmem>> -> memref<1x32xi32, #tpu.memory_space<vmem>>
    %dma_wait3A_265 = tpu.memref_squeeze %dma_wait3A_264 : memref<1x32xi32, #tpu.memory_space<vmem>> -> memref<32xi32, #tpu.memory_space<vmem>>
    %dma_wait3A_266 = arith.constant 0 : i32
    %dma_wait3A_267 = arith.constant 0 : i32
    %dma_wait3A_268 = tpu.memref_slice %arg2[%dma_wait3A_266, %dma_wait3A_267] : memref<20480x128xf32, #tpu.memory_space<hbm>> -> memref<20480x128xf32, #tpu.memory_space<hbm>>
    tpu.wait_indirect_dma semaphore(%arg28 : memref<!tpu.dma_semaphore, #tpu.memory_space<semaphore_mem>>) src(%dma_wait3A_268 : memref<20480x128xf32, #tpu.memory_space<hbm>>) dst(%arg14 : memref<32x128xf32, #tpu.memory_space<vmem>>)
    %dma_wait3A_269 = arith.constant 2 : i32
    %dma_wait3A_270 = arith.constant 0 : i32
    %dma_wait3A_271 = tpu.memref_slice %arg9[%dma_wait3A_269, %dma_wait3A_270] : memref<4x32xi32, #tpu.memory_space<vmem>> -> memref<1x32xi32, #tpu.memory_space<vmem>>
    %dma_wait3A_272 = tpu.memref_squeeze %dma_wait3A_271 : memref<1x32xi32, #tpu.memory_space<vmem>> -> memref<32xi32, #tpu.memory_space<vmem>>
    %dma_wait3A_273 = arith.constant 0 : i32
    %dma_wait3A_274 = arith.constant 0 : i32
    %dma_wait3A_275 = tpu.memref_slice %arg2[%dma_wait3A_273, %dma_wait3A_274] : memref<20480x128xf32, #tpu.memory_space<hbm>> -> memref<20480x128xf32, #tpu.memory_space<hbm>>
    tpu.wait_indirect_dma semaphore(%arg28 : memref<!tpu.dma_semaphore, #tpu.memory_space<semaphore_mem>>) src(%dma_wait3A_275 : memref<20480x128xf32, #tpu.memory_space<hbm>>) dst(%arg15 : memref<32x128xf32, #tpu.memory_space<vmem>>)
    %dma_wait3A_276 = arith.constant 0 : i32
    %dma_wait3A_277 = tpu.memref_slice %arg3[%add3A_247, %dma_wait3A_276] : memref<327680x128xf32, #tpu.memory_space<hbm>> -> memref<32x128xf32, #tpu.memory_space<hbm>>
    %dma_wait3A_278 = arith.constant 0 : i32
    %dma_wait3A_279 = tpu.memref_slice %arg3[%add3A_247, %dma_wait3A_278] : memref<327680x128xf32, #tpu.memory_space<hbm>> -> memref<32x128xf32, #tpu.memory_space<hbm>>
    tpu.wait_dma2 semaphore(%arg28 : memref<!tpu.dma_semaphore, #tpu.memory_space<semaphore_mem>>) src(%dma_wait3A_279 : memref<32x128xf32, #tpu.memory_space<hbm>>) dst(%arg16 : memref<32x128xf32, #tpu.memory_space<vmem>>)
    %add3A_280 = arith.constant 64 : i32
    %add3A_281 = arith.addi %mul3A_15, %add3A_280 : i32
    %dma_start3A_282 = arith.constant 0 : i32
    %dma_start3A_283 = arith.constant 0 : i32
    %dma_start3A_284 = tpu.memref_slice %arg9[%dma_start3A_282, %dma_start3A_283] : memref<4x32xi32, #tpu.memory_space<vmem>> -> memref<1x32xi32, #tpu.memory_space<vmem>>
    %dma_start3A_285 = tpu.memref_squeeze %dma_start3A_284 : memref<1x32xi32, #tpu.memory_space<vmem>> -> memref<32xi32, #tpu.memory_space<vmem>>
    %dma_start3A_286 = tpu.memref_slice %arg4[%add3A_281] : memref<327680xi32, #tpu.memory_space<hbm>> -> memref<32xi32, #tpu.memory_space<hbm>>
    %dma_start3A_287 = arith.constant 0 : i32
    %dma_start3A_288 = tpu.memref_slice %arg9[%dma_start3A_282, %dma_start3A_287] : memref<4x32xi32, #tpu.memory_space<vmem>> -> memref<1x32xi32, #tpu.memory_space<vmem>>
    %dma_start3A_289 = tpu.memref_squeeze %dma_start3A_288 : memref<1x32xi32, #tpu.memory_space<vmem>> -> memref<32xi32, #tpu.memory_space<vmem>>
    %dma_start3A_290 = tpu.memref_slice %arg4[%add3A_281] : memref<327680xi32, #tpu.memory_space<hbm>> -> memref<32xi32, #tpu.memory_space<hbm>>
    tpu.enqueue_dma source(%dma_start3A_290 : memref<32xi32, #tpu.memory_space<hbm>>) target(%dma_start3A_289 : memref<32xi32, #tpu.memory_space<vmem>>) target_semaphore(%arg26 : memref<!tpu.dma_semaphore, #tpu.memory_space<semaphore_mem>>)
    %dma_start3A_291 = arith.constant 1 : i32
    %dma_start3A_292 = arith.constant 0 : i32
    %dma_start3A_293 = tpu.memref_slice %arg9[%dma_start3A_291, %dma_start3A_292] : memref<4x32xi32, #tpu.memory_space<vmem>> -> memref<1x32xi32, #tpu.memory_space<vmem>>
    %dma_start3A_294 = tpu.memref_squeeze %dma_start3A_293 : memref<1x32xi32, #tpu.memory_space<vmem>> -> memref<32xi32, #tpu.memory_space<vmem>>
    %dma_start3A_295 = tpu.memref_slice %arg5[%add3A_281] : memref<327680xi32, #tpu.memory_space<hbm>> -> memref<32xi32, #tpu.memory_space<hbm>>
    %dma_start3A_296 = arith.constant 0 : i32
    %dma_start3A_297 = tpu.memref_slice %arg9[%dma_start3A_291, %dma_start3A_296] : memref<4x32xi32, #tpu.memory_space<vmem>> -> memref<1x32xi32, #tpu.memory_space<vmem>>
    %dma_start3A_298 = tpu.memref_squeeze %dma_start3A_297 : memref<1x32xi32, #tpu.memory_space<vmem>> -> memref<32xi32, #tpu.memory_space<vmem>>
    %dma_start3A_299 = tpu.memref_slice %arg5[%add3A_281] : memref<327680xi32, #tpu.memory_space<hbm>> -> memref<32xi32, #tpu.memory_space<hbm>>
    tpu.enqueue_dma source(%dma_start3A_299 : memref<32xi32, #tpu.memory_space<hbm>>) target(%dma_start3A_298 : memref<32xi32, #tpu.memory_space<vmem>>) target_semaphore(%arg26 : memref<!tpu.dma_semaphore, #tpu.memory_space<semaphore_mem>>)
    %dma_start3A_300 = arith.constant 2 : i32
    %dma_start3A_301 = arith.constant 0 : i32
    %dma_start3A_302 = tpu.memref_slice %arg9[%dma_start3A_300, %dma_start3A_301] : memref<4x32xi32, #tpu.memory_space<vmem>> -> memref<1x32xi32, #tpu.memory_space<vmem>>
    %dma_start3A_303 = tpu.memref_squeeze %dma_start3A_302 : memref<1x32xi32, #tpu.memory_space<vmem>> -> memref<32xi32, #tpu.memory_space<vmem>>
    %dma_start3A_304 = tpu.memref_slice %arg6[%add3A_281] : memref<327680xi32, #tpu.memory_space<hbm>> -> memref<32xi32, #tpu.memory_space<hbm>>
    %dma_start3A_305 = arith.constant 0 : i32
    %dma_start3A_306 = tpu.memref_slice %arg9[%dma_start3A_300, %dma_start3A_305] : memref<4x32xi32, #tpu.memory_space<vmem>> -> memref<1x32xi32, #tpu.memory_space<vmem>>
    %dma_start3A_307 = tpu.memref_squeeze %dma_start3A_306 : memref<1x32xi32, #tpu.memory_space<vmem>> -> memref<32xi32, #tpu.memory_space<vmem>>
    %dma_start3A_308 = tpu.memref_slice %arg6[%add3A_281] : memref<327680xi32, #tpu.memory_space<hbm>> -> memref<32xi32, #tpu.memory_space<hbm>>
    tpu.enqueue_dma source(%dma_start3A_308 : memref<32xi32, #tpu.memory_space<hbm>>) target(%dma_start3A_307 : memref<32xi32, #tpu.memory_space<vmem>>) target_semaphore(%arg26 : memref<!tpu.dma_semaphore, #tpu.memory_space<semaphore_mem>>)
    %dma_start3A_309 = arith.constant 3 : i32
    %dma_start3A_310 = arith.constant 0 : i32
    %dma_start3A_311 = tpu.memref_slice %arg9[%dma_start3A_309, %dma_start3A_310] : memref<4x32xi32, #tpu.memory_space<vmem>> -> memref<1x32xi32, #tpu.memory_space<vmem>>
    %dma_start3A_312 = tpu.memref_squeeze %dma_start3A_311 : memref<1x32xi32, #tpu.memory_space<vmem>> -> memref<32xi32, #tpu.memory_space<vmem>>
    %dma_start3A_313 = tpu.memref_slice %arg7[%add3A_281] : memref<327680xi32, #tpu.memory_space<hbm>> -> memref<32xi32, #tpu.memory_space<hbm>>
    %dma_start3A_314 = arith.constant 0 : i32
    %dma_start3A_315 = tpu.memref_slice %arg9[%dma_start3A_309, %dma_start3A_314] : memref<4x32xi32, #tpu.memory_space<vmem>> -> memref<1x32xi32, #tpu.memory_space<vmem>>
    %dma_start3A_316 = tpu.memref_squeeze %dma_start3A_315 : memref<1x32xi32, #tpu.memory_space<vmem>> -> memref<32xi32, #tpu.memory_space<vmem>>
    %dma_start3A_317 = tpu.memref_slice %arg7[%add3A_281] : memref<327680xi32, #tpu.memory_space<hbm>> -> memref<32xi32, #tpu.memory_space<hbm>>
    tpu.enqueue_dma source(%dma_start3A_317 : memref<32xi32, #tpu.memory_space<hbm>>) target(%dma_start3A_316 : memref<32xi32, #tpu.memory_space<vmem>>) target_semaphore(%arg26 : memref<!tpu.dma_semaphore, #tpu.memory_space<semaphore_mem>>)
    %scan3A_318 = arith.constant 0 : i32
    %scan3A_319 = arith.constant 0 : i32
    %scan3A_320 = arith.constant 32 : i32
    %scan3A_321 = arith.addi %scan3A_319, %scan3A_320 : i32
    %scan3A_322 = arith.constant 1 : i32
    scf.for %scan3A_726 = %scan3A_319 to %scan3A_321 step %scan3A_322  : i32 {
      %get3A = arith.index_cast %scan3A_726 : i32 to index
      %get3A_727 = arith.constant 0 : index
      %get3A_728 = tpu.vector_load %arg12[%get3A, %get3A_727] {strides = array<i32>} : memref<32x128xf32, #tpu.memory_space<vmem>>, vector<1x16xf32>,
      %get3A_729 = vector.shape_cast %get3A_728 : vector<1x16xf32> to vector<16xf32>
      %get3A_730 = arith.index_cast %scan3A_726 : i32 to index
      %get3A_731 = arith.constant 0 : index
      %get3A_732 = tpu.vector_load %arg13[%get3A_730, %get3A_731] {strides = array<i32>} : memref<32x128xf32, #tpu.memory_space<vmem>>, vector<1x16xf32>,
      %get3A_733 = vector.shape_cast %get3A_732 : vector<1x16xf32> to vector<16xf32>
      %get3A_734 = arith.index_cast %scan3A_726 : i32 to index
      %get3A_735 = arith.constant 0 : index
      %get3A_736 = tpu.vector_load %arg14[%get3A_734, %get3A_735] {strides = array<i32>} : memref<32x128xf32, #tpu.memory_space<vmem>>, vector<1x16xf32>,
      %get3A_737 = vector.shape_cast %get3A_736 : vector<1x16xf32> to vector<16xf32>
      %get3A_738 = arith.index_cast %scan3A_726 : i32 to index
      %get3A_739 = arith.constant 0 : index
      %get3A_740 = tpu.vector_load %arg15[%get3A_738, %get3A_739] {strides = array<i32>} : memref<32x128xf32, #tpu.memory_space<vmem>>, vector<1x16xf32>,
      %get3A_741 = vector.shape_cast %get3A_740 : vector<1x16xf32> to vector<16xf32>
      %get3A_742 = arith.index_cast %scan3A_726 : i32 to index
      %get3A_743 = arith.constant 0 : index
      %get3A_744 = tpu.vector_load %arg16[%get3A_742, %get3A_743] {strides = array<i32>} : memref<32x128xf32, #tpu.memory_space<vmem>>, vector<1x16xf32>,
      %get3A_745 = vector.shape_cast %get3A_744 : vector<1x16xf32> to vector<16xf32>
      %add3A_746 = arith.addf %get3A_729, %get3A_733 : vector<16xf32>
      %add3A_747 = arith.addf %add3A_746, %get3A_745 : vector<16xf32>
      %add3A_748 = arith.addf %get3A_741, %get3A_737 : vector<16xf32>
      %add3A_749 = arith.addf %add3A_748, %get3A_745 : vector<16xf32>
      %mul3A_750 = arith.constant 0.00999999977 : f32
      %mul3A_751 = vector.broadcast %mul3A_750 : f32 to vector<16xf32>
      %mul3A_752 = arith.mulf %mul3A_751, %add3A_747 : vector<16xf32>
      %max3A = arith.maximumf %add3A_747, %mul3A_752 : vector<16xf32>
      %swap3A = arith.index_cast %scan3A_726 : i32 to index
      %swap3A_753 = arith.constant 0 : index
      %swap3A_754 = tpu.vector_load %arg12[%swap3A, %swap3A_753] {strides = array<i32>} : memref<32x128xf32, #tpu.memory_space<vmem>>, vector<1x16xf32>,
      %swap3A_755 = vector.shape_cast %swap3A_754 : vector<1x16xf32> to vector<16xf32>
      %swap3A_756 = vector.shape_cast %max3A : vector<16xf32> to vector<1x16xf32>
      tpu.vector_store %arg12[%swap3A, %swap3A_753], %swap3A_756 {strides = array<i32>} : memref<32x128xf32, #tpu.memory_space<vmem>>, vector<1x16xf32>,
      %mul3A_757 = arith.constant 0.00999999977 : f32
      %mul3A_758 = vector.broadcast %mul3A_757 : f32 to vector<16xf32>
      %mul3A_759 = arith.mulf %mul3A_758, %add3A_749 : vector<16xf32>
      %max3A_760 = arith.maximumf %add3A_749, %mul3A_759 : vector<16xf32>
      %swap3A_761 = arith.index_cast %scan3A_726 : i32 to index
      %swap3A_762 = arith.constant 0 : index
      %swap3A_763 = tpu.vector_load %arg15[%swap3A_761, %swap3A_762] {strides = array<i32>} : memref<32x128xf32, #tpu.memory_space<vmem>>, vector<1x16xf32>,
      %swap3A_764 = vector.shape_cast %swap3A_763 : vector<1x16xf32> to vector<16xf32>
      %swap3A_765 = vector.shape_cast %max3A_760 : vector<16xf32> to vector<1x16xf32>
      tpu.vector_store %arg15[%swap3A_761, %swap3A_762], %swap3A_765 {strides = array<i32>} : memref<32x128xf32, #tpu.memory_space<vmem>>, vector<1x16xf32>,
      %get3A_766 = arith.index_cast %scan3A_726 : i32 to index
      %get3A_767 = arith.constant 16 : index
      %get3A_768 = tpu.vector_load %arg12[%get3A_766, %get3A_767] {strides = array<i32>} : memref<32x128xf32, #tpu.memory_space<vmem>>, vector<1x16xf32>,
      %get3A_769 = vector.shape_cast %get3A_768 : vector<1x16xf32> to vector<16xf32>
      %get3A_770 = arith.index_cast %scan3A_726 : i32 to index
      %get3A_771 = arith.constant 16 : index
      %get3A_772 = tpu.vector_load %arg13[%get3A_770, %get3A_771] {strides = array<i32>} : memref<32x128xf32, #tpu.memory_space<vmem>>, vector<1x16xf32>,
      %get3A_773 = vector.shape_cast %get3A_772 : vector<1x16xf32> to vector<16xf32>
      %get3A_774 = arith.index_cast %scan3A_726 : i32 to index
      %get3A_775 = arith.constant 16 : index
      %get3A_776 = tpu.vector_load %arg14[%get3A_774, %get3A_775] {strides = array<i32>} : memref<32x128xf32, #tpu.memory_space<vmem>>, vector<1x16xf32>,
      %get3A_777 = vector.shape_cast %get3A_776 : vector<1x16xf32> to vector<16xf32>
      %get3A_778 = arith.index_cast %scan3A_726 : i32 to index
      %get3A_779 = arith.constant 16 : index
      %get3A_780 = tpu.vector_load %arg15[%get3A_778, %get3A_779] {strides = array<i32>} : memref<32x128xf32, #tpu.memory_space<vmem>>, vector<1x16xf32>,
      %get3A_781 = vector.shape_cast %get3A_780 : vector<1x16xf32> to vector<16xf32>
      %get3A_782 = arith.index_cast %scan3A_726 : i32 to index
      %get3A_783 = arith.constant 16 : index
      %get3A_784 = tpu.vector_load %arg16[%get3A_782, %get3A_783] {strides = array<i32>} : memref<32x128xf32, #tpu.memory_space<vmem>>, vector<1x16xf32>,
      %get3A_785 = vector.shape_cast %get3A_784 : vector<1x16xf32> to vector<16xf32>
      %add3A_786 = arith.addf %get3A_769, %get3A_773 : vector<16xf32>
      %add3A_787 = arith.addf %add3A_786, %get3A_785 : vector<16xf32>
      %add3A_788 = arith.addf %get3A_781, %get3A_777 : vector<16xf32>
      %add3A_789 = arith.addf %add3A_788, %get3A_785 : vector<16xf32>
      %mul3A_790 = arith.constant 0.00999999977 : f32
      %mul3A_791 = vector.broadcast %mul3A_790 : f32 to vector<16xf32>
      %mul3A_792 = arith.mulf %mul3A_791, %add3A_787 : vector<16xf32>
      %max3A_793 = arith.maximumf %add3A_787, %mul3A_792 : vector<16xf32>
      %swap3A_794 = arith.index_cast %scan3A_726 : i32 to index
      %swap3A_795 = arith.constant 16 : index
      %swap3A_796 = tpu.vector_load %arg12[%swap3A_794, %swap3A_795] {strides = array<i32>} : memref<32x128xf32, #tpu.memory_space<vmem>>, vector<1x16xf32>,
      %swap3A_797 = vector.shape_cast %swap3A_796 : vector<1x16xf32> to vector<16xf32>
      %swap3A_798 = vector.shape_cast %max3A_793 : vector<16xf32> to vector<1x16xf32>
      tpu.vector_store %arg12[%swap3A_794, %swap3A_795], %swap3A_798 {strides = array<i32>} : memref<32x128xf32, #tpu.memory_space<vmem>>, vector<1x16xf32>,
      %mul3A_799 = arith.constant 0.00999999977 : f32
      %mul3A_800 = vector.broadcast %mul3A_799 : f32 to vector<16xf32>
      %mul3A_801 = arith.mulf %mul3A_800, %add3A_789 : vector<16xf32>
      %max3A_802 = arith.maximumf %add3A_789, %mul3A_801 : vector<16xf32>
      %swap3A_803 = arith.index_cast %scan3A_726 : i32 to index
      %swap3A_804 = arith.constant 16 : index
      %swap3A_805 = tpu.vector_load %arg15[%swap3A_803, %swap3A_804] {strides = array<i32>} : memref<32x128xf32, #tpu.memory_space<vmem>>, vector<1x16xf32>,
      %swap3A_806 = vector.shape_cast %swap3A_805 : vector<1x16xf32> to vector<16xf32>
      %swap3A_807 = vector.shape_cast %max3A_802 : vector<16xf32> to vector<1x16xf32>
      tpu.vector_store %arg15[%swap3A_803, %swap3A_804], %swap3A_807 {strides = array<i32>} : memref<32x128xf32, #tpu.memory_space<vmem>>, vector<1x16xf32>,
      %get3A_808 = arith.index_cast %scan3A_726 : i32 to index
      %get3A_809 = arith.constant 32 : index
      %get3A_810 = tpu.vector_load %arg12[%get3A_808, %get3A_809] {strides = array<i32>} : memref<32x128xf32, #tpu.memory_space<vmem>>, vector<1x16xf32>,
      %get3A_811 = vector.shape_cast %get3A_810 : vector<1x16xf32> to vector<16xf32>
      %get3A_812 = arith.index_cast %scan3A_726 : i32 to index
      %get3A_813 = arith.constant 32 : index
      %get3A_814 = tpu.vector_load %arg13[%get3A_812, %get3A_813] {strides = array<i32>} : memref<32x128xf32, #tpu.memory_space<vmem>>, vector<1x16xf32>,
      %get3A_815 = vector.shape_cast %get3A_814 : vector<1x16xf32> to vector<16xf32>
      %get3A_816 = arith.index_cast %scan3A_726 : i32 to index
      %get3A_817 = arith.constant 32 : index
      %get3A_818 = tpu.vector_load %arg14[%get3A_816, %get3A_817] {strides = array<i32>} : memref<32x128xf32, #tpu.memory_space<vmem>>, vector<1x16xf32>,
      %get3A_819 = vector.shape_cast %get3A_818 : vector<1x16xf32> to vector<16xf32>
      %get3A_820 = arith.index_cast %scan3A_726 : i32 to index
      %get3A_821 = arith.constant 32 : index
      %get3A_822 = tpu.vector_load %arg15[%get3A_820, %get3A_821] {strides = array<i32>} : memref<32x128xf32, #tpu.memory_space<vmem>>, vector<1x16xf32>,
      %get3A_823 = vector.shape_cast %get3A_822 : vector<1x16xf32> to vector<16xf32>
      %get3A_824 = arith.index_cast %scan3A_726 : i32 to index
      %get3A_825 = arith.constant 32 : index
      %get3A_826 = tpu.vector_load %arg16[%get3A_824, %get3A_825] {strides = array<i32>} : memref<32x128xf32, #tpu.memory_space<vmem>>, vector<1x16xf32>,
      %get3A_827 = vector.shape_cast %get3A_826 : vector<1x16xf32> to vector<16xf32>
      %add3A_828 = arith.addf %get3A_811, %get3A_815 : vector<16xf32>
      %add3A_829 = arith.addf %add3A_828, %get3A_827 : vector<16xf32>
      %add3A_830 = arith.addf %get3A_823, %get3A_819 : vector<16xf32>
      %add3A_831 = arith.addf %add3A_830, %get3A_827 : vector<16xf32>
      %mul3A_832 = arith.constant 0.00999999977 : f32
      %mul3A_833 = vector.broadcast %mul3A_832 : f32 to vector<16xf32>
      %mul3A_834 = arith.mulf %mul3A_833, %add3A_829 : vector<16xf32>
      %max3A_835 = arith.maximumf %add3A_829, %mul3A_834 : vector<16xf32>
      %swap3A_836 = arith.index_cast %scan3A_726 : i32 to index
      %swap3A_837 = arith.constant 32 : index
      %swap3A_838 = tpu.vector_load %arg12[%swap3A_836, %swap3A_837] {strides = array<i32>} : memref<32x128xf32, #tpu.memory_space<vmem>>, vector<1x16xf32>,
      %swap3A_839 = vector.shape_cast %swap3A_838 : vector<1x16xf32> to vector<16xf32>
      %swap3A_840 = vector.shape_cast %max3A_835 : vector<16xf32> to vector<1x16xf32>
      tpu.vector_store %arg12[%swap3A_836, %swap3A_837], %swap3A_840 {strides = array<i32>} : memref<32x128xf32, #tpu.memory_space<vmem>>, vector<1x16xf32>,
      %mul3A_841 = arith.constant 0.00999999977 : f32
      %mul3A_842 = vector.broadcast %mul3A_841 : f32 to vector<16xf32>
      %mul3A_843 = arith.mulf %mul3A_842, %add3A_831 : vector<16xf32>
      %max3A_844 = arith.maximumf %add3A_831, %mul3A_843 : vector<16xf32>
      %swap3A_845 = arith.index_cast %scan3A_726 : i32 to index
      %swap3A_846 = arith.constant 32 : index
      %swap3A_847 = tpu.vector_load %arg15[%swap3A_845, %swap3A_846] {strides = array<i32>} : memref<32x128xf32, #tpu.memory_space<vmem>>, vector<1x16xf32>,
      %swap3A_848 = vector.shape_cast %swap3A_847 : vector<1x16xf32> to vector<16xf32>
      %swap3A_849 = vector.shape_cast %max3A_844 : vector<16xf32> to vector<1x16xf32>
      tpu.vector_store %arg15[%swap3A_845, %swap3A_846], %swap3A_849 {strides = array<i32>} : memref<32x128xf32, #tpu.memory_space<vmem>>, vector<1x16xf32>,
      %get3A_850 = arith.index_cast %scan3A_726 : i32 to index
      %get3A_851 = arith.constant 48 : index
      %get3A_852 = tpu.vector_load %arg12[%get3A_850, %get3A_851] {strides = array<i32>} : memref<32x128xf32, #tpu.memory_space<vmem>>, vector<1x16xf32>,
      %get3A_853 = vector.shape_cast %get3A_852 : vector<1x16xf32> to vector<16xf32>
      %get3A_854 = arith.index_cast %scan3A_726 : i32 to index
      %get3A_855 = arith.constant 48 : index
      %get3A_856 = tpu.vector_load %arg13[%get3A_854, %get3A_855] {strides = array<i32>} : memref<32x128xf32, #tpu.memory_space<vmem>>, vector<1x16xf32>,
      %get3A_857 = vector.shape_cast %get3A_856 : vector<1x16xf32> to vector<16xf32>
      %get3A_858 = arith.index_cast %scan3A_726 : i32 to index
      %get3A_859 = arith.constant 48 : index
      %get3A_860 = tpu.vector_load %arg14[%get3A_858, %get3A_859] {strides = array<i32>} : memref<32x128xf32, #tpu.memory_space<vmem>>, vector<1x16xf32>,
      %get3A_861 = vector.shape_cast %get3A_860 : vector<1x16xf32> to vector<16xf32>
      %get3A_862 = arith.index_cast %scan3A_726 : i32 to index
      %get3A_863 = arith.constant 48 : index
      %get3A_864 = tpu.vector_load %arg15[%get3A_862, %get3A_863] {strides = array<i32>} : memref<32x128xf32, #tpu.memory_space<vmem>>, vector<1x16xf32>,
      %get3A_865 = vector.shape_cast %get3A_864 : vector<1x16xf32> to vector<16xf32>
      %get3A_866 = arith.index_cast %scan3A_726 : i32 to index
      %get3A_867 = arith.constant 48 : index
      %get3A_868 = tpu.vector_load %arg16[%get3A_866, %get3A_867] {strides = array<i32>} : memref<32x128xf32, #tpu.memory_space<vmem>>, vector<1x16xf32>,
      %get3A_869 = vector.shape_cast %get3A_868 : vector<1x16xf32> to vector<16xf32>
      %add3A_870 = arith.addf %get3A_853, %get3A_857 : vector<16xf32>
      %add3A_871 = arith.addf %add3A_870, %get3A_869 : vector<16xf32>
      %add3A_872 = arith.addf %get3A_865, %get3A_861 : vector<16xf32>
      %add3A_873 = arith.addf %add3A_872, %get3A_869 : vector<16xf32>
      %mul3A_874 = arith.constant 0.00999999977 : f32
      %mul3A_875 = vector.broadcast %mul3A_874 : f32 to vector<16xf32>
      %mul3A_876 = arith.mulf %mul3A_875, %add3A_871 : vector<16xf32>
      %max3A_877 = arith.maximumf %add3A_871, %mul3A_876 : vector<16xf32>
      %swap3A_878 = arith.index_cast %scan3A_726 : i32 to index
      %swap3A_879 = arith.constant 48 : index
      %swap3A_880 = tpu.vector_load %arg12[%swap3A_878, %swap3A_879] {strides = array<i32>} : memref<32x128xf32, #tpu.memory_space<vmem>>, vector<1x16xf32>,
      %swap3A_881 = vector.shape_cast %swap3A_880 : vector<1x16xf32> to vector<16xf32>
      %swap3A_882 = vector.shape_cast %max3A_877 : vector<16xf32> to vector<1x16xf32>
      tpu.vector_store %arg12[%swap3A_878, %swap3A_879], %swap3A_882 {strides = array<i32>} : memref<32x128xf32, #tpu.memory_space<vmem>>, vector<1x16xf32>,
      %mul3A_883 = arith.constant 0.00999999977 : f32
      %mul3A_884 = vector.broadcast %mul3A_883 : f32 to vector<16xf32>
      %mul3A_885 = arith.mulf %mul3A_884, %add3A_873 : vector<16xf32>
      %max3A_886 = arith.maximumf %add3A_873, %mul3A_885 : vector<16xf32>
      %swap3A_887 = arith.index_cast %scan3A_726 : i32 to index
      %swap3A_888 = arith.constant 48 : index
      %swap3A_889 = tpu.vector_load %arg15[%swap3A_887, %swap3A_888] {strides = array<i32>} : memref<32x128xf32, #tpu.memory_space<vmem>>, vector<1x16xf32>,
      %swap3A_890 = vector.shape_cast %swap3A_889 : vector<1x16xf32> to vector<16xf32>
      %swap3A_891 = vector.shape_cast %max3A_886 : vector<16xf32> to vector<1x16xf32>
      tpu.vector_store %arg15[%swap3A_887, %swap3A_888], %swap3A_891 {strides = array<i32>} : memref<32x128xf32, #tpu.memory_space<vmem>>, vector<1x16xf32>,
      %get3A_892 = arith.index_cast %scan3A_726 : i32 to index
      %get3A_893 = arith.constant 64 : index
      %get3A_894 = tpu.vector_load %arg12[%get3A_892, %get3A_893] {strides = array<i32>} : memref<32x128xf32, #tpu.memory_space<vmem>>, vector<1x16xf32>,
      %get3A_895 = vector.shape_cast %get3A_894 : vector<1x16xf32> to vector<16xf32>
      %get3A_896 = arith.index_cast %scan3A_726 : i32 to index
      %get3A_897 = arith.constant 64 : index
      %get3A_898 = tpu.vector_load %arg13[%get3A_896, %get3A_897] {strides = array<i32>} : memref<32x128xf32, #tpu.memory_space<vmem>>, vector<1x16xf32>,
      %get3A_899 = vector.shape_cast %get3A_898 : vector<1x16xf32> to vector<16xf32>
      %get3A_900 = arith.index_cast %scan3A_726 : i32 to index
      %get3A_901 = arith.constant 64 : index
      %get3A_902 = tpu.vector_load %arg14[%get3A_900, %get3A_901] {strides = array<i32>} : memref<32x128xf32, #tpu.memory_space<vmem>>, vector<1x16xf32>,
      %get3A_903 = vector.shape_cast %get3A_902 : vector<1x16xf32> to vector<16xf32>
      %get3A_904 = arith.index_cast %scan3A_726 : i32 to index
      %get3A_905 = arith.constant 64 : index
      %get3A_906 = tpu.vector_load %arg15[%get3A_904, %get3A_905] {strides = array<i32>} : memref<32x128xf32, #tpu.memory_space<vmem>>, vector<1x16xf32>,
      %get3A_907 = vector.shape_cast %get3A_906 : vector<1x16xf32> to vector<16xf32>
      %get3A_908 = arith.index_cast %scan3A_726 : i32 to index
      %get3A_909 = arith.constant 64 : index
      %get3A_910 = tpu.vector_load %arg16[%get3A_908, %get3A_909] {strides = array<i32>} : memref<32x128xf32, #tpu.memory_space<vmem>>, vector<1x16xf32>,
      %get3A_911 = vector.shape_cast %get3A_910 : vector<1x16xf32> to vector<16xf32>
      %add3A_912 = arith.addf %get3A_895, %get3A_899 : vector<16xf32>
      %add3A_913 = arith.addf %add3A_912, %get3A_911 : vector<16xf32>
      %add3A_914 = arith.addf %get3A_907, %get3A_903 : vector<16xf32>
      %add3A_915 = arith.addf %add3A_914, %get3A_911 : vector<16xf32>
      %mul3A_916 = arith.constant 0.00999999977 : f32
      %mul3A_917 = vector.broadcast %mul3A_916 : f32 to vector<16xf32>
      %mul3A_918 = arith.mulf %mul3A_917, %add3A_913 : vector<16xf32>
      %max3A_919 = arith.maximumf %add3A_913, %mul3A_918 : vector<16xf32>
      %swap3A_920 = arith.index_cast %scan3A_726 : i32 to index
      %swap3A_921 = arith.constant 64 : index
      %swap3A_922 = tpu.vector_load %arg12[%swap3A_920, %swap3A_921] {strides = array<i32>} : memref<32x128xf32, #tpu.memory_space<vmem>>, vector<1x16xf32>,
      %swap3A_923 = vector.shape_cast %swap3A_922 : vector<1x16xf32> to vector<16xf32>
      %swap3A_924 = vector.shape_cast %max3A_919 : vector<16xf32> to vector<1x16xf32>
      tpu.vector_store %arg12[%swap3A_920, %swap3A_921], %swap3A_924 {strides = array<i32>} : memref<32x128xf32, #tpu.memory_space<vmem>>, vector<1x16xf32>,
      %mul3A_925 = arith.constant 0.00999999977 : f32
      %mul3A_926 = vector.broadcast %mul3A_925 : f32 to vector<16xf32>
      %mul3A_927 = arith.mulf %mul3A_926, %add3A_915 : vector<16xf32>
      %max3A_928 = arith.maximumf %add3A_915, %mul3A_927 : vector<16xf32>
      %swap3A_929 = arith.index_cast %scan3A_726 : i32 to index
      %swap3A_930 = arith.constant 64 : index
      %swap3A_931 = tpu.vector_load %arg15[%swap3A_929, %swap3A_930] {strides = array<i32>} : memref<32x128xf32, #tpu.memory_space<vmem>>, vector<1x16xf32>,
      %swap3A_932 = vector.shape_cast %swap3A_931 : vector<1x16xf32> to vector<16xf32>
      %swap3A_933 = vector.shape_cast %max3A_928 : vector<16xf32> to vector<1x16xf32>
      tpu.vector_store %arg15[%swap3A_929, %swap3A_930], %swap3A_933 {strides = array<i32>} : memref<32x128xf32, #tpu.memory_space<vmem>>, vector<1x16xf32>,
      %get3A_934 = arith.index_cast %scan3A_726 : i32 to index
      %get3A_935 = arith.constant 80 : index
      %get3A_936 = tpu.vector_load %arg12[%get3A_934, %get3A_935] {strides = array<i32>} : memref<32x128xf32, #tpu.memory_space<vmem>>, vector<1x16xf32>,
      %get3A_937 = vector.shape_cast %get3A_936 : vector<1x16xf32> to vector<16xf32>
      %get3A_938 = arith.index_cast %scan3A_726 : i32 to index
      %get3A_939 = arith.constant 80 : index
      %get3A_940 = tpu.vector_load %arg13[%get3A_938, %get3A_939] {strides = array<i32>} : memref<32x128xf32, #tpu.memory_space<vmem>>, vector<1x16xf32>,
      %get3A_941 = vector.shape_cast %get3A_940 : vector<1x16xf32> to vector<16xf32>
      %get3A_942 = arith.index_cast %scan3A_726 : i32 to index
      %get3A_943 = arith.constant 80 : index
      %get3A_944 = tpu.vector_load %arg14[%get3A_942, %get3A_943] {strides = array<i32>} : memref<32x128xf32, #tpu.memory_space<vmem>>, vector<1x16xf32>,
      %get3A_945 = vector.shape_cast %get3A_944 : vector<1x16xf32> to vector<16xf32>
      %get3A_946 = arith.index_cast %scan3A_726 : i32 to index
      %get3A_947 = arith.constant 80 : index
      %get3A_948 = tpu.vector_load %arg15[%get3A_946, %get3A_947] {strides = array<i32>} : memref<32x128xf32, #tpu.memory_space<vmem>>, vector<1x16xf32>,
      %get3A_949 = vector.shape_cast %get3A_948 : vector<1x16xf32> to vector<16xf32>
      %get3A_950 = arith.index_cast %scan3A_726 : i32 to index
      %get3A_951 = arith.constant 80 : index
      %get3A_952 = tpu.vector_load %arg16[%get3A_950, %get3A_951] {strides = array<i32>} : memref<32x128xf32, #tpu.memory_space<vmem>>, vector<1x16xf32>,
      %get3A_953 = vector.shape_cast %get3A_952 : vector<1x16xf32> to vector<16xf32>
      %add3A_954 = arith.addf %get3A_937, %get3A_941 : vector<16xf32>
      %add3A_955 = arith.addf %add3A_954, %get3A_953 : vector<16xf32>
      %add3A_956 = arith.addf %get3A_949, %get3A_945 : vector<16xf32>
      %add3A_957 = arith.addf %add3A_956, %get3A_953 : vector<16xf32>
      %mul3A_958 = arith.constant 0.00999999977 : f32
      %mul3A_959 = vector.broadcast %mul3A_958 : f32 to vector<16xf32>
      %mul3A_960 = arith.mulf %mul3A_959, %add3A_955 : vector<16xf32>
      %max3A_961 = arith.maximumf %add3A_955, %mul3A_960 : vector<16xf32>
      %swap3A_962 = arith.index_cast %scan3A_726 : i32 to index
      %swap3A_963 = arith.constant 80 : index
      %swap3A_964 = tpu.vector_load %arg12[%swap3A_962, %swap3A_963] {strides = array<i32>} : memref<32x128xf32, #tpu.memory_space<vmem>>, vector<1x16xf32>,
      %swap3A_965 = vector.shape_cast %swap3A_964 : vector<1x16xf32> to vector<16xf32>
      %swap3A_966 = vector.shape_cast %max3A_961 : vector<16xf32> to vector<1x16xf32>
      tpu.vector_store %arg12[%swap3A_962, %swap3A_963], %swap3A_966 {strides = array<i32>} : memref<32x128xf32, #tpu.memory_space<vmem>>, vector<1x16xf32>,
      %mul3A_967 = arith.constant 0.00999999977 : f32
      %mul3A_968 = vector.broadcast %mul3A_967 : f32 to vector<16xf32>
      %mul3A_969 = arith.mulf %mul3A_968, %add3A_957 : vector<16xf32>
      %max3A_970 = arith.maximumf %add3A_957, %mul3A_969 : vector<16xf32>
      %swap3A_971 = arith.index_cast %scan3A_726 : i32 to index
      %swap3A_972 = arith.constant 80 : index
      %swap3A_973 = tpu.vector_load %arg15[%swap3A_971, %swap3A_972] {strides = array<i32>} : memref<32x128xf32, #tpu.memory_space<vmem>>, vector<1x16xf32>,
      %swap3A_974 = vector.shape_cast %swap3A_973 : vector<1x16xf32> to vector<16xf32>
      %swap3A_975 = vector.shape_cast %max3A_970 : vector<16xf32> to vector<1x16xf32>
      tpu.vector_store %arg15[%swap3A_971, %swap3A_972], %swap3A_975 {strides = array<i32>} : memref<32x128xf32, #tpu.memory_space<vmem>>, vector<1x16xf32>,
      %get3A_976 = arith.index_cast %scan3A_726 : i32 to index
      %get3A_977 = arith.constant 96 : index
      %get3A_978 = tpu.vector_load %arg12[%get3A_976, %get3A_977] {strides = array<i32>} : memref<32x128xf32, #tpu.memory_space<vmem>>, vector<1x16xf32>,
      %get3A_979 = vector.shape_cast %get3A_978 : vector<1x16xf32> to vector<16xf32>
      %get3A_980 = arith.index_cast %scan3A_726 : i32 to index
      %get3A_981 = arith.constant 96 : index
      %get3A_982 = tpu.vector_load %arg13[%get3A_980, %get3A_981] {strides = array<i32>} : memref<32x128xf32, #tpu.memory_space<vmem>>, vector<1x16xf32>,
      %get3A_983 = vector.shape_cast %get3A_982 : vector<1x16xf32> to vector<16xf32>
      %get3A_984 = arith.index_cast %scan3A_726 : i32 to index
      %get3A_985 = arith.constant 96 : index
      %get3A_986 = tpu.vector_load %arg14[%get3A_984, %get3A_985] {strides = array<i32>} : memref<32x128xf32, #tpu.memory_space<vmem>>, vector<1x16xf32>,
      %get3A_987 = vector.shape_cast %get3A_986 : vector<1x16xf32> to vector<16xf32>
      %get3A_988 = arith.index_cast %scan3A_726 : i32 to index
      %get3A_989 = arith.constant 96 : index
      %get3A_990 = tpu.vector_load %arg15[%get3A_988, %get3A_989] {strides = array<i32>} : memref<32x128xf32, #tpu.memory_space<vmem>>, vector<1x16xf32>,
      %get3A_991 = vector.shape_cast %get3A_990 : vector<1x16xf32> to vector<16xf32>
      %get3A_992 = arith.index_cast %scan3A_726 : i32 to index
      %get3A_993 = arith.constant 96 : index
      %get3A_994 = tpu.vector_load %arg16[%get3A_992, %get3A_993] {strides = array<i32>} : memref<32x128xf32, #tpu.memory_space<vmem>>, vector<1x16xf32>,
      %get3A_995 = vector.shape_cast %get3A_994 : vector<1x16xf32> to vector<16xf32>
      %add3A_996 = arith.addf %get3A_979, %get3A_983 : vector<16xf32>
      %add3A_997 = arith.addf %add3A_996, %get3A_995 : vector<16xf32>
      %add3A_998 = arith.addf %get3A_991, %get3A_987 : vector<16xf32>
      %add3A_999 = arith.addf %add3A_998, %get3A_995 : vector<16xf32>
      %mul3A_1000 = arith.constant 0.00999999977 : f32
      %mul3A_1001 = vector.broadcast %mul3A_1000 : f32 to vector<16xf32>
      %mul3A_1002 = arith.mulf %mul3A_1001, %add3A_997 : vector<16xf32>
      %max3A_1003 = arith.maximumf %add3A_997, %mul3A_1002 : vector<16xf32>
      %swap3A_1004 = arith.index_cast %scan3A_726 : i32 to index
      %swap3A_1005 = arith.constant 96 : index
      %swap3A_1006 = tpu.vector_load %arg12[%swap3A_1004, %swap3A_1005] {strides = array<i32>} : memref<32x128xf32, #tpu.memory_space<vmem>>, vector<1x16xf32>,
      %swap3A_1007 = vector.shape_cast %swap3A_1006 : vector<1x16xf32> to vector<16xf32>
      %swap3A_1008 = vector.shape_cast %max3A_1003 : vector<16xf32> to vector<1x16xf32>
      tpu.vector_store %arg12[%swap3A_1004, %swap3A_1005], %swap3A_1008 {strides = array<i32>} : memref<32x128xf32, #tpu.memory_space<vmem>>, vector<1x16xf32>,
      %mul3A_1009 = arith.constant 0.00999999977 : f32
      %mul3A_1010 = vector.broadcast %mul3A_1009 : f32 to vector<16xf32>
      %mul3A_1011 = arith.mulf %mul3A_1010, %add3A_999 : vector<16xf32>
      %max3A_1012 = arith.maximumf %add3A_999, %mul3A_1011 : vector<16xf32>
      %swap3A_1013 = arith.index_cast %scan3A_726 : i32 to index
      %swap3A_1014 = arith.constant 96 : index
      %swap3A_1015 = tpu.vector_load %arg15[%swap3A_1013, %swap3A_1014] {strides = array<i32>} : memref<32x128xf32, #tpu.memory_space<vmem>>, vector<1x16xf32>,
      %swap3A_1016 = vector.shape_cast %swap3A_1015 : vector<1x16xf32> to vector<16xf32>
      %swap3A_1017 = vector.shape_cast %max3A_1012 : vector<16xf32> to vector<1x16xf32>
      tpu.vector_store %arg15[%swap3A_1013, %swap3A_1014], %swap3A_1017 {strides = array<i32>} : memref<32x128xf32, #tpu.memory_space<vmem>>, vector<1x16xf32>,
      %get3A_1018 = arith.index_cast %scan3A_726 : i32 to index
      %get3A_1019 = arith.constant 112 : index
      %get3A_1020 = tpu.vector_load %arg12[%get3A_1018, %get3A_1019] {strides = array<i32>} : memref<32x128xf32, #tpu.memory_space<vmem>>, vector<1x16xf32>,
      %get3A_1021 = vector.shape_cast %get3A_1020 : vector<1x16xf32> to vector<16xf32>
      %get3A_1022 = arith.index_cast %scan3A_726 : i32 to index
      %get3A_1023 = arith.constant 112 : index
      %get3A_1024 = tpu.vector_load %arg13[%get3A_1022, %get3A_1023] {strides = array<i32>} : memref<32x128xf32, #tpu.memory_space<vmem>>, vector<1x16xf32>,
      %get3A_1025 = vector.shape_cast %get3A_1024 : vector<1x16xf32> to vector<16xf32>
      %get3A_1026 = arith.index_cast %scan3A_726 : i32 to index
      %get3A_1027 = arith.constant 112 : index
      %get3A_1028 = tpu.vector_load %arg14[%get3A_1026, %get3A_1027] {strides = array<i32>} : memref<32x128xf32, #tpu.memory_space<vmem>>, vector<1x16xf32>,
      %get3A_1029 = vector.shape_cast %get3A_1028 : vector<1x16xf32> to vector<16xf32>
      %get3A_1030 = arith.index_cast %scan3A_726 : i32 to index
      %get3A_1031 = arith.constant 112 : index
      %get3A_1032 = tpu.vector_load %arg15[%get3A_1030, %get3A_1031] {strides = array<i32>} : memref<32x128xf32, #tpu.memory_space<vmem>>, vector<1x16xf32>,
      %get3A_1033 = vector.shape_cast %get3A_1032 : vector<1x16xf32> to vector<16xf32>
      %get3A_1034 = arith.index_cast %scan3A_726 : i32 to index
      %get3A_1035 = arith.constant 112 : index
      %get3A_1036 = tpu.vector_load %arg16[%get3A_1034, %get3A_1035] {strides = array<i32>} : memref<32x128xf32, #tpu.memory_space<vmem>>, vector<1x16xf32>,
      %get3A_1037 = vector.shape_cast %get3A_1036 : vector<1x16xf32> to vector<16xf32>
      %add3A_1038 = arith.addf %get3A_1021, %get3A_1025 : vector<16xf32>
      %add3A_1039 = arith.addf %add3A_1038, %get3A_1037 : vector<16xf32>
      %add3A_1040 = arith.addf %get3A_1033, %get3A_1029 : vector<16xf32>
      %add3A_1041 = arith.addf %add3A_1040, %get3A_1037 : vector<16xf32>
      %mul3A_1042 = arith.constant 0.00999999977 : f32
      %mul3A_1043 = vector.broadcast %mul3A_1042 : f32 to vector<16xf32>
      %mul3A_1044 = arith.mulf %mul3A_1043, %add3A_1039 : vector<16xf32>
      %max3A_1045 = arith.maximumf %add3A_1039, %mul3A_1044 : vector<16xf32>
      %swap3A_1046 = arith.index_cast %scan3A_726 : i32 to index
      %swap3A_1047 = arith.constant 112 : index
      %swap3A_1048 = tpu.vector_load %arg12[%swap3A_1046, %swap3A_1047] {strides = array<i32>} : memref<32x128xf32, #tpu.memory_space<vmem>>, vector<1x16xf32>,
      %swap3A_1049 = vector.shape_cast %swap3A_1048 : vector<1x16xf32> to vector<16xf32>
      %swap3A_1050 = vector.shape_cast %max3A_1045 : vector<16xf32> to vector<1x16xf32>
      tpu.vector_store %arg12[%swap3A_1046, %swap3A_1047], %swap3A_1050 {strides = array<i32>} : memref<32x128xf32, #tpu.memory_space<vmem>>, vector<1x16xf32>,
      %mul3A_1051 = arith.constant 0.00999999977 : f32
      %mul3A_1052 = vector.broadcast %mul3A_1051 : f32 to vector<16xf32>
      %mul3A_1053 = arith.mulf %mul3A_1052, %add3A_1041 : vector<16xf32>
      %max3A_1054 = arith.maximumf %add3A_1041, %mul3A_1053 : vector<16xf32>
      %swap3A_1055 = arith.index_cast %scan3A_726 : i32 to index
      %swap3A_1056 = arith.constant 112 : index
      %swap3A_1057 = tpu.vector_load %arg15[%swap3A_1055, %swap3A_1056] {strides = array<i32>} : memref<32x128xf32, #tpu.memory_space<vmem>>, vector<1x16xf32>,
      %swap3A_1058 = vector.shape_cast %swap3A_1057 : vector<1x16xf32> to vector<16xf32>
      %swap3A_1059 = vector.shape_cast %max3A_1054 : vector<16xf32> to vector<1x16xf32>
      tpu.vector_store %arg15[%swap3A_1055, %swap3A_1056], %swap3A_1059 {strides = array<i32>} : memref<32x128xf32, #tpu.memory_space<vmem>>, vector<1x16xf32>,
    }
    %scan3A_323 = arith.constant 32 : i32
    %add3A_324 = arith.constant 0 : i32
    %add3A_325 = arith.addi %mul3A_15, %add3A_324 : i32
    %dma_wait3A_326 = tpu.memref_slice %arg4[%add3A_325] : memref<327680xi32, #tpu.memory_space<hbm>> -> memref<32xi32, #tpu.memory_space<hbm>>
    %dma_wait3A_327 = tpu.memref_slice %arg4[%add3A_325] : memref<327680xi32, #tpu.memory_space<hbm>> -> memref<32xi32, #tpu.memory_space<hbm>>
    tpu.wait_dma2 semaphore(%arg27 : memref<!tpu.dma_semaphore, #tpu.memory_space<semaphore_mem>>) src(%dma_wait3A_327 : memref<32xi32, #tpu.memory_space<hbm>>) dst(%arg10 : memref<32xi32, #tpu.memory_space<vmem>>)
    %dma_wait3A_328 = tpu.memref_slice %arg5[%add3A_325] : memref<327680xi32, #tpu.memory_space<hbm>> -> memref<32xi32, #tpu.memory_space<hbm>>
    %dma_wait3A_329 = tpu.memref_slice %arg5[%add3A_325] : memref<327680xi32, #tpu.memory_space<hbm>> -> memref<32xi32, #tpu.memory_space<hbm>>
    tpu.wait_dma2 semaphore(%arg27 : memref<!tpu.dma_semaphore, #tpu.memory_space<semaphore_mem>>) src(%dma_wait3A_329 : memref<32xi32, #tpu.memory_space<hbm>>) dst(%arg11 : memref<32xi32, #tpu.memory_space<vmem>>)
    %dma_start3A_330 = arith.constant 0 : i32
    %dma_start3A_331 = arith.constant 0 : i32
    %dma_start3A_332 = tpu.memref_slice %arg25[%dma_start3A_330, %dma_start3A_331] : memref<10240x128xf32, #tpu.memory_space<vmem_shared>> -> memref<10240x128xf32, #tpu.memory_space<vmem_shared>>
    tpu.enqueue_indirect_dma source(%arg12 : memref<32x128xf32, #tpu.memory_space<vmem>>) target(%dma_start3A_332 : memref<10240x128xf32, #tpu.memory_space<vmem_shared>>) offsets(%arg11 : memref<32xi32, #tpu.memory_space<vmem>>) semaphore(%arg29 : memref<!tpu.dma_semaphore, #tpu.memory_space<semaphore_mem>>) {add = true}
    %dma_start3A_333 = arith.constant 0 : i32
    %dma_start3A_334 = arith.constant 0 : i32
    %dma_start3A_335 = tpu.memref_slice %arg25[%dma_start3A_333, %dma_start3A_334] : memref<10240x128xf32, #tpu.memory_space<vmem_shared>> -> memref<10240x128xf32, #tpu.memory_space<vmem_shared>>
    tpu.enqueue_indirect_dma source(%arg15 : memref<32x128xf32, #tpu.memory_space<vmem>>) target(%dma_start3A_335 : memref<10240x128xf32, #tpu.memory_space<vmem_shared>>) offsets(%arg10 : memref<32xi32, #tpu.memory_space<vmem>>) semaphore(%arg29 : memref<!tpu.dma_semaphore, #tpu.memory_space<semaphore_mem>>) {add = true}
    %add3A_336 = arith.constant 64 : i32
    %add3A_337 = arith.addi %mul3A_15, %add3A_336 : i32
    %dma_wait3A_338 = arith.constant 0 : i32
    %dma_wait3A_339 = arith.constant 0 : i32
    %dma_wait3A_340 = tpu.memref_slice %arg9[%dma_wait3A_338, %dma_wait3A_339] : memref<4x32xi32, #tpu.memory_space<vmem>> -> memref<1x32xi32, #tpu.memory_space<vmem>>
    %dma_wait3A_341 = tpu.memref_squeeze %dma_wait3A_340 : memref<1x32xi32, #tpu.memory_space<vmem>> -> memref<32xi32, #tpu.memory_space<vmem>>
    %dma_wait3A_342 = tpu.memref_slice %arg4[%add3A_337] : memref<327680xi32, #tpu.memory_space<hbm>> -> memref<32xi32, #tpu.memory_space<hbm>>
    %dma_wait3A_343 = arith.constant 0 : i32
    %dma_wait3A_344 = tpu.memref_slice %arg9[%dma_wait3A_338, %dma_wait3A_343] : memref<4x32xi32, #tpu.memory_space<vmem>> -> memref<1x32xi32, #tpu.memory_space<vmem>>
    %dma_wait3A_345 = tpu.memref_squeeze %dma_wait3A_344 : memref<1x32xi32, #tpu.memory_space<vmem>> -> memref<32xi32, #tpu.memory_space<vmem>>
    %dma_wait3A_346 = tpu.memref_slice %arg4[%add3A_337] : memref<327680xi32, #tpu.memory_space<hbm>> -> memref<32xi32, #tpu.memory_space<hbm>>
    tpu.wait_dma2 semaphore(%arg26 : memref<!tpu.dma_semaphore, #tpu.memory_space<semaphore_mem>>) src(%dma_wait3A_346 : memref<32xi32, #tpu.memory_space<hbm>>) dst(%dma_wait3A_345 : memref<32xi32, #tpu.memory_space<vmem>>)
    %dma_wait3A_347 = arith.constant 1 : i32
    %dma_wait3A_348 = arith.constant 0 : i32
    %dma_wait3A_349 = tpu.memref_slice %arg9[%dma_wait3A_347, %dma_wait3A_348] : memref<4x32xi32, #tpu.memory_space<vmem>> -> memref<1x32xi32, #tpu.memory_space<vmem>>
    %dma_wait3A_350 = tpu.memref_squeeze %dma_wait3A_349 : memref<1x32xi32, #tpu.memory_space<vmem>> -> memref<32xi32, #tpu.memory_space<vmem>>
    %dma_wait3A_351 = tpu.memref_slice %arg5[%add3A_337] : memref<327680xi32, #tpu.memory_space<hbm>> -> memref<32xi32, #tpu.memory_space<hbm>>
    %dma_wait3A_352 = arith.constant 0 : i32
    %dma_wait3A_353 = tpu.memref_slice %arg9[%dma_wait3A_347, %dma_wait3A_352] : memref<4x32xi32, #tpu.memory_space<vmem>> -> memref<1x32xi32, #tpu.memory_space<vmem>>
    %dma_wait3A_354 = tpu.memref_squeeze %dma_wait3A_353 : memref<1x32xi32, #tpu.memory_space<vmem>> -> memref<32xi32, #tpu.memory_space<vmem>>
    %dma_wait3A_355 = tpu.memref_slice %arg5[%add3A_337] : memref<327680xi32, #tpu.memory_space<hbm>> -> memref<32xi32, #tpu.memory_space<hbm>>
    tpu.wait_dma2 semaphore(%arg26 : memref<!tpu.dma_semaphore, #tpu.memory_space<semaphore_mem>>) src(%dma_wait3A_355 : memref<32xi32, #tpu.memory_space<hbm>>) dst(%dma_wait3A_354 : memref<32xi32, #tpu.memory_space<vmem>>)
    %dma_wait3A_356 = arith.constant 2 : i32
    %dma_wait3A_357 = arith.constant 0 : i32
    %dma_wait3A_358 = tpu.memref_slice %arg9[%dma_wait3A_356, %dma_wait3A_357] : memref<4x32xi32, #tpu.memory_space<vmem>> -> memref<1x32xi32, #tpu.memory_space<vmem>>
    %dma_wait3A_359 = tpu.memref_squeeze %dma_wait3A_358 : memref<1x32xi32, #tpu.memory_space<vmem>> -> memref<32xi32, #tpu.memory_space<vmem>>
    %dma_wait3A_360 = tpu.memref_slice %arg6[%add3A_337] : memref<327680xi32, #tpu.memory_space<hbm>> -> memref<32xi32, #tpu.memory_space<hbm>>
    %dma_wait3A_361 = arith.constant 0 : i32
    %dma_wait3A_362 = tpu.memref_slice %arg9[%dma_wait3A_356, %dma_wait3A_361] : memref<4x32xi32, #tpu.memory_space<vmem>> -> memref<1x32xi32, #tpu.memory_space<vmem>>
    %dma_wait3A_363 = tpu.memref_squeeze %dma_wait3A_362 : memref<1x32xi32, #tpu.memory_space<vmem>> -> memref<32xi32, #tpu.memory_space<vmem>>
    %dma_wait3A_364 = tpu.memref_slice %arg6[%add3A_337] : memref<327680xi32, #tpu.memory_space<hbm>> -> memref<32xi32, #tpu.memory_space<hbm>>
    tpu.wait_dma2 semaphore(%arg26 : memref<!tpu.dma_semaphore, #tpu.memory_space<semaphore_mem>>) src(%dma_wait3A_364 : memref<32xi32, #tpu.memory_space<hbm>>) dst(%dma_wait3A_363 : memref<32xi32, #tpu.memory_space<vmem>>)
    %dma_wait3A_365 = arith.constant 3 : i32
    %dma_wait3A_366 = arith.constant 0 : i32
    %dma_wait3A_367 = tpu.memref_slice %arg9[%dma_wait3A_365, %dma_wait3A_366] : memref<4x32xi32, #tpu.memory_space<vmem>> -> memref<1x32xi32, #tpu.memory_space<vmem>>
    %dma_wait3A_368 = tpu.memref_squeeze %dma_wait3A_367 : memref<1x32xi32, #tpu.memory_space<vmem>> -> memref<32xi32, #tpu.memory_space<vmem>>
    %dma_wait3A_369 = tpu.memref_slice %arg7[%add3A_337] : memref<327680xi32, #tpu.memory_space<hbm>> -> memref<32xi32, #tpu.memory_space<hbm>>
    %dma_wait3A_370 = arith.constant 0 : i32
    %dma_wait3A_371 = tpu.memref_slice %arg9[%dma_wait3A_365, %dma_wait3A_370] : memref<4x32xi32, #tpu.memory_space<vmem>> -> memref<1x32xi32, #tpu.memory_space<vmem>>
    %dma_wait3A_372 = tpu.memref_squeeze %dma_wait3A_371 : memref<1x32xi32, #tpu.memory_space<vmem>> -> memref<32xi32, #tpu.memory_space<vmem>>
    %dma_wait3A_373 = tpu.memref_slice %arg7[%add3A_337] : memref<327680xi32, #tpu.memory_space<hbm>> -> memref<32xi32, #tpu.memory_space<hbm>>
    tpu.wait_dma2 semaphore(%arg26 : memref<!tpu.dma_semaphore, #tpu.memory_space<semaphore_mem>>) src(%dma_wait3A_373 : memref<32xi32, #tpu.memory_space<hbm>>) dst(%dma_wait3A_372 : memref<32xi32, #tpu.memory_space<vmem>>)
    %dma_wait3A_374 = arith.constant 0 : i32
    %dma_wait3A_375 = arith.constant 0 : i32
    %dma_wait3A_376 = tpu.memref_slice %arg25[%dma_wait3A_374, %dma_wait3A_375] : memref<10240x128xf32, #tpu.memory_space<vmem_shared>> -> memref<10240x128xf32, #tpu.memory_space<vmem_shared>>
    tpu.wait_indirect_dma semaphore(%arg29 : memref<!tpu.dma_semaphore, #tpu.memory_space<semaphore_mem>>) src(%arg12 : memref<32x128xf32, #tpu.memory_space<vmem>>) dst(%dma_wait3A_376 : memref<10240x128xf32, #tpu.memory_space<vmem_shared>>)
    %dma_wait3A_377 = arith.constant 0 : i32
    %dma_wait3A_378 = arith.constant 0 : i32
    %dma_wait3A_379 = tpu.memref_slice %arg25[%dma_wait3A_377, %dma_wait3A_378] : memref<10240x128xf32, #tpu.memory_space<vmem_shared>> -> memref<10240x128xf32, #tpu.memory_space<vmem_shared>>
    tpu.wait_indirect_dma semaphore(%arg29 : memref<!tpu.dma_semaphore, #tpu.memory_space<semaphore_mem>>) src(%arg15 : memref<32x128xf32, #tpu.memory_space<vmem>>) dst(%dma_wait3A_379 : memref<10240x128xf32, #tpu.memory_space<vmem_shared>>)
    %add3A_380 = arith.constant 64 : i32
    %add3A_381 = arith.addi %mul3A_15, %add3A_380 : i32
    %dma_start3A_382 = arith.constant 0 : i32
    %dma_start3A_383 = arith.constant 0 : i32
    %dma_start3A_384 = tpu.memref_slice %arg9[%dma_start3A_382, %dma_start3A_383] : memref<4x32xi32, #tpu.memory_space<vmem>> -> memref<1x32xi32, #tpu.memory_space<vmem>>
    %dma_start3A_385 = tpu.memref_squeeze %dma_start3A_384 : memref<1x32xi32, #tpu.memory_space<vmem>> -> memref<32xi32, #tpu.memory_space<vmem>>
    %dma_start3A_386 = arith.constant 0 : i32
    %dma_start3A_387 = arith.constant 0 : i32
    %dma_start3A_388 = tpu.memref_slice %arg2[%dma_start3A_386, %dma_start3A_387] : memref<20480x128xf32, #tpu.memory_space<hbm>> -> memref<20480x128xf32, #tpu.memory_space<hbm>>
    tpu.enqueue_indirect_dma source(%dma_start3A_388 : memref<20480x128xf32, #tpu.memory_space<hbm>>) target(%arg12 : memref<32x128xf32, #tpu.memory_space<vmem>>) offsets(%dma_start3A_385 : memref<32xi32, #tpu.memory_space<vmem>>) semaphore(%arg28 : memref<!tpu.dma_semaphore, #tpu.memory_space<semaphore_mem>>)
    %dma_start3A_389 = arith.constant 3 : i32
    %dma_start3A_390 = arith.constant 0 : i32
    %dma_start3A_391 = tpu.memref_slice %arg9[%dma_start3A_389, %dma_start3A_390] : memref<4x32xi32, #tpu.memory_space<vmem>> -> memref<1x32xi32, #tpu.memory_space<vmem>>
    %dma_start3A_392 = tpu.memref_squeeze %dma_start3A_391 : memref<1x32xi32, #tpu.memory_space<vmem>> -> memref<32xi32, #tpu.memory_space<vmem>>
    %dma_start3A_393 = arith.constant 0 : i32
    %dma_start3A_394 = arith.constant 0 : i32
    %dma_start3A_395 = tpu.memref_slice %arg2[%dma_start3A_393, %dma_start3A_394] : memref<20480x128xf32, #tpu.memory_space<hbm>> -> memref<20480x128xf32, #tpu.memory_space<hbm>>
    tpu.enqueue_indirect_dma source(%dma_start3A_395 : memref<20480x128xf32, #tpu.memory_space<hbm>>) target(%arg13 : memref<32x128xf32, #tpu.memory_space<vmem>>) offsets(%dma_start3A_392 : memref<32xi32, #tpu.memory_space<vmem>>) semaphore(%arg28 : memref<!tpu.dma_semaphore, #tpu.memory_space<semaphore_mem>>)
    %dma_start3A_396 = arith.constant 1 : i32
    %dma_start3A_397 = arith.constant 0 : i32
    %dma_start3A_398 = tpu.memref_slice %arg9[%dma_start3A_396, %dma_start3A_397] : memref<4x32xi32, #tpu.memory_space<vmem>> -> memref<1x32xi32, #tpu.memory_space<vmem>>
    %dma_start3A_399 = tpu.memref_squeeze %dma_start3A_398 : memref<1x32xi32, #tpu.memory_space<vmem>> -> memref<32xi32, #tpu.memory_space<vmem>>
    %dma_start3A_400 = arith.constant 0 : i32
    %dma_start3A_401 = arith.constant 0 : i32
    %dma_start3A_402 = tpu.memref_slice %arg2[%dma_start3A_400, %dma_start3A_401] : memref<20480x128xf32, #tpu.memory_space<hbm>> -> memref<20480x128xf32, #tpu.memory_space<hbm>>
    tpu.enqueue_indirect_dma source(%dma_start3A_402 : memref<20480x128xf32, #tpu.memory_space<hbm>>) target(%arg14 : memref<32x128xf32, #tpu.memory_space<vmem>>) offsets(%dma_start3A_399 : memref<32xi32, #tpu.memory_space<vmem>>) semaphore(%arg28 : memref<!tpu.dma_semaphore, #tpu.memory_space<semaphore_mem>>)
    %dma_start3A_403 = arith.constant 2 : i32
    %dma_start3A_404 = arith.constant 0 : i32
    %dma_start3A_405 = tpu.memref_slice %arg9[%dma_start3A_403, %dma_start3A_404] : memref<4x32xi32, #tpu.memory_space<vmem>> -> memref<1x32xi32, #tpu.memory_space<vmem>>
    %dma_start3A_406 = tpu.memref_squeeze %dma_start3A_405 : memref<1x32xi32, #tpu.memory_space<vmem>> -> memref<32xi32, #tpu.memory_space<vmem>>
    %dma_start3A_407 = arith.constant 0 : i32
    %dma_start3A_408 = arith.constant 0 : i32
    %dma_start3A_409 = tpu.memref_slice %arg2[%dma_start3A_407, %dma_start3A_408] : memref<20480x128xf32, #tpu.memory_space<hbm>> -> memref<20480x128xf32, #tpu.memory_space<hbm>>
    tpu.enqueue_indirect_dma source(%dma_start3A_409 : memref<20480x128xf32, #tpu.memory_space<hbm>>) target(%arg15 : memref<32x128xf32, #tpu.memory_space<vmem>>) offsets(%dma_start3A_406 : memref<32xi32, #tpu.memory_space<vmem>>) semaphore(%arg28 : memref<!tpu.dma_semaphore, #tpu.memory_space<semaphore_mem>>)
    %dma_start3A_410 = arith.constant 0 : i32
    %dma_start3A_411 = tpu.memref_slice %arg3[%add3A_381, %dma_start3A_410] : memref<327680x128xf32, #tpu.memory_space<hbm>> -> memref<32x128xf32, #tpu.memory_space<hbm>>
    %dma_start3A_412 = arith.constant 0 : i32
    %dma_start3A_413 = tpu.memref_slice %arg3[%add3A_381, %dma_start3A_412] : memref<327680x128xf32, #tpu.memory_space<hbm>> -> memref<32x128xf32, #tpu.memory_space<hbm>>
    tpu.enqueue_dma source(%dma_start3A_413 : memref<32x128xf32, #tpu.memory_space<hbm>>) target(%arg16 : memref<32x128xf32, #tpu.memory_space<vmem>>) target_semaphore(%arg28 : memref<!tpu.dma_semaphore, #tpu.memory_space<semaphore_mem>>)
    %add3A_414 = arith.constant 64 : i32
    %add3A_415 = arith.addi %mul3A_15, %add3A_414 : i32
    %dma_start3A_416 = tpu.memref_slice %arg4[%add3A_415] : memref<327680xi32, #tpu.memory_space<hbm>> -> memref<32xi32, #tpu.memory_space<hbm>>
    %dma_start3A_417 = tpu.memref_slice %arg4[%add3A_415] : memref<327680xi32, #tpu.memory_space<hbm>> -> memref<32xi32, #tpu.memory_space<hbm>>
    tpu.enqueue_dma source(%dma_start3A_417 : memref<32xi32, #tpu.memory_space<hbm>>) target(%arg10 : memref<32xi32, #tpu.memory_space<vmem>>) target_semaphore(%arg27 : memref<!tpu.dma_semaphore, #tpu.memory_space<semaphore_mem>>)
    %dma_start3A_418 = tpu.memref_slice %arg5[%add3A_415] : memref<327680xi32, #tpu.memory_space<hbm>> -> memref<32xi32, #tpu.memory_space<hbm>>
    %dma_start3A_419 = tpu.memref_slice %arg5[%add3A_415] : memref<327680xi32, #tpu.memory_space<hbm>> -> memref<32xi32, #tpu.memory_space<hbm>>
    tpu.enqueue_dma source(%dma_start3A_419 : memref<32xi32, #tpu.memory_space<hbm>>) target(%arg11 : memref<32xi32, #tpu.memory_space<vmem>>) target_semaphore(%arg27 : memref<!tpu.dma_semaphore, #tpu.memory_space<semaphore_mem>>)
    %add3A_420 = arith.constant 32 : i32
    %add3A_421 = arith.addi %mul3A_15, %add3A_420 : i32
    %dma_wait3A_422 = arith.constant 0 : i32
    %dma_wait3A_423 = arith.constant 0 : i32
    %dma_wait3A_424 = tpu.memref_slice %arg17[%dma_wait3A_422, %dma_wait3A_423] : memref<4x32xi32, #tpu.memory_space<vmem>> -> memref<1x32xi32, #tpu.memory_space<vmem>>
    %dma_wait3A_425 = tpu.memref_squeeze %dma_wait3A_424 : memref<1x32xi32, #tpu.memory_space<vmem>> -> memref<32xi32, #tpu.memory_space<vmem>>
    %dma_wait3A_426 = arith.constant 0 : i32
    %dma_wait3A_427 = arith.constant 0 : i32
    %dma_wait3A_428 = tpu.memref_slice %arg2[%dma_wait3A_426, %dma_wait3A_427] : memref<20480x128xf32, #tpu.memory_space<hbm>> -> memref<20480x128xf32, #tpu.memory_space<hbm>>
    tpu.wait_indirect_dma semaphore(%arg32 : memref<!tpu.dma_semaphore, #tpu.memory_space<semaphore_mem>>) src(%dma_wait3A_428 : memref<20480x128xf32, #tpu.memory_space<hbm>>) dst(%arg20 : memref<32x128xf32, #tpu.memory_space<vmem>>)
    %dma_wait3A_429 = arith.constant 3 : i32
    %dma_wait3A_430 = arith.constant 0 : i32
    %dma_wait3A_431 = tpu.memref_slice %arg17[%dma_wait3A_429, %dma_wait3A_430] : memref<4x32xi32, #tpu.memory_space<vmem>> -> memref<1x32xi32, #tpu.memory_space<vmem>>
    %dma_wait3A_432 = tpu.memref_squeeze %dma_wait3A_431 : memref<1x32xi32, #tpu.memory_space<vmem>> -> memref<32xi32, #tpu.memory_space<vmem>>
    %dma_wait3A_433 = arith.constant 0 : i32
    %dma_wait3A_434 = arith.constant 0 : i32
    %dma_wait3A_435 = tpu.memref_slice %arg2[%dma_wait3A_433, %dma_wait3A_434] : memref<20480x128xf32, #tpu.memory_space<hbm>> -> memref<20480x128xf32, #tpu.memory_space<hbm>>
    tpu.wait_indirect_dma semaphore(%arg32 : memref<!tpu.dma_semaphore, #tpu.memory_space<semaphore_mem>>) src(%dma_wait3A_435 : memref<20480x128xf32, #tpu.memory_space<hbm>>) dst(%arg21 : memref<32x128xf32, #tpu.memory_space<vmem>>)
    %dma_wait3A_436 = arith.constant 1 : i32
    %dma_wait3A_437 = arith.constant 0 : i32
    %dma_wait3A_438 = tpu.memref_slice %arg17[%dma_wait3A_436, %dma_wait3A_437] : memref<4x32xi32, #tpu.memory_space<vmem>> -> memref<1x32xi32, #tpu.memory_space<vmem>>
    %dma_wait3A_439 = tpu.memref_squeeze %dma_wait3A_438 : memref<1x32xi32, #tpu.memory_space<vmem>> -> memref<32xi32, #tpu.memory_space<vmem>>
    %dma_wait3A_440 = arith.constant 0 : i32
    %dma_wait3A_441 = arith.constant 0 : i32
    %dma_wait3A_442 = tpu.memref_slice %arg2[%dma_wait3A_440, %dma_wait3A_441] : memref<20480x128xf32, #tpu.memory_space<hbm>> -> memref<20480x128xf32, #tpu.memory_space<hbm>>
    tpu.wait_indirect_dma semaphore(%arg32 : memref<!tpu.dma_semaphore, #tpu.memory_space<semaphore_mem>>) src(%dma_wait3A_442 : memref<20480x128xf32, #tpu.memory_space<hbm>>) dst(%arg22 : memref<32x128xf32, #tpu.memory_space<vmem>>)
    %dma_wait3A_443 = arith.constant 2 : i32
    %dma_wait3A_444 = arith.constant 0 : i32
    %dma_wait3A_445 = tpu.memref_slice %arg17[%dma_wait3A_443, %dma_wait3A_444] : memref<4x32xi32, #tpu.memory_space<vmem>> -> memref<1x32xi32, #tpu.memory_space<vmem>>
    %dma_wait3A_446 = tpu.memref_squeeze %dma_wait3A_445 : memref<1x32xi32, #tpu.memory_space<vmem>> -> memref<32xi32, #tpu.memory_space<vmem>>
    %dma_wait3A_447 = arith.constant 0 : i32
    %dma_wait3A_448 = arith.constant 0 : i32
    %dma_wait3A_449 = tpu.memref_slice %arg2[%dma_wait3A_447, %dma_wait3A_448] : memref<20480x128xf32, #tpu.memory_space<hbm>> -> memref<20480x128xf32, #tpu.memory_space<hbm>>
    tpu.wait_indirect_dma semaphore(%arg32 : memref<!tpu.dma_semaphore, #tpu.memory_space<semaphore_mem>>) src(%dma_wait3A_449 : memref<20480x128xf32, #tpu.memory_space<hbm>>) dst(%arg23 : memref<32x128xf32, #tpu.memory_space<vmem>>)
    %dma_wait3A_450 = arith.constant 0 : i32
    %dma_wait3A_451 = tpu.memref_slice %arg3[%add3A_421, %dma_wait3A_450] : memref<327680x128xf32, #tpu.memory_space<hbm>> -> memref<32x128xf32, #tpu.memory_space<hbm>>
    %dma_wait3A_452 = arith.constant 0 : i32
    %dma_wait3A_453 = tpu.memref_slice %arg3[%add3A_421, %dma_wait3A_452] : memref<327680x128xf32, #tpu.memory_space<hbm>> -> memref<32x128xf32, #tpu.memory_space<hbm>>
    tpu.wait_dma2 semaphore(%arg32 : memref<!tpu.dma_semaphore, #tpu.memory_space<semaphore_mem>>) src(%dma_wait3A_453 : memref<32x128xf32, #tpu.memory_space<hbm>>) dst(%arg24 : memref<32x128xf32, #tpu.memory_space<vmem>>)
    %add3A_454 = arith.constant 96 : i32
    %add3A_455 = arith.addi %mul3A_15, %add3A_454 : i32
    %dma_start3A_456 = arith.constant 0 : i32
    %dma_start3A_457 = arith.constant 0 : i32
    %dma_start3A_458 = tpu.memref_slice %arg17[%dma_start3A_456, %dma_start3A_457] : memref<4x32xi32, #tpu.memory_space<vmem>> -> memref<1x32xi32, #tpu.memory_space<vmem>>
    %dma_start3A_459 = tpu.memref_squeeze %dma_start3A_458 : memref<1x32xi32, #tpu.memory_space<vmem>> -> memref<32xi32, #tpu.memory_space<vmem>>
    %dma_start3A_460 = tpu.memref_slice %arg4[%add3A_455] : memref<327680xi32, #tpu.memory_space<hbm>> -> memref<32xi32, #tpu.memory_space<hbm>>
    %dma_start3A_461 = arith.constant 0 : i32
    %dma_start3A_462 = tpu.memref_slice %arg17[%dma_start3A_456, %dma_start3A_461] : memref<4x32xi32, #tpu.memory_space<vmem>> -> memref<1x32xi32, #tpu.memory_space<vmem>>
    %dma_start3A_463 = tpu.memref_squeeze %dma_start3A_462 : memref<1x32xi32, #tpu.memory_space<vmem>> -> memref<32xi32, #tpu.memory_space<vmem>>
    %dma_start3A_464 = tpu.memref_slice %arg4[%add3A_455] : memref<327680xi32, #tpu.memory_space<hbm>> -> memref<32xi32, #tpu.memory_space<hbm>>
    tpu.enqueue_dma source(%dma_start3A_464 : memref<32xi32, #tpu.memory_space<hbm>>) target(%dma_start3A_463 : memref<32xi32, #tpu.memory_space<vmem>>) target_semaphore(%arg30 : memref<!tpu.dma_semaphore, #tpu.memory_space<semaphore_mem>>)
    %dma_start3A_465 = arith.constant 1 : i32
    %dma_start3A_466 = arith.constant 0 : i32
    %dma_start3A_467 = tpu.memref_slice %arg17[%dma_start3A_465, %dma_start3A_466] : memref<4x32xi32, #tpu.memory_space<vmem>> -> memref<1x32xi32, #tpu.memory_space<vmem>>
    %dma_start3A_468 = tpu.memref_squeeze %dma_start3A_467 : memref<1x32xi32, #tpu.memory_space<vmem>> -> memref<32xi32, #tpu.memory_space<vmem>>
    %dma_start3A_469 = tpu.memref_slice %arg5[%add3A_455] : memref<327680xi32, #tpu.memory_space<hbm>> -> memref<32xi32, #tpu.memory_space<hbm>>
    %dma_start3A_470 = arith.constant 0 : i32
    %dma_start3A_471 = tpu.memref_slice %arg17[%dma_start3A_465, %dma_start3A_470] : memref<4x32xi32, #tpu.memory_space<vmem>> -> memref<1x32xi32, #tpu.memory_space<vmem>>
    %dma_start3A_472 = tpu.memref_squeeze %dma_start3A_471 : memref<1x32xi32, #tpu.memory_space<vmem>> -> memref<32xi32, #tpu.memory_space<vmem>>
    %dma_start3A_473 = tpu.memref_slice %arg5[%add3A_455] : memref<327680xi32, #tpu.memory_space<hbm>> -> memref<32xi32, #tpu.memory_space<hbm>>
    tpu.enqueue_dma source(%dma_start3A_473 : memref<32xi32, #tpu.memory_space<hbm>>) target(%dma_start3A_472 : memref<32xi32, #tpu.memory_space<vmem>>) target_semaphore(%arg30 : memref<!tpu.dma_semaphore, #tpu.memory_space<semaphore_mem>>)
    %dma_start3A_474 = arith.constant 2 : i32
    %dma_start3A_475 = arith.constant 0 : i32
    %dma_start3A_476 = tpu.memref_slice %arg17[%dma_start3A_474, %dma_start3A_475] : memref<4x32xi32, #tpu.memory_space<vmem>> -> memref<1x32xi32, #tpu.memory_space<vmem>>
    %dma_start3A_477 = tpu.memref_squeeze %dma_start3A_476 : memref<1x32xi32, #tpu.memory_space<vmem>> -> memref<32xi32, #tpu.memory_space<vmem>>
    %dma_start3A_478 = tpu.memref_slice %arg6[%add3A_455] : memref<327680xi32, #tpu.memory_space<hbm>> -> memref<32xi32, #tpu.memory_space<hbm>>
    %dma_start3A_479 = arith.constant 0 : i32
    %dma_start3A_480 = tpu.memref_slice %arg17[%dma_start3A_474, %dma_start3A_479] : memref<4x32xi32, #tpu.memory_space<vmem>> -> memref<1x32xi32, #tpu.memory_space<vmem>>
    %dma_start3A_481 = tpu.memref_squeeze %dma_start3A_480 : memref<1x32xi32, #tpu.memory_space<vmem>> -> memref<32xi32, #tpu.memory_space<vmem>>
    %dma_start3A_482 = tpu.memref_slice %arg6[%add3A_455] : memref<327680xi32, #tpu.memory_space<hbm>> -> memref<32xi32, #tpu.memory_space<hbm>>
    tpu.enqueue_dma source(%dma_start3A_482 : memref<32xi32, #tpu.memory_space<hbm>>) target(%dma_start3A_481 : memref<32xi32, #tpu.memory_space<vmem>>) target_semaphore(%arg30 : memref<!tpu.dma_semaphore, #tpu.memory_space<semaphore_mem>>)
    %dma_start3A_483 = arith.constant 3 : i32
    %dma_start3A_484 = arith.constant 0 : i32
    %dma_start3A_485 = tpu.memref_slice %arg17[%dma_start3A_483, %dma_start3A_484] : memref<4x32xi32, #tpu.memory_space<vmem>> -> memref<1x32xi32, #tpu.memory_space<vmem>>
    %dma_start3A_486 = tpu.memref_squeeze %dma_start3A_485 : memref<1x32xi32, #tpu.memory_space<vmem>> -> memref<32xi32, #tpu.memory_space<vmem>>
    %dma_start3A_487 = tpu.memref_slice %arg7[%add3A_455] : memref<327680xi32, #tpu.memory_space<hbm>> -> memref<32xi32, #tpu.memory_space<hbm>>
    %dma_start3A_488 = arith.constant 0 : i32
    %dma_start3A_489 = tpu.memref_slice %arg17[%dma_start3A_483, %dma_start3A_488] : memref<4x32xi32, #tpu.memory_space<vmem>> -> memref<1x32xi32, #tpu.memory_space<vmem>>
    %dma_start3A_490 = tpu.memref_squeeze %dma_start3A_489 : memref<1x32xi32, #tpu.memory_space<vmem>> -> memref<32xi32, #tpu.memory_space<vmem>>
    %dma_start3A_491 = tpu.memref_slice %arg7[%add3A_455] : memref<327680xi32, #tpu.memory_space<hbm>> -> memref<32xi32, #tpu.memory_space<hbm>>
    tpu.enqueue_dma source(%dma_start3A_491 : memref<32xi32, #tpu.memory_space<hbm>>) target(%dma_start3A_490 : memref<32xi32, #tpu.memory_space<vmem>>) target_semaphore(%arg30 : memref<!tpu.dma_semaphore, #tpu.memory_space<semaphore_mem>>)
    %scan3A_492 = arith.constant 0 : i32
    %scan3A_493 = arith.constant 0 : i32
    %scan3A_494 = arith.constant 32 : i32
    %scan3A_495 = arith.addi %scan3A_493, %scan3A_494 : i32
    %scan3A_496 = arith.constant 1 : i32
    scf.for %scan3A_726 = %scan3A_493 to %scan3A_495 step %scan3A_496  : i32 {
      %get3A = arith.index_cast %scan3A_726 : i32 to index
      %get3A_727 = arith.constant 0 : index
      %get3A_728 = tpu.vector_load %arg20[%get3A, %get3A_727] {strides = array<i32>} : memref<32x128xf32, #tpu.memory_space<vmem>>, vector<1x16xf32>,
      %get3A_729 = vector.shape_cast %get3A_728 : vector<1x16xf32> to vector<16xf32>
      %get3A_730 = arith.index_cast %scan3A_726 : i32 to index
      %get3A_731 = arith.constant 0 : index
      %get3A_732 = tpu.vector_load %arg21[%get3A_730, %get3A_731] {strides = array<i32>} : memref<32x128xf32, #tpu.memory_space<vmem>>, vector<1x16xf32>,
      %get3A_733 = vector.shape_cast %get3A_732 : vector<1x16xf32> to vector<16xf32>
      %get3A_734 = arith.index_cast %scan3A_726 : i32 to index
      %get3A_735 = arith.constant 0 : index
      %get3A_736 = tpu.vector_load %arg22[%get3A_734, %get3A_735] {strides = array<i32>} : memref<32x128xf32, #tpu.memory_space<vmem>>, vector<1x16xf32>,
      %get3A_737 = vector.shape_cast %get3A_736 : vector<1x16xf32> to vector<16xf32>
      %get3A_738 = arith.index_cast %scan3A_726 : i32 to index
      %get3A_739 = arith.constant 0 : index
      %get3A_740 = tpu.vector_load %arg23[%get3A_738, %get3A_739] {strides = array<i32>} : memref<32x128xf32, #tpu.memory_space<vmem>>, vector<1x16xf32>,
      %get3A_741 = vector.shape_cast %get3A_740 : vector<1x16xf32> to vector<16xf32>
      %get3A_742 = arith.index_cast %scan3A_726 : i32 to index
      %get3A_743 = arith.constant 0 : index
      %get3A_744 = tpu.vector_load %arg24[%get3A_742, %get3A_743] {strides = array<i32>} : memref<32x128xf32, #tpu.memory_space<vmem>>, vector<1x16xf32>,
      %get3A_745 = vector.shape_cast %get3A_744 : vector<1x16xf32> to vector<16xf32>
      %add3A_746 = arith.addf %get3A_729, %get3A_733 : vector<16xf32>
      %add3A_747 = arith.addf %add3A_746, %get3A_745 : vector<16xf32>
      %add3A_748 = arith.addf %get3A_741, %get3A_737 : vector<16xf32>
      %add3A_749 = arith.addf %add3A_748, %get3A_745 : vector<16xf32>
      %mul3A_750 = arith.constant 0.00999999977 : f32
      %mul3A_751 = vector.broadcast %mul3A_750 : f32 to vector<16xf32>
      %mul3A_752 = arith.mulf %mul3A_751, %add3A_747 : vector<16xf32>
      %max3A = arith.maximumf %add3A_747, %mul3A_752 : vector<16xf32>
      %swap3A = arith.index_cast %scan3A_726 : i32 to index
      %swap3A_753 = arith.constant 0 : index
      %swap3A_754 = tpu.vector_load %arg20[%swap3A, %swap3A_753] {strides = array<i32>} : memref<32x128xf32, #tpu.memory_space<vmem>>, vector<1x16xf32>,
      %swap3A_755 = vector.shape_cast %swap3A_754 : vector<1x16xf32> to vector<16xf32>
      %swap3A_756 = vector.shape_cast %max3A : vector<16xf32> to vector<1x16xf32>
      tpu.vector_store %arg20[%swap3A, %swap3A_753], %swap3A_756 {strides = array<i32>} : memref<32x128xf32, #tpu.memory_space<vmem>>, vector<1x16xf32>,
      %mul3A_757 = arith.constant 0.00999999977 : f32
      %mul3A_758 = vector.broadcast %mul3A_757 : f32 to vector<16xf32>
      %mul3A_759 = arith.mulf %mul3A_758, %add3A_749 : vector<16xf32>
      %max3A_760 = arith.maximumf %add3A_749, %mul3A_759 : vector<16xf32>
      %swap3A_761 = arith.index_cast %scan3A_726 : i32 to index
      %swap3A_762 = arith.constant 0 : index
      %swap3A_763 = tpu.vector_load %arg23[%swap3A_761, %swap3A_762] {strides = array<i32>} : memref<32x128xf32, #tpu.memory_space<vmem>>, vector<1x16xf32>,
      %swap3A_764 = vector.shape_cast %swap3A_763 : vector<1x16xf32> to vector<16xf32>
      %swap3A_765 = vector.shape_cast %max3A_760 : vector<16xf32> to vector<1x16xf32>
      tpu.vector_store %arg23[%swap3A_761, %swap3A_762], %swap3A_765 {strides = array<i32>} : memref<32x128xf32, #tpu.memory_space<vmem>>, vector<1x16xf32>,
      %get3A_766 = arith.index_cast %scan3A_726 : i32 to index
      %get3A_767 = arith.constant 16 : index
      %get3A_768 = tpu.vector_load %arg20[%get3A_766, %get3A_767] {strides = array<i32>} : memref<32x128xf32, #tpu.memory_space<vmem>>, vector<1x16xf32>,
      %get3A_769 = vector.shape_cast %get3A_768 : vector<1x16xf32> to vector<16xf32>
      %get3A_770 = arith.index_cast %scan3A_726 : i32 to index
      %get3A_771 = arith.constant 16 : index
      %get3A_772 = tpu.vector_load %arg21[%get3A_770, %get3A_771] {strides = array<i32>} : memref<32x128xf32, #tpu.memory_space<vmem>>, vector<1x16xf32>,
      %get3A_773 = vector.shape_cast %get3A_772 : vector<1x16xf32> to vector<16xf32>
      %get3A_774 = arith.index_cast %scan3A_726 : i32 to index
      %get3A_775 = arith.constant 16 : index
      %get3A_776 = tpu.vector_load %arg22[%get3A_774, %get3A_775] {strides = array<i32>} : memref<32x128xf32, #tpu.memory_space<vmem>>, vector<1x16xf32>,
      %get3A_777 = vector.shape_cast %get3A_776 : vector<1x16xf32> to vector<16xf32>
      %get3A_778 = arith.index_cast %scan3A_726 : i32 to index
      %get3A_779 = arith.constant 16 : index
      %get3A_780 = tpu.vector_load %arg23[%get3A_778, %get3A_779] {strides = array<i32>} : memref<32x128xf32, #tpu.memory_space<vmem>>, vector<1x16xf32>,
      %get3A_781 = vector.shape_cast %get3A_780 : vector<1x16xf32> to vector<16xf32>
      %get3A_782 = arith.index_cast %scan3A_726 : i32 to index
      %get3A_783 = arith.constant 16 : index
      %get3A_784 = tpu.vector_load %arg24[%get3A_782, %get3A_783] {strides = array<i32>} : memref<32x128xf32, #tpu.memory_space<vmem>>, vector<1x16xf32>,
      %get3A_785 = vector.shape_cast %get3A_784 : vector<1x16xf32> to vector<16xf32>
      %add3A_786 = arith.addf %get3A_769, %get3A_773 : vector<16xf32>
      %add3A_787 = arith.addf %add3A_786, %get3A_785 : vector<16xf32>
      %add3A_788 = arith.addf %get3A_781, %get3A_777 : vector<16xf32>
      %add3A_789 = arith.addf %add3A_788, %get3A_785 : vector<16xf32>
      %mul3A_790 = arith.constant 0.00999999977 : f32
      %mul3A_791 = vector.broadcast %mul3A_790 : f32 to vector<16xf32>
      %mul3A_792 = arith.mulf %mul3A_791, %add3A_787 : vector<16xf32>
      %max3A_793 = arith.maximumf %add3A_787, %mul3A_792 : vector<16xf32>
      %swap3A_794 = arith.index_cast %scan3A_726 : i32 to index
      %swap3A_795 = arith.constant 16 : index
      %swap3A_796 = tpu.vector_load %arg20[%swap3A_794, %swap3A_795] {strides = array<i32>} : memref<32x128xf32, #tpu.memory_space<vmem>>, vector<1x16xf32>,
      %swap3A_797 = vector.shape_cast %swap3A_796 : vector<1x16xf32> to vector<16xf32>
      %swap3A_798 = vector.shape_cast %max3A_793 : vector<16xf32> to vector<1x16xf32>
      tpu.vector_store %arg20[%swap3A_794, %swap3A_795], %swap3A_798 {strides = array<i32>} : memref<32x128xf32, #tpu.memory_space<vmem>>, vector<1x16xf32>,
      %mul3A_799 = arith.constant 0.00999999977 : f32
      %mul3A_800 = vector.broadcast %mul3A_799 : f32 to vector<16xf32>
      %mul3A_801 = arith.mulf %mul3A_800, %add3A_789 : vector<16xf32>
      %max3A_802 = arith.maximumf %add3A_789, %mul3A_801 : vector<16xf32>
      %swap3A_803 = arith.index_cast %scan3A_726 : i32 to index
      %swap3A_804 = arith.constant 16 : index
      %swap3A_805 = tpu.vector_load %arg23[%swap3A_803, %swap3A_804] {strides = array<i32>} : memref<32x128xf32, #tpu.memory_space<vmem>>, vector<1x16xf32>,
      %swap3A_806 = vector.shape_cast %swap3A_805 : vector<1x16xf32> to vector<16xf32>
      %swap3A_807 = vector.shape_cast %max3A_802 : vector<16xf32> to vector<1x16xf32>
      tpu.vector_store %arg23[%swap3A_803, %swap3A_804], %swap3A_807 {strides = array<i32>} : memref<32x128xf32, #tpu.memory_space<vmem>>, vector<1x16xf32>,
      %get3A_808 = arith.index_cast %scan3A_726 : i32 to index
      %get3A_809 = arith.constant 32 : index
      %get3A_810 = tpu.vector_load %arg20[%get3A_808, %get3A_809] {strides = array<i32>} : memref<32x128xf32, #tpu.memory_space<vmem>>, vector<1x16xf32>,
      %get3A_811 = vector.shape_cast %get3A_810 : vector<1x16xf32> to vector<16xf32>
      %get3A_812 = arith.index_cast %scan3A_726 : i32 to index
      %get3A_813 = arith.constant 32 : index
      %get3A_814 = tpu.vector_load %arg21[%get3A_812, %get3A_813] {strides = array<i32>} : memref<32x128xf32, #tpu.memory_space<vmem>>, vector<1x16xf32>,
      %get3A_815 = vector.shape_cast %get3A_814 : vector<1x16xf32> to vector<16xf32>
      %get3A_816 = arith.index_cast %scan3A_726 : i32 to index
      %get3A_817 = arith.constant 32 : index
      %get3A_818 = tpu.vector_load %arg22[%get3A_816, %get3A_817] {strides = array<i32>} : memref<32x128xf32, #tpu.memory_space<vmem>>, vector<1x16xf32>,
      %get3A_819 = vector.shape_cast %get3A_818 : vector<1x16xf32> to vector<16xf32>
      %get3A_820 = arith.index_cast %scan3A_726 : i32 to index
      %get3A_821 = arith.constant 32 : index
      %get3A_822 = tpu.vector_load %arg23[%get3A_820, %get3A_821] {strides = array<i32>} : memref<32x128xf32, #tpu.memory_space<vmem>>, vector<1x16xf32>,
      %get3A_823 = vector.shape_cast %get3A_822 : vector<1x16xf32> to vector<16xf32>
      %get3A_824 = arith.index_cast %scan3A_726 : i32 to index
      %get3A_825 = arith.constant 32 : index
      %get3A_826 = tpu.vector_load %arg24[%get3A_824, %get3A_825] {strides = array<i32>} : memref<32x128xf32, #tpu.memory_space<vmem>>, vector<1x16xf32>,
      %get3A_827 = vector.shape_cast %get3A_826 : vector<1x16xf32> to vector<16xf32>
      %add3A_828 = arith.addf %get3A_811, %get3A_815 : vector<16xf32>
      %add3A_829 = arith.addf %add3A_828, %get3A_827 : vector<16xf32>
      %add3A_830 = arith.addf %get3A_823, %get3A_819 : vector<16xf32>
      %add3A_831 = arith.addf %add3A_830, %get3A_827 : vector<16xf32>
      %mul3A_832 = arith.constant 0.00999999977 : f32
      %mul3A_833 = vector.broadcast %mul3A_832 : f32 to vector<16xf32>
      %mul3A_834 = arith.mulf %mul3A_833, %add3A_829 : vector<16xf32>
      %max3A_835 = arith.maximumf %add3A_829, %mul3A_834 : vector<16xf32>
      %swap3A_836 = arith.index_cast %scan3A_726 : i32 to index
      %swap3A_837 = arith.constant 32 : index
      %swap3A_838 = tpu.vector_load %arg20[%swap3A_836, %swap3A_837] {strides = array<i32>} : memref<32x128xf32, #tpu.memory_space<vmem>>, vector<1x16xf32>,
      %swap3A_839 = vector.shape_cast %swap3A_838 : vector<1x16xf32> to vector<16xf32>
      %swap3A_840 = vector.shape_cast %max3A_835 : vector<16xf32> to vector<1x16xf32>
      tpu.vector_store %arg20[%swap3A_836, %swap3A_837], %swap3A_840 {strides = array<i32>} : memref<32x128xf32, #tpu.memory_space<vmem>>, vector<1x16xf32>,
      %mul3A_841 = arith.constant 0.00999999977 : f32
      %mul3A_842 = vector.broadcast %mul3A_841 : f32 to vector<16xf32>
      %mul3A_843 = arith.mulf %mul3A_842, %add3A_831 : vector<16xf32>
      %max3A_844 = arith.maximumf %add3A_831, %mul3A_843 : vector<16xf32>
      %swap3A_845 = arith.index_cast %scan3A_726 : i32 to index
      %swap3A_846 = arith.constant 32 : index
      %swap3A_847 = tpu.vector_load %arg23[%swap3A_845, %swap3A_846] {strides = array<i32>} : memref<32x128xf32, #tpu.memory_space<vmem>>, vector<1x16xf32>,
      %swap3A_848 = vector.shape_cast %swap3A_847 : vector<1x16xf32> to vector<16xf32>
      %swap3A_849 = vector.shape_cast %max3A_844 : vector<16xf32> to vector<1x16xf32>
      tpu.vector_store %arg23[%swap3A_845, %swap3A_846], %swap3A_849 {strides = array<i32>} : memref<32x128xf32, #tpu.memory_space<vmem>>, vector<1x16xf32>,
      %get3A_850 = arith.index_cast %scan3A_726 : i32 to index
      %get3A_851 = arith.constant 48 : index
      %get3A_852 = tpu.vector_load %arg20[%get3A_850, %get3A_851] {strides = array<i32>} : memref<32x128xf32, #tpu.memory_space<vmem>>, vector<1x16xf32>,
      %get3A_853 = vector.shape_cast %get3A_852 : vector<1x16xf32> to vector<16xf32>
      %get3A_854 = arith.index_cast %scan3A_726 : i32 to index
      %get3A_855 = arith.constant 48 : index
      %get3A_856 = tpu.vector_load %arg21[%get3A_854, %get3A_855] {strides = array<i32>} : memref<32x128xf32, #tpu.memory_space<vmem>>, vector<1x16xf32>,
      %get3A_857 = vector.shape_cast %get3A_856 : vector<1x16xf32> to vector<16xf32>
      %get3A_858 = arith.index_cast %scan3A_726 : i32 to index
      %get3A_859 = arith.constant 48 : index
      %get3A_860 = tpu.vector_load %arg22[%get3A_858, %get3A_859] {strides = array<i32>} : memref<32x128xf32, #tpu.memory_space<vmem>>, vector<1x16xf32>,
      %get3A_861 = vector.shape_cast %get3A_860 : vector<1x16xf32> to vector<16xf32>
      %get3A_862 = arith.index_cast %scan3A_726 : i32 to index
      %get3A_863 = arith.constant 48 : index
      %get3A_864 = tpu.vector_load %arg23[%get3A_862, %get3A_863] {strides = array<i32>} : memref<32x128xf32, #tpu.memory_space<vmem>>, vector<1x16xf32>,
      %get3A_865 = vector.shape_cast %get3A_864 : vector<1x16xf32> to vector<16xf32>
      %get3A_866 = arith.index_cast %scan3A_726 : i32 to index
      %get3A_867 = arith.constant 48 : index
      %get3A_868 = tpu.vector_load %arg24[%get3A_866, %get3A_867] {strides = array<i32>} : memref<32x128xf32, #tpu.memory_space<vmem>>, vector<1x16xf32>,
      %get3A_869 = vector.shape_cast %get3A_868 : vector<1x16xf32> to vector<16xf32>
      %add3A_870 = arith.addf %get3A_853, %get3A_857 : vector<16xf32>
      %add3A_871 = arith.addf %add3A_870, %get3A_869 : vector<16xf32>
      %add3A_872 = arith.addf %get3A_865, %get3A_861 : vector<16xf32>
      %add3A_873 = arith.addf %add3A_872, %get3A_869 : vector<16xf32>
      %mul3A_874 = arith.constant 0.00999999977 : f32
      %mul3A_875 = vector.broadcast %mul3A_874 : f32 to vector<16xf32>
      %mul3A_876 = arith.mulf %mul3A_875, %add3A_871 : vector<16xf32>
      %max3A_877 = arith.maximumf %add3A_871, %mul3A_876 : vector<16xf32>
      %swap3A_878 = arith.index_cast %scan3A_726 : i32 to index
      %swap3A_879 = arith.constant 48 : index
      %swap3A_880 = tpu.vector_load %arg20[%swap3A_878, %swap3A_879] {strides = array<i32>} : memref<32x128xf32, #tpu.memory_space<vmem>>, vector<1x16xf32>,
      %swap3A_881 = vector.shape_cast %swap3A_880 : vector<1x16xf32> to vector<16xf32>
      %swap3A_882 = vector.shape_cast %max3A_877 : vector<16xf32> to vector<1x16xf32>
      tpu.vector_store %arg20[%swap3A_878, %swap3A_879], %swap3A_882 {strides = array<i32>} : memref<32x128xf32, #tpu.memory_space<vmem>>, vector<1x16xf32>,
      %mul3A_883 = arith.constant 0.00999999977 : f32
      %mul3A_884 = vector.broadcast %mul3A_883 : f32 to vector<16xf32>
      %mul3A_885 = arith.mulf %mul3A_884, %add3A_873 : vector<16xf32>
      %max3A_886 = arith.maximumf %add3A_873, %mul3A_885 : vector<16xf32>
      %swap3A_887 = arith.index_cast %scan3A_726 : i32 to index
      %swap3A_888 = arith.constant 48 : index
      %swap3A_889 = tpu.vector_load %arg23[%swap3A_887, %swap3A_888] {strides = array<i32>} : memref<32x128xf32, #tpu.memory_space<vmem>>, vector<1x16xf32>,
      %swap3A_890 = vector.shape_cast %swap3A_889 : vector<1x16xf32> to vector<16xf32>
      %swap3A_891 = vector.shape_cast %max3A_886 : vector<16xf32> to vector<1x16xf32>
      tpu.vector_store %arg23[%swap3A_887, %swap3A_888], %swap3A_891 {strides = array<i32>} : memref<32x128xf32, #tpu.memory_space<vmem>>, vector<1x16xf32>,
      %get3A_892 = arith.index_cast %scan3A_726 : i32 to index
      %get3A_893 = arith.constant 64 : index
      %get3A_894 = tpu.vector_load %arg20[%get3A_892, %get3A_893] {strides = array<i32>} : memref<32x128xf32, #tpu.memory_space<vmem>>, vector<1x16xf32>,
      %get3A_895 = vector.shape_cast %get3A_894 : vector<1x16xf32> to vector<16xf32>
      %get3A_896 = arith.index_cast %scan3A_726 : i32 to index
      %get3A_897 = arith.constant 64 : index
      %get3A_898 = tpu.vector_load %arg21[%get3A_896, %get3A_897] {strides = array<i32>} : memref<32x128xf32, #tpu.memory_space<vmem>>, vector<1x16xf32>,
      %get3A_899 = vector.shape_cast %get3A_898 : vector<1x16xf32> to vector<16xf32>
      %get3A_900 = arith.index_cast %scan3A_726 : i32 to index
      %get3A_901 = arith.constant 64 : index
      %get3A_902 = tpu.vector_load %arg22[%get3A_900, %get3A_901] {strides = array<i32>} : memref<32x128xf32, #tpu.memory_space<vmem>>, vector<1x16xf32>,
      %get3A_903 = vector.shape_cast %get3A_902 : vector<1x16xf32> to vector<16xf32>
      %get3A_904 = arith.index_cast %scan3A_726 : i32 to index
      %get3A_905 = arith.constant 64 : index
      %get3A_906 = tpu.vector_load %arg23[%get3A_904, %get3A_905] {strides = array<i32>} : memref<32x128xf32, #tpu.memory_space<vmem>>, vector<1x16xf32>,
      %get3A_907 = vector.shape_cast %get3A_906 : vector<1x16xf32> to vector<16xf32>
      %get3A_908 = arith.index_cast %scan3A_726 : i32 to index
      %get3A_909 = arith.constant 64 : index
      %get3A_910 = tpu.vector_load %arg24[%get3A_908, %get3A_909] {strides = array<i32>} : memref<32x128xf32, #tpu.memory_space<vmem>>, vector<1x16xf32>,
      %get3A_911 = vector.shape_cast %get3A_910 : vector<1x16xf32> to vector<16xf32>
      %add3A_912 = arith.addf %get3A_895, %get3A_899 : vector<16xf32>
      %add3A_913 = arith.addf %add3A_912, %get3A_911 : vector<16xf32>
      %add3A_914 = arith.addf %get3A_907, %get3A_903 : vector<16xf32>
      %add3A_915 = arith.addf %add3A_914, %get3A_911 : vector<16xf32>
      %mul3A_916 = arith.constant 0.00999999977 : f32
      %mul3A_917 = vector.broadcast %mul3A_916 : f32 to vector<16xf32>
      %mul3A_918 = arith.mulf %mul3A_917, %add3A_913 : vector<16xf32>
      %max3A_919 = arith.maximumf %add3A_913, %mul3A_918 : vector<16xf32>
      %swap3A_920 = arith.index_cast %scan3A_726 : i32 to index
      %swap3A_921 = arith.constant 64 : index
      %swap3A_922 = tpu.vector_load %arg20[%swap3A_920, %swap3A_921] {strides = array<i32>} : memref<32x128xf32, #tpu.memory_space<vmem>>, vector<1x16xf32>,
      %swap3A_923 = vector.shape_cast %swap3A_922 : vector<1x16xf32> to vector<16xf32>
      %swap3A_924 = vector.shape_cast %max3A_919 : vector<16xf32> to vector<1x16xf32>
      tpu.vector_store %arg20[%swap3A_920, %swap3A_921], %swap3A_924 {strides = array<i32>} : memref<32x128xf32, #tpu.memory_space<vmem>>, vector<1x16xf32>,
      %mul3A_925 = arith.constant 0.00999999977 : f32
      %mul3A_926 = vector.broadcast %mul3A_925 : f32 to vector<16xf32>
      %mul3A_927 = arith.mulf %mul3A_926, %add3A_915 : vector<16xf32>
      %max3A_928 = arith.maximumf %add3A_915, %mul3A_927 : vector<16xf32>
      %swap3A_929 = arith.index_cast %scan3A_726 : i32 to index
      %swap3A_930 = arith.constant 64 : index
      %swap3A_931 = tpu.vector_load %arg23[%swap3A_929, %swap3A_930] {strides = array<i32>} : memref<32x128xf32, #tpu.memory_space<vmem>>, vector<1x16xf32>,
      %swap3A_932 = vector.shape_cast %swap3A_931 : vector<1x16xf32> to vector<16xf32>
      %swap3A_933 = vector.shape_cast %max3A_928 : vector<16xf32> to vector<1x16xf32>
      tpu.vector_store %arg23[%swap3A_929, %swap3A_930], %swap3A_933 {strides = array<i32>} : memref<32x128xf32, #tpu.memory_space<vmem>>, vector<1x16xf32>,
      %get3A_934 = arith.index_cast %scan3A_726 : i32 to index
      %get3A_935 = arith.constant 80 : index
      %get3A_936 = tpu.vector_load %arg20[%get3A_934, %get3A_935] {strides = array<i32>} : memref<32x128xf32, #tpu.memory_space<vmem>>, vector<1x16xf32>,
      %get3A_937 = vector.shape_cast %get3A_936 : vector<1x16xf32> to vector<16xf32>
      %get3A_938 = arith.index_cast %scan3A_726 : i32 to index
      %get3A_939 = arith.constant 80 : index
      %get3A_940 = tpu.vector_load %arg21[%get3A_938, %get3A_939] {strides = array<i32>} : memref<32x128xf32, #tpu.memory_space<vmem>>, vector<1x16xf32>,
      %get3A_941 = vector.shape_cast %get3A_940 : vector<1x16xf32> to vector<16xf32>
      %get3A_942 = arith.index_cast %scan3A_726 : i32 to index
      %get3A_943 = arith.constant 80 : index
      %get3A_944 = tpu.vector_load %arg22[%get3A_942, %get3A_943] {strides = array<i32>} : memref<32x128xf32, #tpu.memory_space<vmem>>, vector<1x16xf32>,
      %get3A_945 = vector.shape_cast %get3A_944 : vector<1x16xf32> to vector<16xf32>
      %get3A_946 = arith.index_cast %scan3A_726 : i32 to index
      %get3A_947 = arith.constant 80 : index
      %get3A_948 = tpu.vector_load %arg23[%get3A_946, %get3A_947] {strides = array<i32>} : memref<32x128xf32, #tpu.memory_space<vmem>>, vector<1x16xf32>,
      %get3A_949 = vector.shape_cast %get3A_948 : vector<1x16xf32> to vector<16xf32>
      %get3A_950 = arith.index_cast %scan3A_726 : i32 to index
      %get3A_951 = arith.constant 80 : index
      %get3A_952 = tpu.vector_load %arg24[%get3A_950, %get3A_951] {strides = array<i32>} : memref<32x128xf32, #tpu.memory_space<vmem>>, vector<1x16xf32>,
      %get3A_953 = vector.shape_cast %get3A_952 : vector<1x16xf32> to vector<16xf32>
      %add3A_954 = arith.addf %get3A_937, %get3A_941 : vector<16xf32>
      %add3A_955 = arith.addf %add3A_954, %get3A_953 : vector<16xf32>
      %add3A_956 = arith.addf %get3A_949, %get3A_945 : vector<16xf32>
      %add3A_957 = arith.addf %add3A_956, %get3A_953 : vector<16xf32>
      %mul3A_958 = arith.constant 0.00999999977 : f32
      %mul3A_959 = vector.broadcast %mul3A_958 : f32 to vector<16xf32>
      %mul3A_960 = arith.mulf %mul3A_959, %add3A_955 : vector<16xf32>
      %max3A_961 = arith.maximumf %add3A_955, %mul3A_960 : vector<16xf32>
      %swap3A_962 = arith.index_cast %scan3A_726 : i32 to index
      %swap3A_963 = arith.constant 80 : index
      %swap3A_964 = tpu.vector_load %arg20[%swap3A_962, %swap3A_963] {strides = array<i32>} : memref<32x128xf32, #tpu.memory_space<vmem>>, vector<1x16xf32>,
      %swap3A_965 = vector.shape_cast %swap3A_964 : vector<1x16xf32> to vector<16xf32>
      %swap3A_966 = vector.shape_cast %max3A_961 : vector<16xf32> to vector<1x16xf32>
      tpu.vector_store %arg20[%swap3A_962, %swap3A_963], %swap3A_966 {strides = array<i32>} : memref<32x128xf32, #tpu.memory_space<vmem>>, vector<1x16xf32>,
      %mul3A_967 = arith.constant 0.00999999977 : f32
      %mul3A_968 = vector.broadcast %mul3A_967 : f32 to vector<16xf32>
      %mul3A_969 = arith.mulf %mul3A_968, %add3A_957 : vector<16xf32>
      %max3A_970 = arith.maximumf %add3A_957, %mul3A_969 : vector<16xf32>
      %swap3A_971 = arith.index_cast %scan3A_726 : i32 to index
      %swap3A_972 = arith.constant 80 : index
      %swap3A_973 = tpu.vector_load %arg23[%swap3A_971, %swap3A_972] {strides = array<i32>} : memref<32x128xf32, #tpu.memory_space<vmem>>, vector<1x16xf32>,
      %swap3A_974 = vector.shape_cast %swap3A_973 : vector<1x16xf32> to vector<16xf32>
      %swap3A_975 = vector.shape_cast %max3A_970 : vector<16xf32> to vector<1x16xf32>
      tpu.vector_store %arg23[%swap3A_971, %swap3A_972], %swap3A_975 {strides = array<i32>} : memref<32x128xf32, #tpu.memory_space<vmem>>, vector<1x16xf32>,
      %get3A_976 = arith.index_cast %scan3A_726 : i32 to index
      %get3A_977 = arith.constant 96 : index
      %get3A_978 = tpu.vector_load %arg20[%get3A_976, %get3A_977] {strides = array<i32>} : memref<32x128xf32, #tpu.memory_space<vmem>>, vector<1x16xf32>,
      %get3A_979 = vector.shape_cast %get3A_978 : vector<1x16xf32> to vector<16xf32>
      %get3A_980 = arith.index_cast %scan3A_726 : i32 to index
      %get3A_981 = arith.constant 96 : index
      %get3A_982 = tpu.vector_load %arg21[%get3A_980, %get3A_981] {strides = array<i32>} : memref<32x128xf32, #tpu.memory_space<vmem>>, vector<1x16xf32>,
      %get3A_983 = vector.shape_cast %get3A_982 : vector<1x16xf32> to vector<16xf32>
      %get3A_984 = arith.index_cast %scan3A_726 : i32 to index
      %get3A_985 = arith.constant 96 : index
      %get3A_986 = tpu.vector_load %arg22[%get3A_984, %get3A_985] {strides = array<i32>} : memref<32x128xf32, #tpu.memory_space<vmem>>, vector<1x16xf32>,
      %get3A_987 = vector.shape_cast %get3A_986 : vector<1x16xf32> to vector<16xf32>
      %get3A_988 = arith.index_cast %scan3A_726 : i32 to index
      %get3A_989 = arith.constant 96 : index
      %get3A_990 = tpu.vector_load %arg23[%get3A_988, %get3A_989] {strides = array<i32>} : memref<32x128xf32, #tpu.memory_space<vmem>>, vector<1x16xf32>,
      %get3A_991 = vector.shape_cast %get3A_990 : vector<1x16xf32> to vector<16xf32>
      %get3A_992 = arith.index_cast %scan3A_726 : i32 to index
      %get3A_993 = arith.constant 96 : index
      %get3A_994 = tpu.vector_load %arg24[%get3A_992, %get3A_993] {strides = array<i32>} : memref<32x128xf32, #tpu.memory_space<vmem>>, vector<1x16xf32>,
      %get3A_995 = vector.shape_cast %get3A_994 : vector<1x16xf32> to vector<16xf32>
      %add3A_996 = arith.addf %get3A_979, %get3A_983 : vector<16xf32>
      %add3A_997 = arith.addf %add3A_996, %get3A_995 : vector<16xf32>
      %add3A_998 = arith.addf %get3A_991, %get3A_987 : vector<16xf32>
      %add3A_999 = arith.addf %add3A_998, %get3A_995 : vector<16xf32>
      %mul3A_1000 = arith.constant 0.00999999977 : f32
      %mul3A_1001 = vector.broadcast %mul3A_1000 : f32 to vector<16xf32>
      %mul3A_1002 = arith.mulf %mul3A_1001, %add3A_997 : vector<16xf32>
      %max3A_1003 = arith.maximumf %add3A_997, %mul3A_1002 : vector<16xf32>
      %swap3A_1004 = arith.index_cast %scan3A_726 : i32 to index
      %swap3A_1005 = arith.constant 96 : index
      %swap3A_1006 = tpu.vector_load %arg20[%swap3A_1004, %swap3A_1005] {strides = array<i32>} : memref<32x128xf32, #tpu.memory_space<vmem>>, vector<1x16xf32>,
      %swap3A_1007 = vector.shape_cast %swap3A_1006 : vector<1x16xf32> to vector<16xf32>
      %swap3A_1008 = vector.shape_cast %max3A_1003 : vector<16xf32> to vector<1x16xf32>
      tpu.vector_store %arg20[%swap3A_1004, %swap3A_1005], %swap3A_1008 {strides = array<i32>} : memref<32x128xf32, #tpu.memory_space<vmem>>, vector<1x16xf32>,
      %mul3A_1009 = arith.constant 0.00999999977 : f32
      %mul3A_1010 = vector.broadcast %mul3A_1009 : f32 to vector<16xf32>
      %mul3A_1011 = arith.mulf %mul3A_1010, %add3A_999 : vector<16xf32>
      %max3A_1012 = arith.maximumf %add3A_999, %mul3A_1011 : vector<16xf32>
      %swap3A_1013 = arith.index_cast %scan3A_726 : i32 to index
      %swap3A_1014 = arith.constant 96 : index
      %swap3A_1015 = tpu.vector_load %arg23[%swap3A_1013, %swap3A_1014] {strides = array<i32>} : memref<32x128xf32, #tpu.memory_space<vmem>>, vector<1x16xf32>,
      %swap3A_1016 = vector.shape_cast %swap3A_1015 : vector<1x16xf32> to vector<16xf32>
      %swap3A_1017 = vector.shape_cast %max3A_1012 : vector<16xf32> to vector<1x16xf32>
      tpu.vector_store %arg23[%swap3A_1013, %swap3A_1014], %swap3A_1017 {strides = array<i32>} : memref<32x128xf32, #tpu.memory_space<vmem>>, vector<1x16xf32>,
      %get3A_1018 = arith.index_cast %scan3A_726 : i32 to index
      %get3A_1019 = arith.constant 112 : index
      %get3A_1020 = tpu.vector_load %arg20[%get3A_1018, %get3A_1019] {strides = array<i32>} : memref<32x128xf32, #tpu.memory_space<vmem>>, vector<1x16xf32>,
      %get3A_1021 = vector.shape_cast %get3A_1020 : vector<1x16xf32> to vector<16xf32>
      %get3A_1022 = arith.index_cast %scan3A_726 : i32 to index
      %get3A_1023 = arith.constant 112 : index
      %get3A_1024 = tpu.vector_load %arg21[%get3A_1022, %get3A_1023] {strides = array<i32>} : memref<32x128xf32, #tpu.memory_space<vmem>>, vector<1x16xf32>,
      %get3A_1025 = vector.shape_cast %get3A_1024 : vector<1x16xf32> to vector<16xf32>
      %get3A_1026 = arith.index_cast %scan3A_726 : i32 to index
      %get3A_1027 = arith.constant 112 : index
      %get3A_1028 = tpu.vector_load %arg22[%get3A_1026, %get3A_1027] {strides = array<i32>} : memref<32x128xf32, #tpu.memory_space<vmem>>, vector<1x16xf32>,
      %get3A_1029 = vector.shape_cast %get3A_1028 : vector<1x16xf32> to vector<16xf32>
      %get3A_1030 = arith.index_cast %scan3A_726 : i32 to index
      %get3A_1031 = arith.constant 112 : index
      %get3A_1032 = tpu.vector_load %arg23[%get3A_1030, %get3A_1031] {strides = array<i32>} : memref<32x128xf32, #tpu.memory_space<vmem>>, vector<1x16xf32>,
      %get3A_1033 = vector.shape_cast %get3A_1032 : vector<1x16xf32> to vector<16xf32>
      %get3A_1034 = arith.index_cast %scan3A_726 : i32 to index
      %get3A_1035 = arith.constant 112 : index
      %get3A_1036 = tpu.vector_load %arg24[%get3A_1034, %get3A_1035] {strides = array<i32>} : memref<32x128xf32, #tpu.memory_space<vmem>>, vector<1x16xf32>,
      %get3A_1037 = vector.shape_cast %get3A_1036 : vector<1x16xf32> to vector<16xf32>
      %add3A_1038 = arith.addf %get3A_1021, %get3A_1025 : vector<16xf32>
      %add3A_1039 = arith.addf %add3A_1038, %get3A_1037 : vector<16xf32>
      %add3A_1040 = arith.addf %get3A_1033, %get3A_1029 : vector<16xf32>
      %add3A_1041 = arith.addf %add3A_1040, %get3A_1037 : vector<16xf32>
      %mul3A_1042 = arith.constant 0.00999999977 : f32
      %mul3A_1043 = vector.broadcast %mul3A_1042 : f32 to vector<16xf32>
      %mul3A_1044 = arith.mulf %mul3A_1043, %add3A_1039 : vector<16xf32>
      %max3A_1045 = arith.maximumf %add3A_1039, %mul3A_1044 : vector<16xf32>
      %swap3A_1046 = arith.index_cast %scan3A_726 : i32 to index
      %swap3A_1047 = arith.constant 112 : index
      %swap3A_1048 = tpu.vector_load %arg20[%swap3A_1046, %swap3A_1047] {strides = array<i32>} : memref<32x128xf32, #tpu.memory_space<vmem>>, vector<1x16xf32>,
      %swap3A_1049 = vector.shape_cast %swap3A_1048 : vector<1x16xf32> to vector<16xf32>
      %swap3A_1050 = vector.shape_cast %max3A_1045 : vector<16xf32> to vector<1x16xf32>
      tpu.vector_store %arg20[%swap3A_1046, %swap3A_1047], %swap3A_1050 {strides = array<i32>} : memref<32x128xf32, #tpu.memory_space<vmem>>, vector<1x16xf32>,
      %mul3A_1051 = arith.constant 0.00999999977 : f32
      %mul3A_1052 = vector.broadcast %mul3A_1051 : f32 to vector<16xf32>
      %mul3A_1053 = arith.mulf %mul3A_1052, %add3A_1041 : vector<16xf32>
      %max3A_1054 = arith.maximumf %add3A_1041, %mul3A_1053 : vector<16xf32>
      %swap3A_1055 = arith.index_cast %scan3A_726 : i32 to index
      %swap3A_1056 = arith.constant 112 : index
      %swap3A_1057 = tpu.vector_load %arg23[%swap3A_1055, %swap3A_1056] {strides = array<i32>} : memref<32x128xf32, #tpu.memory_space<vmem>>, vector<1x16xf32>,
      %swap3A_1058 = vector.shape_cast %swap3A_1057 : vector<1x16xf32> to vector<16xf32>
      %swap3A_1059 = vector.shape_cast %max3A_1054 : vector<16xf32> to vector<1x16xf32>
      tpu.vector_store %arg23[%swap3A_1055, %swap3A_1056], %swap3A_1059 {strides = array<i32>} : memref<32x128xf32, #tpu.memory_space<vmem>>, vector<1x16xf32>,
    }
    %scan3A_497 = arith.constant 32 : i32
    %add3A_498 = arith.constant 32 : i32
    %add3A_499 = arith.addi %mul3A_15, %add3A_498 : i32
    %dma_wait3A_500 = tpu.memref_slice %arg4[%add3A_499] : memref<327680xi32, #tpu.memory_space<hbm>> -> memref<32xi32, #tpu.memory_space<hbm>>
    %dma_wait3A_501 = tpu.memref_slice %arg4[%add3A_499] : memref<327680xi32, #tpu.memory_space<hbm>> -> memref<32xi32, #tpu.memory_space<hbm>>
    tpu.wait_dma2 semaphore(%arg31 : memref<!tpu.dma_semaphore, #tpu.memory_space<semaphore_mem>>) src(%dma_wait3A_501 : memref<32xi32, #tpu.memory_space<hbm>>) dst(%arg18 : memref<32xi32, #tpu.memory_space<vmem>>)
    %dma_wait3A_502 = tpu.memref_slice %arg5[%add3A_499] : memref<327680xi32, #tpu.memory_space<hbm>> -> memref<32xi32, #tpu.memory_space<hbm>>
    %dma_wait3A_503 = tpu.memref_slice %arg5[%add3A_499] : memref<327680xi32, #tpu.memory_space<hbm>> -> memref<32xi32, #tpu.memory_space<hbm>>
    tpu.wait_dma2 semaphore(%arg31 : memref<!tpu.dma_semaphore, #tpu.memory_space<semaphore_mem>>) src(%dma_wait3A_503 : memref<32xi32, #tpu.memory_space<hbm>>) dst(%arg19 : memref<32xi32, #tpu.memory_space<vmem>>)
    %dma_start3A_504 = arith.constant 0 : i32
    %dma_start3A_505 = arith.constant 0 : i32
    %dma_start3A_506 = tpu.memref_slice %arg25[%dma_start3A_504, %dma_start3A_505] : memref<10240x128xf32, #tpu.memory_space<vmem_shared>> -> memref<10240x128xf32, #tpu.memory_space<vmem_shared>>
    tpu.enqueue_indirect_dma source(%arg20 : memref<32x128xf32, #tpu.memory_space<vmem>>) target(%dma_start3A_506 : memref<10240x128xf32, #tpu.memory_space<vmem_shared>>) offsets(%arg19 : memref<32xi32, #tpu.memory_space<vmem>>) semaphore(%arg33 : memref<!tpu.dma_semaphore, #tpu.memory_space<semaphore_mem>>) {add = true}
    %dma_start3A_507 = arith.constant 0 : i32
    %dma_start3A_508 = arith.constant 0 : i32
    %dma_start3A_509 = tpu.memref_slice %arg25[%dma_start3A_507, %dma_start3A_508] : memref<10240x128xf32, #tpu.memory_space<vmem_shared>> -> memref<10240x128xf32, #tpu.memory_space<vmem_shared>>
    tpu.enqueue_indirect_dma source(%arg23 : memref<32x128xf32, #tpu.memory_space<vmem>>) target(%dma_start3A_509 : memref<10240x128xf32, #tpu.memory_space<vmem_shared>>) offsets(%arg18 : memref<32xi32, #tpu.memory_space<vmem>>) semaphore(%arg33 : memref<!tpu.dma_semaphore, #tpu.memory_space<semaphore_mem>>) {add = true}
    %scan3A_510 = arith.constant 0 : i32
    %scan3A_511 = arith.constant 1 : i32
    %scan3A_512 = arith.constant 158 : i32
    %scan3A_513 = arith.addi %scan3A_511, %scan3A_512 : i32
    %scan3A_514 = arith.constant 1 : i32
    scf.for %scan3A_726 = %scan3A_511 to %scan3A_513 step %scan3A_514  : i32 {
      %mul3A_727 = arith.constant 2 : i32
      %mul3A_728 = arith.muli %mul3A_727, %scan3A_726 : i32
      %add3A_729 = arith.constant 1 : i32
      %add3A_730 = arith.addi %mul3A_728, %add3A_729 : i32
      %mul3A_731 = arith.constant 32 : i32
      %mul3A_732 = arith.muli %add3A_730, %mul3A_731 : i32
      %add3A_733 = arith.addi %mul3A_15, %mul3A_732 : i32
      %dma_wait3A_734 = arith.constant 0 : i32
      %dma_wait3A_735 = arith.constant 0 : i32
      %dma_wait3A_736 = tpu.memref_slice %arg17[%dma_wait3A_734, %dma_wait3A_735] : memref<4x32xi32, #tpu.memory_space<vmem>> -> memref<1x32xi32, #tpu.memory_space<vmem>>
      %dma_wait3A_737 = tpu.memref_squeeze %dma_wait3A_736 : memref<1x32xi32, #tpu.memory_space<vmem>> -> memref<32xi32, #tpu.memory_space<vmem>>
      %dma_wait3A_738 = tpu.memref_slice %arg4[%add3A_733] : memref<327680xi32, #tpu.memory_space<hbm>> -> memref<32xi32, #tpu.memory_space<hbm>>
      %dma_wait3A_739 = arith.constant 0 : i32
      %dma_wait3A_740 = tpu.memref_slice %arg17[%dma_wait3A_734, %dma_wait3A_739] : memref<4x32xi32, #tpu.memory_space<vmem>> -> memref<1x32xi32, #tpu.memory_space<vmem>>
      %dma_wait3A_741 = tpu.memref_squeeze %dma_wait3A_740 : memref<1x32xi32, #tpu.memory_space<vmem>> -> memref<32xi32, #tpu.memory_space<vmem>>
      %dma_wait3A_742 = tpu.memref_slice %arg4[%add3A_733] : memref<327680xi32, #tpu.memory_space<hbm>> -> memref<32xi32, #tpu.memory_space<hbm>>
      tpu.wait_dma2 semaphore(%arg30 : memref<!tpu.dma_semaphore, #tpu.memory_space<semaphore_mem>>) src(%dma_wait3A_742 : memref<32xi32, #tpu.memory_space<hbm>>) dst(%dma_wait3A_741 : memref<32xi32, #tpu.memory_space<vmem>>)
      %dma_wait3A_743 = arith.constant 1 : i32
      %dma_wait3A_744 = arith.constant 0 : i32
      %dma_wait3A_745 = tpu.memref_slice %arg17[%dma_wait3A_743, %dma_wait3A_744] : memref<4x32xi32, #tpu.memory_space<vmem>> -> memref<1x32xi32, #tpu.memory_space<vmem>>
      %dma_wait3A_746 = tpu.memref_squeeze %dma_wait3A_745 : memref<1x32xi32, #tpu.memory_space<vmem>> -> memref<32xi32, #tpu.memory_space<vmem>>
      %dma_wait3A_747 = tpu.memref_slice %arg5[%add3A_733] : memref<327680xi32, #tpu.memory_space<hbm>> -> memref<32xi32, #tpu.memory_space<hbm>>
      %dma_wait3A_748 = arith.constant 0 : i32
      %dma_wait3A_749 = tpu.memref_slice %arg17[%dma_wait3A_743, %dma_wait3A_748] : memref<4x32xi32, #tpu.memory_space<vmem>> -> memref<1x32xi32, #tpu.memory_space<vmem>>
      %dma_wait3A_750 = tpu.memref_squeeze %dma_wait3A_749 : memref<1x32xi32, #tpu.memory_space<vmem>> -> memref<32xi32, #tpu.memory_space<vmem>>
      %dma_wait3A_751 = tpu.memref_slice %arg5[%add3A_733] : memref<327680xi32, #tpu.memory_space<hbm>> -> memref<32xi32, #tpu.memory_space<hbm>>
      tpu.wait_dma2 semaphore(%arg30 : memref<!tpu.dma_semaphore, #tpu.memory_space<semaphore_mem>>) src(%dma_wait3A_751 : memref<32xi32, #tpu.memory_space<hbm>>) dst(%dma_wait3A_750 : memref<32xi32, #tpu.memory_space<vmem>>)
      %dma_wait3A_752 = arith.constant 2 : i32
      %dma_wait3A_753 = arith.constant 0 : i32
      %dma_wait3A_754 = tpu.memref_slice %arg17[%dma_wait3A_752, %dma_wait3A_753] : memref<4x32xi32, #tpu.memory_space<vmem>> -> memref<1x32xi32, #tpu.memory_space<vmem>>
      %dma_wait3A_755 = tpu.memref_squeeze %dma_wait3A_754 : memref<1x32xi32, #tpu.memory_space<vmem>> -> memref<32xi32, #tpu.memory_space<vmem>>
      %dma_wait3A_756 = tpu.memref_slice %arg6[%add3A_733] : memref<327680xi32, #tpu.memory_space<hbm>> -> memref<32xi32, #tpu.memory_space<hbm>>
      %dma_wait3A_757 = arith.constant 0 : i32
      %dma_wait3A_758 = tpu.memref_slice %arg17[%dma_wait3A_752, %dma_wait3A_757] : memref<4x32xi32, #tpu.memory_space<vmem>> -> memref<1x32xi32, #tpu.memory_space<vmem>>
      %dma_wait3A_759 = tpu.memref_squeeze %dma_wait3A_758 : memref<1x32xi32, #tpu.memory_space<vmem>> -> memref<32xi32, #tpu.memory_space<vmem>>
      %dma_wait3A_760 = tpu.memref_slice %arg6[%add3A_733] : memref<327680xi32, #tpu.memory_space<hbm>> -> memref<32xi32, #tpu.memory_space<hbm>>
      tpu.wait_dma2 semaphore(%arg30 : memref<!tpu.dma_semaphore, #tpu.memory_space<semaphore_mem>>) src(%dma_wait3A_760 : memref<32xi32, #tpu.memory_space<hbm>>) dst(%dma_wait3A_759 : memref<32xi32, #tpu.memory_space<vmem>>)
      %dma_wait3A_761 = arith.constant 3 : i32
      %dma_wait3A_762 = arith.constant 0 : i32
      %dma_wait3A_763 = tpu.memref_slice %arg17[%dma_wait3A_761, %dma_wait3A_762] : memref<4x32xi32, #tpu.memory_space<vmem>> -> memref<1x32xi32, #tpu.memory_space<vmem>>
      %dma_wait3A_764 = tpu.memref_squeeze %dma_wait3A_763 : memref<1x32xi32, #tpu.memory_space<vmem>> -> memref<32xi32, #tpu.memory_space<vmem>>
      %dma_wait3A_765 = tpu.memref_slice %arg7[%add3A_733] : memref<327680xi32, #tpu.memory_space<hbm>> -> memref<32xi32, #tpu.memory_space<hbm>>
      %dma_wait3A_766 = arith.constant 0 : i32
      %dma_wait3A_767 = tpu.memref_slice %arg17[%dma_wait3A_761, %dma_wait3A_766] : memref<4x32xi32, #tpu.memory_space<vmem>> -> memref<1x32xi32, #tpu.memory_space<vmem>>
      %dma_wait3A_768 = tpu.memref_squeeze %dma_wait3A_767 : memref<1x32xi32, #tpu.memory_space<vmem>> -> memref<32xi32, #tpu.memory_space<vmem>>
      %dma_wait3A_769 = tpu.memref_slice %arg7[%add3A_733] : memref<327680xi32, #tpu.memory_space<hbm>> -> memref<32xi32, #tpu.memory_space<hbm>>
      tpu.wait_dma2 semaphore(%arg30 : memref<!tpu.dma_semaphore, #tpu.memory_space<semaphore_mem>>) src(%dma_wait3A_769 : memref<32xi32, #tpu.memory_space<hbm>>) dst(%dma_wait3A_768 : memref<32xi32, #tpu.memory_space<vmem>>)
      %dma_wait3A_770 = arith.constant 0 : i32
      %dma_wait3A_771 = arith.constant 0 : i32
      %dma_wait3A_772 = tpu.memref_slice %arg25[%dma_wait3A_770, %dma_wait3A_771] : memref<10240x128xf32, #tpu.memory_space<vmem_shared>> -> memref<10240x128xf32, #tpu.memory_space<vmem_shared>>
      tpu.wait_indirect_dma semaphore(%arg33 : memref<!tpu.dma_semaphore, #tpu.memory_space<semaphore_mem>>) src(%arg20 : memref<32x128xf32, #tpu.memory_space<vmem>>) dst(%dma_wait3A_772 : memref<10240x128xf32, #tpu.memory_space<vmem_shared>>)
      %dma_wait3A_773 = arith.constant 0 : i32
      %dma_wait3A_774 = arith.constant 0 : i32
      %dma_wait3A_775 = tpu.memref_slice %arg25[%dma_wait3A_773, %dma_wait3A_774] : memref<10240x128xf32, #tpu.memory_space<vmem_shared>> -> memref<10240x128xf32, #tpu.memory_space<vmem_shared>>
      tpu.wait_indirect_dma semaphore(%arg33 : memref<!tpu.dma_semaphore, #tpu.memory_space<semaphore_mem>>) src(%arg23 : memref<32x128xf32, #tpu.memory_space<vmem>>) dst(%dma_wait3A_775 : memref<10240x128xf32, #tpu.memory_space<vmem_shared>>)
      %add3A_776 = arith.constant 1 : i32
      %add3A_777 = arith.addi %mul3A_728, %add3A_776 : i32
      %mul3A_778 = arith.constant 32 : i32
      %mul3A_779 = arith.muli %add3A_777, %mul3A_778 : i32
      %add3A_780 = arith.addi %mul3A_15, %mul3A_779 : i32
      %dma_start3A_781 = arith.constant 0 : i32
      %dma_start3A_782 = arith.constant 0 : i32
      %dma_start3A_783 = tpu.memref_slice %arg17[%dma_start3A_781, %dma_start3A_782] : memref<4x32xi32, #tpu.memory_space<vmem>> -> memref<1x32xi32, #tpu.memory_space<vmem>>
      %dma_start3A_784 = tpu.memref_squeeze %dma_start3A_783 : memref<1x32xi32, #tpu.memory_space<vmem>> -> memref<32xi32, #tpu.memory_space<vmem>>
      %dma_start3A_785 = arith.constant 0 : i32
      %dma_start3A_786 = arith.constant 0 : i32
      %dma_start3A_787 = tpu.memref_slice %arg2[%dma_start3A_785, %dma_start3A_786] : memref<20480x128xf32, #tpu.memory_space<hbm>> -> memref<20480x128xf32, #tpu.memory_space<hbm>>
      tpu.enqueue_indirect_dma source(%dma_start3A_787 : memref<20480x128xf32, #tpu.memory_space<hbm>>) target(%arg20 : memref<32x128xf32, #tpu.memory_space<vmem>>) offsets(%dma_start3A_784 : memref<32xi32, #tpu.memory_space<vmem>>) semaphore(%arg32 : memref<!tpu.dma_semaphore, #tpu.memory_space<semaphore_mem>>)
      %dma_start3A_788 = arith.constant 3 : i32
      %dma_start3A_789 = arith.constant 0 : i32
      %dma_start3A_790 = tpu.memref_slice %arg17[%dma_start3A_788, %dma_start3A_789] : memref<4x32xi32, #tpu.memory_space<vmem>> -> memref<1x32xi32, #tpu.memory_space<vmem>>
      %dma_start3A_791 = tpu.memref_squeeze %dma_start3A_790 : memref<1x32xi32, #tpu.memory_space<vmem>> -> memref<32xi32, #tpu.memory_space<vmem>>
      %dma_start3A_792 = arith.constant 0 : i32
      %dma_start3A_793 = arith.constant 0 : i32
      %dma_start3A_794 = tpu.memref_slice %arg2[%dma_start3A_792, %dma_start3A_793] : memref<20480x128xf32, #tpu.memory_space<hbm>> -> memref<20480x128xf32, #tpu.memory_space<hbm>>
      tpu.enqueue_indirect_dma source(%dma_start3A_794 : memref<20480x128xf32, #tpu.memory_space<hbm>>) target(%arg21 : memref<32x128xf32, #tpu.memory_space<vmem>>) offsets(%dma_start3A_791 : memref<32xi32, #tpu.memory_space<vmem>>) semaphore(%arg32 : memref<!tpu.dma_semaphore, #tpu.memory_space<semaphore_mem>>)
      %dma_start3A_795 = arith.constant 1 : i32
      %dma_start3A_796 = arith.constant 0 : i32
      %dma_start3A_797 = tpu.memref_slice %arg17[%dma_start3A_795, %dma_start3A_796] : memref<4x32xi32, #tpu.memory_space<vmem>> -> memref<1x32xi32, #tpu.memory_space<vmem>>
      %dma_start3A_798 = tpu.memref_squeeze %dma_start3A_797 : memref<1x32xi32, #tpu.memory_space<vmem>> -> memref<32xi32, #tpu.memory_space<vmem>>
      %dma_start3A_799 = arith.constant 0 : i32
      %dma_start3A_800 = arith.constant 0 : i32
      %dma_start3A_801 = tpu.memref_slice %arg2[%dma_start3A_799, %dma_start3A_800] : memref<20480x128xf32, #tpu.memory_space<hbm>> -> memref<20480x128xf32, #tpu.memory_space<hbm>>
      tpu.enqueue_indirect_dma source(%dma_start3A_801 : memref<20480x128xf32, #tpu.memory_space<hbm>>) target(%arg22 : memref<32x128xf32, #tpu.memory_space<vmem>>) offsets(%dma_start3A_798 : memref<32xi32, #tpu.memory_space<vmem>>) semaphore(%arg32 : memref<!tpu.dma_semaphore, #tpu.memory_space<semaphore_mem>>)
      %dma_start3A_802 = arith.constant 2 : i32
      %dma_start3A_803 = arith.constant 0 : i32
      %dma_start3A_804 = tpu.memref_slice %arg17[%dma_start3A_802, %dma_start3A_803] : memref<4x32xi32, #tpu.memory_space<vmem>> -> memref<1x32xi32, #tpu.memory_space<vmem>>
      %dma_start3A_805 = tpu.memref_squeeze %dma_start3A_804 : memref<1x32xi32, #tpu.memory_space<vmem>> -> memref<32xi32, #tpu.memory_space<vmem>>
      %dma_start3A_806 = arith.constant 0 : i32
      %dma_start3A_807 = arith.constant 0 : i32
      %dma_start3A_808 = tpu.memref_slice %arg2[%dma_start3A_806, %dma_start3A_807] : memref<20480x128xf32, #tpu.memory_space<hbm>> -> memref<20480x128xf32, #tpu.memory_space<hbm>>
      tpu.enqueue_indirect_dma source(%dma_start3A_808 : memref<20480x128xf32, #tpu.memory_space<hbm>>) target(%arg23 : memref<32x128xf32, #tpu.memory_space<vmem>>) offsets(%dma_start3A_805 : memref<32xi32, #tpu.memory_space<vmem>>) semaphore(%arg32 : memref<!tpu.dma_semaphore, #tpu.memory_space<semaphore_mem>>)
      %dma_start3A_809 = arith.constant 0 : i32
      %dma_start3A_810 = tpu.memref_slice %arg3[%add3A_780, %dma_start3A_809] : memref<327680x128xf32, #tpu.memory_space<hbm>> -> memref<32x128xf32, #tpu.memory_space<hbm>>
      %dma_start3A_811 = arith.constant 0 : i32
      %dma_start3A_812 = tpu.memref_slice %arg3[%add3A_780, %dma_start3A_811] : memref<327680x128xf32, #tpu.memory_space<hbm>> -> memref<32x128xf32, #tpu.memory_space<hbm>>
      tpu.enqueue_dma source(%dma_start3A_812 : memref<32x128xf32, #tpu.memory_space<hbm>>) target(%arg24 : memref<32x128xf32, #tpu.memory_space<vmem>>) target_semaphore(%arg32 : memref<!tpu.dma_semaphore, #tpu.memory_space<semaphore_mem>>)
      %add3A_813 = arith.constant 1 : i32
      %add3A_814 = arith.addi %mul3A_728, %add3A_813 : i32
      %mul3A_815 = arith.constant 32 : i32
      %mul3A_816 = arith.muli %add3A_814, %mul3A_815 : i32
      %add3A_817 = arith.addi %mul3A_15, %mul3A_816 : i32
      %dma_start3A_818 = tpu.memref_slice %arg4[%add3A_817] : memref<327680xi32, #tpu.memory_space<hbm>> -> memref<32xi32, #tpu.memory_space<hbm>>
      %dma_start3A_819 = tpu.memref_slice %arg4[%add3A_817] : memref<327680xi32, #tpu.memory_space<hbm>> -> memref<32xi32, #tpu.memory_space<hbm>>
      tpu.enqueue_dma source(%dma_start3A_819 : memref<32xi32, #tpu.memory_space<hbm>>) target(%arg18 : memref<32xi32, #tpu.memory_space<vmem>>) target_semaphore(%arg31 : memref<!tpu.dma_semaphore, #tpu.memory_space<semaphore_mem>>)
      %dma_start3A_820 = tpu.memref_slice %arg5[%add3A_817] : memref<327680xi32, #tpu.memory_space<hbm>> -> memref<32xi32, #tpu.memory_space<hbm>>
      %dma_start3A_821 = tpu.memref_slice %arg5[%add3A_817] : memref<327680xi32, #tpu.memory_space<hbm>> -> memref<32xi32, #tpu.memory_space<hbm>>
      tpu.enqueue_dma source(%dma_start3A_821 : memref<32xi32, #tpu.memory_space<hbm>>) target(%arg19 : memref<32xi32, #tpu.memory_space<vmem>>) target_semaphore(%arg31 : memref<!tpu.dma_semaphore, #tpu.memory_space<semaphore_mem>>)
      %mul3A_822 = arith.constant 32 : i32
      %mul3A_823 = arith.muli %mul3A_728, %mul3A_822 : i32
      %add3A_824 = arith.addi %mul3A_15, %mul3A_823 : i32
      %dma_wait3A_825 = arith.constant 0 : i32
      %dma_wait3A_826 = arith.constant 0 : i32
      %dma_wait3A_827 = tpu.memref_slice %arg9[%dma_wait3A_825, %dma_wait3A_826] : memref<4x32xi32, #tpu.memory_space<vmem>> -> memref<1x32xi32, #tpu.memory_space<vmem>>
      %dma_wait3A_828 = tpu.memref_squeeze %dma_wait3A_827 : memref<1x32xi32, #tpu.memory_space<vmem>> -> memref<32xi32, #tpu.memory_space<vmem>>
      %dma_wait3A_829 = arith.constant 0 : i32
      %dma_wait3A_830 = arith.constant 0 : i32
      %dma_wait3A_831 = tpu.memref_slice %arg2[%dma_wait3A_829, %dma_wait3A_830] : memref<20480x128xf32, #tpu.memory_space<hbm>> -> memref<20480x128xf32, #tpu.memory_space<hbm>>
      tpu.wait_indirect_dma semaphore(%arg28 : memref<!tpu.dma_semaphore, #tpu.memory_space<semaphore_mem>>) src(%dma_wait3A_831 : memref<20480x128xf32, #tpu.memory_space<hbm>>) dst(%arg12 : memref<32x128xf32, #tpu.memory_space<vmem>>)
      %dma_wait3A_832 = arith.constant 3 : i32
      %dma_wait3A_833 = arith.constant 0 : i32
      %dma_wait3A_834 = tpu.memref_slice %arg9[%dma_wait3A_832, %dma_wait3A_833] : memref<4x32xi32, #tpu.memory_space<vmem>> -> memref<1x32xi32, #tpu.memory_space<vmem>>
      %dma_wait3A_835 = tpu.memref_squeeze %dma_wait3A_834 : memref<1x32xi32, #tpu.memory_space<vmem>> -> memref<32xi32, #tpu.memory_space<vmem>>
      %dma_wait3A_836 = arith.constant 0 : i32
      %dma_wait3A_837 = arith.constant 0 : i32
      %dma_wait3A_838 = tpu.memref_slice %arg2[%dma_wait3A_836, %dma_wait3A_837] : memref<20480x128xf32, #tpu.memory_space<hbm>> -> memref<20480x128xf32, #tpu.memory_space<hbm>>
      tpu.wait_indirect_dma semaphore(%arg28 : memref<!tpu.dma_semaphore, #tpu.memory_space<semaphore_mem>>) src(%dma_wait3A_838 : memref<20480x128xf32, #tpu.memory_space<hbm>>) dst(%arg13 : memref<32x128xf32, #tpu.memory_space<vmem>>)
      %dma_wait3A_839 = arith.constant 1 : i32
      %dma_wait3A_840 = arith.constant 0 : i32
      %dma_wait3A_841 = tpu.memref_slice %arg9[%dma_wait3A_839, %dma_wait3A_840] : memref<4x32xi32, #tpu.memory_space<vmem>> -> memref<1x32xi32, #tpu.memory_space<vmem>>
      %dma_wait3A_842 = tpu.memref_squeeze %dma_wait3A_841 : memref<1x32xi32, #tpu.memory_space<vmem>> -> memref<32xi32, #tpu.memory_space<vmem>>
      %dma_wait3A_843 = arith.constant 0 : i32
      %dma_wait3A_844 = arith.constant 0 : i32
      %dma_wait3A_845 = tpu.memref_slice %arg2[%dma_wait3A_843, %dma_wait3A_844] : memref<20480x128xf32, #tpu.memory_space<hbm>> -> memref<20480x128xf32, #tpu.memory_space<hbm>>
      tpu.wait_indirect_dma semaphore(%arg28 : memref<!tpu.dma_semaphore, #tpu.memory_space<semaphore_mem>>) src(%dma_wait3A_845 : memref<20480x128xf32, #tpu.memory_space<hbm>>) dst(%arg14 : memref<32x128xf32, #tpu.memory_space<vmem>>)
      %dma_wait3A_846 = arith.constant 2 : i32
      %dma_wait3A_847 = arith.constant 0 : i32
      %dma_wait3A_848 = tpu.memref_slice %arg9[%dma_wait3A_846, %dma_wait3A_847] : memref<4x32xi32, #tpu.memory_space<vmem>> -> memref<1x32xi32, #tpu.memory_space<vmem>>
      %dma_wait3A_849 = tpu.memref_squeeze %dma_wait3A_848 : memref<1x32xi32, #tpu.memory_space<vmem>> -> memref<32xi32, #tpu.memory_space<vmem>>
      %dma_wait3A_850 = arith.constant 0 : i32
      %dma_wait3A_851 = arith.constant 0 : i32
      %dma_wait3A_852 = tpu.memref_slice %arg2[%dma_wait3A_850, %dma_wait3A_851] : memref<20480x128xf32, #tpu.memory_space<hbm>> -> memref<20480x128xf32, #tpu.memory_space<hbm>>
      tpu.wait_indirect_dma semaphore(%arg28 : memref<!tpu.dma_semaphore, #tpu.memory_space<semaphore_mem>>) src(%dma_wait3A_852 : memref<20480x128xf32, #tpu.memory_space<hbm>>) dst(%arg15 : memref<32x128xf32, #tpu.memory_space<vmem>>)
      %dma_wait3A_853 = arith.constant 0 : i32
      %dma_wait3A_854 = tpu.memref_slice %arg3[%add3A_824, %dma_wait3A_853] : memref<327680x128xf32, #tpu.memory_space<hbm>> -> memref<32x128xf32, #tpu.memory_space<hbm>>
      %dma_wait3A_855 = arith.constant 0 : i32
      %dma_wait3A_856 = tpu.memref_slice %arg3[%add3A_824, %dma_wait3A_855] : memref<327680x128xf32, #tpu.memory_space<hbm>> -> memref<32x128xf32, #tpu.memory_space<hbm>>
      tpu.wait_dma2 semaphore(%arg28 : memref<!tpu.dma_semaphore, #tpu.memory_space<semaphore_mem>>) src(%dma_wait3A_856 : memref<32x128xf32, #tpu.memory_space<hbm>>) dst(%arg16 : memref<32x128xf32, #tpu.memory_space<vmem>>)
      %add3A_857 = arith.constant 2 : i32
      %add3A_858 = arith.addi %mul3A_728, %add3A_857 : i32
      %le3A = arith.constant 319 : i32
      %le3A_859 = arith.cmpi sle, %add3A_858, %le3A : i32
      %convert_element_type3A = arith.extui %le3A_859 : i1 to i32
      %cond3A = arith.constant 0 : i32
      %cond3A_860 = arith.cmpi ne, %convert_element_type3A, %cond3A : i32
      scf.if %cond3A_860 {
        %add3A_1036 = arith.constant 2 : i32
        %add3A_1037 = arith.addi %mul3A_728, %add3A_1036 : i32
        %mul3A_1038 = arith.constant 32 : i32
        %mul3A_1039 = arith.muli %add3A_1037, %mul3A_1038 : i32
        %add3A_1040 = arith.addi %mul3A_15, %mul3A_1039 : i32
        %dma_start3A_1041 = arith.constant 0 : i32
        %dma_start3A_1042 = arith.constant 0 : i32
        %dma_start3A_1043 = tpu.memref_slice %arg9[%dma_start3A_1041, %dma_start3A_1042] : memref<4x32xi32, #tpu.memory_space<vmem>> -> memref<1x32xi32, #tpu.memory_space<vmem>>
        %dma_start3A_1044 = tpu.memref_squeeze %dma_start3A_1043 : memref<1x32xi32, #tpu.memory_space<vmem>> -> memref<32xi32, #tpu.memory_space<vmem>>
        %dma_start3A_1045 = tpu.memref_slice %arg4[%add3A_1040] : memref<327680xi32, #tpu.memory_space<hbm>> -> memref<32xi32, #tpu.memory_space<hbm>>
        %dma_start3A_1046 = arith.constant 0 : i32
        %dma_start3A_1047 = tpu.memref_slice %arg9[%dma_start3A_1041, %dma_start3A_1046] : memref<4x32xi32, #tpu.memory_space<vmem>> -> memref<1x32xi32, #tpu.memory_space<vmem>>
        %dma_start3A_1048 = tpu.memref_squeeze %dma_start3A_1047 : memref<1x32xi32, #tpu.memory_space<vmem>> -> memref<32xi32, #tpu.memory_space<vmem>>
        %dma_start3A_1049 = tpu.memref_slice %arg4[%add3A_1040] : memref<327680xi32, #tpu.memory_space<hbm>> -> memref<32xi32, #tpu.memory_space<hbm>>
        tpu.enqueue_dma source(%dma_start3A_1049 : memref<32xi32, #tpu.memory_space<hbm>>) target(%dma_start3A_1048 : memref<32xi32, #tpu.memory_space<vmem>>) target_semaphore(%arg26 : memref<!tpu.dma_semaphore, #tpu.memory_space<semaphore_mem>>)
        %dma_start3A_1050 = arith.constant 1 : i32
        %dma_start3A_1051 = arith.constant 0 : i32
        %dma_start3A_1052 = tpu.memref_slice %arg9[%dma_start3A_1050, %dma_start3A_1051] : memref<4x32xi32, #tpu.memory_space<vmem>> -> memref<1x32xi32, #tpu.memory_space<vmem>>
        %dma_start3A_1053 = tpu.memref_squeeze %dma_start3A_1052 : memref<1x32xi32, #tpu.memory_space<vmem>> -> memref<32xi32, #tpu.memory_space<vmem>>
        %dma_start3A_1054 = tpu.memref_slice %arg5[%add3A_1040] : memref<327680xi32, #tpu.memory_space<hbm>> -> memref<32xi32, #tpu.memory_space<hbm>>
        %dma_start3A_1055 = arith.constant 0 : i32
        %dma_start3A_1056 = tpu.memref_slice %arg9[%dma_start3A_1050, %dma_start3A_1055] : memref<4x32xi32, #tpu.memory_space<vmem>> -> memref<1x32xi32, #tpu.memory_space<vmem>>
        %dma_start3A_1057 = tpu.memref_squeeze %dma_start3A_1056 : memref<1x32xi32, #tpu.memory_space<vmem>> -> memref<32xi32, #tpu.memory_space<vmem>>
        %dma_start3A_1058 = tpu.memref_slice %arg5[%add3A_1040] : memref<327680xi32, #tpu.memory_space<hbm>> -> memref<32xi32, #tpu.memory_space<hbm>>
        tpu.enqueue_dma source(%dma_start3A_1058 : memref<32xi32, #tpu.memory_space<hbm>>) target(%dma_start3A_1057 : memref<32xi32, #tpu.memory_space<vmem>>) target_semaphore(%arg26 : memref<!tpu.dma_semaphore, #tpu.memory_space<semaphore_mem>>)
        %dma_start3A_1059 = arith.constant 2 : i32
        %dma_start3A_1060 = arith.constant 0 : i32
        %dma_start3A_1061 = tpu.memref_slice %arg9[%dma_start3A_1059, %dma_start3A_1060] : memref<4x32xi32, #tpu.memory_space<vmem>> -> memref<1x32xi32, #tpu.memory_space<vmem>>
        %dma_start3A_1062 = tpu.memref_squeeze %dma_start3A_1061 : memref<1x32xi32, #tpu.memory_space<vmem>> -> memref<32xi32, #tpu.memory_space<vmem>>
        %dma_start3A_1063 = tpu.memref_slice %arg6[%add3A_1040] : memref<327680xi32, #tpu.memory_space<hbm>> -> memref<32xi32, #tpu.memory_space<hbm>>
        %dma_start3A_1064 = arith.constant 0 : i32
        %dma_start3A_1065 = tpu.memref_slice %arg9[%dma_start3A_1059, %dma_start3A_1064] : memref<4x32xi32, #tpu.memory_space<vmem>> -> memref<1x32xi32, #tpu.memory_space<vmem>>
        %dma_start3A_1066 = tpu.memref_squeeze %dma_start3A_1065 : memref<1x32xi32, #tpu.memory_space<vmem>> -> memref<32xi32, #tpu.memory_space<vmem>>
        %dma_start3A_1067 = tpu.memref_slice %arg6[%add3A_1040] : memref<327680xi32, #tpu.memory_space<hbm>> -> memref<32xi32, #tpu.memory_space<hbm>>
        tpu.enqueue_dma source(%dma_start3A_1067 : memref<32xi32, #tpu.memory_space<hbm>>) target(%dma_start3A_1066 : memref<32xi32, #tpu.memory_space<vmem>>) target_semaphore(%arg26 : memref<!tpu.dma_semaphore, #tpu.memory_space<semaphore_mem>>)
        %dma_start3A_1068 = arith.constant 3 : i32
        %dma_start3A_1069 = arith.constant 0 : i32
        %dma_start3A_1070 = tpu.memref_slice %arg9[%dma_start3A_1068, %dma_start3A_1069] : memref<4x32xi32, #tpu.memory_space<vmem>> -> memref<1x32xi32, #tpu.memory_space<vmem>>
        %dma_start3A_1071 = tpu.memref_squeeze %dma_start3A_1070 : memref<1x32xi32, #tpu.memory_space<vmem>> -> memref<32xi32, #tpu.memory_space<vmem>>
        %dma_start3A_1072 = tpu.memref_slice %arg7[%add3A_1040] : memref<327680xi32, #tpu.memory_space<hbm>> -> memref<32xi32, #tpu.memory_space<hbm>>
        %dma_start3A_1073 = arith.constant 0 : i32
        %dma_start3A_1074 = tpu.memref_slice %arg9[%dma_start3A_1068, %dma_start3A_1073] : memref<4x32xi32, #tpu.memory_space<vmem>> -> memref<1x32xi32, #tpu.memory_space<vmem>>
        %dma_start3A_1075 = tpu.memref_squeeze %dma_start3A_1074 : memref<1x32xi32, #tpu.memory_space<vmem>> -> memref<32xi32, #tpu.memory_space<vmem>>
        %dma_start3A_1076 = tpu.memref_slice %arg7[%add3A_1040] : memref<327680xi32, #tpu.memory_space<hbm>> -> memref<32xi32, #tpu.memory_space<hbm>>
        tpu.enqueue_dma source(%dma_start3A_1076 : memref<32xi32, #tpu.memory_space<hbm>>) target(%dma_start3A_1075 : memref<32xi32, #tpu.memory_space<vmem>>) target_semaphore(%arg26 : memref<!tpu.dma_semaphore, #tpu.memory_space<semaphore_mem>>)
      } else {
      }
      %scan3A_861 = arith.constant 0 : i32
      %scan3A_862 = arith.constant 0 : i32
      %scan3A_863 = arith.constant 32 : i32
      %scan3A_864 = arith.addi %scan3A_862, %scan3A_863 : i32
      %scan3A_865 = arith.constant 1 : i32
      scf.for %scan3A_1036 = %scan3A_862 to %scan3A_864 step %scan3A_865  : i32 {
        %get3A = arith.index_cast %scan3A_1036 : i32 to index
        %get3A_1037 = arith.constant 0 : index
        %get3A_1038 = tpu.vector_load %arg12[%get3A, %get3A_1037] {strides = array<i32>} : memref<32x128xf32, #tpu.memory_space<vmem>>, vector<1x16xf32>,
        %get3A_1039 = vector.shape_cast %get3A_1038 : vector<1x16xf32> to vector<16xf32>
        %get3A_1040 = arith.index_cast %scan3A_1036 : i32 to index
        %get3A_1041 = arith.constant 0 : index
        %get3A_1042 = tpu.vector_load %arg13[%get3A_1040, %get3A_1041] {strides = array<i32>} : memref<32x128xf32, #tpu.memory_space<vmem>>, vector<1x16xf32>,
        %get3A_1043 = vector.shape_cast %get3A_1042 : vector<1x16xf32> to vector<16xf32>
        %get3A_1044 = arith.index_cast %scan3A_1036 : i32 to index
        %get3A_1045 = arith.constant 0 : index
        %get3A_1046 = tpu.vector_load %arg14[%get3A_1044, %get3A_1045] {strides = array<i32>} : memref<32x128xf32, #tpu.memory_space<vmem>>, vector<1x16xf32>,
        %get3A_1047 = vector.shape_cast %get3A_1046 : vector<1x16xf32> to vector<16xf32>
        %get3A_1048 = arith.index_cast %scan3A_1036 : i32 to index
        %get3A_1049 = arith.constant 0 : index
        %get3A_1050 = tpu.vector_load %arg15[%get3A_1048, %get3A_1049] {strides = array<i32>} : memref<32x128xf32, #tpu.memory_space<vmem>>, vector<1x16xf32>,
        %get3A_1051 = vector.shape_cast %get3A_1050 : vector<1x16xf32> to vector<16xf32>
        %get3A_1052 = arith.index_cast %scan3A_1036 : i32 to index
        %get3A_1053 = arith.constant 0 : index
        %get3A_1054 = tpu.vector_load %arg16[%get3A_1052, %get3A_1053] {strides = array<i32>} : memref<32x128xf32, #tpu.memory_space<vmem>>, vector<1x16xf32>,
        %get3A_1055 = vector.shape_cast %get3A_1054 : vector<1x16xf32> to vector<16xf32>
        %add3A_1056 = arith.addf %get3A_1039, %get3A_1043 : vector<16xf32>
        %add3A_1057 = arith.addf %add3A_1056, %get3A_1055 : vector<16xf32>
        %add3A_1058 = arith.addf %get3A_1051, %get3A_1047 : vector<16xf32>
        %add3A_1059 = arith.addf %add3A_1058, %get3A_1055 : vector<16xf32>
        %mul3A_1060 = arith.constant 0.00999999977 : f32
        %mul3A_1061 = vector.broadcast %mul3A_1060 : f32 to vector<16xf32>
        %mul3A_1062 = arith.mulf %mul3A_1061, %add3A_1057 : vector<16xf32>
        %max3A = arith.maximumf %add3A_1057, %mul3A_1062 : vector<16xf32>
        %swap3A = arith.index_cast %scan3A_1036 : i32 to index
        %swap3A_1063 = arith.constant 0 : index
        %swap3A_1064 = tpu.vector_load %arg12[%swap3A, %swap3A_1063] {strides = array<i32>} : memref<32x128xf32, #tpu.memory_space<vmem>>, vector<1x16xf32>,
        %swap3A_1065 = vector.shape_cast %swap3A_1064 : vector<1x16xf32> to vector<16xf32>
        %swap3A_1066 = vector.shape_cast %max3A : vector<16xf32> to vector<1x16xf32>
        tpu.vector_store %arg12[%swap3A, %swap3A_1063], %swap3A_1066 {strides = array<i32>} : memref<32x128xf32, #tpu.memory_space<vmem>>, vector<1x16xf32>,
        %mul3A_1067 = arith.constant 0.00999999977 : f32
        %mul3A_1068 = vector.broadcast %mul3A_1067 : f32 to vector<16xf32>
        %mul3A_1069 = arith.mulf %mul3A_1068, %add3A_1059 : vector<16xf32>
        %max3A_1070 = arith.maximumf %add3A_1059, %mul3A_1069 : vector<16xf32>
        %swap3A_1071 = arith.index_cast %scan3A_1036 : i32 to index
        %swap3A_1072 = arith.constant 0 : index
        %swap3A_1073 = tpu.vector_load %arg15[%swap3A_1071, %swap3A_1072] {strides = array<i32>} : memref<32x128xf32, #tpu.memory_space<vmem>>, vector<1x16xf32>,
        %swap3A_1074 = vector.shape_cast %swap3A_1073 : vector<1x16xf32> to vector<16xf32>
        %swap3A_1075 = vector.shape_cast %max3A_1070 : vector<16xf32> to vector<1x16xf32>
        tpu.vector_store %arg15[%swap3A_1071, %swap3A_1072], %swap3A_1075 {strides = array<i32>} : memref<32x128xf32, #tpu.memory_space<vmem>>, vector<1x16xf32>,
        %get3A_1076 = arith.index_cast %scan3A_1036 : i32 to index
        %get3A_1077 = arith.constant 16 : index
        %get3A_1078 = tpu.vector_load %arg12[%get3A_1076, %get3A_1077] {strides = array<i32>} : memref<32x128xf32, #tpu.memory_space<vmem>>, vector<1x16xf32>,
        %get3A_1079 = vector.shape_cast %get3A_1078 : vector<1x16xf32> to vector<16xf32>
        %get3A_1080 = arith.index_cast %scan3A_1036 : i32 to index
        %get3A_1081 = arith.constant 16 : index
        %get3A_1082 = tpu.vector_load %arg13[%get3A_1080, %get3A_1081] {strides = array<i32>} : memref<32x128xf32, #tpu.memory_space<vmem>>, vector<1x16xf32>,
        %get3A_1083 = vector.shape_cast %get3A_1082 : vector<1x16xf32> to vector<16xf32>
        %get3A_1084 = arith.index_cast %scan3A_1036 : i32 to index
        %get3A_1085 = arith.constant 16 : index
        %get3A_1086 = tpu.vector_load %arg14[%get3A_1084, %get3A_1085] {strides = array<i32>} : memref<32x128xf32, #tpu.memory_space<vmem>>, vector<1x16xf32>,
        %get3A_1087 = vector.shape_cast %get3A_1086 : vector<1x16xf32> to vector<16xf32>
        %get3A_1088 = arith.index_cast %scan3A_1036 : i32 to index
        %get3A_1089 = arith.constant 16 : index
        %get3A_1090 = tpu.vector_load %arg15[%get3A_1088, %get3A_1089] {strides = array<i32>} : memref<32x128xf32, #tpu.memory_space<vmem>>, vector<1x16xf32>,
        %get3A_1091 = vector.shape_cast %get3A_1090 : vector<1x16xf32> to vector<16xf32>
        %get3A_1092 = arith.index_cast %scan3A_1036 : i32 to index
        %get3A_1093 = arith.constant 16 : index
        %get3A_1094 = tpu.vector_load %arg16[%get3A_1092, %get3A_1093] {strides = array<i32>} : memref<32x128xf32, #tpu.memory_space<vmem>>, vector<1x16xf32>,
        %get3A_1095 = vector.shape_cast %get3A_1094 : vector<1x16xf32> to vector<16xf32>
        %add3A_1096 = arith.addf %get3A_1079, %get3A_1083 : vector<16xf32>
        %add3A_1097 = arith.addf %add3A_1096, %get3A_1095 : vector<16xf32>
        %add3A_1098 = arith.addf %get3A_1091, %get3A_1087 : vector<16xf32>
        %add3A_1099 = arith.addf %add3A_1098, %get3A_1095 : vector<16xf32>
        %mul3A_1100 = arith.constant 0.00999999977 : f32
        %mul3A_1101 = vector.broadcast %mul3A_1100 : f32 to vector<16xf32>
        %mul3A_1102 = arith.mulf %mul3A_1101, %add3A_1097 : vector<16xf32>
        %max3A_1103 = arith.maximumf %add3A_1097, %mul3A_1102 : vector<16xf32>
        %swap3A_1104 = arith.index_cast %scan3A_1036 : i32 to index
        %swap3A_1105 = arith.constant 16 : index
        %swap3A_1106 = tpu.vector_load %arg12[%swap3A_1104, %swap3A_1105] {strides = array<i32>} : memref<32x128xf32, #tpu.memory_space<vmem>>, vector<1x16xf32>,
        %swap3A_1107 = vector.shape_cast %swap3A_1106 : vector<1x16xf32> to vector<16xf32>
        %swap3A_1108 = vector.shape_cast %max3A_1103 : vector<16xf32> to vector<1x16xf32>
        tpu.vector_store %arg12[%swap3A_1104, %swap3A_1105], %swap3A_1108 {strides = array<i32>} : memref<32x128xf32, #tpu.memory_space<vmem>>, vector<1x16xf32>,
        %mul3A_1109 = arith.constant 0.00999999977 : f32
        %mul3A_1110 = vector.broadcast %mul3A_1109 : f32 to vector<16xf32>
        %mul3A_1111 = arith.mulf %mul3A_1110, %add3A_1099 : vector<16xf32>
        %max3A_1112 = arith.maximumf %add3A_1099, %mul3A_1111 : vector<16xf32>
        %swap3A_1113 = arith.index_cast %scan3A_1036 : i32 to index
        %swap3A_1114 = arith.constant 16 : index
        %swap3A_1115 = tpu.vector_load %arg15[%swap3A_1113, %swap3A_1114] {strides = array<i32>} : memref<32x128xf32, #tpu.memory_space<vmem>>, vector<1x16xf32>,
        %swap3A_1116 = vector.shape_cast %swap3A_1115 : vector<1x16xf32> to vector<16xf32>
        %swap3A_1117 = vector.shape_cast %max3A_1112 : vector<16xf32> to vector<1x16xf32>
        tpu.vector_store %arg15[%swap3A_1113, %swap3A_1114], %swap3A_1117 {strides = array<i32>} : memref<32x128xf32, #tpu.memory_space<vmem>>, vector<1x16xf32>,
        %get3A_1118 = arith.index_cast %scan3A_1036 : i32 to index
        %get3A_1119 = arith.constant 32 : index
        %get3A_1120 = tpu.vector_load %arg12[%get3A_1118, %get3A_1119] {strides = array<i32>} : memref<32x128xf32, #tpu.memory_space<vmem>>, vector<1x16xf32>,
        %get3A_1121 = vector.shape_cast %get3A_1120 : vector<1x16xf32> to vector<16xf32>
        %get3A_1122 = arith.index_cast %scan3A_1036 : i32 to index
        %get3A_1123 = arith.constant 32 : index
        %get3A_1124 = tpu.vector_load %arg13[%get3A_1122, %get3A_1123] {strides = array<i32>} : memref<32x128xf32, #tpu.memory_space<vmem>>, vector<1x16xf32>,
        %get3A_1125 = vector.shape_cast %get3A_1124 : vector<1x16xf32> to vector<16xf32>
        %get3A_1126 = arith.index_cast %scan3A_1036 : i32 to index
        %get3A_1127 = arith.constant 32 : index
        %get3A_1128 = tpu.vector_load %arg14[%get3A_1126, %get3A_1127] {strides = array<i32>} : memref<32x128xf32, #tpu.memory_space<vmem>>, vector<1x16xf32>,
        %get3A_1129 = vector.shape_cast %get3A_1128 : vector<1x16xf32> to vector<16xf32>
        %get3A_1130 = arith.index_cast %scan3A_1036 : i32 to index
        %get3A_1131 = arith.constant 32 : index
        %get3A_1132 = tpu.vector_load %arg15[%get3A_1130, %get3A_1131] {strides = array<i32>} : memref<32x128xf32, #tpu.memory_space<vmem>>, vector<1x16xf32>,
        %get3A_1133 = vector.shape_cast %get3A_1132 : vector<1x16xf32> to vector<16xf32>
        %get3A_1134 = arith.index_cast %scan3A_1036 : i32 to index
        %get3A_1135 = arith.constant 32 : index
        %get3A_1136 = tpu.vector_load %arg16[%get3A_1134, %get3A_1135] {strides = array<i32>} : memref<32x128xf32, #tpu.memory_space<vmem>>, vector<1x16xf32>,
        %get3A_1137 = vector.shape_cast %get3A_1136 : vector<1x16xf32> to vector<16xf32>
        %add3A_1138 = arith.addf %get3A_1121, %get3A_1125 : vector<16xf32>
        %add3A_1139 = arith.addf %add3A_1138, %get3A_1137 : vector<16xf32>
        %add3A_1140 = arith.addf %get3A_1133, %get3A_1129 : vector<16xf32>
        %add3A_1141 = arith.addf %add3A_1140, %get3A_1137 : vector<16xf32>
        %mul3A_1142 = arith.constant 0.00999999977 : f32
        %mul3A_1143 = vector.broadcast %mul3A_1142 : f32 to vector<16xf32>
        %mul3A_1144 = arith.mulf %mul3A_1143, %add3A_1139 : vector<16xf32>
        %max3A_1145 = arith.maximumf %add3A_1139, %mul3A_1144 : vector<16xf32>
        %swap3A_1146 = arith.index_cast %scan3A_1036 : i32 to index
        %swap3A_1147 = arith.constant 32 : index
        %swap3A_1148 = tpu.vector_load %arg12[%swap3A_1146, %swap3A_1147] {strides = array<i32>} : memref<32x128xf32, #tpu.memory_space<vmem>>, vector<1x16xf32>,
        %swap3A_1149 = vector.shape_cast %swap3A_1148 : vector<1x16xf32> to vector<16xf32>
        %swap3A_1150 = vector.shape_cast %max3A_1145 : vector<16xf32> to vector<1x16xf32>
        tpu.vector_store %arg12[%swap3A_1146, %swap3A_1147], %swap3A_1150 {strides = array<i32>} : memref<32x128xf32, #tpu.memory_space<vmem>>, vector<1x16xf32>,
        %mul3A_1151 = arith.constant 0.00999999977 : f32
        %mul3A_1152 = vector.broadcast %mul3A_1151 : f32 to vector<16xf32>
        %mul3A_1153 = arith.mulf %mul3A_1152, %add3A_1141 : vector<16xf32>
        %max3A_1154 = arith.maximumf %add3A_1141, %mul3A_1153 : vector<16xf32>
        %swap3A_1155 = arith.index_cast %scan3A_1036 : i32 to index
        %swap3A_1156 = arith.constant 32 : index
        %swap3A_1157 = tpu.vector_load %arg15[%swap3A_1155, %swap3A_1156] {strides = array<i32>} : memref<32x128xf32, #tpu.memory_space<vmem>>, vector<1x16xf32>,
        %swap3A_1158 = vector.shape_cast %swap3A_1157 : vector<1x16xf32> to vector<16xf32>
        %swap3A_1159 = vector.shape_cast %max3A_1154 : vector<16xf32> to vector<1x16xf32>
        tpu.vector_store %arg15[%swap3A_1155, %swap3A_1156], %swap3A_1159 {strides = array<i32>} : memref<32x128xf32, #tpu.memory_space<vmem>>, vector<1x16xf32>,
        %get3A_1160 = arith.index_cast %scan3A_1036 : i32 to index
        %get3A_1161 = arith.constant 48 : index
        %get3A_1162 = tpu.vector_load %arg12[%get3A_1160, %get3A_1161] {strides = array<i32>} : memref<32x128xf32, #tpu.memory_space<vmem>>, vector<1x16xf32>,
        %get3A_1163 = vector.shape_cast %get3A_1162 : vector<1x16xf32> to vector<16xf32>
        %get3A_1164 = arith.index_cast %scan3A_1036 : i32 to index
        %get3A_1165 = arith.constant 48 : index
        %get3A_1166 = tpu.vector_load %arg13[%get3A_1164, %get3A_1165] {strides = array<i32>} : memref<32x128xf32, #tpu.memory_space<vmem>>, vector<1x16xf32>,
        %get3A_1167 = vector.shape_cast %get3A_1166 : vector<1x16xf32> to vector<16xf32>
        %get3A_1168 = arith.index_cast %scan3A_1036 : i32 to index
        %get3A_1169 = arith.constant 48 : index
        %get3A_1170 = tpu.vector_load %arg14[%get3A_1168, %get3A_1169] {strides = array<i32>} : memref<32x128xf32, #tpu.memory_space<vmem>>, vector<1x16xf32>,
        %get3A_1171 = vector.shape_cast %get3A_1170 : vector<1x16xf32> to vector<16xf32>
        %get3A_1172 = arith.index_cast %scan3A_1036 : i32 to index
        %get3A_1173 = arith.constant 48 : index
        %get3A_1174 = tpu.vector_load %arg15[%get3A_1172, %get3A_1173] {strides = array<i32>} : memref<32x128xf32, #tpu.memory_space<vmem>>, vector<1x16xf32>,
        %get3A_1175 = vector.shape_cast %get3A_1174 : vector<1x16xf32> to vector<16xf32>
        %get3A_1176 = arith.index_cast %scan3A_1036 : i32 to index
        %get3A_1177 = arith.constant 48 : index
        %get3A_1178 = tpu.vector_load %arg16[%get3A_1176, %get3A_1177] {strides = array<i32>} : memref<32x128xf32, #tpu.memory_space<vmem>>, vector<1x16xf32>,
        %get3A_1179 = vector.shape_cast %get3A_1178 : vector<1x16xf32> to vector<16xf32>
        %add3A_1180 = arith.addf %get3A_1163, %get3A_1167 : vector<16xf32>
        %add3A_1181 = arith.addf %add3A_1180, %get3A_1179 : vector<16xf32>
        %add3A_1182 = arith.addf %get3A_1175, %get3A_1171 : vector<16xf32>
        %add3A_1183 = arith.addf %add3A_1182, %get3A_1179 : vector<16xf32>
        %mul3A_1184 = arith.constant 0.00999999977 : f32
        %mul3A_1185 = vector.broadcast %mul3A_1184 : f32 to vector<16xf32>
        %mul3A_1186 = arith.mulf %mul3A_1185, %add3A_1181 : vector<16xf32>
        %max3A_1187 = arith.maximumf %add3A_1181, %mul3A_1186 : vector<16xf32>
        %swap3A_1188 = arith.index_cast %scan3A_1036 : i32 to index
        %swap3A_1189 = arith.constant 48 : index
        %swap3A_1190 = tpu.vector_load %arg12[%swap3A_1188, %swap3A_1189] {strides = array<i32>} : memref<32x128xf32, #tpu.memory_space<vmem>>, vector<1x16xf32>,
        %swap3A_1191 = vector.shape_cast %swap3A_1190 : vector<1x16xf32> to vector<16xf32>
        %swap3A_1192 = vector.shape_cast %max3A_1187 : vector<16xf32> to vector<1x16xf32>
        tpu.vector_store %arg12[%swap3A_1188, %swap3A_1189], %swap3A_1192 {strides = array<i32>} : memref<32x128xf32, #tpu.memory_space<vmem>>, vector<1x16xf32>,
        %mul3A_1193 = arith.constant 0.00999999977 : f32
        %mul3A_1194 = vector.broadcast %mul3A_1193 : f32 to vector<16xf32>
        %mul3A_1195 = arith.mulf %mul3A_1194, %add3A_1183 : vector<16xf32>
        %max3A_1196 = arith.maximumf %add3A_1183, %mul3A_1195 : vector<16xf32>
        %swap3A_1197 = arith.index_cast %scan3A_1036 : i32 to index
        %swap3A_1198 = arith.constant 48 : index
        %swap3A_1199 = tpu.vector_load %arg15[%swap3A_1197, %swap3A_1198] {strides = array<i32>} : memref<32x128xf32, #tpu.memory_space<vmem>>, vector<1x16xf32>,
        %swap3A_1200 = vector.shape_cast %swap3A_1199 : vector<1x16xf32> to vector<16xf32>
        %swap3A_1201 = vector.shape_cast %max3A_1196 : vector<16xf32> to vector<1x16xf32>
        tpu.vector_store %arg15[%swap3A_1197, %swap3A_1198], %swap3A_1201 {strides = array<i32>} : memref<32x128xf32, #tpu.memory_space<vmem>>, vector<1x16xf32>,
        %get3A_1202 = arith.index_cast %scan3A_1036 : i32 to index
        %get3A_1203 = arith.constant 64 : index
        %get3A_1204 = tpu.vector_load %arg12[%get3A_1202, %get3A_1203] {strides = array<i32>} : memref<32x128xf32, #tpu.memory_space<vmem>>, vector<1x16xf32>,
        %get3A_1205 = vector.shape_cast %get3A_1204 : vector<1x16xf32> to vector<16xf32>
        %get3A_1206 = arith.index_cast %scan3A_1036 : i32 to index
        %get3A_1207 = arith.constant 64 : index
        %get3A_1208 = tpu.vector_load %arg13[%get3A_1206, %get3A_1207] {strides = array<i32>} : memref<32x128xf32, #tpu.memory_space<vmem>>, vector<1x16xf32>,
        %get3A_1209 = vector.shape_cast %get3A_1208 : vector<1x16xf32> to vector<16xf32>
        %get3A_1210 = arith.index_cast %scan3A_1036 : i32 to index
        %get3A_1211 = arith.constant 64 : index
        %get3A_1212 = tpu.vector_load %arg14[%get3A_1210, %get3A_1211] {strides = array<i32>} : memref<32x128xf32, #tpu.memory_space<vmem>>, vector<1x16xf32>,
        %get3A_1213 = vector.shape_cast %get3A_1212 : vector<1x16xf32> to vector<16xf32>
        %get3A_1214 = arith.index_cast %scan3A_1036 : i32 to index
        %get3A_1215 = arith.constant 64 : index
        %get3A_1216 = tpu.vector_load %arg15[%get3A_1214, %get3A_1215] {strides = array<i32>} : memref<32x128xf32, #tpu.memory_space<vmem>>, vector<1x16xf32>,
        %get3A_1217 = vector.shape_cast %get3A_1216 : vector<1x16xf32> to vector<16xf32>
        %get3A_1218 = arith.index_cast %scan3A_1036 : i32 to index
        %get3A_1219 = arith.constant 64 : index
        %get3A_1220 = tpu.vector_load %arg16[%get3A_1218, %get3A_1219] {strides = array<i32>} : memref<32x128xf32, #tpu.memory_space<vmem>>, vector<1x16xf32>,
        %get3A_1221 = vector.shape_cast %get3A_1220 : vector<1x16xf32> to vector<16xf32>
        %add3A_1222 = arith.addf %get3A_1205, %get3A_1209 : vector<16xf32>
        %add3A_1223 = arith.addf %add3A_1222, %get3A_1221 : vector<16xf32>
        %add3A_1224 = arith.addf %get3A_1217, %get3A_1213 : vector<16xf32>
        %add3A_1225 = arith.addf %add3A_1224, %get3A_1221 : vector<16xf32>
        %mul3A_1226 = arith.constant 0.00999999977 : f32
        %mul3A_1227 = vector.broadcast %mul3A_1226 : f32 to vector<16xf32>
        %mul3A_1228 = arith.mulf %mul3A_1227, %add3A_1223 : vector<16xf32>
        %max3A_1229 = arith.maximumf %add3A_1223, %mul3A_1228 : vector<16xf32>
        %swap3A_1230 = arith.index_cast %scan3A_1036 : i32 to index
        %swap3A_1231 = arith.constant 64 : index
        %swap3A_1232 = tpu.vector_load %arg12[%swap3A_1230, %swap3A_1231] {strides = array<i32>} : memref<32x128xf32, #tpu.memory_space<vmem>>, vector<1x16xf32>,
        %swap3A_1233 = vector.shape_cast %swap3A_1232 : vector<1x16xf32> to vector<16xf32>
        %swap3A_1234 = vector.shape_cast %max3A_1229 : vector<16xf32> to vector<1x16xf32>
        tpu.vector_store %arg12[%swap3A_1230, %swap3A_1231], %swap3A_1234 {strides = array<i32>} : memref<32x128xf32, #tpu.memory_space<vmem>>, vector<1x16xf32>,
        %mul3A_1235 = arith.constant 0.00999999977 : f32
        %mul3A_1236 = vector.broadcast %mul3A_1235 : f32 to vector<16xf32>
        %mul3A_1237 = arith.mulf %mul3A_1236, %add3A_1225 : vector<16xf32>
        %max3A_1238 = arith.maximumf %add3A_1225, %mul3A_1237 : vector<16xf32>
        %swap3A_1239 = arith.index_cast %scan3A_1036 : i32 to index
        %swap3A_1240 = arith.constant 64 : index
        %swap3A_1241 = tpu.vector_load %arg15[%swap3A_1239, %swap3A_1240] {strides = array<i32>} : memref<32x128xf32, #tpu.memory_space<vmem>>, vector<1x16xf32>,
        %swap3A_1242 = vector.shape_cast %swap3A_1241 : vector<1x16xf32> to vector<16xf32>
        %swap3A_1243 = vector.shape_cast %max3A_1238 : vector<16xf32> to vector<1x16xf32>
        tpu.vector_store %arg15[%swap3A_1239, %swap3A_1240], %swap3A_1243 {strides = array<i32>} : memref<32x128xf32, #tpu.memory_space<vmem>>, vector<1x16xf32>,
        %get3A_1244 = arith.index_cast %scan3A_1036 : i32 to index
        %get3A_1245 = arith.constant 80 : index
        %get3A_1246 = tpu.vector_load %arg12[%get3A_1244, %get3A_1245] {strides = array<i32>} : memref<32x128xf32, #tpu.memory_space<vmem>>, vector<1x16xf32>,
        %get3A_1247 = vector.shape_cast %get3A_1246 : vector<1x16xf32> to vector<16xf32>
        %get3A_1248 = arith.index_cast %scan3A_1036 : i32 to index
        %get3A_1249 = arith.constant 80 : index
        %get3A_1250 = tpu.vector_load %arg13[%get3A_1248, %get3A_1249] {strides = array<i32>} : memref<32x128xf32, #tpu.memory_space<vmem>>, vector<1x16xf32>,
        %get3A_1251 = vector.shape_cast %get3A_1250 : vector<1x16xf32> to vector<16xf32>
        %get3A_1252 = arith.index_cast %scan3A_1036 : i32 to index
        %get3A_1253 = arith.constant 80 : index
        %get3A_1254 = tpu.vector_load %arg14[%get3A_1252, %get3A_1253] {strides = array<i32>} : memref<32x128xf32, #tpu.memory_space<vmem>>, vector<1x16xf32>,
        %get3A_1255 = vector.shape_cast %get3A_1254 : vector<1x16xf32> to vector<16xf32>
        %get3A_1256 = arith.index_cast %scan3A_1036 : i32 to index
        %get3A_1257 = arith.constant 80 : index
        %get3A_1258 = tpu.vector_load %arg15[%get3A_1256, %get3A_1257] {strides = array<i32>} : memref<32x128xf32, #tpu.memory_space<vmem>>, vector<1x16xf32>,
        %get3A_1259 = vector.shape_cast %get3A_1258 : vector<1x16xf32> to vector<16xf32>
        %get3A_1260 = arith.index_cast %scan3A_1036 : i32 to index
        %get3A_1261 = arith.constant 80 : index
        %get3A_1262 = tpu.vector_load %arg16[%get3A_1260, %get3A_1261] {strides = array<i32>} : memref<32x128xf32, #tpu.memory_space<vmem>>, vector<1x16xf32>,
        %get3A_1263 = vector.shape_cast %get3A_1262 : vector<1x16xf32> to vector<16xf32>
        %add3A_1264 = arith.addf %get3A_1247, %get3A_1251 : vector<16xf32>
        %add3A_1265 = arith.addf %add3A_1264, %get3A_1263 : vector<16xf32>
        %add3A_1266 = arith.addf %get3A_1259, %get3A_1255 : vector<16xf32>
        %add3A_1267 = arith.addf %add3A_1266, %get3A_1263 : vector<16xf32>
        %mul3A_1268 = arith.constant 0.00999999977 : f32
        %mul3A_1269 = vector.broadcast %mul3A_1268 : f32 to vector<16xf32>
        %mul3A_1270 = arith.mulf %mul3A_1269, %add3A_1265 : vector<16xf32>
        %max3A_1271 = arith.maximumf %add3A_1265, %mul3A_1270 : vector<16xf32>
        %swap3A_1272 = arith.index_cast %scan3A_1036 : i32 to index
        %swap3A_1273 = arith.constant 80 : index
        %swap3A_1274 = tpu.vector_load %arg12[%swap3A_1272, %swap3A_1273] {strides = array<i32>} : memref<32x128xf32, #tpu.memory_space<vmem>>, vector<1x16xf32>,
        %swap3A_1275 = vector.shape_cast %swap3A_1274 : vector<1x16xf32> to vector<16xf32>
        %swap3A_1276 = vector.shape_cast %max3A_1271 : vector<16xf32> to vector<1x16xf32>
        tpu.vector_store %arg12[%swap3A_1272, %swap3A_1273], %swap3A_1276 {strides = array<i32>} : memref<32x128xf32, #tpu.memory_space<vmem>>, vector<1x16xf32>,
        %mul3A_1277 = arith.constant 0.00999999977 : f32
        %mul3A_1278 = vector.broadcast %mul3A_1277 : f32 to vector<16xf32>
        %mul3A_1279 = arith.mulf %mul3A_1278, %add3A_1267 : vector<16xf32>
        %max3A_1280 = arith.maximumf %add3A_1267, %mul3A_1279 : vector<16xf32>
        %swap3A_1281 = arith.index_cast %scan3A_1036 : i32 to index
        %swap3A_1282 = arith.constant 80 : index
        %swap3A_1283 = tpu.vector_load %arg15[%swap3A_1281, %swap3A_1282] {strides = array<i32>} : memref<32x128xf32, #tpu.memory_space<vmem>>, vector<1x16xf32>,
        %swap3A_1284 = vector.shape_cast %swap3A_1283 : vector<1x16xf32> to vector<16xf32>
        %swap3A_1285 = vector.shape_cast %max3A_1280 : vector<16xf32> to vector<1x16xf32>
        tpu.vector_store %arg15[%swap3A_1281, %swap3A_1282], %swap3A_1285 {strides = array<i32>} : memref<32x128xf32, #tpu.memory_space<vmem>>, vector<1x16xf32>,
        %get3A_1286 = arith.index_cast %scan3A_1036 : i32 to index
        %get3A_1287 = arith.constant 96 : index
        %get3A_1288 = tpu.vector_load %arg12[%get3A_1286, %get3A_1287] {strides = array<i32>} : memref<32x128xf32, #tpu.memory_space<vmem>>, vector<1x16xf32>,
        %get3A_1289 = vector.shape_cast %get3A_1288 : vector<1x16xf32> to vector<16xf32>
        %get3A_1290 = arith.index_cast %scan3A_1036 : i32 to index
        %get3A_1291 = arith.constant 96 : index
        %get3A_1292 = tpu.vector_load %arg13[%get3A_1290, %get3A_1291] {strides = array<i32>} : memref<32x128xf32, #tpu.memory_space<vmem>>, vector<1x16xf32>,
        %get3A_1293 = vector.shape_cast %get3A_1292 : vector<1x16xf32> to vector<16xf32>
        %get3A_1294 = arith.index_cast %scan3A_1036 : i32 to index
        %get3A_1295 = arith.constant 96 : index
        %get3A_1296 = tpu.vector_load %arg14[%get3A_1294, %get3A_1295] {strides = array<i32>} : memref<32x128xf32, #tpu.memory_space<vmem>>, vector<1x16xf32>,
        %get3A_1297 = vector.shape_cast %get3A_1296 : vector<1x16xf32> to vector<16xf32>
        %get3A_1298 = arith.index_cast %scan3A_1036 : i32 to index
        %get3A_1299 = arith.constant 96 : index
        %get3A_1300 = tpu.vector_load %arg15[%get3A_1298, %get3A_1299] {strides = array<i32>} : memref<32x128xf32, #tpu.memory_space<vmem>>, vector<1x16xf32>,
        %get3A_1301 = vector.shape_cast %get3A_1300 : vector<1x16xf32> to vector<16xf32>
        %get3A_1302 = arith.index_cast %scan3A_1036 : i32 to index
        %get3A_1303 = arith.constant 96 : index
        %get3A_1304 = tpu.vector_load %arg16[%get3A_1302, %get3A_1303] {strides = array<i32>} : memref<32x128xf32, #tpu.memory_space<vmem>>, vector<1x16xf32>,
        %get3A_1305 = vector.shape_cast %get3A_1304 : vector<1x16xf32> to vector<16xf32>
        %add3A_1306 = arith.addf %get3A_1289, %get3A_1293 : vector<16xf32>
        %add3A_1307 = arith.addf %add3A_1306, %get3A_1305 : vector<16xf32>
        %add3A_1308 = arith.addf %get3A_1301, %get3A_1297 : vector<16xf32>
        %add3A_1309 = arith.addf %add3A_1308, %get3A_1305 : vector<16xf32>
        %mul3A_1310 = arith.constant 0.00999999977 : f32
        %mul3A_1311 = vector.broadcast %mul3A_1310 : f32 to vector<16xf32>
        %mul3A_1312 = arith.mulf %mul3A_1311, %add3A_1307 : vector<16xf32>
        %max3A_1313 = arith.maximumf %add3A_1307, %mul3A_1312 : vector<16xf32>
        %swap3A_1314 = arith.index_cast %scan3A_1036 : i32 to index
        %swap3A_1315 = arith.constant 96 : index
        %swap3A_1316 = tpu.vector_load %arg12[%swap3A_1314, %swap3A_1315] {strides = array<i32>} : memref<32x128xf32, #tpu.memory_space<vmem>>, vector<1x16xf32>,
        %swap3A_1317 = vector.shape_cast %swap3A_1316 : vector<1x16xf32> to vector<16xf32>
        %swap3A_1318 = vector.shape_cast %max3A_1313 : vector<16xf32> to vector<1x16xf32>
        tpu.vector_store %arg12[%swap3A_1314, %swap3A_1315], %swap3A_1318 {strides = array<i32>} : memref<32x128xf32, #tpu.memory_space<vmem>>, vector<1x16xf32>,
        %mul3A_1319 = arith.constant 0.00999999977 : f32
        %mul3A_1320 = vector.broadcast %mul3A_1319 : f32 to vector<16xf32>
        %mul3A_1321 = arith.mulf %mul3A_1320, %add3A_1309 : vector<16xf32>
        %max3A_1322 = arith.maximumf %add3A_1309, %mul3A_1321 : vector<16xf32>
        %swap3A_1323 = arith.index_cast %scan3A_1036 : i32 to index
        %swap3A_1324 = arith.constant 96 : index
        %swap3A_1325 = tpu.vector_load %arg15[%swap3A_1323, %swap3A_1324] {strides = array<i32>} : memref<32x128xf32, #tpu.memory_space<vmem>>, vector<1x16xf32>,
        %swap3A_1326 = vector.shape_cast %swap3A_1325 : vector<1x16xf32> to vector<16xf32>
        %swap3A_1327 = vector.shape_cast %max3A_1322 : vector<16xf32> to vector<1x16xf32>
        tpu.vector_store %arg15[%swap3A_1323, %swap3A_1324], %swap3A_1327 {strides = array<i32>} : memref<32x128xf32, #tpu.memory_space<vmem>>, vector<1x16xf32>,
        %get3A_1328 = arith.index_cast %scan3A_1036 : i32 to index
        %get3A_1329 = arith.constant 112 : index
        %get3A_1330 = tpu.vector_load %arg12[%get3A_1328, %get3A_1329] {strides = array<i32>} : memref<32x128xf32, #tpu.memory_space<vmem>>, vector<1x16xf32>,
        %get3A_1331 = vector.shape_cast %get3A_1330 : vector<1x16xf32> to vector<16xf32>
        %get3A_1332 = arith.index_cast %scan3A_1036 : i32 to index
        %get3A_1333 = arith.constant 112 : index
        %get3A_1334 = tpu.vector_load %arg13[%get3A_1332, %get3A_1333] {strides = array<i32>} : memref<32x128xf32, #tpu.memory_space<vmem>>, vector<1x16xf32>,
        %get3A_1335 = vector.shape_cast %get3A_1334 : vector<1x16xf32> to vector<16xf32>
        %get3A_1336 = arith.index_cast %scan3A_1036 : i32 to index
        %get3A_1337 = arith.constant 112 : index
        %get3A_1338 = tpu.vector_load %arg14[%get3A_1336, %get3A_1337] {strides = array<i32>} : memref<32x128xf32, #tpu.memory_space<vmem>>, vector<1x16xf32>,
        %get3A_1339 = vector.shape_cast %get3A_1338 : vector<1x16xf32> to vector<16xf32>
        %get3A_1340 = arith.index_cast %scan3A_1036 : i32 to index
        %get3A_1341 = arith.constant 112 : index
        %get3A_1342 = tpu.vector_load %arg15[%get3A_1340, %get3A_1341] {strides = array<i32>} : memref<32x128xf32, #tpu.memory_space<vmem>>, vector<1x16xf32>,
        %get3A_1343 = vector.shape_cast %get3A_1342 : vector<1x16xf32> to vector<16xf32>
        %get3A_1344 = arith.index_cast %scan3A_1036 : i32 to index
        %get3A_1345 = arith.constant 112 : index
        %get3A_1346 = tpu.vector_load %arg16[%get3A_1344, %get3A_1345] {strides = array<i32>} : memref<32x128xf32, #tpu.memory_space<vmem>>, vector<1x16xf32>,
        %get3A_1347 = vector.shape_cast %get3A_1346 : vector<1x16xf32> to vector<16xf32>
        %add3A_1348 = arith.addf %get3A_1331, %get3A_1335 : vector<16xf32>
        %add3A_1349 = arith.addf %add3A_1348, %get3A_1347 : vector<16xf32>
        %add3A_1350 = arith.addf %get3A_1343, %get3A_1339 : vector<16xf32>
        %add3A_1351 = arith.addf %add3A_1350, %get3A_1347 : vector<16xf32>
        %mul3A_1352 = arith.constant 0.00999999977 : f32
        %mul3A_1353 = vector.broadcast %mul3A_1352 : f32 to vector<16xf32>
        %mul3A_1354 = arith.mulf %mul3A_1353, %add3A_1349 : vector<16xf32>
        %max3A_1355 = arith.maximumf %add3A_1349, %mul3A_1354 : vector<16xf32>
        %swap3A_1356 = arith.index_cast %scan3A_1036 : i32 to index
        %swap3A_1357 = arith.constant 112 : index
        %swap3A_1358 = tpu.vector_load %arg12[%swap3A_1356, %swap3A_1357] {strides = array<i32>} : memref<32x128xf32, #tpu.memory_space<vmem>>, vector<1x16xf32>,
        %swap3A_1359 = vector.shape_cast %swap3A_1358 : vector<1x16xf32> to vector<16xf32>
        %swap3A_1360 = vector.shape_cast %max3A_1355 : vector<16xf32> to vector<1x16xf32>
        tpu.vector_store %arg12[%swap3A_1356, %swap3A_1357], %swap3A_1360 {strides = array<i32>} : memref<32x128xf32, #tpu.memory_space<vmem>>, vector<1x16xf32>,
        %mul3A_1361 = arith.constant 0.00999999977 : f32
        %mul3A_1362 = vector.broadcast %mul3A_1361 : f32 to vector<16xf32>
        %mul3A_1363 = arith.mulf %mul3A_1362, %add3A_1351 : vector<16xf32>
        %max3A_1364 = arith.maximumf %add3A_1351, %mul3A_1363 : vector<16xf32>
        %swap3A_1365 = arith.index_cast %scan3A_1036 : i32 to index
        %swap3A_1366 = arith.constant 112 : index
        %swap3A_1367 = tpu.vector_load %arg15[%swap3A_1365, %swap3A_1366] {strides = array<i32>} : memref<32x128xf32, #tpu.memory_space<vmem>>, vector<1x16xf32>,
        %swap3A_1368 = vector.shape_cast %swap3A_1367 : vector<1x16xf32> to vector<16xf32>
        %swap3A_1369 = vector.shape_cast %max3A_1364 : vector<16xf32> to vector<1x16xf32>
        tpu.vector_store %arg15[%swap3A_1365, %swap3A_1366], %swap3A_1369 {strides = array<i32>} : memref<32x128xf32, #tpu.memory_space<vmem>>, vector<1x16xf32>,
      }
      %scan3A_866 = arith.constant 32 : i32
      %mul3A_867 = arith.constant 32 : i32
      %mul3A_868 = arith.muli %mul3A_728, %mul3A_867 : i32
      %add3A_869 = arith.addi %mul3A_15, %mul3A_868 : i32
      %dma_wait3A_870 = tpu.memref_slice %arg4[%add3A_869] : memref<327680xi32, #tpu.memory_space<hbm>> -> memref<32xi32, #tpu.memory_space<hbm>>
      %dma_wait3A_871 = tpu.memref_slice %arg4[%add3A_869] : memref<327680xi32, #tpu.memory_space<hbm>> -> memref<32xi32, #tpu.memory_space<hbm>>
      tpu.wait_dma2 semaphore(%arg27 : memref<!tpu.dma_semaphore, #tpu.memory_space<semaphore_mem>>) src(%dma_wait3A_871 : memref<32xi32, #tpu.memory_space<hbm>>) dst(%arg10 : memref<32xi32, #tpu.memory_space<vmem>>)
      %dma_wait3A_872 = tpu.memref_slice %arg5[%add3A_869] : memref<327680xi32, #tpu.memory_space<hbm>> -> memref<32xi32, #tpu.memory_space<hbm>>
      %dma_wait3A_873 = tpu.memref_slice %arg5[%add3A_869] : memref<327680xi32, #tpu.memory_space<hbm>> -> memref<32xi32, #tpu.memory_space<hbm>>
      tpu.wait_dma2 semaphore(%arg27 : memref<!tpu.dma_semaphore, #tpu.memory_space<semaphore_mem>>) src(%dma_wait3A_873 : memref<32xi32, #tpu.memory_space<hbm>>) dst(%arg11 : memref<32xi32, #tpu.memory_space<vmem>>)
      %dma_start3A_874 = arith.constant 0 : i32
      %dma_start3A_875 = arith.constant 0 : i32
      %dma_start3A_876 = tpu.memref_slice %arg25[%dma_start3A_874, %dma_start3A_875] : memref<10240x128xf32, #tpu.memory_space<vmem_shared>> -> memref<10240x128xf32, #tpu.memory_space<vmem_shared>>
      tpu.enqueue_indirect_dma source(%arg12 : memref<32x128xf32, #tpu.memory_space<vmem>>) target(%dma_start3A_876 : memref<10240x128xf32, #tpu.memory_space<vmem_shared>>) offsets(%arg11 : memref<32xi32, #tpu.memory_space<vmem>>) semaphore(%arg29 : memref<!tpu.dma_semaphore, #tpu.memory_space<semaphore_mem>>) {add = true}
      %dma_start3A_877 = arith.constant 0 : i32
      %dma_start3A_878 = arith.constant 0 : i32
      %dma_start3A_879 = tpu.memref_slice %arg25[%dma_start3A_877, %dma_start3A_878] : memref<10240x128xf32, #tpu.memory_space<vmem_shared>> -> memref<10240x128xf32, #tpu.memory_space<vmem_shared>>
      tpu.enqueue_indirect_dma source(%arg15 : memref<32x128xf32, #tpu.memory_space<vmem>>) target(%dma_start3A_879 : memref<10240x128xf32, #tpu.memory_space<vmem_shared>>) offsets(%arg10 : memref<32xi32, #tpu.memory_space<vmem>>) semaphore(%arg29 : memref<!tpu.dma_semaphore, #tpu.memory_space<semaphore_mem>>) {add = true}
      %add3A_880 = arith.constant 1 : i32
      %add3A_881 = arith.addi %mul3A_728, %add3A_880 : i32
      %add3A_882 = arith.constant 1 : i32
      %add3A_883 = arith.addi %add3A_881, %add3A_882 : i32
      %mul3A_884 = arith.constant 32 : i32
      %mul3A_885 = arith.muli %add3A_883, %mul3A_884 : i32
      %add3A_886 = arith.addi %mul3A_15, %mul3A_885 : i32
      %dma_wait3A_887 = arith.constant 0 : i32
      %dma_wait3A_888 = arith.constant 0 : i32
      %dma_wait3A_889 = tpu.memref_slice %arg9[%dma_wait3A_887, %dma_wait3A_888] : memref<4x32xi32, #tpu.memory_space<vmem>> -> memref<1x32xi32, #tpu.memory_space<vmem>>
      %dma_wait3A_890 = tpu.memref_squeeze %dma_wait3A_889 : memref<1x32xi32, #tpu.memory_space<vmem>> -> memref<32xi32, #tpu.memory_space<vmem>>
      %dma_wait3A_891 = tpu.memref_slice %arg4[%add3A_886] : memref<327680xi32, #tpu.memory_space<hbm>> -> memref<32xi32, #tpu.memory_space<hbm>>
      %dma_wait3A_892 = arith.constant 0 : i32
      %dma_wait3A_893 = tpu.memref_slice %arg9[%dma_wait3A_887, %dma_wait3A_892] : memref<4x32xi32, #tpu.memory_space<vmem>> -> memref<1x32xi32, #tpu.memory_space<vmem>>
      %dma_wait3A_894 = tpu.memref_squeeze %dma_wait3A_893 : memref<1x32xi32, #tpu.memory_space<vmem>> -> memref<32xi32, #tpu.memory_space<vmem>>
      %dma_wait3A_895 = tpu.memref_slice %arg4[%add3A_886] : memref<327680xi32, #tpu.memory_space<hbm>> -> memref<32xi32, #tpu.memory_space<hbm>>
      tpu.wait_dma2 semaphore(%arg26 : memref<!tpu.dma_semaphore, #tpu.memory_space<semaphore_mem>>) src(%dma_wait3A_895 : memref<32xi32, #tpu.memory_space<hbm>>) dst(%dma_wait3A_894 : memref<32xi32, #tpu.memory_space<vmem>>)
      %dma_wait3A_896 = arith.constant 1 : i32
      %dma_wait3A_897 = arith.constant 0 : i32
      %dma_wait3A_898 = tpu.memref_slice %arg9[%dma_wait3A_896, %dma_wait3A_897] : memref<4x32xi32, #tpu.memory_space<vmem>> -> memref<1x32xi32, #tpu.memory_space<vmem>>
      %dma_wait3A_899 = tpu.memref_squeeze %dma_wait3A_898 : memref<1x32xi32, #tpu.memory_space<vmem>> -> memref<32xi32, #tpu.memory_space<vmem>>
      %dma_wait3A_900 = tpu.memref_slice %arg5[%add3A_886] : memref<327680xi32, #tpu.memory_space<hbm>> -> memref<32xi32, #tpu.memory_space<hbm>>
      %dma_wait3A_901 = arith.constant 0 : i32
      %dma_wait3A_902 = tpu.memref_slice %arg9[%dma_wait3A_896, %dma_wait3A_901] : memref<4x32xi32, #tpu.memory_space<vmem>> -> memref<1x32xi32, #tpu.memory_space<vmem>>
      %dma_wait3A_903 = tpu.memref_squeeze %dma_wait3A_902 : memref<1x32xi32, #tpu.memory_space<vmem>> -> memref<32xi32, #tpu.memory_space<vmem>>
      %dma_wait3A_904 = tpu.memref_slice %arg5[%add3A_886] : memref<327680xi32, #tpu.memory_space<hbm>> -> memref<32xi32, #tpu.memory_space<hbm>>
      tpu.wait_dma2 semaphore(%arg26 : memref<!tpu.dma_semaphore, #tpu.memory_space<semaphore_mem>>) src(%dma_wait3A_904 : memref<32xi32, #tpu.memory_space<hbm>>) dst(%dma_wait3A_903 : memref<32xi32, #tpu.memory_space<vmem>>)
      %dma_wait3A_905 = arith.constant 2 : i32
      %dma_wait3A_906 = arith.constant 0 : i32
      %dma_wait3A_907 = tpu.memref_slice %arg9[%dma_wait3A_905, %dma_wait3A_906] : memref<4x32xi32, #tpu.memory_space<vmem>> -> memref<1x32xi32, #tpu.memory_space<vmem>>
      %dma_wait3A_908 = tpu.memref_squeeze %dma_wait3A_907 : memref<1x32xi32, #tpu.memory_space<vmem>> -> memref<32xi32, #tpu.memory_space<vmem>>
      %dma_wait3A_909 = tpu.memref_slice %arg6[%add3A_886] : memref<327680xi32, #tpu.memory_space<hbm>> -> memref<32xi32, #tpu.memory_space<hbm>>
      %dma_wait3A_910 = arith.constant 0 : i32
      %dma_wait3A_911 = tpu.memref_slice %arg9[%dma_wait3A_905, %dma_wait3A_910] : memref<4x32xi32, #tpu.memory_space<vmem>> -> memref<1x32xi32, #tpu.memory_space<vmem>>
      %dma_wait3A_912 = tpu.memref_squeeze %dma_wait3A_911 : memref<1x32xi32, #tpu.memory_space<vmem>> -> memref<32xi32, #tpu.memory_space<vmem>>
      %dma_wait3A_913 = tpu.memref_slice %arg6[%add3A_886] : memref<327680xi32, #tpu.memory_space<hbm>> -> memref<32xi32, #tpu.memory_space<hbm>>
      tpu.wait_dma2 semaphore(%arg26 : memref<!tpu.dma_semaphore, #tpu.memory_space<semaphore_mem>>) src(%dma_wait3A_913 : memref<32xi32, #tpu.memory_space<hbm>>) dst(%dma_wait3A_912 : memref<32xi32, #tpu.memory_space<vmem>>)
      %dma_wait3A_914 = arith.constant 3 : i32
      %dma_wait3A_915 = arith.constant 0 : i32
      %dma_wait3A_916 = tpu.memref_slice %arg9[%dma_wait3A_914, %dma_wait3A_915] : memref<4x32xi32, #tpu.memory_space<vmem>> -> memref<1x32xi32, #tpu.memory_space<vmem>>
      %dma_wait3A_917 = tpu.memref_squeeze %dma_wait3A_916 : memref<1x32xi32, #tpu.memory_space<vmem>> -> memref<32xi32, #tpu.memory_space<vmem>>
      %dma_wait3A_918 = tpu.memref_slice %arg7[%add3A_886] : memref<327680xi32, #tpu.memory_space<hbm>> -> memref<32xi32, #tpu.memory_space<hbm>>
      %dma_wait3A_919 = arith.constant 0 : i32
      %dma_wait3A_920 = tpu.memref_slice %arg9[%dma_wait3A_914, %dma_wait3A_919] : memref<4x32xi32, #tpu.memory_space<vmem>> -> memref<1x32xi32, #tpu.memory_space<vmem>>
      %dma_wait3A_921 = tpu.memref_squeeze %dma_wait3A_920 : memref<1x32xi32, #tpu.memory_space<vmem>> -> memref<32xi32, #tpu.memory_space<vmem>>
      %dma_wait3A_922 = tpu.memref_slice %arg7[%add3A_886] : memref<327680xi32, #tpu.memory_space<hbm>> -> memref<32xi32, #tpu.memory_space<hbm>>
      tpu.wait_dma2 semaphore(%arg26 : memref<!tpu.dma_semaphore, #tpu.memory_space<semaphore_mem>>) src(%dma_wait3A_922 : memref<32xi32, #tpu.memory_space<hbm>>) dst(%dma_wait3A_921 : memref<32xi32, #tpu.memory_space<vmem>>)
      %dma_wait3A_923 = arith.constant 0 : i32
      %dma_wait3A_924 = arith.constant 0 : i32
      %dma_wait3A_925 = tpu.memref_slice %arg25[%dma_wait3A_923, %dma_wait3A_924] : memref<10240x128xf32, #tpu.memory_space<vmem_shared>> -> memref<10240x128xf32, #tpu.memory_space<vmem_shared>>
      tpu.wait_indirect_dma semaphore(%arg29 : memref<!tpu.dma_semaphore, #tpu.memory_space<semaphore_mem>>) src(%arg12 : memref<32x128xf32, #tpu.memory_space<vmem>>) dst(%dma_wait3A_925 : memref<10240x128xf32, #tpu.memory_space<vmem_shared>>)
      %dma_wait3A_926 = arith.constant 0 : i32
      %dma_wait3A_927 = arith.constant 0 : i32
      %dma_wait3A_928 = tpu.memref_slice %arg25[%dma_wait3A_926, %dma_wait3A_927] : memref<10240x128xf32, #tpu.memory_space<vmem_shared>> -> memref<10240x128xf32, #tpu.memory_space<vmem_shared>>
      tpu.wait_indirect_dma semaphore(%arg29 : memref<!tpu.dma_semaphore, #tpu.memory_space<semaphore_mem>>) src(%arg15 : memref<32x128xf32, #tpu.memory_space<vmem>>) dst(%dma_wait3A_928 : memref<10240x128xf32, #tpu.memory_space<vmem_shared>>)
      %add3A_929 = arith.constant 1 : i32
      %add3A_930 = arith.addi %add3A_881, %add3A_929 : i32
      %mul3A_931 = arith.constant 32 : i32
      %mul3A_932 = arith.muli %add3A_930, %mul3A_931 : i32
      %add3A_933 = arith.addi %mul3A_15, %mul3A_932 : i32
      %dma_start3A_934 = arith.constant 0 : i32
      %dma_start3A_935 = arith.constant 0 : i32
      %dma_start3A_936 = tpu.memref_slice %arg9[%dma_start3A_934, %dma_start3A_935] : memref<4x32xi32, #tpu.memory_space<vmem>> -> memref<1x32xi32, #tpu.memory_space<vmem>>
      %dma_start3A_937 = tpu.memref_squeeze %dma_start3A_936 : memref<1x32xi32, #tpu.memory_space<vmem>> -> memref<32xi32, #tpu.memory_space<vmem>>
      %dma_start3A_938 = arith.constant 0 : i32
      %dma_start3A_939 = arith.constant 0 : i32
      %dma_start3A_940 = tpu.memref_slice %arg2[%dma_start3A_938, %dma_start3A_939] : memref<20480x128xf32, #tpu.memory_space<hbm>> -> memref<20480x128xf32, #tpu.memory_space<hbm>>
      tpu.enqueue_indirect_dma source(%dma_start3A_940 : memref<20480x128xf32, #tpu.memory_space<hbm>>) target(%arg12 : memref<32x128xf32, #tpu.memory_space<vmem>>) offsets(%dma_start3A_937 : memref<32xi32, #tpu.memory_space<vmem>>) semaphore(%arg28 : memref<!tpu.dma_semaphore, #tpu.memory_space<semaphore_mem>>)
      %dma_start3A_941 = arith.constant 3 : i32
      %dma_start3A_942 = arith.constant 0 : i32
      %dma_start3A_943 = tpu.memref_slice %arg9[%dma_start3A_941, %dma_start3A_942] : memref<4x32xi32, #tpu.memory_space<vmem>> -> memref<1x32xi32, #tpu.memory_space<vmem>>
      %dma_start3A_944 = tpu.memref_squeeze %dma_start3A_943 : memref<1x32xi32, #tpu.memory_space<vmem>> -> memref<32xi32, #tpu.memory_space<vmem>>
      %dma_start3A_945 = arith.constant 0 : i32
      %dma_start3A_946 = arith.constant 0 : i32
      %dma_start3A_947 = tpu.memref_slice %arg2[%dma_start3A_945, %dma_start3A_946] : memref<20480x128xf32, #tpu.memory_space<hbm>> -> memref<20480x128xf32, #tpu.memory_space<hbm>>
      tpu.enqueue_indirect_dma source(%dma_start3A_947 : memref<20480x128xf32, #tpu.memory_space<hbm>>) target(%arg13 : memref<32x128xf32, #tpu.memory_space<vmem>>) offsets(%dma_start3A_944 : memref<32xi32, #tpu.memory_space<vmem>>) semaphore(%arg28 : memref<!tpu.dma_semaphore, #tpu.memory_space<semaphore_mem>>)
      %dma_start3A_948 = arith.constant 1 : i32
      %dma_start3A_949 = arith.constant 0 : i32
      %dma_start3A_950 = tpu.memref_slice %arg9[%dma_start3A_948, %dma_start3A_949] : memref<4x32xi32, #tpu.memory_space<vmem>> -> memref<1x32xi32, #tpu.memory_space<vmem>>
      %dma_start3A_951 = tpu.memref_squeeze %dma_start3A_950 : memref<1x32xi32, #tpu.memory_space<vmem>> -> memref<32xi32, #tpu.memory_space<vmem>>
      %dma_start3A_952 = arith.constant 0 : i32
      %dma_start3A_953 = arith.constant 0 : i32
      %dma_start3A_954 = tpu.memref_slice %arg2[%dma_start3A_952, %dma_start3A_953] : memref<20480x128xf32, #tpu.memory_space<hbm>> -> memref<20480x128xf32, #tpu.memory_space<hbm>>
      tpu.enqueue_indirect_dma source(%dma_start3A_954 : memref<20480x128xf32, #tpu.memory_space<hbm>>) target(%arg14 : memref<32x128xf32, #tpu.memory_space<vmem>>) offsets(%dma_start3A_951 : memref<32xi32, #tpu.memory_space<vmem>>) semaphore(%arg28 : memref<!tpu.dma_semaphore, #tpu.memory_space<semaphore_mem>>)
      %dma_start3A_955 = arith.constant 2 : i32
      %dma_start3A_956 = arith.constant 0 : i32
      %dma_start3A_957 = tpu.memref_slice %arg9[%dma_start3A_955, %dma_start3A_956] : memref<4x32xi32, #tpu.memory_space<vmem>> -> memref<1x32xi32, #tpu.memory_space<vmem>>
      %dma_start3A_958 = tpu.memref_squeeze %dma_start3A_957 : memref<1x32xi32, #tpu.memory_space<vmem>> -> memref<32xi32, #tpu.memory_space<vmem>>
      %dma_start3A_959 = arith.constant 0 : i32
      %dma_start3A_960 = arith.constant 0 : i32
      %dma_start3A_961 = tpu.memref_slice %arg2[%dma_start3A_959, %dma_start3A_960] : memref<20480x128xf32, #tpu.memory_space<hbm>> -> memref<20480x128xf32, #tpu.memory_space<hbm>>
      tpu.enqueue_indirect_dma source(%dma_start3A_961 : memref<20480x128xf32, #tpu.memory_space<hbm>>) target(%arg15 : memref<32x128xf32, #tpu.memory_space<vmem>>) offsets(%dma_start3A_958 : memref<32xi32, #tpu.memory_space<vmem>>) semaphore(%arg28 : memref<!tpu.dma_semaphore, #tpu.memory_space<semaphore_mem>>)
      %dma_start3A_962 = arith.constant 0 : i32
      %dma_start3A_963 = tpu.memref_slice %arg3[%add3A_933, %dma_start3A_962] : memref<327680x128xf32, #tpu.memory_space<hbm>> -> memref<32x128xf32, #tpu.memory_space<hbm>>
      %dma_start3A_964 = arith.constant 0 : i32
      %dma_start3A_965 = tpu.memref_slice %arg3[%add3A_933, %dma_start3A_964] : memref<327680x128xf32, #tpu.memory_space<hbm>> -> memref<32x128xf32, #tpu.memory_space<hbm>>
      tpu.enqueue_dma source(%dma_start3A_965 : memref<32x128xf32, #tpu.memory_space<hbm>>) target(%arg16 : memref<32x128xf32, #tpu.memory_space<vmem>>) target_semaphore(%arg28 : memref<!tpu.dma_semaphore, #tpu.memory_space<semaphore_mem>>)
      %add3A_966 = arith.constant 1 : i32
      %add3A_967 = arith.addi %add3A_881, %add3A_966 : i32
      %mul3A_968 = arith.constant 32 : i32
      %mul3A_969 = arith.muli %add3A_967, %mul3A_968 : i32
      %add3A_970 = arith.addi %mul3A_15, %mul3A_969 : i32
      %dma_start3A_971 = tpu.memref_slice %arg4[%add3A_970] : memref<327680xi32, #tpu.memory_space<hbm>> -> memref<32xi32, #tpu.memory_space<hbm>>
      %dma_start3A_972 = tpu.memref_slice %arg4[%add3A_970] : memref<327680xi32, #tpu.memory_space<hbm>> -> memref<32xi32, #tpu.memory_space<hbm>>
      tpu.enqueue_dma source(%dma_start3A_972 : memref<32xi32, #tpu.memory_space<hbm>>) target(%arg10 : memref<32xi32, #tpu.memory_space<vmem>>) target_semaphore(%arg27 : memref<!tpu.dma_semaphore, #tpu.memory_space<semaphore_mem>>)
      %dma_start3A_973 = tpu.memref_slice %arg5[%add3A_970] : memref<327680xi32, #tpu.memory_space<hbm>> -> memref<32xi32, #tpu.memory_space<hbm>>
      %dma_start3A_974 = tpu.memref_slice %arg5[%add3A_970] : memref<327680xi32, #tpu.memory_space<hbm>> -> memref<32xi32, #tpu.memory_space<hbm>>
      tpu.enqueue_dma source(%dma_start3A_974 : memref<32xi32, #tpu.memory_space<hbm>>) target(%arg11 : memref<32xi32, #tpu.memory_space<vmem>>) target_semaphore(%arg27 : memref<!tpu.dma_semaphore, #tpu.memory_space<semaphore_mem>>)
      %mul3A_975 = arith.constant 32 : i32
      %mul3A_976 = arith.muli %add3A_881, %mul3A_975 : i32
      %add3A_977 = arith.addi %mul3A_15, %mul3A_976 : i32
      %dma_wait3A_978 = arith.constant 0 : i32
      %dma_wait3A_979 = arith.constant 0 : i32
      %dma_wait3A_980 = tpu.memref_slice %arg17[%dma_wait3A_978, %dma_wait3A_979] : memref<4x32xi32, #tpu.memory_space<vmem>> -> memref<1x32xi32, #tpu.memory_space<vmem>>
      %dma_wait3A_981 = tpu.memref_squeeze %dma_wait3A_980 : memref<1x32xi32, #tpu.memory_space<vmem>> -> memref<32xi32, #tpu.memory_space<vmem>>
      %dma_wait3A_982 = arith.constant 0 : i32
      %dma_wait3A_983 = arith.constant 0 : i32
      %dma_wait3A_984 = tpu.memref_slice %arg2[%dma_wait3A_982, %dma_wait3A_983] : memref<20480x128xf32, #tpu.memory_space<hbm>> -> memref<20480x128xf32, #tpu.memory_space<hbm>>
      tpu.wait_indirect_dma semaphore(%arg32 : memref<!tpu.dma_semaphore, #tpu.memory_space<semaphore_mem>>) src(%dma_wait3A_984 : memref<20480x128xf32, #tpu.memory_space<hbm>>) dst(%arg20 : memref<32x128xf32, #tpu.memory_space<vmem>>)
      %dma_wait3A_985 = arith.constant 3 : i32
      %dma_wait3A_986 = arith.constant 0 : i32
      %dma_wait3A_987 = tpu.memref_slice %arg17[%dma_wait3A_985, %dma_wait3A_986] : memref<4x32xi32, #tpu.memory_space<vmem>> -> memref<1x32xi32, #tpu.memory_space<vmem>>
      %dma_wait3A_988 = tpu.memref_squeeze %dma_wait3A_987 : memref<1x32xi32, #tpu.memory_space<vmem>> -> memref<32xi32, #tpu.memory_space<vmem>>
      %dma_wait3A_989 = arith.constant 0 : i32
      %dma_wait3A_990 = arith.constant 0 : i32
      %dma_wait3A_991 = tpu.memref_slice %arg2[%dma_wait3A_989, %dma_wait3A_990] : memref<20480x128xf32, #tpu.memory_space<hbm>> -> memref<20480x128xf32, #tpu.memory_space<hbm>>
      tpu.wait_indirect_dma semaphore(%arg32 : memref<!tpu.dma_semaphore, #tpu.memory_space<semaphore_mem>>) src(%dma_wait3A_991 : memref<20480x128xf32, #tpu.memory_space<hbm>>) dst(%arg21 : memref<32x128xf32, #tpu.memory_space<vmem>>)
      %dma_wait3A_992 = arith.constant 1 : i32
      %dma_wait3A_993 = arith.constant 0 : i32
      %dma_wait3A_994 = tpu.memref_slice %arg17[%dma_wait3A_992, %dma_wait3A_993] : memref<4x32xi32, #tpu.memory_space<vmem>> -> memref<1x32xi32, #tpu.memory_space<vmem>>
      %dma_wait3A_995 = tpu.memref_squeeze %dma_wait3A_994 : memref<1x32xi32, #tpu.memory_space<vmem>> -> memref<32xi32, #tpu.memory_space<vmem>>
      %dma_wait3A_996 = arith.constant 0 : i32
      %dma_wait3A_997 = arith.constant 0 : i32
      %dma_wait3A_998 = tpu.memref_slice %arg2[%dma_wait3A_996, %dma_wait3A_997] : memref<20480x128xf32, #tpu.memory_space<hbm>> -> memref<20480x128xf32, #tpu.memory_space<hbm>>
      tpu.wait_indirect_dma semaphore(%arg32 : memref<!tpu.dma_semaphore, #tpu.memory_space<semaphore_mem>>) src(%dma_wait3A_998 : memref<20480x128xf32, #tpu.memory_space<hbm>>) dst(%arg22 : memref<32x128xf32, #tpu.memory_space<vmem>>)
      %dma_wait3A_999 = arith.constant 2 : i32
      %dma_wait3A_1000 = arith.constant 0 : i32
      %dma_wait3A_1001 = tpu.memref_slice %arg17[%dma_wait3A_999, %dma_wait3A_1000] : memref<4x32xi32, #tpu.memory_space<vmem>> -> memref<1x32xi32, #tpu.memory_space<vmem>>
      %dma_wait3A_1002 = tpu.memref_squeeze %dma_wait3A_1001 : memref<1x32xi32, #tpu.memory_space<vmem>> -> memref<32xi32, #tpu.memory_space<vmem>>
      %dma_wait3A_1003 = arith.constant 0 : i32
      %dma_wait3A_1004 = arith.constant 0 : i32
      %dma_wait3A_1005 = tpu.memref_slice %arg2[%dma_wait3A_1003, %dma_wait3A_1004] : memref<20480x128xf32, #tpu.memory_space<hbm>> -> memref<20480x128xf32, #tpu.memory_space<hbm>>
      tpu.wait_indirect_dma semaphore(%arg32 : memref<!tpu.dma_semaphore, #tpu.memory_space<semaphore_mem>>) src(%dma_wait3A_1005 : memref<20480x128xf32, #tpu.memory_space<hbm>>) dst(%arg23 : memref<32x128xf32, #tpu.memory_space<vmem>>)
      %dma_wait3A_1006 = arith.constant 0 : i32
      %dma_wait3A_1007 = tpu.memref_slice %arg3[%add3A_977, %dma_wait3A_1006] : memref<327680x128xf32, #tpu.memory_space<hbm>> -> memref<32x128xf32, #tpu.memory_space<hbm>>
      %dma_wait3A_1008 = arith.constant 0 : i32
      %dma_wait3A_1009 = tpu.memref_slice %arg3[%add3A_977, %dma_wait3A_1008] : memref<327680x128xf32, #tpu.memory_space<hbm>> -> memref<32x128xf32, #tpu.memory_space<hbm>>
      tpu.wait_dma2 semaphore(%arg32 : memref<!tpu.dma_semaphore, #tpu.memory_space<semaphore_mem>>) src(%dma_wait3A_1009 : memref<32x128xf32, #tpu.memory_space<hbm>>) dst(%arg24 : memref<32x128xf32, #tpu.memory_space<vmem>>)
      %add3A_1010 = arith.constant 2 : i32
      %add3A_1011 = arith.addi %add3A_881, %add3A_1010 : i32
      %le3A_1012 = arith.constant 319 : i32
      %le3A_1013 = arith.cmpi sle, %add3A_1011, %le3A_1012 : i32
      %convert_element_type3A_1014 = arith.extui %le3A_1013 : i1 to i32
      %cond3A_1015 = arith.constant 0 : i32
      %cond3A_1016 = arith.cmpi ne, %convert_element_type3A_1014, %cond3A_1015 : i32
      scf.if %cond3A_1016 {
        %add3A_1036 = arith.constant 2 : i32
        %add3A_1037 = arith.addi %add3A_881, %add3A_1036 : i32
        %mul3A_1038 = arith.constant 32 : i32
        %mul3A_1039 = arith.muli %add3A_1037, %mul3A_1038 : i32
        %add3A_1040 = arith.addi %mul3A_15, %mul3A_1039 : i32
        %dma_start3A_1041 = arith.constant 0 : i32
        %dma_start3A_1042 = arith.constant 0 : i32
        %dma_start3A_1043 = tpu.memref_slice %arg17[%dma_start3A_1041, %dma_start3A_1042] : memref<4x32xi32, #tpu.memory_space<vmem>> -> memref<1x32xi32, #tpu.memory_space<vmem>>
        %dma_start3A_1044 = tpu.memref_squeeze %dma_start3A_1043 : memref<1x32xi32, #tpu.memory_space<vmem>> -> memref<32xi32, #tpu.memory_space<vmem>>
        %dma_start3A_1045 = tpu.memref_slice %arg4[%add3A_1040] : memref<327680xi32, #tpu.memory_space<hbm>> -> memref<32xi32, #tpu.memory_space<hbm>>
        %dma_start3A_1046 = arith.constant 0 : i32
        %dma_start3A_1047 = tpu.memref_slice %arg17[%dma_start3A_1041, %dma_start3A_1046] : memref<4x32xi32, #tpu.memory_space<vmem>> -> memref<1x32xi32, #tpu.memory_space<vmem>>
        %dma_start3A_1048 = tpu.memref_squeeze %dma_start3A_1047 : memref<1x32xi32, #tpu.memory_space<vmem>> -> memref<32xi32, #tpu.memory_space<vmem>>
        %dma_start3A_1049 = tpu.memref_slice %arg4[%add3A_1040] : memref<327680xi32, #tpu.memory_space<hbm>> -> memref<32xi32, #tpu.memory_space<hbm>>
        tpu.enqueue_dma source(%dma_start3A_1049 : memref<32xi32, #tpu.memory_space<hbm>>) target(%dma_start3A_1048 : memref<32xi32, #tpu.memory_space<vmem>>) target_semaphore(%arg30 : memref<!tpu.dma_semaphore, #tpu.memory_space<semaphore_mem>>)
        %dma_start3A_1050 = arith.constant 1 : i32
        %dma_start3A_1051 = arith.constant 0 : i32
        %dma_start3A_1052 = tpu.memref_slice %arg17[%dma_start3A_1050, %dma_start3A_1051] : memref<4x32xi32, #tpu.memory_space<vmem>> -> memref<1x32xi32, #tpu.memory_space<vmem>>
        %dma_start3A_1053 = tpu.memref_squeeze %dma_start3A_1052 : memref<1x32xi32, #tpu.memory_space<vmem>> -> memref<32xi32, #tpu.memory_space<vmem>>
        %dma_start3A_1054 = tpu.memref_slice %arg5[%add3A_1040] : memref<327680xi32, #tpu.memory_space<hbm>> -> memref<32xi32, #tpu.memory_space<hbm>>
        %dma_start3A_1055 = arith.constant 0 : i32
        %dma_start3A_1056 = tpu.memref_slice %arg17[%dma_start3A_1050, %dma_start3A_1055] : memref<4x32xi32, #tpu.memory_space<vmem>> -> memref<1x32xi32, #tpu.memory_space<vmem>>
        %dma_start3A_1057 = tpu.memref_squeeze %dma_start3A_1056 : memref<1x32xi32, #tpu.memory_space<vmem>> -> memref<32xi32, #tpu.memory_space<vmem>>
        %dma_start3A_1058 = tpu.memref_slice %arg5[%add3A_1040] : memref<327680xi32, #tpu.memory_space<hbm>> -> memref<32xi32, #tpu.memory_space<hbm>>
        tpu.enqueue_dma source(%dma_start3A_1058 : memref<32xi32, #tpu.memory_space<hbm>>) target(%dma_start3A_1057 : memref<32xi32, #tpu.memory_space<vmem>>) target_semaphore(%arg30 : memref<!tpu.dma_semaphore, #tpu.memory_space<semaphore_mem>>)
        %dma_start3A_1059 = arith.constant 2 : i32
        %dma_start3A_1060 = arith.constant 0 : i32
        %dma_start3A_1061 = tpu.memref_slice %arg17[%dma_start3A_1059, %dma_start3A_1060] : memref<4x32xi32, #tpu.memory_space<vmem>> -> memref<1x32xi32, #tpu.memory_space<vmem>>
        %dma_start3A_1062 = tpu.memref_squeeze %dma_start3A_1061 : memref<1x32xi32, #tpu.memory_space<vmem>> -> memref<32xi32, #tpu.memory_space<vmem>>
        %dma_start3A_1063 = tpu.memref_slice %arg6[%add3A_1040] : memref<327680xi32, #tpu.memory_space<hbm>> -> memref<32xi32, #tpu.memory_space<hbm>>
        %dma_start3A_1064 = arith.constant 0 : i32
        %dma_start3A_1065 = tpu.memref_slice %arg17[%dma_start3A_1059, %dma_start3A_1064] : memref<4x32xi32, #tpu.memory_space<vmem>> -> memref<1x32xi32, #tpu.memory_space<vmem>>
        %dma_start3A_1066 = tpu.memref_squeeze %dma_start3A_1065 : memref<1x32xi32, #tpu.memory_space<vmem>> -> memref<32xi32, #tpu.memory_space<vmem>>
        %dma_start3A_1067 = tpu.memref_slice %arg6[%add3A_1040] : memref<327680xi32, #tpu.memory_space<hbm>> -> memref<32xi32, #tpu.memory_space<hbm>>
        tpu.enqueue_dma source(%dma_start3A_1067 : memref<32xi32, #tpu.memory_space<hbm>>) target(%dma_start3A_1066 : memref<32xi32, #tpu.memory_space<vmem>>) target_semaphore(%arg30 : memref<!tpu.dma_semaphore, #tpu.memory_space<semaphore_mem>>)
        %dma_start3A_1068 = arith.constant 3 : i32
        %dma_start3A_1069 = arith.constant 0 : i32
        %dma_start3A_1070 = tpu.memref_slice %arg17[%dma_start3A_1068, %dma_start3A_1069] : memref<4x32xi32, #tpu.memory_space<vmem>> -> memref<1x32xi32, #tpu.memory_space<vmem>>
        %dma_start3A_1071 = tpu.memref_squeeze %dma_start3A_1070 : memref<1x32xi32, #tpu.memory_space<vmem>> -> memref<32xi32, #tpu.memory_space<vmem>>
        %dma_start3A_1072 = tpu.memref_slice %arg7[%add3A_1040] : memref<327680xi32, #tpu.memory_space<hbm>> -> memref<32xi32, #tpu.memory_space<hbm>>
        %dma_start3A_1073 = arith.constant 0 : i32
        %dma_start3A_1074 = tpu.memref_slice %arg17[%dma_start3A_1068, %dma_start3A_1073] : memref<4x32xi32, #tpu.memory_space<vmem>> -> memref<1x32xi32, #tpu.memory_space<vmem>>
        %dma_start3A_1075 = tpu.memref_squeeze %dma_start3A_1074 : memref<1x32xi32, #tpu.memory_space<vmem>> -> memref<32xi32, #tpu.memory_space<vmem>>
        %dma_start3A_1076 = tpu.memref_slice %arg7[%add3A_1040] : memref<327680xi32, #tpu.memory_space<hbm>> -> memref<32xi32, #tpu.memory_space<hbm>>
        tpu.enqueue_dma source(%dma_start3A_1076 : memref<32xi32, #tpu.memory_space<hbm>>) target(%dma_start3A_1075 : memref<32xi32, #tpu.memory_space<vmem>>) target_semaphore(%arg30 : memref<!tpu.dma_semaphore, #tpu.memory_space<semaphore_mem>>)
      } else {
      }
      %scan3A_1017 = arith.constant 0 : i32
      %scan3A_1018 = arith.constant 0 : i32
      %scan3A_1019 = arith.constant 32 : i32
      %scan3A_1020 = arith.addi %scan3A_1018, %scan3A_1019 : i32
      %scan3A_1021 = arith.constant 1 : i32
      scf.for %scan3A_1036 = %scan3A_1018 to %scan3A_1020 step %scan3A_1021  : i32 {
        %get3A = arith.index_cast %scan3A_1036 : i32 to index
        %get3A_1037 = arith.constant 0 : index
        %get3A_1038 = tpu.vector_load %arg20[%get3A, %get3A_1037] {strides = array<i32>} : memref<32x128xf32, #tpu.memory_space<vmem>>, vector<1x16xf32>,
        %get3A_1039 = vector.shape_cast %get3A_1038 : vector<1x16xf32> to vector<16xf32>
        %get3A_1040 = arith.index_cast %scan3A_1036 : i32 to index
        %get3A_1041 = arith.constant 0 : index
        %get3A_1042 = tpu.vector_load %arg21[%get3A_1040, %get3A_1041] {strides = array<i32>} : memref<32x128xf32, #tpu.memory_space<vmem>>, vector<1x16xf32>,
        %get3A_1043 = vector.shape_cast %get3A_1042 : vector<1x16xf32> to vector<16xf32>
        %get3A_1044 = arith.index_cast %scan3A_1036 : i32 to index
        %get3A_1045 = arith.constant 0 : index
        %get3A_1046 = tpu.vector_load %arg22[%get3A_1044, %get3A_1045] {strides = array<i32>} : memref<32x128xf32, #tpu.memory_space<vmem>>, vector<1x16xf32>,
        %get3A_1047 = vector.shape_cast %get3A_1046 : vector<1x16xf32> to vector<16xf32>
        %get3A_1048 = arith.index_cast %scan3A_1036 : i32 to index
        %get3A_1049 = arith.constant 0 : index
        %get3A_1050 = tpu.vector_load %arg23[%get3A_1048, %get3A_1049] {strides = array<i32>} : memref<32x128xf32, #tpu.memory_space<vmem>>, vector<1x16xf32>,
        %get3A_1051 = vector.shape_cast %get3A_1050 : vector<1x16xf32> to vector<16xf32>
        %get3A_1052 = arith.index_cast %scan3A_1036 : i32 to index
        %get3A_1053 = arith.constant 0 : index
        %get3A_1054 = tpu.vector_load %arg24[%get3A_1052, %get3A_1053] {strides = array<i32>} : memref<32x128xf32, #tpu.memory_space<vmem>>, vector<1x16xf32>,
        %get3A_1055 = vector.shape_cast %get3A_1054 : vector<1x16xf32> to vector<16xf32>
        %add3A_1056 = arith.addf %get3A_1039, %get3A_1043 : vector<16xf32>
        %add3A_1057 = arith.addf %add3A_1056, %get3A_1055 : vector<16xf32>
        %add3A_1058 = arith.addf %get3A_1051, %get3A_1047 : vector<16xf32>
        %add3A_1059 = arith.addf %add3A_1058, %get3A_1055 : vector<16xf32>
        %mul3A_1060 = arith.constant 0.00999999977 : f32
        %mul3A_1061 = vector.broadcast %mul3A_1060 : f32 to vector<16xf32>
        %mul3A_1062 = arith.mulf %mul3A_1061, %add3A_1057 : vector<16xf32>
        %max3A = arith.maximumf %add3A_1057, %mul3A_1062 : vector<16xf32>
        %swap3A = arith.index_cast %scan3A_1036 : i32 to index
        %swap3A_1063 = arith.constant 0 : index
        %swap3A_1064 = tpu.vector_load %arg20[%swap3A, %swap3A_1063] {strides = array<i32>} : memref<32x128xf32, #tpu.memory_space<vmem>>, vector<1x16xf32>,
        %swap3A_1065 = vector.shape_cast %swap3A_1064 : vector<1x16xf32> to vector<16xf32>
        %swap3A_1066 = vector.shape_cast %max3A : vector<16xf32> to vector<1x16xf32>
        tpu.vector_store %arg20[%swap3A, %swap3A_1063], %swap3A_1066 {strides = array<i32>} : memref<32x128xf32, #tpu.memory_space<vmem>>, vector<1x16xf32>,
        %mul3A_1067 = arith.constant 0.00999999977 : f32
        %mul3A_1068 = vector.broadcast %mul3A_1067 : f32 to vector<16xf32>
        %mul3A_1069 = arith.mulf %mul3A_1068, %add3A_1059 : vector<16xf32>
        %max3A_1070 = arith.maximumf %add3A_1059, %mul3A_1069 : vector<16xf32>
        %swap3A_1071 = arith.index_cast %scan3A_1036 : i32 to index
        %swap3A_1072 = arith.constant 0 : index
        %swap3A_1073 = tpu.vector_load %arg23[%swap3A_1071, %swap3A_1072] {strides = array<i32>} : memref<32x128xf32, #tpu.memory_space<vmem>>, vector<1x16xf32>,
        %swap3A_1074 = vector.shape_cast %swap3A_1073 : vector<1x16xf32> to vector<16xf32>
        %swap3A_1075 = vector.shape_cast %max3A_1070 : vector<16xf32> to vector<1x16xf32>
        tpu.vector_store %arg23[%swap3A_1071, %swap3A_1072], %swap3A_1075 {strides = array<i32>} : memref<32x128xf32, #tpu.memory_space<vmem>>, vector<1x16xf32>,
        %get3A_1076 = arith.index_cast %scan3A_1036 : i32 to index
        %get3A_1077 = arith.constant 16 : index
        %get3A_1078 = tpu.vector_load %arg20[%get3A_1076, %get3A_1077] {strides = array<i32>} : memref<32x128xf32, #tpu.memory_space<vmem>>, vector<1x16xf32>,
        %get3A_1079 = vector.shape_cast %get3A_1078 : vector<1x16xf32> to vector<16xf32>
        %get3A_1080 = arith.index_cast %scan3A_1036 : i32 to index
        %get3A_1081 = arith.constant 16 : index
        %get3A_1082 = tpu.vector_load %arg21[%get3A_1080, %get3A_1081] {strides = array<i32>} : memref<32x128xf32, #tpu.memory_space<vmem>>, vector<1x16xf32>,
        %get3A_1083 = vector.shape_cast %get3A_1082 : vector<1x16xf32> to vector<16xf32>
        %get3A_1084 = arith.index_cast %scan3A_1036 : i32 to index
        %get3A_1085 = arith.constant 16 : index
        %get3A_1086 = tpu.vector_load %arg22[%get3A_1084, %get3A_1085] {strides = array<i32>} : memref<32x128xf32, #tpu.memory_space<vmem>>, vector<1x16xf32>,
        %get3A_1087 = vector.shape_cast %get3A_1086 : vector<1x16xf32> to vector<16xf32>
        %get3A_1088 = arith.index_cast %scan3A_1036 : i32 to index
        %get3A_1089 = arith.constant 16 : index
        %get3A_1090 = tpu.vector_load %arg23[%get3A_1088, %get3A_1089] {strides = array<i32>} : memref<32x128xf32, #tpu.memory_space<vmem>>, vector<1x16xf32>,
        %get3A_1091 = vector.shape_cast %get3A_1090 : vector<1x16xf32> to vector<16xf32>
        %get3A_1092 = arith.index_cast %scan3A_1036 : i32 to index
        %get3A_1093 = arith.constant 16 : index
        %get3A_1094 = tpu.vector_load %arg24[%get3A_1092, %get3A_1093] {strides = array<i32>} : memref<32x128xf32, #tpu.memory_space<vmem>>, vector<1x16xf32>,
        %get3A_1095 = vector.shape_cast %get3A_1094 : vector<1x16xf32> to vector<16xf32>
        %add3A_1096 = arith.addf %get3A_1079, %get3A_1083 : vector<16xf32>
        %add3A_1097 = arith.addf %add3A_1096, %get3A_1095 : vector<16xf32>
        %add3A_1098 = arith.addf %get3A_1091, %get3A_1087 : vector<16xf32>
        %add3A_1099 = arith.addf %add3A_1098, %get3A_1095 : vector<16xf32>
        %mul3A_1100 = arith.constant 0.00999999977 : f32
        %mul3A_1101 = vector.broadcast %mul3A_1100 : f32 to vector<16xf32>
        %mul3A_1102 = arith.mulf %mul3A_1101, %add3A_1097 : vector<16xf32>
        %max3A_1103 = arith.maximumf %add3A_1097, %mul3A_1102 : vector<16xf32>
        %swap3A_1104 = arith.index_cast %scan3A_1036 : i32 to index
        %swap3A_1105 = arith.constant 16 : index
        %swap3A_1106 = tpu.vector_load %arg20[%swap3A_1104, %swap3A_1105] {strides = array<i32>} : memref<32x128xf32, #tpu.memory_space<vmem>>, vector<1x16xf32>,
        %swap3A_1107 = vector.shape_cast %swap3A_1106 : vector<1x16xf32> to vector<16xf32>
        %swap3A_1108 = vector.shape_cast %max3A_1103 : vector<16xf32> to vector<1x16xf32>
        tpu.vector_store %arg20[%swap3A_1104, %swap3A_1105], %swap3A_1108 {strides = array<i32>} : memref<32x128xf32, #tpu.memory_space<vmem>>, vector<1x16xf32>,
        %mul3A_1109 = arith.constant 0.00999999977 : f32
        %mul3A_1110 = vector.broadcast %mul3A_1109 : f32 to vector<16xf32>
        %mul3A_1111 = arith.mulf %mul3A_1110, %add3A_1099 : vector<16xf32>
        %max3A_1112 = arith.maximumf %add3A_1099, %mul3A_1111 : vector<16xf32>
        %swap3A_1113 = arith.index_cast %scan3A_1036 : i32 to index
        %swap3A_1114 = arith.constant 16 : index
        %swap3A_1115 = tpu.vector_load %arg23[%swap3A_1113, %swap3A_1114] {strides = array<i32>} : memref<32x128xf32, #tpu.memory_space<vmem>>, vector<1x16xf32>,
        %swap3A_1116 = vector.shape_cast %swap3A_1115 : vector<1x16xf32> to vector<16xf32>
        %swap3A_1117 = vector.shape_cast %max3A_1112 : vector<16xf32> to vector<1x16xf32>
        tpu.vector_store %arg23[%swap3A_1113, %swap3A_1114], %swap3A_1117 {strides = array<i32>} : memref<32x128xf32, #tpu.memory_space<vmem>>, vector<1x16xf32>,
        %get3A_1118 = arith.index_cast %scan3A_1036 : i32 to index
        %get3A_1119 = arith.constant 32 : index
        %get3A_1120 = tpu.vector_load %arg20[%get3A_1118, %get3A_1119] {strides = array<i32>} : memref<32x128xf32, #tpu.memory_space<vmem>>, vector<1x16xf32>,
        %get3A_1121 = vector.shape_cast %get3A_1120 : vector<1x16xf32> to vector<16xf32>
        %get3A_1122 = arith.index_cast %scan3A_1036 : i32 to index
        %get3A_1123 = arith.constant 32 : index
        %get3A_1124 = tpu.vector_load %arg21[%get3A_1122, %get3A_1123] {strides = array<i32>} : memref<32x128xf32, #tpu.memory_space<vmem>>, vector<1x16xf32>,
        %get3A_1125 = vector.shape_cast %get3A_1124 : vector<1x16xf32> to vector<16xf32>
        %get3A_1126 = arith.index_cast %scan3A_1036 : i32 to index
        %get3A_1127 = arith.constant 32 : index
        %get3A_1128 = tpu.vector_load %arg22[%get3A_1126, %get3A_1127] {strides = array<i32>} : memref<32x128xf32, #tpu.memory_space<vmem>>, vector<1x16xf32>,
        %get3A_1129 = vector.shape_cast %get3A_1128 : vector<1x16xf32> to vector<16xf32>
        %get3A_1130 = arith.index_cast %scan3A_1036 : i32 to index
        %get3A_1131 = arith.constant 32 : index
        %get3A_1132 = tpu.vector_load %arg23[%get3A_1130, %get3A_1131] {strides = array<i32>} : memref<32x128xf32, #tpu.memory_space<vmem>>, vector<1x16xf32>,
        %get3A_1133 = vector.shape_cast %get3A_1132 : vector<1x16xf32> to vector<16xf32>
        %get3A_1134 = arith.index_cast %scan3A_1036 : i32 to index
        %get3A_1135 = arith.constant 32 : index
        %get3A_1136 = tpu.vector_load %arg24[%get3A_1134, %get3A_1135] {strides = array<i32>} : memref<32x128xf32, #tpu.memory_space<vmem>>, vector<1x16xf32>,
        %get3A_1137 = vector.shape_cast %get3A_1136 : vector<1x16xf32> to vector<16xf32>
        %add3A_1138 = arith.addf %get3A_1121, %get3A_1125 : vector<16xf32>
        %add3A_1139 = arith.addf %add3A_1138, %get3A_1137 : vector<16xf32>
        %add3A_1140 = arith.addf %get3A_1133, %get3A_1129 : vector<16xf32>
        %add3A_1141 = arith.addf %add3A_1140, %get3A_1137 : vector<16xf32>
        %mul3A_1142 = arith.constant 0.00999999977 : f32
        %mul3A_1143 = vector.broadcast %mul3A_1142 : f32 to vector<16xf32>
        %mul3A_1144 = arith.mulf %mul3A_1143, %add3A_1139 : vector<16xf32>
        %max3A_1145 = arith.maximumf %add3A_1139, %mul3A_1144 : vector<16xf32>
        %swap3A_1146 = arith.index_cast %scan3A_1036 : i32 to index
        %swap3A_1147 = arith.constant 32 : index
        %swap3A_1148 = tpu.vector_load %arg20[%swap3A_1146, %swap3A_1147] {strides = array<i32>} : memref<32x128xf32, #tpu.memory_space<vmem>>, vector<1x16xf32>,
        %swap3A_1149 = vector.shape_cast %swap3A_1148 : vector<1x16xf32> to vector<16xf32>
        %swap3A_1150 = vector.shape_cast %max3A_1145 : vector<16xf32> to vector<1x16xf32>
        tpu.vector_store %arg20[%swap3A_1146, %swap3A_1147], %swap3A_1150 {strides = array<i32>} : memref<32x128xf32, #tpu.memory_space<vmem>>, vector<1x16xf32>,
        %mul3A_1151 = arith.constant 0.00999999977 : f32
        %mul3A_1152 = vector.broadcast %mul3A_1151 : f32 to vector<16xf32>
        %mul3A_1153 = arith.mulf %mul3A_1152, %add3A_1141 : vector<16xf32>
        %max3A_1154 = arith.maximumf %add3A_1141, %mul3A_1153 : vector<16xf32>
        %swap3A_1155 = arith.index_cast %scan3A_1036 : i32 to index
        %swap3A_1156 = arith.constant 32 : index
        %swap3A_1157 = tpu.vector_load %arg23[%swap3A_1155, %swap3A_1156] {strides = array<i32>} : memref<32x128xf32, #tpu.memory_space<vmem>>, vector<1x16xf32>,
        %swap3A_1158 = vector.shape_cast %swap3A_1157 : vector<1x16xf32> to vector<16xf32>
        %swap3A_1159 = vector.shape_cast %max3A_1154 : vector<16xf32> to vector<1x16xf32>
        tpu.vector_store %arg23[%swap3A_1155, %swap3A_1156], %swap3A_1159 {strides = array<i32>} : memref<32x128xf32, #tpu.memory_space<vmem>>, vector<1x16xf32>,
        %get3A_1160 = arith.index_cast %scan3A_1036 : i32 to index
        %get3A_1161 = arith.constant 48 : index
        %get3A_1162 = tpu.vector_load %arg20[%get3A_1160, %get3A_1161] {strides = array<i32>} : memref<32x128xf32, #tpu.memory_space<vmem>>, vector<1x16xf32>,
        %get3A_1163 = vector.shape_cast %get3A_1162 : vector<1x16xf32> to vector<16xf32>
        %get3A_1164 = arith.index_cast %scan3A_1036 : i32 to index
        %get3A_1165 = arith.constant 48 : index
        %get3A_1166 = tpu.vector_load %arg21[%get3A_1164, %get3A_1165] {strides = array<i32>} : memref<32x128xf32, #tpu.memory_space<vmem>>, vector<1x16xf32>,
        %get3A_1167 = vector.shape_cast %get3A_1166 : vector<1x16xf32> to vector<16xf32>
        %get3A_1168 = arith.index_cast %scan3A_1036 : i32 to index
        %get3A_1169 = arith.constant 48 : index
        %get3A_1170 = tpu.vector_load %arg22[%get3A_1168, %get3A_1169] {strides = array<i32>} : memref<32x128xf32, #tpu.memory_space<vmem>>, vector<1x16xf32>,
        %get3A_1171 = vector.shape_cast %get3A_1170 : vector<1x16xf32> to vector<16xf32>
        %get3A_1172 = arith.index_cast %scan3A_1036 : i32 to index
        %get3A_1173 = arith.constant 48 : index
        %get3A_1174 = tpu.vector_load %arg23[%get3A_1172, %get3A_1173] {strides = array<i32>} : memref<32x128xf32, #tpu.memory_space<vmem>>, vector<1x16xf32>,
        %get3A_1175 = vector.shape_cast %get3A_1174 : vector<1x16xf32> to vector<16xf32>
        %get3A_1176 = arith.index_cast %scan3A_1036 : i32 to index
        %get3A_1177 = arith.constant 48 : index
        %get3A_1178 = tpu.vector_load %arg24[%get3A_1176, %get3A_1177] {strides = array<i32>} : memref<32x128xf32, #tpu.memory_space<vmem>>, vector<1x16xf32>,
        %get3A_1179 = vector.shape_cast %get3A_1178 : vector<1x16xf32> to vector<16xf32>
        %add3A_1180 = arith.addf %get3A_1163, %get3A_1167 : vector<16xf32>
        %add3A_1181 = arith.addf %add3A_1180, %get3A_1179 : vector<16xf32>
        %add3A_1182 = arith.addf %get3A_1175, %get3A_1171 : vector<16xf32>
        %add3A_1183 = arith.addf %add3A_1182, %get3A_1179 : vector<16xf32>
        %mul3A_1184 = arith.constant 0.00999999977 : f32
        %mul3A_1185 = vector.broadcast %mul3A_1184 : f32 to vector<16xf32>
        %mul3A_1186 = arith.mulf %mul3A_1185, %add3A_1181 : vector<16xf32>
        %max3A_1187 = arith.maximumf %add3A_1181, %mul3A_1186 : vector<16xf32>
        %swap3A_1188 = arith.index_cast %scan3A_1036 : i32 to index
        %swap3A_1189 = arith.constant 48 : index
        %swap3A_1190 = tpu.vector_load %arg20[%swap3A_1188, %swap3A_1189] {strides = array<i32>} : memref<32x128xf32, #tpu.memory_space<vmem>>, vector<1x16xf32>,
        %swap3A_1191 = vector.shape_cast %swap3A_1190 : vector<1x16xf32> to vector<16xf32>
        %swap3A_1192 = vector.shape_cast %max3A_1187 : vector<16xf32> to vector<1x16xf32>
        tpu.vector_store %arg20[%swap3A_1188, %swap3A_1189], %swap3A_1192 {strides = array<i32>} : memref<32x128xf32, #tpu.memory_space<vmem>>, vector<1x16xf32>,
        %mul3A_1193 = arith.constant 0.00999999977 : f32
        %mul3A_1194 = vector.broadcast %mul3A_1193 : f32 to vector<16xf32>
        %mul3A_1195 = arith.mulf %mul3A_1194, %add3A_1183 : vector<16xf32>
        %max3A_1196 = arith.maximumf %add3A_1183, %mul3A_1195 : vector<16xf32>
        %swap3A_1197 = arith.index_cast %scan3A_1036 : i32 to index
        %swap3A_1198 = arith.constant 48 : index
        %swap3A_1199 = tpu.vector_load %arg23[%swap3A_1197, %swap3A_1198] {strides = array<i32>} : memref<32x128xf32, #tpu.memory_space<vmem>>, vector<1x16xf32>,
        %swap3A_1200 = vector.shape_cast %swap3A_1199 : vector<1x16xf32> to vector<16xf32>
        %swap3A_1201 = vector.shape_cast %max3A_1196 : vector<16xf32> to vector<1x16xf32>
        tpu.vector_store %arg23[%swap3A_1197, %swap3A_1198], %swap3A_1201 {strides = array<i32>} : memref<32x128xf32, #tpu.memory_space<vmem>>, vector<1x16xf32>,
        %get3A_1202 = arith.index_cast %scan3A_1036 : i32 to index
        %get3A_1203 = arith.constant 64 : index
        %get3A_1204 = tpu.vector_load %arg20[%get3A_1202, %get3A_1203] {strides = array<i32>} : memref<32x128xf32, #tpu.memory_space<vmem>>, vector<1x16xf32>,
        %get3A_1205 = vector.shape_cast %get3A_1204 : vector<1x16xf32> to vector<16xf32>
        %get3A_1206 = arith.index_cast %scan3A_1036 : i32 to index
        %get3A_1207 = arith.constant 64 : index
        %get3A_1208 = tpu.vector_load %arg21[%get3A_1206, %get3A_1207] {strides = array<i32>} : memref<32x128xf32, #tpu.memory_space<vmem>>, vector<1x16xf32>,
        %get3A_1209 = vector.shape_cast %get3A_1208 : vector<1x16xf32> to vector<16xf32>
        %get3A_1210 = arith.index_cast %scan3A_1036 : i32 to index
        %get3A_1211 = arith.constant 64 : index
        %get3A_1212 = tpu.vector_load %arg22[%get3A_1210, %get3A_1211] {strides = array<i32>} : memref<32x128xf32, #tpu.memory_space<vmem>>, vector<1x16xf32>,
        %get3A_1213 = vector.shape_cast %get3A_1212 : vector<1x16xf32> to vector<16xf32>
        %get3A_1214 = arith.index_cast %scan3A_1036 : i32 to index
        %get3A_1215 = arith.constant 64 : index
        %get3A_1216 = tpu.vector_load %arg23[%get3A_1214, %get3A_1215] {strides = array<i32>} : memref<32x128xf32, #tpu.memory_space<vmem>>, vector<1x16xf32>,
        %get3A_1217 = vector.shape_cast %get3A_1216 : vector<1x16xf32> to vector<16xf32>
        %get3A_1218 = arith.index_cast %scan3A_1036 : i32 to index
        %get3A_1219 = arith.constant 64 : index
        %get3A_1220 = tpu.vector_load %arg24[%get3A_1218, %get3A_1219] {strides = array<i32>} : memref<32x128xf32, #tpu.memory_space<vmem>>, vector<1x16xf32>,
        %get3A_1221 = vector.shape_cast %get3A_1220 : vector<1x16xf32> to vector<16xf32>
        %add3A_1222 = arith.addf %get3A_1205, %get3A_1209 : vector<16xf32>
        %add3A_1223 = arith.addf %add3A_1222, %get3A_1221 : vector<16xf32>
        %add3A_1224 = arith.addf %get3A_1217, %get3A_1213 : vector<16xf32>
        %add3A_1225 = arith.addf %add3A_1224, %get3A_1221 : vector<16xf32>
        %mul3A_1226 = arith.constant 0.00999999977 : f32
        %mul3A_1227 = vector.broadcast %mul3A_1226 : f32 to vector<16xf32>
        %mul3A_1228 = arith.mulf %mul3A_1227, %add3A_1223 : vector<16xf32>
        %max3A_1229 = arith.maximumf %add3A_1223, %mul3A_1228 : vector<16xf32>
        %swap3A_1230 = arith.index_cast %scan3A_1036 : i32 to index
        %swap3A_1231 = arith.constant 64 : index
        %swap3A_1232 = tpu.vector_load %arg20[%swap3A_1230, %swap3A_1231] {strides = array<i32>} : memref<32x128xf32, #tpu.memory_space<vmem>>, vector<1x16xf32>,
        %swap3A_1233 = vector.shape_cast %swap3A_1232 : vector<1x16xf32> to vector<16xf32>
        %swap3A_1234 = vector.shape_cast %max3A_1229 : vector<16xf32> to vector<1x16xf32>
        tpu.vector_store %arg20[%swap3A_1230, %swap3A_1231], %swap3A_1234 {strides = array<i32>} : memref<32x128xf32, #tpu.memory_space<vmem>>, vector<1x16xf32>,
        %mul3A_1235 = arith.constant 0.00999999977 : f32
        %mul3A_1236 = vector.broadcast %mul3A_1235 : f32 to vector<16xf32>
        %mul3A_1237 = arith.mulf %mul3A_1236, %add3A_1225 : vector<16xf32>
        %max3A_1238 = arith.maximumf %add3A_1225, %mul3A_1237 : vector<16xf32>
        %swap3A_1239 = arith.index_cast %scan3A_1036 : i32 to index
        %swap3A_1240 = arith.constant 64 : index
        %swap3A_1241 = tpu.vector_load %arg23[%swap3A_1239, %swap3A_1240] {strides = array<i32>} : memref<32x128xf32, #tpu.memory_space<vmem>>, vector<1x16xf32>,
        %swap3A_1242 = vector.shape_cast %swap3A_1241 : vector<1x16xf32> to vector<16xf32>
        %swap3A_1243 = vector.shape_cast %max3A_1238 : vector<16xf32> to vector<1x16xf32>
        tpu.vector_store %arg23[%swap3A_1239, %swap3A_1240], %swap3A_1243 {strides = array<i32>} : memref<32x128xf32, #tpu.memory_space<vmem>>, vector<1x16xf32>,
        %get3A_1244 = arith.index_cast %scan3A_1036 : i32 to index
        %get3A_1245 = arith.constant 80 : index
        %get3A_1246 = tpu.vector_load %arg20[%get3A_1244, %get3A_1245] {strides = array<i32>} : memref<32x128xf32, #tpu.memory_space<vmem>>, vector<1x16xf32>,
        %get3A_1247 = vector.shape_cast %get3A_1246 : vector<1x16xf32> to vector<16xf32>
        %get3A_1248 = arith.index_cast %scan3A_1036 : i32 to index
        %get3A_1249 = arith.constant 80 : index
        %get3A_1250 = tpu.vector_load %arg21[%get3A_1248, %get3A_1249] {strides = array<i32>} : memref<32x128xf32, #tpu.memory_space<vmem>>, vector<1x16xf32>,
        %get3A_1251 = vector.shape_cast %get3A_1250 : vector<1x16xf32> to vector<16xf32>
        %get3A_1252 = arith.index_cast %scan3A_1036 : i32 to index
        %get3A_1253 = arith.constant 80 : index
        %get3A_1254 = tpu.vector_load %arg22[%get3A_1252, %get3A_1253] {strides = array<i32>} : memref<32x128xf32, #tpu.memory_space<vmem>>, vector<1x16xf32>,
        %get3A_1255 = vector.shape_cast %get3A_1254 : vector<1x16xf32> to vector<16xf32>
        %get3A_1256 = arith.index_cast %scan3A_1036 : i32 to index
        %get3A_1257 = arith.constant 80 : index
        %get3A_1258 = tpu.vector_load %arg23[%get3A_1256, %get3A_1257] {strides = array<i32>} : memref<32x128xf32, #tpu.memory_space<vmem>>, vector<1x16xf32>,
        %get3A_1259 = vector.shape_cast %get3A_1258 : vector<1x16xf32> to vector<16xf32>
        %get3A_1260 = arith.index_cast %scan3A_1036 : i32 to index
        %get3A_1261 = arith.constant 80 : index
        %get3A_1262 = tpu.vector_load %arg24[%get3A_1260, %get3A_1261] {strides = array<i32>} : memref<32x128xf32, #tpu.memory_space<vmem>>, vector<1x16xf32>,
        %get3A_1263 = vector.shape_cast %get3A_1262 : vector<1x16xf32> to vector<16xf32>
        %add3A_1264 = arith.addf %get3A_1247, %get3A_1251 : vector<16xf32>
        %add3A_1265 = arith.addf %add3A_1264, %get3A_1263 : vector<16xf32>
        %add3A_1266 = arith.addf %get3A_1259, %get3A_1255 : vector<16xf32>
        %add3A_1267 = arith.addf %add3A_1266, %get3A_1263 : vector<16xf32>
        %mul3A_1268 = arith.constant 0.00999999977 : f32
        %mul3A_1269 = vector.broadcast %mul3A_1268 : f32 to vector<16xf32>
        %mul3A_1270 = arith.mulf %mul3A_1269, %add3A_1265 : vector<16xf32>
        %max3A_1271 = arith.maximumf %add3A_1265, %mul3A_1270 : vector<16xf32>
        %swap3A_1272 = arith.index_cast %scan3A_1036 : i32 to index
        %swap3A_1273 = arith.constant 80 : index
        %swap3A_1274 = tpu.vector_load %arg20[%swap3A_1272, %swap3A_1273] {strides = array<i32>} : memref<32x128xf32, #tpu.memory_space<vmem>>, vector<1x16xf32>,
        %swap3A_1275 = vector.shape_cast %swap3A_1274 : vector<1x16xf32> to vector<16xf32>
        %swap3A_1276 = vector.shape_cast %max3A_1271 : vector<16xf32> to vector<1x16xf32>
        tpu.vector_store %arg20[%swap3A_1272, %swap3A_1273], %swap3A_1276 {strides = array<i32>} : memref<32x128xf32, #tpu.memory_space<vmem>>, vector<1x16xf32>,
        %mul3A_1277 = arith.constant 0.00999999977 : f32
        %mul3A_1278 = vector.broadcast %mul3A_1277 : f32 to vector<16xf32>
        %mul3A_1279 = arith.mulf %mul3A_1278, %add3A_1267 : vector<16xf32>
        %max3A_1280 = arith.maximumf %add3A_1267, %mul3A_1279 : vector<16xf32>
        %swap3A_1281 = arith.index_cast %scan3A_1036 : i32 to index
        %swap3A_1282 = arith.constant 80 : index
        %swap3A_1283 = tpu.vector_load %arg23[%swap3A_1281, %swap3A_1282] {strides = array<i32>} : memref<32x128xf32, #tpu.memory_space<vmem>>, vector<1x16xf32>,
        %swap3A_1284 = vector.shape_cast %swap3A_1283 : vector<1x16xf32> to vector<16xf32>
        %swap3A_1285 = vector.shape_cast %max3A_1280 : vector<16xf32> to vector<1x16xf32>
        tpu.vector_store %arg23[%swap3A_1281, %swap3A_1282], %swap3A_1285 {strides = array<i32>} : memref<32x128xf32, #tpu.memory_space<vmem>>, vector<1x16xf32>,
        %get3A_1286 = arith.index_cast %scan3A_1036 : i32 to index
        %get3A_1287 = arith.constant 96 : index
        %get3A_1288 = tpu.vector_load %arg20[%get3A_1286, %get3A_1287] {strides = array<i32>} : memref<32x128xf32, #tpu.memory_space<vmem>>, vector<1x16xf32>,
        %get3A_1289 = vector.shape_cast %get3A_1288 : vector<1x16xf32> to vector<16xf32>
        %get3A_1290 = arith.index_cast %scan3A_1036 : i32 to index
        %get3A_1291 = arith.constant 96 : index
        %get3A_1292 = tpu.vector_load %arg21[%get3A_1290, %get3A_1291] {strides = array<i32>} : memref<32x128xf32, #tpu.memory_space<vmem>>, vector<1x16xf32>,
        %get3A_1293 = vector.shape_cast %get3A_1292 : vector<1x16xf32> to vector<16xf32>
        %get3A_1294 = arith.index_cast %scan3A_1036 : i32 to index
        %get3A_1295 = arith.constant 96 : index
        %get3A_1296 = tpu.vector_load %arg22[%get3A_1294, %get3A_1295] {strides = array<i32>} : memref<32x128xf32, #tpu.memory_space<vmem>>, vector<1x16xf32>,
        %get3A_1297 = vector.shape_cast %get3A_1296 : vector<1x16xf32> to vector<16xf32>
        %get3A_1298 = arith.index_cast %scan3A_1036 : i32 to index
        %get3A_1299 = arith.constant 96 : index
        %get3A_1300 = tpu.vector_load %arg23[%get3A_1298, %get3A_1299] {strides = array<i32>} : memref<32x128xf32, #tpu.memory_space<vmem>>, vector<1x16xf32>,
        %get3A_1301 = vector.shape_cast %get3A_1300 : vector<1x16xf32> to vector<16xf32>
        %get3A_1302 = arith.index_cast %scan3A_1036 : i32 to index
        %get3A_1303 = arith.constant 96 : index
        %get3A_1304 = tpu.vector_load %arg24[%get3A_1302, %get3A_1303] {strides = array<i32>} : memref<32x128xf32, #tpu.memory_space<vmem>>, vector<1x16xf32>,
        %get3A_1305 = vector.shape_cast %get3A_1304 : vector<1x16xf32> to vector<16xf32>
        %add3A_1306 = arith.addf %get3A_1289, %get3A_1293 : vector<16xf32>
        %add3A_1307 = arith.addf %add3A_1306, %get3A_1305 : vector<16xf32>
        %add3A_1308 = arith.addf %get3A_1301, %get3A_1297 : vector<16xf32>
        %add3A_1309 = arith.addf %add3A_1308, %get3A_1305 : vector<16xf32>
        %mul3A_1310 = arith.constant 0.00999999977 : f32
        %mul3A_1311 = vector.broadcast %mul3A_1310 : f32 to vector<16xf32>
        %mul3A_1312 = arith.mulf %mul3A_1311, %add3A_1307 : vector<16xf32>
        %max3A_1313 = arith.maximumf %add3A_1307, %mul3A_1312 : vector<16xf32>
        %swap3A_1314 = arith.index_cast %scan3A_1036 : i32 to index
        %swap3A_1315 = arith.constant 96 : index
        %swap3A_1316 = tpu.vector_load %arg20[%swap3A_1314, %swap3A_1315] {strides = array<i32>} : memref<32x128xf32, #tpu.memory_space<vmem>>, vector<1x16xf32>,
        %swap3A_1317 = vector.shape_cast %swap3A_1316 : vector<1x16xf32> to vector<16xf32>
        %swap3A_1318 = vector.shape_cast %max3A_1313 : vector<16xf32> to vector<1x16xf32>
        tpu.vector_store %arg20[%swap3A_1314, %swap3A_1315], %swap3A_1318 {strides = array<i32>} : memref<32x128xf32, #tpu.memory_space<vmem>>, vector<1x16xf32>,
        %mul3A_1319 = arith.constant 0.00999999977 : f32
        %mul3A_1320 = vector.broadcast %mul3A_1319 : f32 to vector<16xf32>
        %mul3A_1321 = arith.mulf %mul3A_1320, %add3A_1309 : vector<16xf32>
        %max3A_1322 = arith.maximumf %add3A_1309, %mul3A_1321 : vector<16xf32>
        %swap3A_1323 = arith.index_cast %scan3A_1036 : i32 to index
        %swap3A_1324 = arith.constant 96 : index
        %swap3A_1325 = tpu.vector_load %arg23[%swap3A_1323, %swap3A_1324] {strides = array<i32>} : memref<32x128xf32, #tpu.memory_space<vmem>>, vector<1x16xf32>,
        %swap3A_1326 = vector.shape_cast %swap3A_1325 : vector<1x16xf32> to vector<16xf32>
        %swap3A_1327 = vector.shape_cast %max3A_1322 : vector<16xf32> to vector<1x16xf32>
        tpu.vector_store %arg23[%swap3A_1323, %swap3A_1324], %swap3A_1327 {strides = array<i32>} : memref<32x128xf32, #tpu.memory_space<vmem>>, vector<1x16xf32>,
        %get3A_1328 = arith.index_cast %scan3A_1036 : i32 to index
        %get3A_1329 = arith.constant 112 : index
        %get3A_1330 = tpu.vector_load %arg20[%get3A_1328, %get3A_1329] {strides = array<i32>} : memref<32x128xf32, #tpu.memory_space<vmem>>, vector<1x16xf32>,
        %get3A_1331 = vector.shape_cast %get3A_1330 : vector<1x16xf32> to vector<16xf32>
        %get3A_1332 = arith.index_cast %scan3A_1036 : i32 to index
        %get3A_1333 = arith.constant 112 : index
        %get3A_1334 = tpu.vector_load %arg21[%get3A_1332, %get3A_1333] {strides = array<i32>} : memref<32x128xf32, #tpu.memory_space<vmem>>, vector<1x16xf32>,
        %get3A_1335 = vector.shape_cast %get3A_1334 : vector<1x16xf32> to vector<16xf32>
        %get3A_1336 = arith.index_cast %scan3A_1036 : i32 to index
        %get3A_1337 = arith.constant 112 : index
        %get3A_1338 = tpu.vector_load %arg22[%get3A_1336, %get3A_1337] {strides = array<i32>} : memref<32x128xf32, #tpu.memory_space<vmem>>, vector<1x16xf32>,
        %get3A_1339 = vector.shape_cast %get3A_1338 : vector<1x16xf32> to vector<16xf32>
        %get3A_1340 = arith.index_cast %scan3A_1036 : i32 to index
        %get3A_1341 = arith.constant 112 : index
        %get3A_1342 = tpu.vector_load %arg23[%get3A_1340, %get3A_1341] {strides = array<i32>} : memref<32x128xf32, #tpu.memory_space<vmem>>, vector<1x16xf32>,
        %get3A_1343 = vector.shape_cast %get3A_1342 : vector<1x16xf32> to vector<16xf32>
        %get3A_1344 = arith.index_cast %scan3A_1036 : i32 to index
        %get3A_1345 = arith.constant 112 : index
        %get3A_1346 = tpu.vector_load %arg24[%get3A_1344, %get3A_1345] {strides = array<i32>} : memref<32x128xf32, #tpu.memory_space<vmem>>, vector<1x16xf32>,
        %get3A_1347 = vector.shape_cast %get3A_1346 : vector<1x16xf32> to vector<16xf32>
        %add3A_1348 = arith.addf %get3A_1331, %get3A_1335 : vector<16xf32>
        %add3A_1349 = arith.addf %add3A_1348, %get3A_1347 : vector<16xf32>
        %add3A_1350 = arith.addf %get3A_1343, %get3A_1339 : vector<16xf32>
        %add3A_1351 = arith.addf %add3A_1350, %get3A_1347 : vector<16xf32>
        %mul3A_1352 = arith.constant 0.00999999977 : f32
        %mul3A_1353 = vector.broadcast %mul3A_1352 : f32 to vector<16xf32>
        %mul3A_1354 = arith.mulf %mul3A_1353, %add3A_1349 : vector<16xf32>
        %max3A_1355 = arith.maximumf %add3A_1349, %mul3A_1354 : vector<16xf32>
        %swap3A_1356 = arith.index_cast %scan3A_1036 : i32 to index
        %swap3A_1357 = arith.constant 112 : index
        %swap3A_1358 = tpu.vector_load %arg20[%swap3A_1356, %swap3A_1357] {strides = array<i32>} : memref<32x128xf32, #tpu.memory_space<vmem>>, vector<1x16xf32>,
        %swap3A_1359 = vector.shape_cast %swap3A_1358 : vector<1x16xf32> to vector<16xf32>
        %swap3A_1360 = vector.shape_cast %max3A_1355 : vector<16xf32> to vector<1x16xf32>
        tpu.vector_store %arg20[%swap3A_1356, %swap3A_1357], %swap3A_1360 {strides = array<i32>} : memref<32x128xf32, #tpu.memory_space<vmem>>, vector<1x16xf32>,
        %mul3A_1361 = arith.constant 0.00999999977 : f32
        %mul3A_1362 = vector.broadcast %mul3A_1361 : f32 to vector<16xf32>
        %mul3A_1363 = arith.mulf %mul3A_1362, %add3A_1351 : vector<16xf32>
        %max3A_1364 = arith.maximumf %add3A_1351, %mul3A_1363 : vector<16xf32>
        %swap3A_1365 = arith.index_cast %scan3A_1036 : i32 to index
        %swap3A_1366 = arith.constant 112 : index
        %swap3A_1367 = tpu.vector_load %arg23[%swap3A_1365, %swap3A_1366] {strides = array<i32>} : memref<32x128xf32, #tpu.memory_space<vmem>>, vector<1x16xf32>,
        %swap3A_1368 = vector.shape_cast %swap3A_1367 : vector<1x16xf32> to vector<16xf32>
        %swap3A_1369 = vector.shape_cast %max3A_1364 : vector<16xf32> to vector<1x16xf32>
        tpu.vector_store %arg23[%swap3A_1365, %swap3A_1366], %swap3A_1369 {strides = array<i32>} : memref<32x128xf32, #tpu.memory_space<vmem>>, vector<1x16xf32>,
      }
      %scan3A_1022 = arith.constant 32 : i32
      %mul3A_1023 = arith.constant 32 : i32
      %mul3A_1024 = arith.muli %add3A_881, %mul3A_1023 : i32
      %add3A_1025 = arith.addi %mul3A_15, %mul3A_1024 : i32
      %dma_wait3A_1026 = tpu.memref_slice %arg4[%add3A_1025] : memref<327680xi32, #tpu.memory_space<hbm>> -> memref<32xi32, #tpu.memory_space<hbm>>
      %dma_wait3A_1027 = tpu.memref_slice %arg4[%add3A_1025] : memref<327680xi32, #tpu.memory_space<hbm>> -> memref<32xi32, #tpu.memory_space<hbm>>
      tpu.wait_dma2 semaphore(%arg31 : memref<!tpu.dma_semaphore, #tpu.memory_space<semaphore_mem>>) src(%dma_wait3A_1027 : memref<32xi32, #tpu.memory_space<hbm>>) dst(%arg18 : memref<32xi32, #tpu.memory_space<vmem>>)
      %dma_wait3A_1028 = tpu.memref_slice %arg5[%add3A_1025] : memref<327680xi32, #tpu.memory_space<hbm>> -> memref<32xi32, #tpu.memory_space<hbm>>
      %dma_wait3A_1029 = tpu.memref_slice %arg5[%add3A_1025] : memref<327680xi32, #tpu.memory_space<hbm>> -> memref<32xi32, #tpu.memory_space<hbm>>
      tpu.wait_dma2 semaphore(%arg31 : memref<!tpu.dma_semaphore, #tpu.memory_space<semaphore_mem>>) src(%dma_wait3A_1029 : memref<32xi32, #tpu.memory_space<hbm>>) dst(%arg19 : memref<32xi32, #tpu.memory_space<vmem>>)
      %dma_start3A_1030 = arith.constant 0 : i32
      %dma_start3A_1031 = arith.constant 0 : i32
      %dma_start3A_1032 = tpu.memref_slice %arg25[%dma_start3A_1030, %dma_start3A_1031] : memref<10240x128xf32, #tpu.memory_space<vmem_shared>> -> memref<10240x128xf32, #tpu.memory_space<vmem_shared>>
      tpu.enqueue_indirect_dma source(%arg20 : memref<32x128xf32, #tpu.memory_space<vmem>>) target(%dma_start3A_1032 : memref<10240x128xf32, #tpu.memory_space<vmem_shared>>) offsets(%arg19 : memref<32xi32, #tpu.memory_space<vmem>>) semaphore(%arg33 : memref<!tpu.dma_semaphore, #tpu.memory_space<semaphore_mem>>) {add = true}
      %dma_start3A_1033 = arith.constant 0 : i32
      %dma_start3A_1034 = arith.constant 0 : i32
      %dma_start3A_1035 = tpu.memref_slice %arg25[%dma_start3A_1033, %dma_start3A_1034] : memref<10240x128xf32, #tpu.memory_space<vmem_shared>> -> memref<10240x128xf32, #tpu.memory_space<vmem_shared>>
      tpu.enqueue_indirect_dma source(%arg23 : memref<32x128xf32, #tpu.memory_space<vmem>>) target(%dma_start3A_1035 : memref<10240x128xf32, #tpu.memory_space<vmem_shared>>) offsets(%arg18 : memref<32xi32, #tpu.memory_space<vmem>>) semaphore(%arg33 : memref<!tpu.dma_semaphore, #tpu.memory_space<semaphore_mem>>) {add = true}
    }
    %scan3A_515 = arith.constant 158 : i32
    %add3A_516 = arith.constant 10208 : i32
    %add3A_517 = arith.addi %mul3A_15, %add3A_516 : i32
    %dma_wait3A_518 = arith.constant 0 : i32
    %dma_wait3A_519 = arith.constant 0 : i32
    %dma_wait3A_520 = tpu.memref_slice %arg17[%dma_wait3A_518, %dma_wait3A_519] : memref<4x32xi32, #tpu.memory_space<vmem>> -> memref<1x32xi32, #tpu.memory_space<vmem>>
    %dma_wait3A_521 = tpu.memref_squeeze %dma_wait3A_520 : memref<1x32xi32, #tpu.memory_space<vmem>> -> memref<32xi32, #tpu.memory_space<vmem>>
    %dma_wait3A_522 = tpu.memref_slice %arg4[%add3A_517] : memref<327680xi32, #tpu.memory_space<hbm>> -> memref<32xi32, #tpu.memory_space<hbm>>
    %dma_wait3A_523 = arith.constant 0 : i32
    %dma_wait3A_524 = tpu.memref_slice %arg17[%dma_wait3A_518, %dma_wait3A_523] : memref<4x32xi32, #tpu.memory_space<vmem>> -> memref<1x32xi32, #tpu.memory_space<vmem>>
    %dma_wait3A_525 = tpu.memref_squeeze %dma_wait3A_524 : memref<1x32xi32, #tpu.memory_space<vmem>> -> memref<32xi32, #tpu.memory_space<vmem>>
    %dma_wait3A_526 = tpu.memref_slice %arg4[%add3A_517] : memref<327680xi32, #tpu.memory_space<hbm>> -> memref<32xi32, #tpu.memory_space<hbm>>
    tpu.wait_dma2 semaphore(%arg30 : memref<!tpu.dma_semaphore, #tpu.memory_space<semaphore_mem>>) src(%dma_wait3A_526 : memref<32xi32, #tpu.memory_space<hbm>>) dst(%dma_wait3A_525 : memref<32xi32, #tpu.memory_space<vmem>>)
    %dma_wait3A_527 = arith.constant 1 : i32
    %dma_wait3A_528 = arith.constant 0 : i32
    %dma_wait3A_529 = tpu.memref_slice %arg17[%dma_wait3A_527, %dma_wait3A_528] : memref<4x32xi32, #tpu.memory_space<vmem>> -> memref<1x32xi32, #tpu.memory_space<vmem>>
    %dma_wait3A_530 = tpu.memref_squeeze %dma_wait3A_529 : memref<1x32xi32, #tpu.memory_space<vmem>> -> memref<32xi32, #tpu.memory_space<vmem>>
    %dma_wait3A_531 = tpu.memref_slice %arg5[%add3A_517] : memref<327680xi32, #tpu.memory_space<hbm>> -> memref<32xi32, #tpu.memory_space<hbm>>
    %dma_wait3A_532 = arith.constant 0 : i32
    %dma_wait3A_533 = tpu.memref_slice %arg17[%dma_wait3A_527, %dma_wait3A_532] : memref<4x32xi32, #tpu.memory_space<vmem>> -> memref<1x32xi32, #tpu.memory_space<vmem>>
    %dma_wait3A_534 = tpu.memref_squeeze %dma_wait3A_533 : memref<1x32xi32, #tpu.memory_space<vmem>> -> memref<32xi32, #tpu.memory_space<vmem>>
    %dma_wait3A_535 = tpu.memref_slice %arg5[%add3A_517] : memref<327680xi32, #tpu.memory_space<hbm>> -> memref<32xi32, #tpu.memory_space<hbm>>
    tpu.wait_dma2 semaphore(%arg30 : memref<!tpu.dma_semaphore, #tpu.memory_space<semaphore_mem>>) src(%dma_wait3A_535 : memref<32xi32, #tpu.memory_space<hbm>>) dst(%dma_wait3A_534 : memref<32xi32, #tpu.memory_space<vmem>>)
    %dma_wait3A_536 = arith.constant 2 : i32
    %dma_wait3A_537 = arith.constant 0 : i32
    %dma_wait3A_538 = tpu.memref_slice %arg17[%dma_wait3A_536, %dma_wait3A_537] : memref<4x32xi32, #tpu.memory_space<vmem>> -> memref<1x32xi32, #tpu.memory_space<vmem>>
    %dma_wait3A_539 = tpu.memref_squeeze %dma_wait3A_538 : memref<1x32xi32, #tpu.memory_space<vmem>> -> memref<32xi32, #tpu.memory_space<vmem>>
    %dma_wait3A_540 = tpu.memref_slice %arg6[%add3A_517] : memref<327680xi32, #tpu.memory_space<hbm>> -> memref<32xi32, #tpu.memory_space<hbm>>
    %dma_wait3A_541 = arith.constant 0 : i32
    %dma_wait3A_542 = tpu.memref_slice %arg17[%dma_wait3A_536, %dma_wait3A_541] : memref<4x32xi32, #tpu.memory_space<vmem>> -> memref<1x32xi32, #tpu.memory_space<vmem>>
    %dma_wait3A_543 = tpu.memref_squeeze %dma_wait3A_542 : memref<1x32xi32, #tpu.memory_space<vmem>> -> memref<32xi32, #tpu.memory_space<vmem>>
    %dma_wait3A_544 = tpu.memref_slice %arg6[%add3A_517] : memref<327680xi32, #tpu.memory_space<hbm>> -> memref<32xi32, #tpu.memory_space<hbm>>
    tpu.wait_dma2 semaphore(%arg30 : memref<!tpu.dma_semaphore, #tpu.memory_space<semaphore_mem>>) src(%dma_wait3A_544 : memref<32xi32, #tpu.memory_space<hbm>>) dst(%dma_wait3A_543 : memref<32xi32, #tpu.memory_space<vmem>>)
    %dma_wait3A_545 = arith.constant 3 : i32
    %dma_wait3A_546 = arith.constant 0 : i32
    %dma_wait3A_547 = tpu.memref_slice %arg17[%dma_wait3A_545, %dma_wait3A_546] : memref<4x32xi32, #tpu.memory_space<vmem>> -> memref<1x32xi32, #tpu.memory_space<vmem>>
    %dma_wait3A_548 = tpu.memref_squeeze %dma_wait3A_547 : memref<1x32xi32, #tpu.memory_space<vmem>> -> memref<32xi32, #tpu.memory_space<vmem>>
    %dma_wait3A_549 = tpu.memref_slice %arg7[%add3A_517] : memref<327680xi32, #tpu.memory_space<hbm>> -> memref<32xi32, #tpu.memory_space<hbm>>
    %dma_wait3A_550 = arith.constant 0 : i32
    %dma_wait3A_551 = tpu.memref_slice %arg17[%dma_wait3A_545, %dma_wait3A_550] : memref<4x32xi32, #tpu.memory_space<vmem>> -> memref<1x32xi32, #tpu.memory_space<vmem>>
    %dma_wait3A_552 = tpu.memref_squeeze %dma_wait3A_551 : memref<1x32xi32, #tpu.memory_space<vmem>> -> memref<32xi32, #tpu.memory_space<vmem>>
    %dma_wait3A_553 = tpu.memref_slice %arg7[%add3A_517] : memref<327680xi32, #tpu.memory_space<hbm>> -> memref<32xi32, #tpu.memory_space<hbm>>
    tpu.wait_dma2 semaphore(%arg30 : memref<!tpu.dma_semaphore, #tpu.memory_space<semaphore_mem>>) src(%dma_wait3A_553 : memref<32xi32, #tpu.memory_space<hbm>>) dst(%dma_wait3A_552 : memref<32xi32, #tpu.memory_space<vmem>>)
    %dma_wait3A_554 = arith.constant 0 : i32
    %dma_wait3A_555 = arith.constant 0 : i32
    %dma_wait3A_556 = tpu.memref_slice %arg25[%dma_wait3A_554, %dma_wait3A_555] : memref<10240x128xf32, #tpu.memory_space<vmem_shared>> -> memref<10240x128xf32, #tpu.memory_space<vmem_shared>>
    tpu.wait_indirect_dma semaphore(%arg33 : memref<!tpu.dma_semaphore, #tpu.memory_space<semaphore_mem>>) src(%arg20 : memref<32x128xf32, #tpu.memory_space<vmem>>) dst(%dma_wait3A_556 : memref<10240x128xf32, #tpu.memory_space<vmem_shared>>)
    %dma_wait3A_557 = arith.constant 0 : i32
    %dma_wait3A_558 = arith.constant 0 : i32
    %dma_wait3A_559 = tpu.memref_slice %arg25[%dma_wait3A_557, %dma_wait3A_558] : memref<10240x128xf32, #tpu.memory_space<vmem_shared>> -> memref<10240x128xf32, #tpu.memory_space<vmem_shared>>
    tpu.wait_indirect_dma semaphore(%arg33 : memref<!tpu.dma_semaphore, #tpu.memory_space<semaphore_mem>>) src(%arg23 : memref<32x128xf32, #tpu.memory_space<vmem>>) dst(%dma_wait3A_559 : memref<10240x128xf32, #tpu.memory_space<vmem_shared>>)
    %add3A_560 = arith.constant 10208 : i32
    %add3A_561 = arith.addi %mul3A_15, %add3A_560 : i32
    %dma_start3A_562 = arith.constant 0 : i32
    %dma_start3A_563 = arith.constant 0 : i32
    %dma_start3A_564 = tpu.memref_slice %arg17[%dma_start3A_562, %dma_start3A_563] : memref<4x32xi32, #tpu.memory_space<vmem>> -> memref<1x32xi32, #tpu.memory_space<vmem>>
    %dma_start3A_565 = tpu.memref_squeeze %dma_start3A_564 : memref<1x32xi32, #tpu.memory_space<vmem>> -> memref<32xi32, #tpu.memory_space<vmem>>
    %dma_start3A_566 = arith.constant 0 : i32
    %dma_start3A_567 = arith.constant 0 : i32
    %dma_start3A_568 = tpu.memref_slice %arg2[%dma_start3A_566, %dma_start3A_567] : memref<20480x128xf32, #tpu.memory_space<hbm>> -> memref<20480x128xf32, #tpu.memory_space<hbm>>
    tpu.enqueue_indirect_dma source(%dma_start3A_568 : memref<20480x128xf32, #tpu.memory_space<hbm>>) target(%arg20 : memref<32x128xf32, #tpu.memory_space<vmem>>) offsets(%dma_start3A_565 : memref<32xi32, #tpu.memory_space<vmem>>) semaphore(%arg32 : memref<!tpu.dma_semaphore, #tpu.memory_space<semaphore_mem>>)
    %dma_start3A_569 = arith.constant 3 : i32
    %dma_start3A_570 = arith.constant 0 : i32
    %dma_start3A_571 = tpu.memref_slice %arg17[%dma_start3A_569, %dma_start3A_570] : memref<4x32xi32, #tpu.memory_space<vmem>> -> memref<1x32xi32, #tpu.memory_space<vmem>>
    %dma_start3A_572 = tpu.memref_squeeze %dma_start3A_571 : memref<1x32xi32, #tpu.memory_space<vmem>> -> memref<32xi32, #tpu.memory_space<vmem>>
    %dma_start3A_573 = arith.constant 0 : i32
    %dma_start3A_574 = arith.constant 0 : i32
    %dma_start3A_575 = tpu.memref_slice %arg2[%dma_start3A_573, %dma_start3A_574] : memref<20480x128xf32, #tpu.memory_space<hbm>> -> memref<20480x128xf32, #tpu.memory_space<hbm>>
    tpu.enqueue_indirect_dma source(%dma_start3A_575 : memref<20480x128xf32, #tpu.memory_space<hbm>>) target(%arg21 : memref<32x128xf32, #tpu.memory_space<vmem>>) offsets(%dma_start3A_572 : memref<32xi32, #tpu.memory_space<vmem>>) semaphore(%arg32 : memref<!tpu.dma_semaphore, #tpu.memory_space<semaphore_mem>>)
    %dma_start3A_576 = arith.constant 1 : i32
    %dma_start3A_577 = arith.constant 0 : i32
    %dma_start3A_578 = tpu.memref_slice %arg17[%dma_start3A_576, %dma_start3A_577] : memref<4x32xi32, #tpu.memory_space<vmem>> -> memref<1x32xi32, #tpu.memory_space<vmem>>
    %dma_start3A_579 = tpu.memref_squeeze %dma_start3A_578 : memref<1x32xi32, #tpu.memory_space<vmem>> -> memref<32xi32, #tpu.memory_space<vmem>>
    %dma_start3A_580 = arith.constant 0 : i32
    %dma_start3A_581 = arith.constant 0 : i32
    %dma_start3A_582 = tpu.memref_slice %arg2[%dma_start3A_580, %dma_start3A_581] : memref<20480x128xf32, #tpu.memory_space<hbm>> -> memref<20480x128xf32, #tpu.memory_space<hbm>>
    tpu.enqueue_indirect_dma source(%dma_start3A_582 : memref<20480x128xf32, #tpu.memory_space<hbm>>) target(%arg22 : memref<32x128xf32, #tpu.memory_space<vmem>>) offsets(%dma_start3A_579 : memref<32xi32, #tpu.memory_space<vmem>>) semaphore(%arg32 : memref<!tpu.dma_semaphore, #tpu.memory_space<semaphore_mem>>)
    %dma_start3A_583 = arith.constant 2 : i32
    %dma_start3A_584 = arith.constant 0 : i32
    %dma_start3A_585 = tpu.memref_slice %arg17[%dma_start3A_583, %dma_start3A_584] : memref<4x32xi32, #tpu.memory_space<vmem>> -> memref<1x32xi32, #tpu.memory_space<vmem>>
    %dma_start3A_586 = tpu.memref_squeeze %dma_start3A_585 : memref<1x32xi32, #tpu.memory_space<vmem>> -> memref<32xi32, #tpu.memory_space<vmem>>
    %dma_start3A_587 = arith.constant 0 : i32
    %dma_start3A_588 = arith.constant 0 : i32
    %dma_start3A_589 = tpu.memref_slice %arg2[%dma_start3A_587, %dma_start3A_588] : memref<20480x128xf32, #tpu.memory_space<hbm>> -> memref<20480x128xf32, #tpu.memory_space<hbm>>
    tpu.enqueue_indirect_dma source(%dma_start3A_589 : memref<20480x128xf32, #tpu.memory_space<hbm>>) target(%arg23 : memref<32x128xf32, #tpu.memory_space<vmem>>) offsets(%dma_start3A_586 : memref<32xi32, #tpu.memory_space<vmem>>) semaphore(%arg32 : memref<!tpu.dma_semaphore, #tpu.memory_space<semaphore_mem>>)
    %dma_start3A_590 = arith.constant 0 : i32
    %dma_start3A_591 = tpu.memref_slice %arg3[%add3A_561, %dma_start3A_590] : memref<327680x128xf32, #tpu.memory_space<hbm>> -> memref<32x128xf32, #tpu.memory_space<hbm>>
    %dma_start3A_592 = arith.constant 0 : i32
    %dma_start3A_593 = tpu.memref_slice %arg3[%add3A_561, %dma_start3A_592] : memref<327680x128xf32, #tpu.memory_space<hbm>> -> memref<32x128xf32, #tpu.memory_space<hbm>>
    tpu.enqueue_dma source(%dma_start3A_593 : memref<32x128xf32, #tpu.memory_space<hbm>>) target(%arg24 : memref<32x128xf32, #tpu.memory_space<vmem>>) target_semaphore(%arg32 : memref<!tpu.dma_semaphore, #tpu.memory_space<semaphore_mem>>)
    %add3A_594 = arith.constant 10208 : i32
    %add3A_595 = arith.addi %mul3A_15, %add3A_594 : i32
    %dma_start3A_596 = tpu.memref_slice %arg4[%add3A_595] : memref<327680xi32, #tpu.memory_space<hbm>> -> memref<32xi32, #tpu.memory_space<hbm>>
    %dma_start3A_597 = tpu.memref_slice %arg4[%add3A_595] : memref<327680xi32, #tpu.memory_space<hbm>> -> memref<32xi32, #tpu.memory_space<hbm>>
    tpu.enqueue_dma source(%dma_start3A_597 : memref<32xi32, #tpu.memory_space<hbm>>) target(%arg18 : memref<32xi32, #tpu.memory_space<vmem>>) target_semaphore(%arg31 : memref<!tpu.dma_semaphore, #tpu.memory_space<semaphore_mem>>)
    %dma_start3A_598 = tpu.memref_slice %arg5[%add3A_595] : memref<327680xi32, #tpu.memory_space<hbm>> -> memref<32xi32, #tpu.memory_space<hbm>>
    %dma_start3A_599 = tpu.memref_slice %arg5[%add3A_595] : memref<327680xi32, #tpu.memory_space<hbm>> -> memref<32xi32, #tpu.memory_space<hbm>>
    tpu.enqueue_dma source(%dma_start3A_599 : memref<32xi32, #tpu.memory_space<hbm>>) target(%arg19 : memref<32xi32, #tpu.memory_space<vmem>>) target_semaphore(%arg31 : memref<!tpu.dma_semaphore, #tpu.memory_space<semaphore_mem>>)
    %add3A_600 = arith.constant 10176 : i32
    %add3A_601 = arith.addi %mul3A_15, %add3A_600 : i32
    %dma_wait3A_602 = arith.constant 0 : i32
    %dma_wait3A_603 = arith.constant 0 : i32
    %dma_wait3A_604 = tpu.memref_slice %arg9[%dma_wait3A_602, %dma_wait3A_603] : memref<4x32xi32, #tpu.memory_space<vmem>> -> memref<1x32xi32, #tpu.memory_space<vmem>>
    %dma_wait3A_605 = tpu.memref_squeeze %dma_wait3A_604 : memref<1x32xi32, #tpu.memory_space<vmem>> -> memref<32xi32, #tpu.memory_space<vmem>>
    %dma_wait3A_606 = arith.constant 0 : i32
    %dma_wait3A_607 = arith.constant 0 : i32
    %dma_wait3A_608 = tpu.memref_slice %arg2[%dma_wait3A_606, %dma_wait3A_607] : memref<20480x128xf32, #tpu.memory_space<hbm>> -> memref<20480x128xf32, #tpu.memory_space<hbm>>
    tpu.wait_indirect_dma semaphore(%arg28 : memref<!tpu.dma_semaphore, #tpu.memory_space<semaphore_mem>>) src(%dma_wait3A_608 : memref<20480x128xf32, #tpu.memory_space<hbm>>) dst(%arg12 : memref<32x128xf32, #tpu.memory_space<vmem>>)
    %dma_wait3A_609 = arith.constant 3 : i32
    %dma_wait3A_610 = arith.constant 0 : i32
    %dma_wait3A_611 = tpu.memref_slice %arg9[%dma_wait3A_609, %dma_wait3A_610] : memref<4x32xi32, #tpu.memory_space<vmem>> -> memref<1x32xi32, #tpu.memory_space<vmem>>
    %dma_wait3A_612 = tpu.memref_squeeze %dma_wait3A_611 : memref<1x32xi32, #tpu.memory_space<vmem>> -> memref<32xi32, #tpu.memory_space<vmem>>
    %dma_wait3A_613 = arith.constant 0 : i32
    %dma_wait3A_614 = arith.constant 0 : i32
    %dma_wait3A_615 = tpu.memref_slice %arg2[%dma_wait3A_613, %dma_wait3A_614] : memref<20480x128xf32, #tpu.memory_space<hbm>> -> memref<20480x128xf32, #tpu.memory_space<hbm>>
    tpu.wait_indirect_dma semaphore(%arg28 : memref<!tpu.dma_semaphore, #tpu.memory_space<semaphore_mem>>) src(%dma_wait3A_615 : memref<20480x128xf32, #tpu.memory_space<hbm>>) dst(%arg13 : memref<32x128xf32, #tpu.memory_space<vmem>>)
    %dma_wait3A_616 = arith.constant 1 : i32
    %dma_wait3A_617 = arith.constant 0 : i32
    %dma_wait3A_618 = tpu.memref_slice %arg9[%dma_wait3A_616, %dma_wait3A_617] : memref<4x32xi32, #tpu.memory_space<vmem>> -> memref<1x32xi32, #tpu.memory_space<vmem>>
    %dma_wait3A_619 = tpu.memref_squeeze %dma_wait3A_618 : memref<1x32xi32, #tpu.memory_space<vmem>> -> memref<32xi32, #tpu.memory_space<vmem>>
    %dma_wait3A_620 = arith.constant 0 : i32
    %dma_wait3A_621 = arith.constant 0 : i32
    %dma_wait3A_622 = tpu.memref_slice %arg2[%dma_wait3A_620, %dma_wait3A_621] : memref<20480x128xf32, #tpu.memory_space<hbm>> -> memref<20480x128xf32, #tpu.memory_space<hbm>>
    tpu.wait_indirect_dma semaphore(%arg28 : memref<!tpu.dma_semaphore, #tpu.memory_space<semaphore_mem>>) src(%dma_wait3A_622 : memref<20480x128xf32, #tpu.memory_space<hbm>>) dst(%arg14 : memref<32x128xf32, #tpu.memory_space<vmem>>)
    %dma_wait3A_623 = arith.constant 2 : i32
    %dma_wait3A_624 = arith.constant 0 : i32
    %dma_wait3A_625 = tpu.memref_slice %arg9[%dma_wait3A_623, %dma_wait3A_624] : memref<4x32xi32, #tpu.memory_space<vmem>> -> memref<1x32xi32, #tpu.memory_space<vmem>>
    %dma_wait3A_626 = tpu.memref_squeeze %dma_wait3A_625 : memref<1x32xi32, #tpu.memory_space<vmem>> -> memref<32xi32, #tpu.memory_space<vmem>>
    %dma_wait3A_627 = arith.constant 0 : i32
    %dma_wait3A_628 = arith.constant 0 : i32
    %dma_wait3A_629 = tpu.memref_slice %arg2[%dma_wait3A_627, %dma_wait3A_628] : memref<20480x128xf32, #tpu.memory_space<hbm>> -> memref<20480x128xf32, #tpu.memory_space<hbm>>
    tpu.wait_indirect_dma semaphore(%arg28 : memref<!tpu.dma_semaphore, #tpu.memory_space<semaphore_mem>>) src(%dma_wait3A_629 : memref<20480x128xf32, #tpu.memory_space<hbm>>) dst(%arg15 : memref<32x128xf32, #tpu.memory_space<vmem>>)
    %dma_wait3A_630 = arith.constant 0 : i32
    %dma_wait3A_631 = tpu.memref_slice %arg3[%add3A_601, %dma_wait3A_630] : memref<327680x128xf32, #tpu.memory_space<hbm>> -> memref<32x128xf32, #tpu.memory_space<hbm>>
    %dma_wait3A_632 = arith.constant 0 : i32
    %dma_wait3A_633 = tpu.memref_slice %arg3[%add3A_601, %dma_wait3A_632] : memref<327680x128xf32, #tpu.memory_space<hbm>> -> memref<32x128xf32, #tpu.memory_space<hbm>>
    tpu.wait_dma2 semaphore(%arg28 : memref<!tpu.dma_semaphore, #tpu.memory_space<semaphore_mem>>) src(%dma_wait3A_633 : memref<32x128xf32, #tpu.memory_space<hbm>>) dst(%arg16 : memref<32x128xf32, #tpu.memory_space<vmem>>)
    %scan3A_634 = arith.constant 0 : i32
    %scan3A_635 = arith.constant 0 : i32
    %scan3A_636 = arith.constant 32 : i32
    %scan3A_637 = arith.addi %scan3A_635, %scan3A_636 : i32
    %scan3A_638 = arith.constant 1 : i32
    scf.for %scan3A_726 = %scan3A_635 to %scan3A_637 step %scan3A_638  : i32 {
      %get3A = arith.index_cast %scan3A_726 : i32 to index
      %get3A_727 = arith.constant 0 : index
      %get3A_728 = tpu.vector_load %arg12[%get3A, %get3A_727] {strides = array<i32>} : memref<32x128xf32, #tpu.memory_space<vmem>>, vector<1x16xf32>,
      %get3A_729 = vector.shape_cast %get3A_728 : vector<1x16xf32> to vector<16xf32>
      %get3A_730 = arith.index_cast %scan3A_726 : i32 to index
      %get3A_731 = arith.constant 0 : index
      %get3A_732 = tpu.vector_load %arg13[%get3A_730, %get3A_731] {strides = array<i32>} : memref<32x128xf32, #tpu.memory_space<vmem>>, vector<1x16xf32>,
      %get3A_733 = vector.shape_cast %get3A_732 : vector<1x16xf32> to vector<16xf32>
      %get3A_734 = arith.index_cast %scan3A_726 : i32 to index
      %get3A_735 = arith.constant 0 : index
      %get3A_736 = tpu.vector_load %arg14[%get3A_734, %get3A_735] {strides = array<i32>} : memref<32x128xf32, #tpu.memory_space<vmem>>, vector<1x16xf32>,
      %get3A_737 = vector.shape_cast %get3A_736 : vector<1x16xf32> to vector<16xf32>
      %get3A_738 = arith.index_cast %scan3A_726 : i32 to index
      %get3A_739 = arith.constant 0 : index
      %get3A_740 = tpu.vector_load %arg15[%get3A_738, %get3A_739] {strides = array<i32>} : memref<32x128xf32, #tpu.memory_space<vmem>>, vector<1x16xf32>,
      %get3A_741 = vector.shape_cast %get3A_740 : vector<1x16xf32> to vector<16xf32>
      %get3A_742 = arith.index_cast %scan3A_726 : i32 to index
      %get3A_743 = arith.constant 0 : index
      %get3A_744 = tpu.vector_load %arg16[%get3A_742, %get3A_743] {strides = array<i32>} : memref<32x128xf32, #tpu.memory_space<vmem>>, vector<1x16xf32>,
      %get3A_745 = vector.shape_cast %get3A_744 : vector<1x16xf32> to vector<16xf32>
      %add3A_746 = arith.addf %get3A_729, %get3A_733 : vector<16xf32>
      %add3A_747 = arith.addf %add3A_746, %get3A_745 : vector<16xf32>
      %add3A_748 = arith.addf %get3A_741, %get3A_737 : vector<16xf32>
      %add3A_749 = arith.addf %add3A_748, %get3A_745 : vector<16xf32>
      %mul3A_750 = arith.constant 0.00999999977 : f32
      %mul3A_751 = vector.broadcast %mul3A_750 : f32 to vector<16xf32>
      %mul3A_752 = arith.mulf %mul3A_751, %add3A_747 : vector<16xf32>
      %max3A = arith.maximumf %add3A_747, %mul3A_752 : vector<16xf32>
      %swap3A = arith.index_cast %scan3A_726 : i32 to index
      %swap3A_753 = arith.constant 0 : index
      %swap3A_754 = tpu.vector_load %arg12[%swap3A, %swap3A_753] {strides = array<i32>} : memref<32x128xf32, #tpu.memory_space<vmem>>, vector<1x16xf32>,
      %swap3A_755 = vector.shape_cast %swap3A_754 : vector<1x16xf32> to vector<16xf32>
      %swap3A_756 = vector.shape_cast %max3A : vector<16xf32> to vector<1x16xf32>
      tpu.vector_store %arg12[%swap3A, %swap3A_753], %swap3A_756 {strides = array<i32>} : memref<32x128xf32, #tpu.memory_space<vmem>>, vector<1x16xf32>,
      %mul3A_757 = arith.constant 0.00999999977 : f32
      %mul3A_758 = vector.broadcast %mul3A_757 : f32 to vector<16xf32>
      %mul3A_759 = arith.mulf %mul3A_758, %add3A_749 : vector<16xf32>
      %max3A_760 = arith.maximumf %add3A_749, %mul3A_759 : vector<16xf32>
      %swap3A_761 = arith.index_cast %scan3A_726 : i32 to index
      %swap3A_762 = arith.constant 0 : index
      %swap3A_763 = tpu.vector_load %arg15[%swap3A_761, %swap3A_762] {strides = array<i32>} : memref<32x128xf32, #tpu.memory_space<vmem>>, vector<1x16xf32>,
      %swap3A_764 = vector.shape_cast %swap3A_763 : vector<1x16xf32> to vector<16xf32>
      %swap3A_765 = vector.shape_cast %max3A_760 : vector<16xf32> to vector<1x16xf32>
      tpu.vector_store %arg15[%swap3A_761, %swap3A_762], %swap3A_765 {strides = array<i32>} : memref<32x128xf32, #tpu.memory_space<vmem>>, vector<1x16xf32>,
      %get3A_766 = arith.index_cast %scan3A_726 : i32 to index
      %get3A_767 = arith.constant 16 : index
      %get3A_768 = tpu.vector_load %arg12[%get3A_766, %get3A_767] {strides = array<i32>} : memref<32x128xf32, #tpu.memory_space<vmem>>, vector<1x16xf32>,
      %get3A_769 = vector.shape_cast %get3A_768 : vector<1x16xf32> to vector<16xf32>
      %get3A_770 = arith.index_cast %scan3A_726 : i32 to index
      %get3A_771 = arith.constant 16 : index
      %get3A_772 = tpu.vector_load %arg13[%get3A_770, %get3A_771] {strides = array<i32>} : memref<32x128xf32, #tpu.memory_space<vmem>>, vector<1x16xf32>,
      %get3A_773 = vector.shape_cast %get3A_772 : vector<1x16xf32> to vector<16xf32>
      %get3A_774 = arith.index_cast %scan3A_726 : i32 to index
      %get3A_775 = arith.constant 16 : index
      %get3A_776 = tpu.vector_load %arg14[%get3A_774, %get3A_775] {strides = array<i32>} : memref<32x128xf32, #tpu.memory_space<vmem>>, vector<1x16xf32>,
      %get3A_777 = vector.shape_cast %get3A_776 : vector<1x16xf32> to vector<16xf32>
      %get3A_778 = arith.index_cast %scan3A_726 : i32 to index
      %get3A_779 = arith.constant 16 : index
      %get3A_780 = tpu.vector_load %arg15[%get3A_778, %get3A_779] {strides = array<i32>} : memref<32x128xf32, #tpu.memory_space<vmem>>, vector<1x16xf32>,
      %get3A_781 = vector.shape_cast %get3A_780 : vector<1x16xf32> to vector<16xf32>
      %get3A_782 = arith.index_cast %scan3A_726 : i32 to index
      %get3A_783 = arith.constant 16 : index
      %get3A_784 = tpu.vector_load %arg16[%get3A_782, %get3A_783] {strides = array<i32>} : memref<32x128xf32, #tpu.memory_space<vmem>>, vector<1x16xf32>,
      %get3A_785 = vector.shape_cast %get3A_784 : vector<1x16xf32> to vector<16xf32>
      %add3A_786 = arith.addf %get3A_769, %get3A_773 : vector<16xf32>
      %add3A_787 = arith.addf %add3A_786, %get3A_785 : vector<16xf32>
      %add3A_788 = arith.addf %get3A_781, %get3A_777 : vector<16xf32>
      %add3A_789 = arith.addf %add3A_788, %get3A_785 : vector<16xf32>
      %mul3A_790 = arith.constant 0.00999999977 : f32
      %mul3A_791 = vector.broadcast %mul3A_790 : f32 to vector<16xf32>
      %mul3A_792 = arith.mulf %mul3A_791, %add3A_787 : vector<16xf32>
      %max3A_793 = arith.maximumf %add3A_787, %mul3A_792 : vector<16xf32>
      %swap3A_794 = arith.index_cast %scan3A_726 : i32 to index
      %swap3A_795 = arith.constant 16 : index
      %swap3A_796 = tpu.vector_load %arg12[%swap3A_794, %swap3A_795] {strides = array<i32>} : memref<32x128xf32, #tpu.memory_space<vmem>>, vector<1x16xf32>,
      %swap3A_797 = vector.shape_cast %swap3A_796 : vector<1x16xf32> to vector<16xf32>
      %swap3A_798 = vector.shape_cast %max3A_793 : vector<16xf32> to vector<1x16xf32>
      tpu.vector_store %arg12[%swap3A_794, %swap3A_795], %swap3A_798 {strides = array<i32>} : memref<32x128xf32, #tpu.memory_space<vmem>>, vector<1x16xf32>,
      %mul3A_799 = arith.constant 0.00999999977 : f32
      %mul3A_800 = vector.broadcast %mul3A_799 : f32 to vector<16xf32>
      %mul3A_801 = arith.mulf %mul3A_800, %add3A_789 : vector<16xf32>
      %max3A_802 = arith.maximumf %add3A_789, %mul3A_801 : vector<16xf32>
      %swap3A_803 = arith.index_cast %scan3A_726 : i32 to index
      %swap3A_804 = arith.constant 16 : index
      %swap3A_805 = tpu.vector_load %arg15[%swap3A_803, %swap3A_804] {strides = array<i32>} : memref<32x128xf32, #tpu.memory_space<vmem>>, vector<1x16xf32>,
      %swap3A_806 = vector.shape_cast %swap3A_805 : vector<1x16xf32> to vector<16xf32>
      %swap3A_807 = vector.shape_cast %max3A_802 : vector<16xf32> to vector<1x16xf32>
      tpu.vector_store %arg15[%swap3A_803, %swap3A_804], %swap3A_807 {strides = array<i32>} : memref<32x128xf32, #tpu.memory_space<vmem>>, vector<1x16xf32>,
      %get3A_808 = arith.index_cast %scan3A_726 : i32 to index
      %get3A_809 = arith.constant 32 : index
      %get3A_810 = tpu.vector_load %arg12[%get3A_808, %get3A_809] {strides = array<i32>} : memref<32x128xf32, #tpu.memory_space<vmem>>, vector<1x16xf32>,
      %get3A_811 = vector.shape_cast %get3A_810 : vector<1x16xf32> to vector<16xf32>
      %get3A_812 = arith.index_cast %scan3A_726 : i32 to index
      %get3A_813 = arith.constant 32 : index
      %get3A_814 = tpu.vector_load %arg13[%get3A_812, %get3A_813] {strides = array<i32>} : memref<32x128xf32, #tpu.memory_space<vmem>>, vector<1x16xf32>,
      %get3A_815 = vector.shape_cast %get3A_814 : vector<1x16xf32> to vector<16xf32>
      %get3A_816 = arith.index_cast %scan3A_726 : i32 to index
      %get3A_817 = arith.constant 32 : index
      %get3A_818 = tpu.vector_load %arg14[%get3A_816, %get3A_817] {strides = array<i32>} : memref<32x128xf32, #tpu.memory_space<vmem>>, vector<1x16xf32>,
      %get3A_819 = vector.shape_cast %get3A_818 : vector<1x16xf32> to vector<16xf32>
      %get3A_820 = arith.index_cast %scan3A_726 : i32 to index
      %get3A_821 = arith.constant 32 : index
      %get3A_822 = tpu.vector_load %arg15[%get3A_820, %get3A_821] {strides = array<i32>} : memref<32x128xf32, #tpu.memory_space<vmem>>, vector<1x16xf32>,
      %get3A_823 = vector.shape_cast %get3A_822 : vector<1x16xf32> to vector<16xf32>
      %get3A_824 = arith.index_cast %scan3A_726 : i32 to index
      %get3A_825 = arith.constant 32 : index
      %get3A_826 = tpu.vector_load %arg16[%get3A_824, %get3A_825] {strides = array<i32>} : memref<32x128xf32, #tpu.memory_space<vmem>>, vector<1x16xf32>,
      %get3A_827 = vector.shape_cast %get3A_826 : vector<1x16xf32> to vector<16xf32>
      %add3A_828 = arith.addf %get3A_811, %get3A_815 : vector<16xf32>
      %add3A_829 = arith.addf %add3A_828, %get3A_827 : vector<16xf32>
      %add3A_830 = arith.addf %get3A_823, %get3A_819 : vector<16xf32>
      %add3A_831 = arith.addf %add3A_830, %get3A_827 : vector<16xf32>
      %mul3A_832 = arith.constant 0.00999999977 : f32
      %mul3A_833 = vector.broadcast %mul3A_832 : f32 to vector<16xf32>
      %mul3A_834 = arith.mulf %mul3A_833, %add3A_829 : vector<16xf32>
      %max3A_835 = arith.maximumf %add3A_829, %mul3A_834 : vector<16xf32>
      %swap3A_836 = arith.index_cast %scan3A_726 : i32 to index
      %swap3A_837 = arith.constant 32 : index
      %swap3A_838 = tpu.vector_load %arg12[%swap3A_836, %swap3A_837] {strides = array<i32>} : memref<32x128xf32, #tpu.memory_space<vmem>>, vector<1x16xf32>,
      %swap3A_839 = vector.shape_cast %swap3A_838 : vector<1x16xf32> to vector<16xf32>
      %swap3A_840 = vector.shape_cast %max3A_835 : vector<16xf32> to vector<1x16xf32>
      tpu.vector_store %arg12[%swap3A_836, %swap3A_837], %swap3A_840 {strides = array<i32>} : memref<32x128xf32, #tpu.memory_space<vmem>>, vector<1x16xf32>,
      %mul3A_841 = arith.constant 0.00999999977 : f32
      %mul3A_842 = vector.broadcast %mul3A_841 : f32 to vector<16xf32>
      %mul3A_843 = arith.mulf %mul3A_842, %add3A_831 : vector<16xf32>
      %max3A_844 = arith.maximumf %add3A_831, %mul3A_843 : vector<16xf32>
      %swap3A_845 = arith.index_cast %scan3A_726 : i32 to index
      %swap3A_846 = arith.constant 32 : index
      %swap3A_847 = tpu.vector_load %arg15[%swap3A_845, %swap3A_846] {strides = array<i32>} : memref<32x128xf32, #tpu.memory_space<vmem>>, vector<1x16xf32>,
      %swap3A_848 = vector.shape_cast %swap3A_847 : vector<1x16xf32> to vector<16xf32>
      %swap3A_849 = vector.shape_cast %max3A_844 : vector<16xf32> to vector<1x16xf32>
      tpu.vector_store %arg15[%swap3A_845, %swap3A_846], %swap3A_849 {strides = array<i32>} : memref<32x128xf32, #tpu.memory_space<vmem>>, vector<1x16xf32>,
      %get3A_850 = arith.index_cast %scan3A_726 : i32 to index
      %get3A_851 = arith.constant 48 : index
      %get3A_852 = tpu.vector_load %arg12[%get3A_850, %get3A_851] {strides = array<i32>} : memref<32x128xf32, #tpu.memory_space<vmem>>, vector<1x16xf32>,
      %get3A_853 = vector.shape_cast %get3A_852 : vector<1x16xf32> to vector<16xf32>
      %get3A_854 = arith.index_cast %scan3A_726 : i32 to index
      %get3A_855 = arith.constant 48 : index
      %get3A_856 = tpu.vector_load %arg13[%get3A_854, %get3A_855] {strides = array<i32>} : memref<32x128xf32, #tpu.memory_space<vmem>>, vector<1x16xf32>,
      %get3A_857 = vector.shape_cast %get3A_856 : vector<1x16xf32> to vector<16xf32>
      %get3A_858 = arith.index_cast %scan3A_726 : i32 to index
      %get3A_859 = arith.constant 48 : index
      %get3A_860 = tpu.vector_load %arg14[%get3A_858, %get3A_859] {strides = array<i32>} : memref<32x128xf32, #tpu.memory_space<vmem>>, vector<1x16xf32>,
      %get3A_861 = vector.shape_cast %get3A_860 : vector<1x16xf32> to vector<16xf32>
      %get3A_862 = arith.index_cast %scan3A_726 : i32 to index
      %get3A_863 = arith.constant 48 : index
      %get3A_864 = tpu.vector_load %arg15[%get3A_862, %get3A_863] {strides = array<i32>} : memref<32x128xf32, #tpu.memory_space<vmem>>, vector<1x16xf32>,
      %get3A_865 = vector.shape_cast %get3A_864 : vector<1x16xf32> to vector<16xf32>
      %get3A_866 = arith.index_cast %scan3A_726 : i32 to index
      %get3A_867 = arith.constant 48 : index
      %get3A_868 = tpu.vector_load %arg16[%get3A_866, %get3A_867] {strides = array<i32>} : memref<32x128xf32, #tpu.memory_space<vmem>>, vector<1x16xf32>,
      %get3A_869 = vector.shape_cast %get3A_868 : vector<1x16xf32> to vector<16xf32>
      %add3A_870 = arith.addf %get3A_853, %get3A_857 : vector<16xf32>
      %add3A_871 = arith.addf %add3A_870, %get3A_869 : vector<16xf32>
      %add3A_872 = arith.addf %get3A_865, %get3A_861 : vector<16xf32>
      %add3A_873 = arith.addf %add3A_872, %get3A_869 : vector<16xf32>
      %mul3A_874 = arith.constant 0.00999999977 : f32
      %mul3A_875 = vector.broadcast %mul3A_874 : f32 to vector<16xf32>
      %mul3A_876 = arith.mulf %mul3A_875, %add3A_871 : vector<16xf32>
      %max3A_877 = arith.maximumf %add3A_871, %mul3A_876 : vector<16xf32>
      %swap3A_878 = arith.index_cast %scan3A_726 : i32 to index
      %swap3A_879 = arith.constant 48 : index
      %swap3A_880 = tpu.vector_load %arg12[%swap3A_878, %swap3A_879] {strides = array<i32>} : memref<32x128xf32, #tpu.memory_space<vmem>>, vector<1x16xf32>,
      %swap3A_881 = vector.shape_cast %swap3A_880 : vector<1x16xf32> to vector<16xf32>
      %swap3A_882 = vector.shape_cast %max3A_877 : vector<16xf32> to vector<1x16xf32>
      tpu.vector_store %arg12[%swap3A_878, %swap3A_879], %swap3A_882 {strides = array<i32>} : memref<32x128xf32, #tpu.memory_space<vmem>>, vector<1x16xf32>,
      %mul3A_883 = arith.constant 0.00999999977 : f32
      %mul3A_884 = vector.broadcast %mul3A_883 : f32 to vector<16xf32>
      %mul3A_885 = arith.mulf %mul3A_884, %add3A_873 : vector<16xf32>
      %max3A_886 = arith.maximumf %add3A_873, %mul3A_885 : vector<16xf32>
      %swap3A_887 = arith.index_cast %scan3A_726 : i32 to index
      %swap3A_888 = arith.constant 48 : index
      %swap3A_889 = tpu.vector_load %arg15[%swap3A_887, %swap3A_888] {strides = array<i32>} : memref<32x128xf32, #tpu.memory_space<vmem>>, vector<1x16xf32>,
      %swap3A_890 = vector.shape_cast %swap3A_889 : vector<1x16xf32> to vector<16xf32>
      %swap3A_891 = vector.shape_cast %max3A_886 : vector<16xf32> to vector<1x16xf32>
      tpu.vector_store %arg15[%swap3A_887, %swap3A_888], %swap3A_891 {strides = array<i32>} : memref<32x128xf32, #tpu.memory_space<vmem>>, vector<1x16xf32>,
      %get3A_892 = arith.index_cast %scan3A_726 : i32 to index
      %get3A_893 = arith.constant 64 : index
      %get3A_894 = tpu.vector_load %arg12[%get3A_892, %get3A_893] {strides = array<i32>} : memref<32x128xf32, #tpu.memory_space<vmem>>, vector<1x16xf32>,
      %get3A_895 = vector.shape_cast %get3A_894 : vector<1x16xf32> to vector<16xf32>
      %get3A_896 = arith.index_cast %scan3A_726 : i32 to index
      %get3A_897 = arith.constant 64 : index
      %get3A_898 = tpu.vector_load %arg13[%get3A_896, %get3A_897] {strides = array<i32>} : memref<32x128xf32, #tpu.memory_space<vmem>>, vector<1x16xf32>,
      %get3A_899 = vector.shape_cast %get3A_898 : vector<1x16xf32> to vector<16xf32>
      %get3A_900 = arith.index_cast %scan3A_726 : i32 to index
      %get3A_901 = arith.constant 64 : index
      %get3A_902 = tpu.vector_load %arg14[%get3A_900, %get3A_901] {strides = array<i32>} : memref<32x128xf32, #tpu.memory_space<vmem>>, vector<1x16xf32>,
      %get3A_903 = vector.shape_cast %get3A_902 : vector<1x16xf32> to vector<16xf32>
      %get3A_904 = arith.index_cast %scan3A_726 : i32 to index
      %get3A_905 = arith.constant 64 : index
      %get3A_906 = tpu.vector_load %arg15[%get3A_904, %get3A_905] {strides = array<i32>} : memref<32x128xf32, #tpu.memory_space<vmem>>, vector<1x16xf32>,
      %get3A_907 = vector.shape_cast %get3A_906 : vector<1x16xf32> to vector<16xf32>
      %get3A_908 = arith.index_cast %scan3A_726 : i32 to index
      %get3A_909 = arith.constant 64 : index
      %get3A_910 = tpu.vector_load %arg16[%get3A_908, %get3A_909] {strides = array<i32>} : memref<32x128xf32, #tpu.memory_space<vmem>>, vector<1x16xf32>,
      %get3A_911 = vector.shape_cast %get3A_910 : vector<1x16xf32> to vector<16xf32>
      %add3A_912 = arith.addf %get3A_895, %get3A_899 : vector<16xf32>
      %add3A_913 = arith.addf %add3A_912, %get3A_911 : vector<16xf32>
      %add3A_914 = arith.addf %get3A_907, %get3A_903 : vector<16xf32>
      %add3A_915 = arith.addf %add3A_914, %get3A_911 : vector<16xf32>
      %mul3A_916 = arith.constant 0.00999999977 : f32
      %mul3A_917 = vector.broadcast %mul3A_916 : f32 to vector<16xf32>
      %mul3A_918 = arith.mulf %mul3A_917, %add3A_913 : vector<16xf32>
      %max3A_919 = arith.maximumf %add3A_913, %mul3A_918 : vector<16xf32>
      %swap3A_920 = arith.index_cast %scan3A_726 : i32 to index
      %swap3A_921 = arith.constant 64 : index
      %swap3A_922 = tpu.vector_load %arg12[%swap3A_920, %swap3A_921] {strides = array<i32>} : memref<32x128xf32, #tpu.memory_space<vmem>>, vector<1x16xf32>,
      %swap3A_923 = vector.shape_cast %swap3A_922 : vector<1x16xf32> to vector<16xf32>
      %swap3A_924 = vector.shape_cast %max3A_919 : vector<16xf32> to vector<1x16xf32>
      tpu.vector_store %arg12[%swap3A_920, %swap3A_921], %swap3A_924 {strides = array<i32>} : memref<32x128xf32, #tpu.memory_space<vmem>>, vector<1x16xf32>,
      %mul3A_925 = arith.constant 0.00999999977 : f32
      %mul3A_926 = vector.broadcast %mul3A_925 : f32 to vector<16xf32>
      %mul3A_927 = arith.mulf %mul3A_926, %add3A_915 : vector<16xf32>
      %max3A_928 = arith.maximumf %add3A_915, %mul3A_927 : vector<16xf32>
      %swap3A_929 = arith.index_cast %scan3A_726 : i32 to index
      %swap3A_930 = arith.constant 64 : index
      %swap3A_931 = tpu.vector_load %arg15[%swap3A_929, %swap3A_930] {strides = array<i32>} : memref<32x128xf32, #tpu.memory_space<vmem>>, vector<1x16xf32>,
      %swap3A_932 = vector.shape_cast %swap3A_931 : vector<1x16xf32> to vector<16xf32>
      %swap3A_933 = vector.shape_cast %max3A_928 : vector<16xf32> to vector<1x16xf32>
      tpu.vector_store %arg15[%swap3A_929, %swap3A_930], %swap3A_933 {strides = array<i32>} : memref<32x128xf32, #tpu.memory_space<vmem>>, vector<1x16xf32>,
      %get3A_934 = arith.index_cast %scan3A_726 : i32 to index
      %get3A_935 = arith.constant 80 : index
      %get3A_936 = tpu.vector_load %arg12[%get3A_934, %get3A_935] {strides = array<i32>} : memref<32x128xf32, #tpu.memory_space<vmem>>, vector<1x16xf32>,
      %get3A_937 = vector.shape_cast %get3A_936 : vector<1x16xf32> to vector<16xf32>
      %get3A_938 = arith.index_cast %scan3A_726 : i32 to index
      %get3A_939 = arith.constant 80 : index
      %get3A_940 = tpu.vector_load %arg13[%get3A_938, %get3A_939] {strides = array<i32>} : memref<32x128xf32, #tpu.memory_space<vmem>>, vector<1x16xf32>,
      %get3A_941 = vector.shape_cast %get3A_940 : vector<1x16xf32> to vector<16xf32>
      %get3A_942 = arith.index_cast %scan3A_726 : i32 to index
      %get3A_943 = arith.constant 80 : index
      %get3A_944 = tpu.vector_load %arg14[%get3A_942, %get3A_943] {strides = array<i32>} : memref<32x128xf32, #tpu.memory_space<vmem>>, vector<1x16xf32>,
      %get3A_945 = vector.shape_cast %get3A_944 : vector<1x16xf32> to vector<16xf32>
      %get3A_946 = arith.index_cast %scan3A_726 : i32 to index
      %get3A_947 = arith.constant 80 : index
      %get3A_948 = tpu.vector_load %arg15[%get3A_946, %get3A_947] {strides = array<i32>} : memref<32x128xf32, #tpu.memory_space<vmem>>, vector<1x16xf32>,
      %get3A_949 = vector.shape_cast %get3A_948 : vector<1x16xf32> to vector<16xf32>
      %get3A_950 = arith.index_cast %scan3A_726 : i32 to index
      %get3A_951 = arith.constant 80 : index
      %get3A_952 = tpu.vector_load %arg16[%get3A_950, %get3A_951] {strides = array<i32>} : memref<32x128xf32, #tpu.memory_space<vmem>>, vector<1x16xf32>,
      %get3A_953 = vector.shape_cast %get3A_952 : vector<1x16xf32> to vector<16xf32>
      %add3A_954 = arith.addf %get3A_937, %get3A_941 : vector<16xf32>
      %add3A_955 = arith.addf %add3A_954, %get3A_953 : vector<16xf32>
      %add3A_956 = arith.addf %get3A_949, %get3A_945 : vector<16xf32>
      %add3A_957 = arith.addf %add3A_956, %get3A_953 : vector<16xf32>
      %mul3A_958 = arith.constant 0.00999999977 : f32
      %mul3A_959 = vector.broadcast %mul3A_958 : f32 to vector<16xf32>
      %mul3A_960 = arith.mulf %mul3A_959, %add3A_955 : vector<16xf32>
      %max3A_961 = arith.maximumf %add3A_955, %mul3A_960 : vector<16xf32>
      %swap3A_962 = arith.index_cast %scan3A_726 : i32 to index
      %swap3A_963 = arith.constant 80 : index
      %swap3A_964 = tpu.vector_load %arg12[%swap3A_962, %swap3A_963] {strides = array<i32>} : memref<32x128xf32, #tpu.memory_space<vmem>>, vector<1x16xf32>,
      %swap3A_965 = vector.shape_cast %swap3A_964 : vector<1x16xf32> to vector<16xf32>
      %swap3A_966 = vector.shape_cast %max3A_961 : vector<16xf32> to vector<1x16xf32>
      tpu.vector_store %arg12[%swap3A_962, %swap3A_963], %swap3A_966 {strides = array<i32>} : memref<32x128xf32, #tpu.memory_space<vmem>>, vector<1x16xf32>,
      %mul3A_967 = arith.constant 0.00999999977 : f32
      %mul3A_968 = vector.broadcast %mul3A_967 : f32 to vector<16xf32>
      %mul3A_969 = arith.mulf %mul3A_968, %add3A_957 : vector<16xf32>
      %max3A_970 = arith.maximumf %add3A_957, %mul3A_969 : vector<16xf32>
      %swap3A_971 = arith.index_cast %scan3A_726 : i32 to index
      %swap3A_972 = arith.constant 80 : index
      %swap3A_973 = tpu.vector_load %arg15[%swap3A_971, %swap3A_972] {strides = array<i32>} : memref<32x128xf32, #tpu.memory_space<vmem>>, vector<1x16xf32>,
      %swap3A_974 = vector.shape_cast %swap3A_973 : vector<1x16xf32> to vector<16xf32>
      %swap3A_975 = vector.shape_cast %max3A_970 : vector<16xf32> to vector<1x16xf32>
      tpu.vector_store %arg15[%swap3A_971, %swap3A_972], %swap3A_975 {strides = array<i32>} : memref<32x128xf32, #tpu.memory_space<vmem>>, vector<1x16xf32>,
      %get3A_976 = arith.index_cast %scan3A_726 : i32 to index
      %get3A_977 = arith.constant 96 : index
      %get3A_978 = tpu.vector_load %arg12[%get3A_976, %get3A_977] {strides = array<i32>} : memref<32x128xf32, #tpu.memory_space<vmem>>, vector<1x16xf32>,
      %get3A_979 = vector.shape_cast %get3A_978 : vector<1x16xf32> to vector<16xf32>
      %get3A_980 = arith.index_cast %scan3A_726 : i32 to index
      %get3A_981 = arith.constant 96 : index
      %get3A_982 = tpu.vector_load %arg13[%get3A_980, %get3A_981] {strides = array<i32>} : memref<32x128xf32, #tpu.memory_space<vmem>>, vector<1x16xf32>,
      %get3A_983 = vector.shape_cast %get3A_982 : vector<1x16xf32> to vector<16xf32>
      %get3A_984 = arith.index_cast %scan3A_726 : i32 to index
      %get3A_985 = arith.constant 96 : index
      %get3A_986 = tpu.vector_load %arg14[%get3A_984, %get3A_985] {strides = array<i32>} : memref<32x128xf32, #tpu.memory_space<vmem>>, vector<1x16xf32>,
      %get3A_987 = vector.shape_cast %get3A_986 : vector<1x16xf32> to vector<16xf32>
      %get3A_988 = arith.index_cast %scan3A_726 : i32 to index
      %get3A_989 = arith.constant 96 : index
      %get3A_990 = tpu.vector_load %arg15[%get3A_988, %get3A_989] {strides = array<i32>} : memref<32x128xf32, #tpu.memory_space<vmem>>, vector<1x16xf32>,
      %get3A_991 = vector.shape_cast %get3A_990 : vector<1x16xf32> to vector<16xf32>
      %get3A_992 = arith.index_cast %scan3A_726 : i32 to index
      %get3A_993 = arith.constant 96 : index
      %get3A_994 = tpu.vector_load %arg16[%get3A_992, %get3A_993] {strides = array<i32>} : memref<32x128xf32, #tpu.memory_space<vmem>>, vector<1x16xf32>,
      %get3A_995 = vector.shape_cast %get3A_994 : vector<1x16xf32> to vector<16xf32>
      %add3A_996 = arith.addf %get3A_979, %get3A_983 : vector<16xf32>
      %add3A_997 = arith.addf %add3A_996, %get3A_995 : vector<16xf32>
      %add3A_998 = arith.addf %get3A_991, %get3A_987 : vector<16xf32>
      %add3A_999 = arith.addf %add3A_998, %get3A_995 : vector<16xf32>
      %mul3A_1000 = arith.constant 0.00999999977 : f32
      %mul3A_1001 = vector.broadcast %mul3A_1000 : f32 to vector<16xf32>
      %mul3A_1002 = arith.mulf %mul3A_1001, %add3A_997 : vector<16xf32>
      %max3A_1003 = arith.maximumf %add3A_997, %mul3A_1002 : vector<16xf32>
      %swap3A_1004 = arith.index_cast %scan3A_726 : i32 to index
      %swap3A_1005 = arith.constant 96 : index
      %swap3A_1006 = tpu.vector_load %arg12[%swap3A_1004, %swap3A_1005] {strides = array<i32>} : memref<32x128xf32, #tpu.memory_space<vmem>>, vector<1x16xf32>,
      %swap3A_1007 = vector.shape_cast %swap3A_1006 : vector<1x16xf32> to vector<16xf32>
      %swap3A_1008 = vector.shape_cast %max3A_1003 : vector<16xf32> to vector<1x16xf32>
      tpu.vector_store %arg12[%swap3A_1004, %swap3A_1005], %swap3A_1008 {strides = array<i32>} : memref<32x128xf32, #tpu.memory_space<vmem>>, vector<1x16xf32>,
      %mul3A_1009 = arith.constant 0.00999999977 : f32
      %mul3A_1010 = vector.broadcast %mul3A_1009 : f32 to vector<16xf32>
      %mul3A_1011 = arith.mulf %mul3A_1010, %add3A_999 : vector<16xf32>
      %max3A_1012 = arith.maximumf %add3A_999, %mul3A_1011 : vector<16xf32>
      %swap3A_1013 = arith.index_cast %scan3A_726 : i32 to index
      %swap3A_1014 = arith.constant 96 : index
      %swap3A_1015 = tpu.vector_load %arg15[%swap3A_1013, %swap3A_1014] {strides = array<i32>} : memref<32x128xf32, #tpu.memory_space<vmem>>, vector<1x16xf32>,
      %swap3A_1016 = vector.shape_cast %swap3A_1015 : vector<1x16xf32> to vector<16xf32>
      %swap3A_1017 = vector.shape_cast %max3A_1012 : vector<16xf32> to vector<1x16xf32>
      tpu.vector_store %arg15[%swap3A_1013, %swap3A_1014], %swap3A_1017 {strides = array<i32>} : memref<32x128xf32, #tpu.memory_space<vmem>>, vector<1x16xf32>,
      %get3A_1018 = arith.index_cast %scan3A_726 : i32 to index
      %get3A_1019 = arith.constant 112 : index
      %get3A_1020 = tpu.vector_load %arg12[%get3A_1018, %get3A_1019] {strides = array<i32>} : memref<32x128xf32, #tpu.memory_space<vmem>>, vector<1x16xf32>,
      %get3A_1021 = vector.shape_cast %get3A_1020 : vector<1x16xf32> to vector<16xf32>
      %get3A_1022 = arith.index_cast %scan3A_726 : i32 to index
      %get3A_1023 = arith.constant 112 : index
      %get3A_1024 = tpu.vector_load %arg13[%get3A_1022, %get3A_1023] {strides = array<i32>} : memref<32x128xf32, #tpu.memory_space<vmem>>, vector<1x16xf32>,
      %get3A_1025 = vector.shape_cast %get3A_1024 : vector<1x16xf32> to vector<16xf32>
      %get3A_1026 = arith.index_cast %scan3A_726 : i32 to index
      %get3A_1027 = arith.constant 112 : index
      %get3A_1028 = tpu.vector_load %arg14[%get3A_1026, %get3A_1027] {strides = array<i32>} : memref<32x128xf32, #tpu.memory_space<vmem>>, vector<1x16xf32>,
      %get3A_1029 = vector.shape_cast %get3A_1028 : vector<1x16xf32> to vector<16xf32>
      %get3A_1030 = arith.index_cast %scan3A_726 : i32 to index
      %get3A_1031 = arith.constant 112 : index
      %get3A_1032 = tpu.vector_load %arg15[%get3A_1030, %get3A_1031] {strides = array<i32>} : memref<32x128xf32, #tpu.memory_space<vmem>>, vector<1x16xf32>,
      %get3A_1033 = vector.shape_cast %get3A_1032 : vector<1x16xf32> to vector<16xf32>
      %get3A_1034 = arith.index_cast %scan3A_726 : i32 to index
      %get3A_1035 = arith.constant 112 : index
      %get3A_1036 = tpu.vector_load %arg16[%get3A_1034, %get3A_1035] {strides = array<i32>} : memref<32x128xf32, #tpu.memory_space<vmem>>, vector<1x16xf32>,
      %get3A_1037 = vector.shape_cast %get3A_1036 : vector<1x16xf32> to vector<16xf32>
      %add3A_1038 = arith.addf %get3A_1021, %get3A_1025 : vector<16xf32>
      %add3A_1039 = arith.addf %add3A_1038, %get3A_1037 : vector<16xf32>
      %add3A_1040 = arith.addf %get3A_1033, %get3A_1029 : vector<16xf32>
      %add3A_1041 = arith.addf %add3A_1040, %get3A_1037 : vector<16xf32>
      %mul3A_1042 = arith.constant 0.00999999977 : f32
      %mul3A_1043 = vector.broadcast %mul3A_1042 : f32 to vector<16xf32>
      %mul3A_1044 = arith.mulf %mul3A_1043, %add3A_1039 : vector<16xf32>
      %max3A_1045 = arith.maximumf %add3A_1039, %mul3A_1044 : vector<16xf32>
      %swap3A_1046 = arith.index_cast %scan3A_726 : i32 to index
      %swap3A_1047 = arith.constant 112 : index
      %swap3A_1048 = tpu.vector_load %arg12[%swap3A_1046, %swap3A_1047] {strides = array<i32>} : memref<32x128xf32, #tpu.memory_space<vmem>>, vector<1x16xf32>,
      %swap3A_1049 = vector.shape_cast %swap3A_1048 : vector<1x16xf32> to vector<16xf32>
      %swap3A_1050 = vector.shape_cast %max3A_1045 : vector<16xf32> to vector<1x16xf32>
      tpu.vector_store %arg12[%swap3A_1046, %swap3A_1047], %swap3A_1050 {strides = array<i32>} : memref<32x128xf32, #tpu.memory_space<vmem>>, vector<1x16xf32>,
      %mul3A_1051 = arith.constant 0.00999999977 : f32
      %mul3A_1052 = vector.broadcast %mul3A_1051 : f32 to vector<16xf32>
      %mul3A_1053 = arith.mulf %mul3A_1052, %add3A_1041 : vector<16xf32>
      %max3A_1054 = arith.maximumf %add3A_1041, %mul3A_1053 : vector<16xf32>
      %swap3A_1055 = arith.index_cast %scan3A_726 : i32 to index
      %swap3A_1056 = arith.constant 112 : index
      %swap3A_1057 = tpu.vector_load %arg15[%swap3A_1055, %swap3A_1056] {strides = array<i32>} : memref<32x128xf32, #tpu.memory_space<vmem>>, vector<1x16xf32>,
      %swap3A_1058 = vector.shape_cast %swap3A_1057 : vector<1x16xf32> to vector<16xf32>
      %swap3A_1059 = vector.shape_cast %max3A_1054 : vector<16xf32> to vector<1x16xf32>
      tpu.vector_store %arg15[%swap3A_1055, %swap3A_1056], %swap3A_1059 {strides = array<i32>} : memref<32x128xf32, #tpu.memory_space<vmem>>, vector<1x16xf32>,
    }
    %scan3A_639 = arith.constant 32 : i32
    %add3A_640 = arith.constant 10176 : i32
    %add3A_641 = arith.addi %mul3A_15, %add3A_640 : i32
    %dma_wait3A_642 = tpu.memref_slice %arg4[%add3A_641] : memref<327680xi32, #tpu.memory_space<hbm>> -> memref<32xi32, #tpu.memory_space<hbm>>
    %dma_wait3A_643 = tpu.memref_slice %arg4[%add3A_641] : memref<327680xi32, #tpu.memory_space<hbm>> -> memref<32xi32, #tpu.memory_space<hbm>>
    tpu.wait_dma2 semaphore(%arg27 : memref<!tpu.dma_semaphore, #tpu.memory_space<semaphore_mem>>) src(%dma_wait3A_643 : memref<32xi32, #tpu.memory_space<hbm>>) dst(%arg10 : memref<32xi32, #tpu.memory_space<vmem>>)
    %dma_wait3A_644 = tpu.memref_slice %arg5[%add3A_641] : memref<327680xi32, #tpu.memory_space<hbm>> -> memref<32xi32, #tpu.memory_space<hbm>>
    %dma_wait3A_645 = tpu.memref_slice %arg5[%add3A_641] : memref<327680xi32, #tpu.memory_space<hbm>> -> memref<32xi32, #tpu.memory_space<hbm>>
    tpu.wait_dma2 semaphore(%arg27 : memref<!tpu.dma_semaphore, #tpu.memory_space<semaphore_mem>>) src(%dma_wait3A_645 : memref<32xi32, #tpu.memory_space<hbm>>) dst(%arg11 : memref<32xi32, #tpu.memory_space<vmem>>)
    %dma_start3A_646 = arith.constant 0 : i32
    %dma_start3A_647 = arith.constant 0 : i32
    %dma_start3A_648 = tpu.memref_slice %arg25[%dma_start3A_646, %dma_start3A_647] : memref<10240x128xf32, #tpu.memory_space<vmem_shared>> -> memref<10240x128xf32, #tpu.memory_space<vmem_shared>>
    tpu.enqueue_indirect_dma source(%arg12 : memref<32x128xf32, #tpu.memory_space<vmem>>) target(%dma_start3A_648 : memref<10240x128xf32, #tpu.memory_space<vmem_shared>>) offsets(%arg11 : memref<32xi32, #tpu.memory_space<vmem>>) semaphore(%arg29 : memref<!tpu.dma_semaphore, #tpu.memory_space<semaphore_mem>>) {add = true}
    %dma_start3A_649 = arith.constant 0 : i32
    %dma_start3A_650 = arith.constant 0 : i32
    %dma_start3A_651 = tpu.memref_slice %arg25[%dma_start3A_649, %dma_start3A_650] : memref<10240x128xf32, #tpu.memory_space<vmem_shared>> -> memref<10240x128xf32, #tpu.memory_space<vmem_shared>>
    tpu.enqueue_indirect_dma source(%arg15 : memref<32x128xf32, #tpu.memory_space<vmem>>) target(%dma_start3A_651 : memref<10240x128xf32, #tpu.memory_space<vmem_shared>>) offsets(%arg10 : memref<32xi32, #tpu.memory_space<vmem>>) semaphore(%arg29 : memref<!tpu.dma_semaphore, #tpu.memory_space<semaphore_mem>>) {add = true}
    %dma_wait3A_652 = arith.constant 0 : i32
    %dma_wait3A_653 = arith.constant 0 : i32
    %dma_wait3A_654 = tpu.memref_slice %arg25[%dma_wait3A_652, %dma_wait3A_653] : memref<10240x128xf32, #tpu.memory_space<vmem_shared>> -> memref<10240x128xf32, #tpu.memory_space<vmem_shared>>
    tpu.wait_indirect_dma semaphore(%arg29 : memref<!tpu.dma_semaphore, #tpu.memory_space<semaphore_mem>>) src(%arg12 : memref<32x128xf32, #tpu.memory_space<vmem>>) dst(%dma_wait3A_654 : memref<10240x128xf32, #tpu.memory_space<vmem_shared>>)
    %dma_wait3A_655 = arith.constant 0 : i32
    %dma_wait3A_656 = arith.constant 0 : i32
    %dma_wait3A_657 = tpu.memref_slice %arg25[%dma_wait3A_655, %dma_wait3A_656] : memref<10240x128xf32, #tpu.memory_space<vmem_shared>> -> memref<10240x128xf32, #tpu.memory_space<vmem_shared>>
    tpu.wait_indirect_dma semaphore(%arg29 : memref<!tpu.dma_semaphore, #tpu.memory_space<semaphore_mem>>) src(%arg15 : memref<32x128xf32, #tpu.memory_space<vmem>>) dst(%dma_wait3A_657 : memref<10240x128xf32, #tpu.memory_space<vmem_shared>>)
    %add3A_658 = arith.constant 10208 : i32
    %add3A_659 = arith.addi %mul3A_15, %add3A_658 : i32
    %dma_wait3A_660 = arith.constant 0 : i32
    %dma_wait3A_661 = arith.constant 0 : i32
    %dma_wait3A_662 = tpu.memref_slice %arg17[%dma_wait3A_660, %dma_wait3A_661] : memref<4x32xi32, #tpu.memory_space<vmem>> -> memref<1x32xi32, #tpu.memory_space<vmem>>
    %dma_wait3A_663 = tpu.memref_squeeze %dma_wait3A_662 : memref<1x32xi32, #tpu.memory_space<vmem>> -> memref<32xi32, #tpu.memory_space<vmem>>
    %dma_wait3A_664 = arith.constant 0 : i32
    %dma_wait3A_665 = arith.constant 0 : i32
    %dma_wait3A_666 = tpu.memref_slice %arg2[%dma_wait3A_664, %dma_wait3A_665] : memref<20480x128xf32, #tpu.memory_space<hbm>> -> memref<20480x128xf32, #tpu.memory_space<hbm>>
    tpu.wait_indirect_dma semaphore(%arg32 : memref<!tpu.dma_semaphore, #tpu.memory_space<semaphore_mem>>) src(%dma_wait3A_666 : memref<20480x128xf32, #tpu.memory_space<hbm>>) dst(%arg20 : memref<32x128xf32, #tpu.memory_space<vmem>>)
    %dma_wait3A_667 = arith.constant 3 : i32
    %dma_wait3A_668 = arith.constant 0 : i32
    %dma_wait3A_669 = tpu.memref_slice %arg17[%dma_wait3A_667, %dma_wait3A_668] : memref<4x32xi32, #tpu.memory_space<vmem>> -> memref<1x32xi32, #tpu.memory_space<vmem>>
    %dma_wait3A_670 = tpu.memref_squeeze %dma_wait3A_669 : memref<1x32xi32, #tpu.memory_space<vmem>> -> memref<32xi32, #tpu.memory_space<vmem>>
    %dma_wait3A_671 = arith.constant 0 : i32
    %dma_wait3A_672 = arith.constant 0 : i32
    %dma_wait3A_673 = tpu.memref_slice %arg2[%dma_wait3A_671, %dma_wait3A_672] : memref<20480x128xf32, #tpu.memory_space<hbm>> -> memref<20480x128xf32, #tpu.memory_space<hbm>>
    tpu.wait_indirect_dma semaphore(%arg32 : memref<!tpu.dma_semaphore, #tpu.memory_space<semaphore_mem>>) src(%dma_wait3A_673 : memref<20480x128xf32, #tpu.memory_space<hbm>>) dst(%arg21 : memref<32x128xf32, #tpu.memory_space<vmem>>)
    %dma_wait3A_674 = arith.constant 1 : i32
    %dma_wait3A_675 = arith.constant 0 : i32
    %dma_wait3A_676 = tpu.memref_slice %arg17[%dma_wait3A_674, %dma_wait3A_675] : memref<4x32xi32, #tpu.memory_space<vmem>> -> memref<1x32xi32, #tpu.memory_space<vmem>>
    %dma_wait3A_677 = tpu.memref_squeeze %dma_wait3A_676 : memref<1x32xi32, #tpu.memory_space<vmem>> -> memref<32xi32, #tpu.memory_space<vmem>>
    %dma_wait3A_678 = arith.constant 0 : i32
    %dma_wait3A_679 = arith.constant 0 : i32
    %dma_wait3A_680 = tpu.memref_slice %arg2[%dma_wait3A_678, %dma_wait3A_679] : memref<20480x128xf32, #tpu.memory_space<hbm>> -> memref<20480x128xf32, #tpu.memory_space<hbm>>
    tpu.wait_indirect_dma semaphore(%arg32 : memref<!tpu.dma_semaphore, #tpu.memory_space<semaphore_mem>>) src(%dma_wait3A_680 : memref<20480x128xf32, #tpu.memory_space<hbm>>) dst(%arg22 : memref<32x128xf32, #tpu.memory_space<vmem>>)
    %dma_wait3A_681 = arith.constant 2 : i32
    %dma_wait3A_682 = arith.constant 0 : i32
    %dma_wait3A_683 = tpu.memref_slice %arg17[%dma_wait3A_681, %dma_wait3A_682] : memref<4x32xi32, #tpu.memory_space<vmem>> -> memref<1x32xi32, #tpu.memory_space<vmem>>
    %dma_wait3A_684 = tpu.memref_squeeze %dma_wait3A_683 : memref<1x32xi32, #tpu.memory_space<vmem>> -> memref<32xi32, #tpu.memory_space<vmem>>
    %dma_wait3A_685 = arith.constant 0 : i32
    %dma_wait3A_686 = arith.constant 0 : i32
    %dma_wait3A_687 = tpu.memref_slice %arg2[%dma_wait3A_685, %dma_wait3A_686] : memref<20480x128xf32, #tpu.memory_space<hbm>> -> memref<20480x128xf32, #tpu.memory_space<hbm>>
    tpu.wait_indirect_dma semaphore(%arg32 : memref<!tpu.dma_semaphore, #tpu.memory_space<semaphore_mem>>) src(%dma_wait3A_687 : memref<20480x128xf32, #tpu.memory_space<hbm>>) dst(%arg23 : memref<32x128xf32, #tpu.memory_space<vmem>>)
    %dma_wait3A_688 = arith.constant 0 : i32
    %dma_wait3A_689 = tpu.memref_slice %arg3[%add3A_659, %dma_wait3A_688] : memref<327680x128xf32, #tpu.memory_space<hbm>> -> memref<32x128xf32, #tpu.memory_space<hbm>>
    %dma_wait3A_690 = arith.constant 0 : i32
    %dma_wait3A_691 = tpu.memref_slice %arg3[%add3A_659, %dma_wait3A_690] : memref<327680x128xf32, #tpu.memory_space<hbm>> -> memref<32x128xf32, #tpu.memory_space<hbm>>
    tpu.wait_dma2 semaphore(%arg32 : memref<!tpu.dma_semaphore, #tpu.memory_space<semaphore_mem>>) src(%dma_wait3A_691 : memref<32x128xf32, #tpu.memory_space<hbm>>) dst(%arg24 : memref<32x128xf32, #tpu.memory_space<vmem>>)
    %scan3A_692 = arith.constant 0 : i32
    %scan3A_693 = arith.constant 0 : i32
    %scan3A_694 = arith.constant 32 : i32
    %scan3A_695 = arith.addi %scan3A_693, %scan3A_694 : i32
    %scan3A_696 = arith.constant 1 : i32
    scf.for %scan3A_726 = %scan3A_693 to %scan3A_695 step %scan3A_696  : i32 {
      %get3A = arith.index_cast %scan3A_726 : i32 to index
      %get3A_727 = arith.constant 0 : index
      %get3A_728 = tpu.vector_load %arg20[%get3A, %get3A_727] {strides = array<i32>} : memref<32x128xf32, #tpu.memory_space<vmem>>, vector<1x16xf32>,
      %get3A_729 = vector.shape_cast %get3A_728 : vector<1x16xf32> to vector<16xf32>
      %get3A_730 = arith.index_cast %scan3A_726 : i32 to index
      %get3A_731 = arith.constant 0 : index
      %get3A_732 = tpu.vector_load %arg21[%get3A_730, %get3A_731] {strides = array<i32>} : memref<32x128xf32, #tpu.memory_space<vmem>>, vector<1x16xf32>,
      %get3A_733 = vector.shape_cast %get3A_732 : vector<1x16xf32> to vector<16xf32>
      %get3A_734 = arith.index_cast %scan3A_726 : i32 to index
      %get3A_735 = arith.constant 0 : index
      %get3A_736 = tpu.vector_load %arg22[%get3A_734, %get3A_735] {strides = array<i32>} : memref<32x128xf32, #tpu.memory_space<vmem>>, vector<1x16xf32>,
      %get3A_737 = vector.shape_cast %get3A_736 : vector<1x16xf32> to vector<16xf32>
      %get3A_738 = arith.index_cast %scan3A_726 : i32 to index
      %get3A_739 = arith.constant 0 : index
      %get3A_740 = tpu.vector_load %arg23[%get3A_738, %get3A_739] {strides = array<i32>} : memref<32x128xf32, #tpu.memory_space<vmem>>, vector<1x16xf32>,
      %get3A_741 = vector.shape_cast %get3A_740 : vector<1x16xf32> to vector<16xf32>
      %get3A_742 = arith.index_cast %scan3A_726 : i32 to index
      %get3A_743 = arith.constant 0 : index
      %get3A_744 = tpu.vector_load %arg24[%get3A_742, %get3A_743] {strides = array<i32>} : memref<32x128xf32, #tpu.memory_space<vmem>>, vector<1x16xf32>,
      %get3A_745 = vector.shape_cast %get3A_744 : vector<1x16xf32> to vector<16xf32>
      %add3A_746 = arith.addf %get3A_729, %get3A_733 : vector<16xf32>
      %add3A_747 = arith.addf %add3A_746, %get3A_745 : vector<16xf32>
      %add3A_748 = arith.addf %get3A_741, %get3A_737 : vector<16xf32>
      %add3A_749 = arith.addf %add3A_748, %get3A_745 : vector<16xf32>
      %mul3A_750 = arith.constant 0.00999999977 : f32
      %mul3A_751 = vector.broadcast %mul3A_750 : f32 to vector<16xf32>
      %mul3A_752 = arith.mulf %mul3A_751, %add3A_747 : vector<16xf32>
      %max3A = arith.maximumf %add3A_747, %mul3A_752 : vector<16xf32>
      %swap3A = arith.index_cast %scan3A_726 : i32 to index
      %swap3A_753 = arith.constant 0 : index
      %swap3A_754 = tpu.vector_load %arg20[%swap3A, %swap3A_753] {strides = array<i32>} : memref<32x128xf32, #tpu.memory_space<vmem>>, vector<1x16xf32>,
      %swap3A_755 = vector.shape_cast %swap3A_754 : vector<1x16xf32> to vector<16xf32>
      %swap3A_756 = vector.shape_cast %max3A : vector<16xf32> to vector<1x16xf32>
      tpu.vector_store %arg20[%swap3A, %swap3A_753], %swap3A_756 {strides = array<i32>} : memref<32x128xf32, #tpu.memory_space<vmem>>, vector<1x16xf32>,
      %mul3A_757 = arith.constant 0.00999999977 : f32
      %mul3A_758 = vector.broadcast %mul3A_757 : f32 to vector<16xf32>
      %mul3A_759 = arith.mulf %mul3A_758, %add3A_749 : vector<16xf32>
      %max3A_760 = arith.maximumf %add3A_749, %mul3A_759 : vector<16xf32>
      %swap3A_761 = arith.index_cast %scan3A_726 : i32 to index
      %swap3A_762 = arith.constant 0 : index
      %swap3A_763 = tpu.vector_load %arg23[%swap3A_761, %swap3A_762] {strides = array<i32>} : memref<32x128xf32, #tpu.memory_space<vmem>>, vector<1x16xf32>,
      %swap3A_764 = vector.shape_cast %swap3A_763 : vector<1x16xf32> to vector<16xf32>
      %swap3A_765 = vector.shape_cast %max3A_760 : vector<16xf32> to vector<1x16xf32>
      tpu.vector_store %arg23[%swap3A_761, %swap3A_762], %swap3A_765 {strides = array<i32>} : memref<32x128xf32, #tpu.memory_space<vmem>>, vector<1x16xf32>,
      %get3A_766 = arith.index_cast %scan3A_726 : i32 to index
      %get3A_767 = arith.constant 16 : index
      %get3A_768 = tpu.vector_load %arg20[%get3A_766, %get3A_767] {strides = array<i32>} : memref<32x128xf32, #tpu.memory_space<vmem>>, vector<1x16xf32>,
      %get3A_769 = vector.shape_cast %get3A_768 : vector<1x16xf32> to vector<16xf32>
      %get3A_770 = arith.index_cast %scan3A_726 : i32 to index
      %get3A_771 = arith.constant 16 : index
      %get3A_772 = tpu.vector_load %arg21[%get3A_770, %get3A_771] {strides = array<i32>} : memref<32x128xf32, #tpu.memory_space<vmem>>, vector<1x16xf32>,
      %get3A_773 = vector.shape_cast %get3A_772 : vector<1x16xf32> to vector<16xf32>
      %get3A_774 = arith.index_cast %scan3A_726 : i32 to index
      %get3A_775 = arith.constant 16 : index
      %get3A_776 = tpu.vector_load %arg22[%get3A_774, %get3A_775] {strides = array<i32>} : memref<32x128xf32, #tpu.memory_space<vmem>>, vector<1x16xf32>,
      %get3A_777 = vector.shape_cast %get3A_776 : vector<1x16xf32> to vector<16xf32>
      %get3A_778 = arith.index_cast %scan3A_726 : i32 to index
      %get3A_779 = arith.constant 16 : index
      %get3A_780 = tpu.vector_load %arg23[%get3A_778, %get3A_779] {strides = array<i32>} : memref<32x128xf32, #tpu.memory_space<vmem>>, vector<1x16xf32>,
      %get3A_781 = vector.shape_cast %get3A_780 : vector<1x16xf32> to vector<16xf32>
      %get3A_782 = arith.index_cast %scan3A_726 : i32 to index
      %get3A_783 = arith.constant 16 : index
      %get3A_784 = tpu.vector_load %arg24[%get3A_782, %get3A_783] {strides = array<i32>} : memref<32x128xf32, #tpu.memory_space<vmem>>, vector<1x16xf32>,
      %get3A_785 = vector.shape_cast %get3A_784 : vector<1x16xf32> to vector<16xf32>
      %add3A_786 = arith.addf %get3A_769, %get3A_773 : vector<16xf32>
      %add3A_787 = arith.addf %add3A_786, %get3A_785 : vector<16xf32>
      %add3A_788 = arith.addf %get3A_781, %get3A_777 : vector<16xf32>
      %add3A_789 = arith.addf %add3A_788, %get3A_785 : vector<16xf32>
      %mul3A_790 = arith.constant 0.00999999977 : f32
      %mul3A_791 = vector.broadcast %mul3A_790 : f32 to vector<16xf32>
      %mul3A_792 = arith.mulf %mul3A_791, %add3A_787 : vector<16xf32>
      %max3A_793 = arith.maximumf %add3A_787, %mul3A_792 : vector<16xf32>
      %swap3A_794 = arith.index_cast %scan3A_726 : i32 to index
      %swap3A_795 = arith.constant 16 : index
      %swap3A_796 = tpu.vector_load %arg20[%swap3A_794, %swap3A_795] {strides = array<i32>} : memref<32x128xf32, #tpu.memory_space<vmem>>, vector<1x16xf32>,
      %swap3A_797 = vector.shape_cast %swap3A_796 : vector<1x16xf32> to vector<16xf32>
      %swap3A_798 = vector.shape_cast %max3A_793 : vector<16xf32> to vector<1x16xf32>
      tpu.vector_store %arg20[%swap3A_794, %swap3A_795], %swap3A_798 {strides = array<i32>} : memref<32x128xf32, #tpu.memory_space<vmem>>, vector<1x16xf32>,
      %mul3A_799 = arith.constant 0.00999999977 : f32
      %mul3A_800 = vector.broadcast %mul3A_799 : f32 to vector<16xf32>
      %mul3A_801 = arith.mulf %mul3A_800, %add3A_789 : vector<16xf32>
      %max3A_802 = arith.maximumf %add3A_789, %mul3A_801 : vector<16xf32>
      %swap3A_803 = arith.index_cast %scan3A_726 : i32 to index
      %swap3A_804 = arith.constant 16 : index
      %swap3A_805 = tpu.vector_load %arg23[%swap3A_803, %swap3A_804] {strides = array<i32>} : memref<32x128xf32, #tpu.memory_space<vmem>>, vector<1x16xf32>,
      %swap3A_806 = vector.shape_cast %swap3A_805 : vector<1x16xf32> to vector<16xf32>
      %swap3A_807 = vector.shape_cast %max3A_802 : vector<16xf32> to vector<1x16xf32>
      tpu.vector_store %arg23[%swap3A_803, %swap3A_804], %swap3A_807 {strides = array<i32>} : memref<32x128xf32, #tpu.memory_space<vmem>>, vector<1x16xf32>,
      %get3A_808 = arith.index_cast %scan3A_726 : i32 to index
      %get3A_809 = arith.constant 32 : index
      %get3A_810 = tpu.vector_load %arg20[%get3A_808, %get3A_809] {strides = array<i32>} : memref<32x128xf32, #tpu.memory_space<vmem>>, vector<1x16xf32>,
      %get3A_811 = vector.shape_cast %get3A_810 : vector<1x16xf32> to vector<16xf32>
      %get3A_812 = arith.index_cast %scan3A_726 : i32 to index
      %get3A_813 = arith.constant 32 : index
      %get3A_814 = tpu.vector_load %arg21[%get3A_812, %get3A_813] {strides = array<i32>} : memref<32x128xf32, #tpu.memory_space<vmem>>, vector<1x16xf32>,
      %get3A_815 = vector.shape_cast %get3A_814 : vector<1x16xf32> to vector<16xf32>
      %get3A_816 = arith.index_cast %scan3A_726 : i32 to index
      %get3A_817 = arith.constant 32 : index
      %get3A_818 = tpu.vector_load %arg22[%get3A_816, %get3A_817] {strides = array<i32>} : memref<32x128xf32, #tpu.memory_space<vmem>>, vector<1x16xf32>,
      %get3A_819 = vector.shape_cast %get3A_818 : vector<1x16xf32> to vector<16xf32>
      %get3A_820 = arith.index_cast %scan3A_726 : i32 to index
      %get3A_821 = arith.constant 32 : index
      %get3A_822 = tpu.vector_load %arg23[%get3A_820, %get3A_821] {strides = array<i32>} : memref<32x128xf32, #tpu.memory_space<vmem>>, vector<1x16xf32>,
      %get3A_823 = vector.shape_cast %get3A_822 : vector<1x16xf32> to vector<16xf32>
      %get3A_824 = arith.index_cast %scan3A_726 : i32 to index
      %get3A_825 = arith.constant 32 : index
      %get3A_826 = tpu.vector_load %arg24[%get3A_824, %get3A_825] {strides = array<i32>} : memref<32x128xf32, #tpu.memory_space<vmem>>, vector<1x16xf32>,
      %get3A_827 = vector.shape_cast %get3A_826 : vector<1x16xf32> to vector<16xf32>
      %add3A_828 = arith.addf %get3A_811, %get3A_815 : vector<16xf32>
      %add3A_829 = arith.addf %add3A_828, %get3A_827 : vector<16xf32>
      %add3A_830 = arith.addf %get3A_823, %get3A_819 : vector<16xf32>
      %add3A_831 = arith.addf %add3A_830, %get3A_827 : vector<16xf32>
      %mul3A_832 = arith.constant 0.00999999977 : f32
      %mul3A_833 = vector.broadcast %mul3A_832 : f32 to vector<16xf32>
      %mul3A_834 = arith.mulf %mul3A_833, %add3A_829 : vector<16xf32>
      %max3A_835 = arith.maximumf %add3A_829, %mul3A_834 : vector<16xf32>
      %swap3A_836 = arith.index_cast %scan3A_726 : i32 to index
      %swap3A_837 = arith.constant 32 : index
      %swap3A_838 = tpu.vector_load %arg20[%swap3A_836, %swap3A_837] {strides = array<i32>} : memref<32x128xf32, #tpu.memory_space<vmem>>, vector<1x16xf32>,
      %swap3A_839 = vector.shape_cast %swap3A_838 : vector<1x16xf32> to vector<16xf32>
      %swap3A_840 = vector.shape_cast %max3A_835 : vector<16xf32> to vector<1x16xf32>
      tpu.vector_store %arg20[%swap3A_836, %swap3A_837], %swap3A_840 {strides = array<i32>} : memref<32x128xf32, #tpu.memory_space<vmem>>, vector<1x16xf32>,
      %mul3A_841 = arith.constant 0.00999999977 : f32
      %mul3A_842 = vector.broadcast %mul3A_841 : f32 to vector<16xf32>
      %mul3A_843 = arith.mulf %mul3A_842, %add3A_831 : vector<16xf32>
      %max3A_844 = arith.maximumf %add3A_831, %mul3A_843 : vector<16xf32>
      %swap3A_845 = arith.index_cast %scan3A_726 : i32 to index
      %swap3A_846 = arith.constant 32 : index
      %swap3A_847 = tpu.vector_load %arg23[%swap3A_845, %swap3A_846] {strides = array<i32>} : memref<32x128xf32, #tpu.memory_space<vmem>>, vector<1x16xf32>,
      %swap3A_848 = vector.shape_cast %swap3A_847 : vector<1x16xf32> to vector<16xf32>
      %swap3A_849 = vector.shape_cast %max3A_844 : vector<16xf32> to vector<1x16xf32>
      tpu.vector_store %arg23[%swap3A_845, %swap3A_846], %swap3A_849 {strides = array<i32>} : memref<32x128xf32, #tpu.memory_space<vmem>>, vector<1x16xf32>,
      %get3A_850 = arith.index_cast %scan3A_726 : i32 to index
      %get3A_851 = arith.constant 48 : index
      %get3A_852 = tpu.vector_load %arg20[%get3A_850, %get3A_851] {strides = array<i32>} : memref<32x128xf32, #tpu.memory_space<vmem>>, vector<1x16xf32>,
      %get3A_853 = vector.shape_cast %get3A_852 : vector<1x16xf32> to vector<16xf32>
      %get3A_854 = arith.index_cast %scan3A_726 : i32 to index
      %get3A_855 = arith.constant 48 : index
      %get3A_856 = tpu.vector_load %arg21[%get3A_854, %get3A_855] {strides = array<i32>} : memref<32x128xf32, #tpu.memory_space<vmem>>, vector<1x16xf32>,
      %get3A_857 = vector.shape_cast %get3A_856 : vector<1x16xf32> to vector<16xf32>
      %get3A_858 = arith.index_cast %scan3A_726 : i32 to index
      %get3A_859 = arith.constant 48 : index
      %get3A_860 = tpu.vector_load %arg22[%get3A_858, %get3A_859] {strides = array<i32>} : memref<32x128xf32, #tpu.memory_space<vmem>>, vector<1x16xf32>,
      %get3A_861 = vector.shape_cast %get3A_860 : vector<1x16xf32> to vector<16xf32>
      %get3A_862 = arith.index_cast %scan3A_726 : i32 to index
      %get3A_863 = arith.constant 48 : index
      %get3A_864 = tpu.vector_load %arg23[%get3A_862, %get3A_863] {strides = array<i32>} : memref<32x128xf32, #tpu.memory_space<vmem>>, vector<1x16xf32>,
      %get3A_865 = vector.shape_cast %get3A_864 : vector<1x16xf32> to vector<16xf32>
      %get3A_866 = arith.index_cast %scan3A_726 : i32 to index
      %get3A_867 = arith.constant 48 : index
      %get3A_868 = tpu.vector_load %arg24[%get3A_866, %get3A_867] {strides = array<i32>} : memref<32x128xf32, #tpu.memory_space<vmem>>, vector<1x16xf32>,
      %get3A_869 = vector.shape_cast %get3A_868 : vector<1x16xf32> to vector<16xf32>
      %add3A_870 = arith.addf %get3A_853, %get3A_857 : vector<16xf32>
      %add3A_871 = arith.addf %add3A_870, %get3A_869 : vector<16xf32>
      %add3A_872 = arith.addf %get3A_865, %get3A_861 : vector<16xf32>
      %add3A_873 = arith.addf %add3A_872, %get3A_869 : vector<16xf32>
      %mul3A_874 = arith.constant 0.00999999977 : f32
      %mul3A_875 = vector.broadcast %mul3A_874 : f32 to vector<16xf32>
      %mul3A_876 = arith.mulf %mul3A_875, %add3A_871 : vector<16xf32>
      %max3A_877 = arith.maximumf %add3A_871, %mul3A_876 : vector<16xf32>
      %swap3A_878 = arith.index_cast %scan3A_726 : i32 to index
      %swap3A_879 = arith.constant 48 : index
      %swap3A_880 = tpu.vector_load %arg20[%swap3A_878, %swap3A_879] {strides = array<i32>} : memref<32x128xf32, #tpu.memory_space<vmem>>, vector<1x16xf32>,
      %swap3A_881 = vector.shape_cast %swap3A_880 : vector<1x16xf32> to vector<16xf32>
      %swap3A_882 = vector.shape_cast %max3A_877 : vector<16xf32> to vector<1x16xf32>
      tpu.vector_store %arg20[%swap3A_878, %swap3A_879], %swap3A_882 {strides = array<i32>} : memref<32x128xf32, #tpu.memory_space<vmem>>, vector<1x16xf32>,
      %mul3A_883 = arith.constant 0.00999999977 : f32
      %mul3A_884 = vector.broadcast %mul3A_883 : f32 to vector<16xf32>
      %mul3A_885 = arith.mulf %mul3A_884, %add3A_873 : vector<16xf32>
      %max3A_886 = arith.maximumf %add3A_873, %mul3A_885 : vector<16xf32>
      %swap3A_887 = arith.index_cast %scan3A_726 : i32 to index
      %swap3A_888 = arith.constant 48 : index
      %swap3A_889 = tpu.vector_load %arg23[%swap3A_887, %swap3A_888] {strides = array<i32>} : memref<32x128xf32, #tpu.memory_space<vmem>>, vector<1x16xf32>,
      %swap3A_890 = vector.shape_cast %swap3A_889 : vector<1x16xf32> to vector<16xf32>
      %swap3A_891 = vector.shape_cast %max3A_886 : vector<16xf32> to vector<1x16xf32>
      tpu.vector_store %arg23[%swap3A_887, %swap3A_888], %swap3A_891 {strides = array<i32>} : memref<32x128xf32, #tpu.memory_space<vmem>>, vector<1x16xf32>,
      %get3A_892 = arith.index_cast %scan3A_726 : i32 to index
      %get3A_893 = arith.constant 64 : index
      %get3A_894 = tpu.vector_load %arg20[%get3A_892, %get3A_893] {strides = array<i32>} : memref<32x128xf32, #tpu.memory_space<vmem>>, vector<1x16xf32>,
      %get3A_895 = vector.shape_cast %get3A_894 : vector<1x16xf32> to vector<16xf32>
      %get3A_896 = arith.index_cast %scan3A_726 : i32 to index
      %get3A_897 = arith.constant 64 : index
      %get3A_898 = tpu.vector_load %arg21[%get3A_896, %get3A_897] {strides = array<i32>} : memref<32x128xf32, #tpu.memory_space<vmem>>, vector<1x16xf32>,
      %get3A_899 = vector.shape_cast %get3A_898 : vector<1x16xf32> to vector<16xf32>
      %get3A_900 = arith.index_cast %scan3A_726 : i32 to index
      %get3A_901 = arith.constant 64 : index
      %get3A_902 = tpu.vector_load %arg22[%get3A_900, %get3A_901] {strides = array<i32>} : memref<32x128xf32, #tpu.memory_space<vmem>>, vector<1x16xf32>,
      %get3A_903 = vector.shape_cast %get3A_902 : vector<1x16xf32> to vector<16xf32>
      %get3A_904 = arith.index_cast %scan3A_726 : i32 to index
      %get3A_905 = arith.constant 64 : index
      %get3A_906 = tpu.vector_load %arg23[%get3A_904, %get3A_905] {strides = array<i32>} : memref<32x128xf32, #tpu.memory_space<vmem>>, vector<1x16xf32>,
      %get3A_907 = vector.shape_cast %get3A_906 : vector<1x16xf32> to vector<16xf32>
      %get3A_908 = arith.index_cast %scan3A_726 : i32 to index
      %get3A_909 = arith.constant 64 : index
      %get3A_910 = tpu.vector_load %arg24[%get3A_908, %get3A_909] {strides = array<i32>} : memref<32x128xf32, #tpu.memory_space<vmem>>, vector<1x16xf32>,
      %get3A_911 = vector.shape_cast %get3A_910 : vector<1x16xf32> to vector<16xf32>
      %add3A_912 = arith.addf %get3A_895, %get3A_899 : vector<16xf32>
      %add3A_913 = arith.addf %add3A_912, %get3A_911 : vector<16xf32>
      %add3A_914 = arith.addf %get3A_907, %get3A_903 : vector<16xf32>
      %add3A_915 = arith.addf %add3A_914, %get3A_911 : vector<16xf32>
      %mul3A_916 = arith.constant 0.00999999977 : f32
      %mul3A_917 = vector.broadcast %mul3A_916 : f32 to vector<16xf32>
      %mul3A_918 = arith.mulf %mul3A_917, %add3A_913 : vector<16xf32>
      %max3A_919 = arith.maximumf %add3A_913, %mul3A_918 : vector<16xf32>
      %swap3A_920 = arith.index_cast %scan3A_726 : i32 to index
      %swap3A_921 = arith.constant 64 : index
      %swap3A_922 = tpu.vector_load %arg20[%swap3A_920, %swap3A_921] {strides = array<i32>} : memref<32x128xf32, #tpu.memory_space<vmem>>, vector<1x16xf32>,
      %swap3A_923 = vector.shape_cast %swap3A_922 : vector<1x16xf32> to vector<16xf32>
      %swap3A_924 = vector.shape_cast %max3A_919 : vector<16xf32> to vector<1x16xf32>
      tpu.vector_store %arg20[%swap3A_920, %swap3A_921], %swap3A_924 {strides = array<i32>} : memref<32x128xf32, #tpu.memory_space<vmem>>, vector<1x16xf32>,
      %mul3A_925 = arith.constant 0.00999999977 : f32
      %mul3A_926 = vector.broadcast %mul3A_925 : f32 to vector<16xf32>
      %mul3A_927 = arith.mulf %mul3A_926, %add3A_915 : vector<16xf32>
      %max3A_928 = arith.maximumf %add3A_915, %mul3A_927 : vector<16xf32>
      %swap3A_929 = arith.index_cast %scan3A_726 : i32 to index
      %swap3A_930 = arith.constant 64 : index
      %swap3A_931 = tpu.vector_load %arg23[%swap3A_929, %swap3A_930] {strides = array<i32>} : memref<32x128xf32, #tpu.memory_space<vmem>>, vector<1x16xf32>,
      %swap3A_932 = vector.shape_cast %swap3A_931 : vector<1x16xf32> to vector<16xf32>
      %swap3A_933 = vector.shape_cast %max3A_928 : vector<16xf32> to vector<1x16xf32>
      tpu.vector_store %arg23[%swap3A_929, %swap3A_930], %swap3A_933 {strides = array<i32>} : memref<32x128xf32, #tpu.memory_space<vmem>>, vector<1x16xf32>,
      %get3A_934 = arith.index_cast %scan3A_726 : i32 to index
      %get3A_935 = arith.constant 80 : index
      %get3A_936 = tpu.vector_load %arg20[%get3A_934, %get3A_935] {strides = array<i32>} : memref<32x128xf32, #tpu.memory_space<vmem>>, vector<1x16xf32>,
      %get3A_937 = vector.shape_cast %get3A_936 : vector<1x16xf32> to vector<16xf32>
      %get3A_938 = arith.index_cast %scan3A_726 : i32 to index
      %get3A_939 = arith.constant 80 : index
      %get3A_940 = tpu.vector_load %arg21[%get3A_938, %get3A_939] {strides = array<i32>} : memref<32x128xf32, #tpu.memory_space<vmem>>, vector<1x16xf32>,
      %get3A_941 = vector.shape_cast %get3A_940 : vector<1x16xf32> to vector<16xf32>
      %get3A_942 = arith.index_cast %scan3A_726 : i32 to index
      %get3A_943 = arith.constant 80 : index
      %get3A_944 = tpu.vector_load %arg22[%get3A_942, %get3A_943] {strides = array<i32>} : memref<32x128xf32, #tpu.memory_space<vmem>>, vector<1x16xf32>,
      %get3A_945 = vector.shape_cast %get3A_944 : vector<1x16xf32> to vector<16xf32>
      %get3A_946 = arith.index_cast %scan3A_726 : i32 to index
      %get3A_947 = arith.constant 80 : index
      %get3A_948 = tpu.vector_load %arg23[%get3A_946, %get3A_947] {strides = array<i32>} : memref<32x128xf32, #tpu.memory_space<vmem>>, vector<1x16xf32>,
      %get3A_949 = vector.shape_cast %get3A_948 : vector<1x16xf32> to vector<16xf32>
      %get3A_950 = arith.index_cast %scan3A_726 : i32 to index
      %get3A_951 = arith.constant 80 : index
      %get3A_952 = tpu.vector_load %arg24[%get3A_950, %get3A_951] {strides = array<i32>} : memref<32x128xf32, #tpu.memory_space<vmem>>, vector<1x16xf32>,
      %get3A_953 = vector.shape_cast %get3A_952 : vector<1x16xf32> to vector<16xf32>
      %add3A_954 = arith.addf %get3A_937, %get3A_941 : vector<16xf32>
      %add3A_955 = arith.addf %add3A_954, %get3A_953 : vector<16xf32>
      %add3A_956 = arith.addf %get3A_949, %get3A_945 : vector<16xf32>
      %add3A_957 = arith.addf %add3A_956, %get3A_953 : vector<16xf32>
      %mul3A_958 = arith.constant 0.00999999977 : f32
      %mul3A_959 = vector.broadcast %mul3A_958 : f32 to vector<16xf32>
      %mul3A_960 = arith.mulf %mul3A_959, %add3A_955 : vector<16xf32>
      %max3A_961 = arith.maximumf %add3A_955, %mul3A_960 : vector<16xf32>
      %swap3A_962 = arith.index_cast %scan3A_726 : i32 to index
      %swap3A_963 = arith.constant 80 : index
      %swap3A_964 = tpu.vector_load %arg20[%swap3A_962, %swap3A_963] {strides = array<i32>} : memref<32x128xf32, #tpu.memory_space<vmem>>, vector<1x16xf32>,
      %swap3A_965 = vector.shape_cast %swap3A_964 : vector<1x16xf32> to vector<16xf32>
      %swap3A_966 = vector.shape_cast %max3A_961 : vector<16xf32> to vector<1x16xf32>
      tpu.vector_store %arg20[%swap3A_962, %swap3A_963], %swap3A_966 {strides = array<i32>} : memref<32x128xf32, #tpu.memory_space<vmem>>, vector<1x16xf32>,
      %mul3A_967 = arith.constant 0.00999999977 : f32
      %mul3A_968 = vector.broadcast %mul3A_967 : f32 to vector<16xf32>
      %mul3A_969 = arith.mulf %mul3A_968, %add3A_957 : vector<16xf32>
      %max3A_970 = arith.maximumf %add3A_957, %mul3A_969 : vector<16xf32>
      %swap3A_971 = arith.index_cast %scan3A_726 : i32 to index
      %swap3A_972 = arith.constant 80 : index
      %swap3A_973 = tpu.vector_load %arg23[%swap3A_971, %swap3A_972] {strides = array<i32>} : memref<32x128xf32, #tpu.memory_space<vmem>>, vector<1x16xf32>,
      %swap3A_974 = vector.shape_cast %swap3A_973 : vector<1x16xf32> to vector<16xf32>
      %swap3A_975 = vector.shape_cast %max3A_970 : vector<16xf32> to vector<1x16xf32>
      tpu.vector_store %arg23[%swap3A_971, %swap3A_972], %swap3A_975 {strides = array<i32>} : memref<32x128xf32, #tpu.memory_space<vmem>>, vector<1x16xf32>,
      %get3A_976 = arith.index_cast %scan3A_726 : i32 to index
      %get3A_977 = arith.constant 96 : index
      %get3A_978 = tpu.vector_load %arg20[%get3A_976, %get3A_977] {strides = array<i32>} : memref<32x128xf32, #tpu.memory_space<vmem>>, vector<1x16xf32>,
      %get3A_979 = vector.shape_cast %get3A_978 : vector<1x16xf32> to vector<16xf32>
      %get3A_980 = arith.index_cast %scan3A_726 : i32 to index
      %get3A_981 = arith.constant 96 : index
      %get3A_982 = tpu.vector_load %arg21[%get3A_980, %get3A_981] {strides = array<i32>} : memref<32x128xf32, #tpu.memory_space<vmem>>, vector<1x16xf32>,
      %get3A_983 = vector.shape_cast %get3A_982 : vector<1x16xf32> to vector<16xf32>
      %get3A_984 = arith.index_cast %scan3A_726 : i32 to index
      %get3A_985 = arith.constant 96 : index
      %get3A_986 = tpu.vector_load %arg22[%get3A_984, %get3A_985] {strides = array<i32>} : memref<32x128xf32, #tpu.memory_space<vmem>>, vector<1x16xf32>,
      %get3A_987 = vector.shape_cast %get3A_986 : vector<1x16xf32> to vector<16xf32>
      %get3A_988 = arith.index_cast %scan3A_726 : i32 to index
      %get3A_989 = arith.constant 96 : index
      %get3A_990 = tpu.vector_load %arg23[%get3A_988, %get3A_989] {strides = array<i32>} : memref<32x128xf32, #tpu.memory_space<vmem>>, vector<1x16xf32>,
      %get3A_991 = vector.shape_cast %get3A_990 : vector<1x16xf32> to vector<16xf32>
      %get3A_992 = arith.index_cast %scan3A_726 : i32 to index
      %get3A_993 = arith.constant 96 : index
      %get3A_994 = tpu.vector_load %arg24[%get3A_992, %get3A_993] {strides = array<i32>} : memref<32x128xf32, #tpu.memory_space<vmem>>, vector<1x16xf32>,
      %get3A_995 = vector.shape_cast %get3A_994 : vector<1x16xf32> to vector<16xf32>
      %add3A_996 = arith.addf %get3A_979, %get3A_983 : vector<16xf32>
      %add3A_997 = arith.addf %add3A_996, %get3A_995 : vector<16xf32>
      %add3A_998 = arith.addf %get3A_991, %get3A_987 : vector<16xf32>
      %add3A_999 = arith.addf %add3A_998, %get3A_995 : vector<16xf32>
      %mul3A_1000 = arith.constant 0.00999999977 : f32
      %mul3A_1001 = vector.broadcast %mul3A_1000 : f32 to vector<16xf32>
      %mul3A_1002 = arith.mulf %mul3A_1001, %add3A_997 : vector<16xf32>
      %max3A_1003 = arith.maximumf %add3A_997, %mul3A_1002 : vector<16xf32>
      %swap3A_1004 = arith.index_cast %scan3A_726 : i32 to index
      %swap3A_1005 = arith.constant 96 : index
      %swap3A_1006 = tpu.vector_load %arg20[%swap3A_1004, %swap3A_1005] {strides = array<i32>} : memref<32x128xf32, #tpu.memory_space<vmem>>, vector<1x16xf32>,
      %swap3A_1007 = vector.shape_cast %swap3A_1006 : vector<1x16xf32> to vector<16xf32>
      %swap3A_1008 = vector.shape_cast %max3A_1003 : vector<16xf32> to vector<1x16xf32>
      tpu.vector_store %arg20[%swap3A_1004, %swap3A_1005], %swap3A_1008 {strides = array<i32>} : memref<32x128xf32, #tpu.memory_space<vmem>>, vector<1x16xf32>,
      %mul3A_1009 = arith.constant 0.00999999977 : f32
      %mul3A_1010 = vector.broadcast %mul3A_1009 : f32 to vector<16xf32>
      %mul3A_1011 = arith.mulf %mul3A_1010, %add3A_999 : vector<16xf32>
      %max3A_1012 = arith.maximumf %add3A_999, %mul3A_1011 : vector<16xf32>
      %swap3A_1013 = arith.index_cast %scan3A_726 : i32 to index
      %swap3A_1014 = arith.constant 96 : index
      %swap3A_1015 = tpu.vector_load %arg23[%swap3A_1013, %swap3A_1014] {strides = array<i32>} : memref<32x128xf32, #tpu.memory_space<vmem>>, vector<1x16xf32>,
      %swap3A_1016 = vector.shape_cast %swap3A_1015 : vector<1x16xf32> to vector<16xf32>
      %swap3A_1017 = vector.shape_cast %max3A_1012 : vector<16xf32> to vector<1x16xf32>
      tpu.vector_store %arg23[%swap3A_1013, %swap3A_1014], %swap3A_1017 {strides = array<i32>} : memref<32x128xf32, #tpu.memory_space<vmem>>, vector<1x16xf32>,
      %get3A_1018 = arith.index_cast %scan3A_726 : i32 to index
      %get3A_1019 = arith.constant 112 : index
      %get3A_1020 = tpu.vector_load %arg20[%get3A_1018, %get3A_1019] {strides = array<i32>} : memref<32x128xf32, #tpu.memory_space<vmem>>, vector<1x16xf32>,
      %get3A_1021 = vector.shape_cast %get3A_1020 : vector<1x16xf32> to vector<16xf32>
      %get3A_1022 = arith.index_cast %scan3A_726 : i32 to index
      %get3A_1023 = arith.constant 112 : index
      %get3A_1024 = tpu.vector_load %arg21[%get3A_1022, %get3A_1023] {strides = array<i32>} : memref<32x128xf32, #tpu.memory_space<vmem>>, vector<1x16xf32>,
      %get3A_1025 = vector.shape_cast %get3A_1024 : vector<1x16xf32> to vector<16xf32>
      %get3A_1026 = arith.index_cast %scan3A_726 : i32 to index
      %get3A_1027 = arith.constant 112 : index
      %get3A_1028 = tpu.vector_load %arg22[%get3A_1026, %get3A_1027] {strides = array<i32>} : memref<32x128xf32, #tpu.memory_space<vmem>>, vector<1x16xf32>,
      %get3A_1029 = vector.shape_cast %get3A_1028 : vector<1x16xf32> to vector<16xf32>
      %get3A_1030 = arith.index_cast %scan3A_726 : i32 to index
      %get3A_1031 = arith.constant 112 : index
      %get3A_1032 = tpu.vector_load %arg23[%get3A_1030, %get3A_1031] {strides = array<i32>} : memref<32x128xf32, #tpu.memory_space<vmem>>, vector<1x16xf32>,
      %get3A_1033 = vector.shape_cast %get3A_1032 : vector<1x16xf32> to vector<16xf32>
      %get3A_1034 = arith.index_cast %scan3A_726 : i32 to index
      %get3A_1035 = arith.constant 112 : index
      %get3A_1036 = tpu.vector_load %arg24[%get3A_1034, %get3A_1035] {strides = array<i32>} : memref<32x128xf32, #tpu.memory_space<vmem>>, vector<1x16xf32>,
      %get3A_1037 = vector.shape_cast %get3A_1036 : vector<1x16xf32> to vector<16xf32>
      %add3A_1038 = arith.addf %get3A_1021, %get3A_1025 : vector<16xf32>
      %add3A_1039 = arith.addf %add3A_1038, %get3A_1037 : vector<16xf32>
      %add3A_1040 = arith.addf %get3A_1033, %get3A_1029 : vector<16xf32>
      %add3A_1041 = arith.addf %add3A_1040, %get3A_1037 : vector<16xf32>
      %mul3A_1042 = arith.constant 0.00999999977 : f32
      %mul3A_1043 = vector.broadcast %mul3A_1042 : f32 to vector<16xf32>
      %mul3A_1044 = arith.mulf %mul3A_1043, %add3A_1039 : vector<16xf32>
      %max3A_1045 = arith.maximumf %add3A_1039, %mul3A_1044 : vector<16xf32>
      %swap3A_1046 = arith.index_cast %scan3A_726 : i32 to index
      %swap3A_1047 = arith.constant 112 : index
      %swap3A_1048 = tpu.vector_load %arg20[%swap3A_1046, %swap3A_1047] {strides = array<i32>} : memref<32x128xf32, #tpu.memory_space<vmem>>, vector<1x16xf32>,
      %swap3A_1049 = vector.shape_cast %swap3A_1048 : vector<1x16xf32> to vector<16xf32>
      %swap3A_1050 = vector.shape_cast %max3A_1045 : vector<16xf32> to vector<1x16xf32>
      tpu.vector_store %arg20[%swap3A_1046, %swap3A_1047], %swap3A_1050 {strides = array<i32>} : memref<32x128xf32, #tpu.memory_space<vmem>>, vector<1x16xf32>,
      %mul3A_1051 = arith.constant 0.00999999977 : f32
      %mul3A_1052 = vector.broadcast %mul3A_1051 : f32 to vector<16xf32>
      %mul3A_1053 = arith.mulf %mul3A_1052, %add3A_1041 : vector<16xf32>
      %max3A_1054 = arith.maximumf %add3A_1041, %mul3A_1053 : vector<16xf32>
      %swap3A_1055 = arith.index_cast %scan3A_726 : i32 to index
      %swap3A_1056 = arith.constant 112 : index
      %swap3A_1057 = tpu.vector_load %arg23[%swap3A_1055, %swap3A_1056] {strides = array<i32>} : memref<32x128xf32, #tpu.memory_space<vmem>>, vector<1x16xf32>,
      %swap3A_1058 = vector.shape_cast %swap3A_1057 : vector<1x16xf32> to vector<16xf32>
      %swap3A_1059 = vector.shape_cast %max3A_1054 : vector<16xf32> to vector<1x16xf32>
      tpu.vector_store %arg23[%swap3A_1055, %swap3A_1056], %swap3A_1059 {strides = array<i32>} : memref<32x128xf32, #tpu.memory_space<vmem>>, vector<1x16xf32>,
    }
    %scan3A_697 = arith.constant 32 : i32
    %add3A_698 = arith.constant 10208 : i32
    %add3A_699 = arith.addi %mul3A_15, %add3A_698 : i32
    %dma_wait3A_700 = tpu.memref_slice %arg4[%add3A_699] : memref<327680xi32, #tpu.memory_space<hbm>> -> memref<32xi32, #tpu.memory_space<hbm>>
    %dma_wait3A_701 = tpu.memref_slice %arg4[%add3A_699] : memref<327680xi32, #tpu.memory_space<hbm>> -> memref<32xi32, #tpu.memory_space<hbm>>
    tpu.wait_dma2 semaphore(%arg31 : memref<!tpu.dma_semaphore, #tpu.memory_space<semaphore_mem>>) src(%dma_wait3A_701 : memref<32xi32, #tpu.memory_space<hbm>>) dst(%arg18 : memref<32xi32, #tpu.memory_space<vmem>>)
    %dma_wait3A_702 = tpu.memref_slice %arg5[%add3A_699] : memref<327680xi32, #tpu.memory_space<hbm>> -> memref<32xi32, #tpu.memory_space<hbm>>
    %dma_wait3A_703 = tpu.memref_slice %arg5[%add3A_699] : memref<327680xi32, #tpu.memory_space<hbm>> -> memref<32xi32, #tpu.memory_space<hbm>>
    tpu.wait_dma2 semaphore(%arg31 : memref<!tpu.dma_semaphore, #tpu.memory_space<semaphore_mem>>) src(%dma_wait3A_703 : memref<32xi32, #tpu.memory_space<hbm>>) dst(%arg19 : memref<32xi32, #tpu.memory_space<vmem>>)
    %dma_start3A_704 = arith.constant 0 : i32
    %dma_start3A_705 = arith.constant 0 : i32
    %dma_start3A_706 = tpu.memref_slice %arg25[%dma_start3A_704, %dma_start3A_705] : memref<10240x128xf32, #tpu.memory_space<vmem_shared>> -> memref<10240x128xf32, #tpu.memory_space<vmem_shared>>
    tpu.enqueue_indirect_dma source(%arg20 : memref<32x128xf32, #tpu.memory_space<vmem>>) target(%dma_start3A_706 : memref<10240x128xf32, #tpu.memory_space<vmem_shared>>) offsets(%arg19 : memref<32xi32, #tpu.memory_space<vmem>>) semaphore(%arg33 : memref<!tpu.dma_semaphore, #tpu.memory_space<semaphore_mem>>) {add = true}
    %dma_start3A_707 = arith.constant 0 : i32
    %dma_start3A_708 = arith.constant 0 : i32
    %dma_start3A_709 = tpu.memref_slice %arg25[%dma_start3A_707, %dma_start3A_708] : memref<10240x128xf32, #tpu.memory_space<vmem_shared>> -> memref<10240x128xf32, #tpu.memory_space<vmem_shared>>
    tpu.enqueue_indirect_dma source(%arg23 : memref<32x128xf32, #tpu.memory_space<vmem>>) target(%dma_start3A_709 : memref<10240x128xf32, #tpu.memory_space<vmem_shared>>) offsets(%arg18 : memref<32xi32, #tpu.memory_space<vmem>>) semaphore(%arg33 : memref<!tpu.dma_semaphore, #tpu.memory_space<semaphore_mem>>) {add = true}
    %dma_wait3A_710 = arith.constant 0 : i32
    %dma_wait3A_711 = arith.constant 0 : i32
    %dma_wait3A_712 = tpu.memref_slice %arg25[%dma_wait3A_710, %dma_wait3A_711] : memref<10240x128xf32, #tpu.memory_space<vmem_shared>> -> memref<10240x128xf32, #tpu.memory_space<vmem_shared>>
    tpu.wait_indirect_dma semaphore(%arg33 : memref<!tpu.dma_semaphore, #tpu.memory_space<semaphore_mem>>) src(%arg20 : memref<32x128xf32, #tpu.memory_space<vmem>>) dst(%dma_wait3A_712 : memref<10240x128xf32, #tpu.memory_space<vmem_shared>>)
    %dma_wait3A_713 = arith.constant 0 : i32
    %dma_wait3A_714 = arith.constant 0 : i32
    %dma_wait3A_715 = tpu.memref_slice %arg25[%dma_wait3A_713, %dma_wait3A_714] : memref<10240x128xf32, #tpu.memory_space<vmem_shared>> -> memref<10240x128xf32, #tpu.memory_space<vmem_shared>>
    tpu.wait_indirect_dma semaphore(%arg33 : memref<!tpu.dma_semaphore, #tpu.memory_space<semaphore_mem>>) src(%arg23 : memref<32x128xf32, #tpu.memory_space<vmem>>) dst(%dma_wait3A_715 : memref<10240x128xf32, #tpu.memory_space<vmem_shared>>)
    %barrier3A_716 = arith.constant 0 : index
    tpu.barrier barrier_id(%barrier3A_716)
    %mul3A_717 = arith.constant 10240 : i32
    %mul3A_718 = arith.muli %arg0, %mul3A_717 : i32
    %add3A_719 = arith.addi %mul3A_718, %mul3A_5 : i32
    %scan3A_720 = arith.constant 0 : i32
    %scan3A_721 = arith.constant 0 : i32
    %scan3A_722 = arith.constant 20 : i32
    %scan3A_723 = arith.addi %scan3A_721, %scan3A_722 : i32
    %scan3A_724 = arith.constant 1 : i32
    scf.for %scan3A_726 = %scan3A_721 to %scan3A_723 step %scan3A_724  : i32 {
      %mul3A_727 = arith.constant 32 : i32
      %mul3A_728 = arith.muli %scan3A_726, %mul3A_727 : i32
      %add3A_729 = arith.addi %mul3A_5, %mul3A_728 : i32
      "tpu.region"() ({
        %run_scoped3A = tpu.sem_alloc : memref<!tpu.dma_semaphore, #tpu.memory_space<semaphore_mem>>
        %dma_start3A_733 = arith.constant 0 : i32
        %dma_start3A_734 = tpu.memref_slice %arg25[%add3A_729, %dma_start3A_733] : memref<10240x128xf32, #tpu.memory_space<vmem_shared>> -> memref<32x128xf32, #tpu.memory_space<vmem_shared>>
        %dma_start3A_735 = arith.constant 0 : i32
        %dma_start3A_736 = tpu.memref_slice %arg25[%add3A_729, %dma_start3A_735] : memref<10240x128xf32, #tpu.memory_space<vmem_shared>> -> memref<32x128xf32, #tpu.memory_space<vmem_shared>>
        tpu.enqueue_dma source(%dma_start3A_736 : memref<32x128xf32, #tpu.memory_space<vmem_shared>>) target(%arg12 : memref<32x128xf32, #tpu.memory_space<vmem>>) target_semaphore(%run_scoped3A : memref<!tpu.dma_semaphore, #tpu.memory_space<semaphore_mem>>)
        %dma_wait3A_737 = arith.constant 0 : i32
        %dma_wait3A_738 = tpu.memref_slice %arg25[%add3A_729, %dma_wait3A_737] : memref<10240x128xf32, #tpu.memory_space<vmem_shared>> -> memref<32x128xf32, #tpu.memory_space<vmem_shared>>
        %dma_wait3A_739 = arith.constant 0 : i32
        %dma_wait3A_740 = tpu.memref_slice %arg25[%add3A_729, %dma_wait3A_739] : memref<10240x128xf32, #tpu.memory_space<vmem_shared>> -> memref<32x128xf32, #tpu.memory_space<vmem_shared>>
        tpu.wait_dma2 semaphore(%run_scoped3A : memref<!tpu.dma_semaphore, #tpu.memory_space<semaphore_mem>>) src(%dma_wait3A_740 : memref<32x128xf32, #tpu.memory_space<vmem_shared>>) dst(%arg12 : memref<32x128xf32, #tpu.memory_space<vmem>>)
        tpu.yield
      }) : () -> ()
      %mul3A_730 = arith.constant 32 : i32
      %mul3A_731 = arith.muli %scan3A_726, %mul3A_730 : i32
      %add3A_732 = arith.addi %add3A_719, %mul3A_731 : i32
      "tpu.region"() ({
        %run_scoped3A = tpu.sem_alloc : memref<!tpu.dma_semaphore, #tpu.memory_space<semaphore_mem>>
        %dma_start3A_733 = arith.constant 0 : i32
        %dma_start3A_734 = tpu.memref_slice %arg8[%add3A_732, %dma_start3A_733] : memref<20480x128xf32, #tpu.memory_space<hbm>> -> memref<32x128xf32, #tpu.memory_space<hbm>>
        %dma_start3A_735 = arith.constant 0 : i32
        %dma_start3A_736 = tpu.memref_slice %arg8[%add3A_732, %dma_start3A_735] : memref<20480x128xf32, #tpu.memory_space<hbm>> -> memref<32x128xf32, #tpu.memory_space<hbm>>
        tpu.enqueue_dma source(%arg12 : memref<32x128xf32, #tpu.memory_space<vmem>>) target(%dma_start3A_736 : memref<32x128xf32, #tpu.memory_space<hbm>>) target_semaphore(%run_scoped3A : memref<!tpu.dma_semaphore, #tpu.memory_space<semaphore_mem>>)
        %dma_wait3A_737 = arith.constant 0 : i32
        %dma_wait3A_738 = tpu.memref_slice %arg8[%add3A_732, %dma_wait3A_737] : memref<20480x128xf32, #tpu.memory_space<hbm>> -> memref<32x128xf32, #tpu.memory_space<hbm>>
        %dma_wait3A_739 = arith.constant 0 : i32
        %dma_wait3A_740 = tpu.memref_slice %arg8[%add3A_732, %dma_wait3A_739] : memref<20480x128xf32, #tpu.memory_space<hbm>> -> memref<32x128xf32, #tpu.memory_space<hbm>>
        tpu.wait_dma2 semaphore(%run_scoped3A : memref<!tpu.dma_semaphore, #tpu.memory_space<semaphore_mem>>) src(%arg12 : memref<32x128xf32, #tpu.memory_space<vmem>>) dst(%dma_wait3A_740 : memref<32x128xf32, #tpu.memory_space<hbm>>)
        tpu.yield
      }) : () -> ()
    }
    %scan3A_725 = arith.constant 20 : i32
    return
  }
}

module attributes {stable_mosaic.version = 14 : i64} {
  func.func @_split_mm_kernel(%arg0: i32, %arg1: i32, %arg2: memref<2048x128xf32, #tpu.memory_space<vmem>>, %arg3: memref<1x128x128xf32, #tpu.memory_space<vmem>>, %arg4: memref<2048x128xf32, #tpu.memory_space<vmem>>) attributes {dimension_semantics = [#tpu.dimension_semantics<arbitrary>, #tpu.dimension_semantics<arbitrary>], iteration_bounds = array<i64: 2, 5>, scalar_prefetch = 0 : i64, scratch_operands = 0 : i64, tpu.core_type = #tpu.core_type<tc>, window_params = [{transform_indices = @transform_0, window_bounds = array<i64: 2048, 128>}, {transform_indices = @transform_1, window_bounds = array<i64: 1, 128, 128>}, {transform_indices = @transform_2, window_bounds = array<i64: 2048, 128>}]} {
    %get3A = arith.constant 0 : index
    %get3A_0 = arith.constant 0 : index
    %get3A_1 = vector.load %arg2[%get3A, %get3A_0] : memref<2048x128xf32, #tpu.memory_space<vmem>>, vector<2048x128xf32>
    %get3A_2 = arith.constant 0 : index
    %get3A_3 = arith.constant 0 : index
    %get3A_4 = arith.constant 0 : index
    %get3A_5 = vector.load %arg3[%get3A_2, %get3A_3, %get3A_4] : memref<1x128x128xf32, #tpu.memory_space<vmem>>, vector<1x128x128xf32>
    %get3A_6 = vector.shape_cast %get3A_5 : vector<1x128x128xf32> to vector<128x128xf32>
    %dot_general3A = arith.constant dense<0.000000e+00> : vector<2048x128xf32>
    %dot_general3A_7 = tpu.matmul %get3A_1, %get3A_6, %dot_general3A {dimension_numbers = #tpu.dot_dimension_numbers<[1], [0], [0], [1], [0, 0, 1, 1], [], []>, transpose_lhs_hint = false} : vector<2048x128xf32>, vector<128x128xf32>, vector<2048x128xf32> -> vector<2048x128xf32>
    %swap3A = arith.constant 0 : index
    %swap3A_8 = arith.constant 0 : index
    %swap3A_9 = vector.load %arg4[%swap3A, %swap3A_8] : memref<2048x128xf32, #tpu.memory_space<vmem>>, vector<2048x128xf32>
    tpu.vector_store %arg4[%swap3A, %swap3A_8], %dot_general3A_7 {strides = array<i32>} : memref<2048x128xf32, #tpu.memory_space<vmem>>, vector<2048x128xf32>,
    return
  }
  func.func @transform_0(%arg0: i32, %arg1: i32) -> (i32, i32) {
    %c0_i32 = arith.constant 0 : i32
    %c0_i32_0 = arith.constant 0 : i32
    return %arg1, %c0_i32 : i32, i32
  }
  func.func @transform_1(%arg0: i32, %arg1: i32) -> (i32, i32, i32) {
    %c0_i32 = arith.constant 0 : i32
    %c0_i32_0 = arith.constant 0 : i32
    %c0_i32_1 = arith.constant 0 : i32
    return %arg0, %c0_i32, %c0_i32_0 : i32, i32, i32
  }
  func.func @transform_2(%arg0: i32, %arg1: i32) -> (i32, i32) {
    %mul3A = arith.constant 5 : i32
    %mul3A_0 = arith.muli %arg0, %mul3A : i32
    %add3A = arith.addi %mul3A_0, %arg1 : i32
    %c0_i32 = arith.constant 0 : i32
    %c0_i32_1 = arith.constant 0 : i32
    return %add3A, %c0_i32 : i32, i32
  }
}

module attributes {stable_mosaic.version = 14 : i64} {
  func.func @_mm_kernel(%arg0: i32, %arg1: memref<4096x16xf32, #tpu.memory_space<vmem>>, %arg2: memref<16x128xf32, #tpu.memory_space<vmem>>, %arg3: memref<4096x128xf32, #tpu.memory_space<vmem>>) attributes {dimension_semantics = [#tpu.dimension_semantics<arbitrary>], iteration_bounds = array<i64: 80>, scalar_prefetch = 0 : i64, scratch_operands = 0 : i64, tpu.core_type = #tpu.core_type<tc>, window_params = [{transform_indices = @transform_0, window_bounds = array<i64: 4096, 16>}, {pipeline_mode = #tpu.pipeline_mode<synchronous>, transform_indices = @transform_1, window_bounds = array<i64: 16, 128>}, {transform_indices = @transform_2, window_bounds = array<i64: 4096, 128>}]} {
    %get3A = arith.constant 0 : index
    %get3A_0 = arith.constant 0 : index
    %get3A_1 = vector.load %arg1[%get3A, %get3A_0] : memref<4096x16xf32, #tpu.memory_space<vmem>>, vector<4096x16xf32>
    %get3A_2 = arith.constant 0 : index
    %get3A_3 = arith.constant 0 : index
    %get3A_4 = vector.load %arg2[%get3A_2, %get3A_3] : memref<16x128xf32, #tpu.memory_space<vmem>>, vector<16x128xf32>
    %dot_general3A = arith.constant dense<0.000000e+00> : vector<4096x128xf32>
    %dot_general3A_5 = tpu.matmul %get3A_1, %get3A_4, %dot_general3A {dimension_numbers = #tpu.dot_dimension_numbers<[1], [0], [0], [1], [0, 0, 1, 1], [], []>, transpose_lhs_hint = false} : vector<4096x16xf32>, vector<16x128xf32>, vector<4096x128xf32> -> vector<4096x128xf32>
    %swap3A = arith.constant 0 : index
    %swap3A_6 = arith.constant 0 : index
    %swap3A_7 = vector.load %arg3[%swap3A, %swap3A_6] : memref<4096x128xf32, #tpu.memory_space<vmem>>, vector<4096x128xf32>
    tpu.vector_store %arg3[%swap3A, %swap3A_6], %dot_general3A_5 {strides = array<i32>} : memref<4096x128xf32, #tpu.memory_space<vmem>>, vector<4096x128xf32>,
    return
  }
  func.func @transform_0(%arg0: i32) -> (i32, i32) {
    %c0_i32 = arith.constant 0 : i32
    %c0_i32_0 = arith.constant 0 : i32
    return %arg0, %c0_i32 : i32, i32
  }
  func.func @transform_1(%arg0: i32) -> (i32, i32) {
    %c0_i32 = arith.constant 0 : i32
    %c0_i32_0 = arith.constant 0 : i32
    %c0_i32_1 = arith.constant 0 : i32
    return %c0_i32, %c0_i32_0 : i32, i32
  }
  func.func @transform_2(%arg0: i32) -> (i32, i32) {
    %c0_i32 = arith.constant 0 : i32
    %c0_i32_0 = arith.constant 0 : i32
    return %arg0, %c0_i32 : i32, i32
  }
}

module attributes {stable_mosaic.version = 14 : i64} {
  func.func @_node_kernel(%arg0: i32, %arg1: memref<2048x128xf32, #tpu.memory_space<vmem>>, %arg2: memref<2048x128xf32, #tpu.memory_space<vmem>>, %arg3: memref<2048x128xf32, #tpu.memory_space<vmem>>, %arg4: memref<128x128xf32, #tpu.memory_space<vmem>>, %arg5: memref<128x128xf32, #tpu.memory_space<vmem>>, %arg6: memref<2048x128xf32, #tpu.memory_space<vmem>>) attributes {dimension_semantics = [#tpu.dimension_semantics<arbitrary>], iteration_bounds = array<i64: 5>, scalar_prefetch = 0 : i64, scratch_operands = 0 : i64, tpu.core_type = #tpu.core_type<tc>, window_params = [{transform_indices = @transform_0, window_bounds = array<i64: 2048, 128>}, {transform_indices = @transform_1, window_bounds = array<i64: 2048, 128>}, {transform_indices = @transform_2, window_bounds = array<i64: 2048, 128>}, {pipeline_mode = #tpu.pipeline_mode<synchronous>, transform_indices = @transform_3, window_bounds = array<i64: 128, 128>}, {pipeline_mode = #tpu.pipeline_mode<synchronous>, transform_indices = @transform_4, window_bounds = array<i64: 128, 128>}, {transform_indices = @transform_5, window_bounds = array<i64: 2048, 128>}]} {
    %get3A = arith.constant 0 : index
    %get3A_0 = arith.constant 0 : index
    %get3A_1 = vector.load %arg2[%get3A, %get3A_0] : memref<2048x128xf32, #tpu.memory_space<vmem>>, vector<2048x128xf32>
    %get3A_2 = arith.constant 0 : index
    %get3A_3 = arith.constant 0 : index
    %get3A_4 = vector.load %arg3[%get3A_2, %get3A_3] : memref<2048x128xf32, #tpu.memory_space<vmem>>, vector<2048x128xf32>
    %add3A = arith.addf %get3A_1, %get3A_4 : vector<2048x128xf32>
    %get3A_5 = arith.constant 0 : index
    %get3A_6 = arith.constant 0 : index
    %get3A_7 = vector.load %arg1[%get3A_5, %get3A_6] : memref<2048x128xf32, #tpu.memory_space<vmem>>, vector<2048x128xf32>
    %get3A_8 = arith.constant 0 : index
    %get3A_9 = arith.constant 0 : index
    %get3A_10 = vector.load %arg4[%get3A_8, %get3A_9] : memref<128x128xf32, #tpu.memory_space<vmem>>, vector<128x128xf32>
    %dot_general3A = arith.constant dense<0.000000e+00> : vector<2048x128xf32>
    %dot_general3A_11 = tpu.matmul %get3A_7, %get3A_10, %dot_general3A {dimension_numbers = #tpu.dot_dimension_numbers<[1], [0], [0], [1], [0, 0, 1, 1], [], []>, transpose_lhs_hint = false} : vector<2048x128xf32>, vector<128x128xf32>, vector<2048x128xf32> -> vector<2048x128xf32>
    %get3A_12 = arith.constant 0 : index
    %get3A_13 = arith.constant 0 : index
    %get3A_14 = vector.load %arg5[%get3A_12, %get3A_13] : memref<128x128xf32, #tpu.memory_space<vmem>>, vector<128x128xf32>
    %dot_general3A_15 = arith.constant dense<0.000000e+00> : vector<2048x128xf32>
    %dot_general3A_16 = tpu.matmul %add3A, %get3A_14, %dot_general3A_15 {dimension_numbers = #tpu.dot_dimension_numbers<[1], [0], [0], [1], [0, 0, 1, 1], [], []>, transpose_lhs_hint = false} : vector<2048x128xf32>, vector<128x128xf32>, vector<2048x128xf32> -> vector<2048x128xf32>
    %add3A_17 = arith.addf %dot_general3A_11, %dot_general3A_16 : vector<2048x128xf32>
    %mul3A = arith.constant 0.00999999977 : f32
    %mul3A_18 = vector.broadcast %mul3A : f32 to vector<2048x128xf32>
    %mul3A_19 = arith.mulf %mul3A_18, %add3A_17 : vector<2048x128xf32>
    %max3A = arith.maximumf %add3A_17, %mul3A_19 : vector<2048x128xf32>
    %swap3A = arith.constant 0 : index
    %swap3A_20 = arith.constant 0 : index
    %swap3A_21 = vector.load %arg6[%swap3A, %swap3A_20] : memref<2048x128xf32, #tpu.memory_space<vmem>>, vector<2048x128xf32>
    tpu.vector_store %arg6[%swap3A, %swap3A_20], %max3A {strides = array<i32>} : memref<2048x128xf32, #tpu.memory_space<vmem>>, vector<2048x128xf32>,
    return
  }
  func.func @transform_0(%arg0: i32) -> (i32, i32) {
    %c0_i32 = arith.constant 0 : i32
    %c0_i32_0 = arith.constant 0 : i32
    return %arg0, %c0_i32 : i32, i32
  }
  func.func @transform_1(%arg0: i32) -> (i32, i32) {
    %c0_i32 = arith.constant 0 : i32
    %c0_i32_0 = arith.constant 0 : i32
    return %arg0, %c0_i32 : i32, i32
  }
  func.func @transform_2(%arg0: i32) -> (i32, i32) {
    %c0_i32 = arith.constant 0 : i32
    %c0_i32_0 = arith.constant 0 : i32
    return %arg0, %c0_i32 : i32, i32
  }
  func.func @transform_3(%arg0: i32) -> (i32, i32) {
    %c0_i32 = arith.constant 0 : i32
    %c0_i32_0 = arith.constant 0 : i32
    %c0_i32_1 = arith.constant 0 : i32
    return %c0_i32, %c0_i32_0 : i32, i32
  }
  func.func @transform_4(%arg0: i32) -> (i32, i32) {
    %c0_i32 = arith.constant 0 : i32
    %c0_i32_0 = arith.constant 0 : i32
    %c0_i32_1 = arith.constant 0 : i32
    return %c0_i32, %c0_i32_0 : i32, i32
  }
  func.func @transform_5(%arg0: i32) -> (i32, i32) {
    %c0_i32 = arith.constant 0 : i32
    %c0_i32_0 = arith.constant 0 : i32
    return %arg0, %c0_i32 : i32, i32
  }
}

</mosaic_0001>

<sc_bundles>
// kernel: kernel.6.cloned.1.call-start
scs
__scs_entry_jumppad:
0x0: {  	(pc) =	sbr.rel $0x88, $3  }
0x1: {  	(tag) =	ssettag $0x0;
	lr =	simm.s32 $0x1  }
0x2: {  	[smem:$0x3F9C] =	sst lr;
	_ =	strace $0xD0000000  }
0x3: {  	_ = 	snop  }
0x4: {  	_ = 	snop  }
0x5: {  	_ = 	snop  }
0x6: {  	_ = 	snop  }
0x7: {  	_ = 	snop  }
__scs_overlays_trampoline_lowered:
0x8: {  	[smem:$0x3FAB] =	sst s0  }
0x9: {  	[smem:$0x3FAC] =	sst s1  }
0xa: {  	[smem:$0x3FAD] =	sst s2  }
0xb: {  	[smem:$0x3FAE] =	sst s3  }
0xc: {  	[smem:$0x3FAF] =	sst s4  }
0xd: {  	[smem:$0x3FB0] =	sst s5  }
0xe: {  	[smem:$0x3FB1] =	sst s6  }
0xf: {  	[smem:$0x3FB2] =	sst s7  }
0x10: {  	[smem:$0x3FB3] =	sst s8  }
0x11: {  	[smem:$0x3FB4] =	sst s9;
	s0 =	simm.s32 @!p0 $0x0  }
0x12: {  	s1 =	sld [smem:$0x3F9A];
	s0 =	simm.s32 @p0 $0x1  }
0x13: {  	[smem:$0x3FB5] =	sst s0;
	s0 =	simm.s32 @!p1 $0x0  }
0x14: {  	s2 =	sld [smem:$0x3F99];
	s0 =	simm.s32 @p1 $0x1  }
0x15: {  	[smem:$0x3FB6] =	sst s0;
	s0 =	simm.s32 @!p2 $0x0  }
0x16: {  	s3 =	sld [smem:$0x3FDB];
	s0 =	simm.s32 @p2 $0x1  }
0x17: {  	s4 =	simm.s32 $0x1BF5;
	[smem:$0x3FB8] =	sst s0  }
0x18: {  	s0 =	sld [smem:$0x3F9B];
	_ =	swait.ge [sflag:s4], $0x0  }
0x19: {  	s7 =	sld [smem:$0x3F9C]  }
0x1a: {  	s8 =	sadd.s32 $0xFFFFE003, lr  }
0x1b: {  	s9 =	sadd.s32 $0xFFFFFEF7, lr;
	s5 =	simm.s32 $0xFFFFFFFF;
	p2 =	slt.u32 s8, $0xFFFFF086  }
0x1c: {  	p1 =	slt.u32 s9, $0xF7A;
	s5 =	simm.s32 @!p2 $0x0  }
0x1d: {  	s5 =	simm.s32 @p1 $0x1;
	p0 =	seq.s32 s7, s2  }
0x1e: {  	s7 =	smul.u32 @!p0 $0xF7A, s2;
	p2 =	seq.s32 @!p0 s5, $0x0  }
0x1f: {  	s9 =	smul.u32 $0xF7A, s1;
	s8 =	simm.s32 @!p0 $0x1BF5;
	p2 =	por !p2, p0  }
0x20: {  	[sflag:s8] =	ssyncset.s32 @!p0 $0xFFFFF086;
	s6 =	sadd.s32 @!p0 s3, s7;
	s7 =	simm.s32 @!p0 $0x108  }
0x21: {  	s3 =	sadd.s32 s3, s9;
	s6 =	sadd.s32 @!p0 $0x88, s6;
	s7 =	simm.s32 @p2 $0x1082  }
0x22: {  	[simem:s7], [sflag:s8] =	dma.local @!p0 [hbm:s6], $0xF7A  }
0x23: {  	s9 =	sor.u32 $0xD0000000, s2;
	s6 =	simm.s32 $0x108;
	_ =	swait.ge @!p0 [sflag:s8], $0x0  }
0x24: {  	s3 =	sadd.s32 $0x88, s3;
	s6 =	simm.s32 @!p1 $0x1082;
	[sflag:s4] =	ssyncset.s32 $0xFFFFF086  }
0x25: {  	[simem:s6], [sflag:s4] =	dma.local [hbm:s3], $0xF7A  }
0x26: {  	[smem:$0x3F9C] =	sst s1;
	(tag) =	ssettag s2;
	_ =	strace s9  }
0x27: {  	s1 =	sld [smem:$0x3FAC]  }
0x28: {  	s2 =	sld [smem:$0x3FAD]  }
0x29: {  	s4 =	sld [smem:$0x3FAF]  }
0x2a: {  	p0 =	seq.s32 s5, $0x0;
	s5 =	sld [smem:$0x3FB0]  }
0x2b: {  	s6 =	sld [smem:$0x3FB1]  }
0x2c: {  	s7 =	sld [smem:$0x3FB2]  }
0x2d: {  	s3 =	simm.s32 $0x108;
	s8 =	sld [smem:$0x3FB3]  }
0x2e: {  	s3 =	simm.s32 @!p0 $0x1082;
	s9 =	sld [smem:$0x3FB4]  }
0x2f: {  	lr =	sadd.s32 s0, s3;
	s0 =	sld [smem:$0x3FAB]  }
0x30: {  	s3 =	sld [smem:$0x3FAE]  }
0x31: {  	[smem:$0x3FB7] =	sst s10  }
0x32: {  	s10 =	sld [smem:$0x3FB5];
	_ =	sdelay $0x3  }
0x33: {  	p0 =	seq.s32 s10, $0x1;
	s10 =	sld [smem:$0x3FB7];
	_ =	sdelay $0x3  }
0x34: {  	[smem:$0x3FB7] =	sst s10  }
0x35: {  	s10 =	sld [smem:$0x3FB6];
	_ =	sdelay $0x3  }
0x36: {  	p1 =	seq.s32 s10, $0x1;
	s10 =	sld [smem:$0x3FB7];
	_ =	sdelay $0x3  }
0x37: {  	[smem:$0x3FB7] =	sst s10  }
0x38: {  	s10 =	sld [smem:$0x3FB8]  }
0x39: {  	_ = 	snop;
	(pc) =	sbr.ind lr, $3  }
0x3a: {  	_ = 	snop  }
0x3b: {  	_ = 	snop  }
0x3c: {  	p2 =	seq.s32 s10, $0x1;
	s10 =	sld [smem:$0x3FB7]  }
0x3d: {  	_ =	shalt  }
0x3e: {  	_ =	shalt  }
0x3f: {  	_ =	shalt  }
0x40: {  	_ =	shalt  }
0x41: {  	_ =	shalt  }
0x42: {  	_ =	shalt  }
0x43: {  	_ =	shalt  }
0x44: {  	_ =	shalt  }
0x45: {  	_ =	shalt  }
0x46: {  	_ =	shalt  }
0x47: {  	_ =	shalt  }
0x48: {  	_ =	shalt  }
0x49: {  	_ =	shalt  }
0x4a: {  	_ =	shalt  }
0x4b: {  	_ =	shalt  }
0x4c: {  	_ =	shalt  }
0x4d: {  	_ =	shalt  }
0x4e: {  	_ =	shalt  }
0x4f: {  	_ =	shalt  }
0x50: {  	_ =	shalt  }
0x51: {  	_ =	shalt  }
0x52: {  	_ =	shalt  }
0x53: {  	_ =	shalt  }
0x54: {  	_ =	shalt  }
0x55: {  	_ =	shalt  }
0x56: {  	_ =	shalt  }
0x57: {  	_ =	shalt  }
0x58: {  	_ =	shalt  }
0x59: {  	_ =	shalt  }
0x5a: {  	_ =	shalt  }
0x5b: {  	_ =	shalt  }
0x5c: {  	_ =	shalt  }
0x5d: {  	_ =	shalt  }
0x5e: {  	_ =	shalt  }
0x5f: {  	_ =	shalt  }
0x60: {  	_ =	shalt  }
0x61: {  	_ =	shalt  }
0x62: {  	_ =	shalt  }
0x63: {  	_ =	shalt  }
0x64: {  	_ =	shalt  }
0x65: {  	_ =	shalt  }
0x66: {  	_ =	shalt  }
0x67: {  	_ =	shalt  }
0x68: {  	_ =	shalt  }
0x69: {  	_ =	shalt  }
0x6a: {  	_ =	shalt  }
0x6b: {  	_ =	shalt  }
0x6c: {  	_ =	shalt  }
0x6d: {  	_ =	shalt  }
0x6e: {  	_ =	shalt  }
0x6f: {  	_ =	shalt  }
0x70: {  	_ =	shalt  }
0x71: {  	_ =	shalt  }
0x72: {  	_ =	shalt  }
0x73: {  	_ =	shalt  }
0x74: {  	_ =	shalt  }
0x75: {  	_ =	shalt  }
0x76: {  	_ =	shalt  }
0x77: {  	_ =	shalt  }
0x78: {  	_ =	shalt  }
0x79: {  	_ =	shalt  }
0x7a: {  	_ =	shalt  }
0x7b: {  	_ =	shalt  }
0x7c: {  	_ =	shalt  }
0x7d: {  	_ =	shalt  }
0x7e: {  	_ =	shalt  }
0x7f: {  	_ =	shalt  }
0x80: {  	_ =	shalt  }
0x81: {  	_ =	shalt  }
0x82: {  	_ =	shalt  }
0x83: {  	_ =	shalt  }
0x84: {  	_ =	shalt  }
0x85: {  	_ =	shalt  }
0x86: {  	_ =	shalt  }
0x87: {  	_ =	shalt  }
.Lfunc_end0:
.L_simem_size_0:
called_computation_lowered:
.L_overlay_start_0:
0x88: {  	s2 =	sld [smem:$0x3FD9]  }
0x89: {  	s3 =	sld [smem:$0x3FFE];
	_ =	sdelay $0x1  }
0x8a: {  	s1 =	srdreg.scid  }
0x8b: {  	s0 =	sand.u32 $0x1, s1  }
0x8c: {  	s17 =	sshll.u32 s0, $0xA;
	s2 =	sadd.s32 s3, s2  }
0x8d: {  	s2 =	sadd.s32 s2, s17  }
0x8e: {  	[smem:$0x3FC3] =	sst s2  }
0x8f: {  	_ = 	snop  }
0x90: {  	s2 =	sld [smem:$0x3FD0];
	(tm) =	ssettm $0x1  }
0x91: {  	s18 =	sld [smem:$0x3FFB];
	_ =	sdelay $0x3  }
0x92: {  	_ =	strace s18  }
0x93: {  	s3 =	sld [smem:$0x3FFC];
	_ =	sdelay $0x3  }
0x94: {  	_ =	strace s3  }
0x95: {  	s3 =	sld [smem:$0x3FFD];
	_ =	sdelay $0x3  }
0x96: {  	_ =	strace s3  }
0x97: {  	_ =	strace $0x8FFFFFFF  }
0x98: {  	s19 =	sld [smem:$0x3FDB];
	_ =	sdelay $0x1  }
0x99: {  	s4 =	simm.s32 $_scs_section_size  }
0x9a: {  	s5 =	simm.s32 $_size__tile_overlayer_lowered;
	s6 =	simm.s32 $_tile_overlayer_lowered  }
0x9b: {  	s22 =	simm.s32 $0x1BFF;
	s21 =	sshll.u32 s6, $0x1;
	s3 =	sadd.s32 s4, s19  }
0x9c: {  	s7 =	simm.s32 $0x0;
	s20 =	sshll.u32 s5, $0x1;
	s5 =	sadd.s32 s21, s3  }
0x9d: {  	[timem:s7], [sflag:s22] =	dma.local [hbm:s5], s20  }
0x9e: {  	_ =	swait.ge [sflag:s22], s20  }
0x9f: {  	s4 =	ssub.s32 $0x0, s20;
	[sflag:s22] =	ssyncset.done $0x0  }
0xa0: {  	[sflag:s22] =	ssyncadd.s32 s4;
	_ =	sdelay $0x1  }
0xa1: {  	s23 =	simm.s32 $0x1B8B  }
0xa2: {  	_ =	swait.ge [sflag:s23], $0x1  }
0xa3: {  	[sflag:s23] =	ssyncset.done $0x0  }
0xa4: {  	s25 =	simm.s32 $0x1B8E;
	s24 =	sld [smem:$0x3FFE];
	[sflag:s23] =	ssyncadd.s32 $0xFFFFFFFF  }
0xa5: {  	s26 =	simm.s32 $execute0_lowered;
	[smem:$0x3FD2] =	sst s25  }
0xa6: {  	s5 =	sshll.u32 s26, $0x1;
	_ =	strace $0x80000046;
	[dreg:$0x1] =	wrdreg $0xFFFFFFFF  }
0xa7: {  	s28 =	simm.s32 $_size_execute0_lowered;
	s3 =	sadd.s32 s3, s5;
	[dreg:$0x0] =	wrdreg $0x0  }
0xa8: {  	s5 =	sshll.u32 s28, $0x1;
	[dreg:$0x2] =	wrdreg s3  }
0xa9: {  	[dreg:$0x3] =	wrdreg s5  }
0xaa: {  	[dreg:$0x4] =	wrdreg $0xC0  }
0xab: {  	_ =	task [dreg:s7], $0x5FFFF  }
0xac: {  	[dreg:$0x1] =	wrdreg $0xFFFFFFFF  }
0xad: {  	[dreg:$0x0] =	wrdreg $0x60  }
0xae: {  	[dreg:$0x2] =	wrdreg s24  }
0xaf: {  	[dreg:$0x3] =	wrdreg s2  }
0xb0: {  	[dreg:$0x4] =	wrdreg $0xA6000  }
0xb1: {  	[dreg:$0x5] =	wrdreg $0x9  }
0xb2: {  	_ =	task.clear_ibuf [dreg:s7], $0x6FFFF;
	_ =	strace $0x90000046  }
0xb3: {  	s29 =	simm.s32 $0x9;
	_ =	strace $0x80000048  }
0xb4: {  	_ =	swait.ge [sflag:s29], $0x1  }
0xb5: {  	[sflag:s29] =	ssyncadd.s32 $0xFFFFFFFF  }
0xb6: {  	_ =	strace $0x90000048  }
0xb7: {  	_ =	sfence  }
0xb8: {  	s30 =	sld [smem:$0x0];
	_ =	sdelay $0x2  }
0xb9: {  	s31 =	sshll.u32 s1, $0xD;
	s1 =	sshrl.u32 s1, $0x2  }
0xba: {  	s3 =	sand.u32 $0x4000, s31;
	s1 =	sadd.s32 s1, s30  }
0xbb: {  	s0 =	sor.u32 s3, s0;
	s1 =	sshll.u32 s1, $0x11  }
0xbc: {  	s0 =	sor.u32 s1, s0  }
0xbd: {  	s0 =	sadd.s32 $0x8F2B, s0  }
0xbe: {  	[sflag:s0] =	ssyncadd.remote.s32 $0x1  }
0xbf: {  	_ =	sfence.sel $0xFFFF  }
0xc0: {  	[dreg:$0x0] =	wrdreg $0xFFFFFFFF;
	(pc) =	sbr.abs _section_cstart, $3  }
0xc1: {  	[dreg:$0x1] =	wrdreg $0xFFFFFFFF  }
0xc2: {  	_ =	task.clear_ibuf [dreg:s7], $0x2FFFF;
	_ =	strace $0x9FFFFFFF  }
0xc3: {  	(tm) =	ssettm $0x7FFFFFFF  }
tec
execute0_lowered:
.L_overlay_start_1:
0x0: {  	(tag) =	ssettag $0x1  }
0x1: {  	s0 =	rddreg [dreg:$0x0]  }
0x2: {  	s13 =	rddreg [dreg:$0x1]  }
0x3: {  	s2 =	rddreg [dreg:$0x2];
	s3 =	simm.s32 $0x0;
	s1 =	srdreg.scid  }
0x4: {  	s14 =	stileid.u32;
	[smem:$0x7FF] =	sst s3  }
0x5: {  	s5 =	sadd.s32 $0x1800, s0;
	s6 =	sadd.s32 $0xA0B800, s0;
	s1 =	sand.u32 $0x1, s1  }
0x6: {  	s7 =	sadd.s32 $0x5B800, s0;
	s9 =	smul.u32 $0x50000, s14;
	s10 =	sadd.s32 $0x65800, s0  }
0x7: {  	_ =	strace $0x80000047;
	s4 =	smul.u32 $0x28000, s1;
	s8 =	sshll.u32 s1, $0x4  }
0x8: {  	s1 =	ssub.s32 $0x2, s1;
	[smem:$0x7EB] =	sst s10;
	s11 =	sor.u32 s14, s8  }
0x9: {  	s8 =	sadd.s32 $0x51800, s0;
	s20 =	sshrl.u32 s1, $0x1;
	s21 =	sshrl.u32 s9, $0x2  }
0xa: {  	s14 =	smul.u32 $0x2800, s14;
	s1 =	ssub.s32 s1, s20;
	s28 =	sadd.s32 s21, s2  }
0xb: {  	s15 =	smul.u32 $0x2800, s11;
	s1 =	smax.u32 s1, $0x1;
	[dreg:$0x5] =	wrdreg s28  }
0xc: {  	s0 =	sadd.s32 s4, s0;
	s11 =	smul.u32 $0x28000, s11;
	[dreg:$0x1d] =	wrdreg s1  }
0xd: {  	s0 =	sadd.s32 s14, s0;
	s14 =	sadd.s32 $0x7000, s28;
	[dreg:$0x4] =	wrdreg s15  }
0xe: {  	s11 =	sadd.s32 s6, s11;
	[smem:$0x7F1] =	sst s14  }
0xf: {  	s22 =	sshrl.u32 s15, $0x3;
	s1 =	sor.u32 $0x60, s15;
	[dreg:$0xd] =	wrdreg s11  }
0x10: {  	s23 =	sadd.s32 s7, s22;
	[dreg:$0x1e] =	wrdreg s1  }
0x11: {  	s12 =	sadd.s32 s8, s22;
	[dreg:$0x6] =	wrdreg s23  }
0x12: {  	s24 =	sor.u32 $0x20, s15;
	s25 =	sadd.s32 s10, s22;
	[dreg:$0x7] =	wrdreg s12  }
0x13: {  	s26 =	sshrl.u32 s24, $0x3;
	s18 =	sadd.s32 s13, s22;
	[dreg:$0x8] =	wrdreg s25  }
0x14: {  	s16 =	sadd.s32 s7, s26;
	[dreg:$0x10] =	wrdreg s18  }
0x15: {  	s29 =	sadd.s32 s8, s26;
	[dreg:$0x9] =	wrdreg s16  }
0x16: {  	s30 =	sadd.s32 s10, s26;
	[dreg:$0xa] =	wrdreg s29  }
0x17: {  	s4 =	sshll.u32 s24, $0x4;
	s12 =	sadd.s32 s13, s26;
	[dreg:$0xb] =	wrdreg s30  }
0x18: {  	s9 =	sor.u32 $0xC, s22;
	s4 =	sadd.s32 s6, s4;
	[dreg:$0xc] =	wrdreg s12  }
0x19: {  	s22 =	sadd.s32 s7, s9;
	[dreg:$0xf] =	wrdreg s4  }
0x1a: {  	s23 =	sadd.s32 s8, s9;
	[dreg:$0x16] =	wrdreg s22  }
0x1b: {  	s25 =	sadd.s32 s10, s9;
	[dreg:$0x17] =	wrdreg s23  }
0x1c: {  	s9 =	sadd.s32 s13, s9;
	[dreg:$0x18] =	wrdreg s25  }
0x1d: {  	s18 =	sadd.s32 $0xB000, s28;
	[dreg:$0x19] =	wrdreg s9  }
0x1e: {  	s16 =	sor.u32 $0x40, s15;
	[smem:$0x7F5] =	sst s18  }
0x1f: {  	s12 =	sadd.s32 $0x5000, s28;
	[dreg:$0xe] =	wrdreg s16  }
0x20: {  	s26 =	sadd.s32 $0x27E0, s15;
	s15 =	sadd.s32 $0x8000, s28;
	[smem:$0x7EF] =	sst s12  }
0x21: {  	s22 =	sadd.s32 $0xE000, s28;
	[smem:$0x7F2] =	sst s15  }
0x22: {  	s23 =	sadd.s32 $0xF000, s28;
	[smem:$0x7F8] =	sst s22  }
0x23: {  	s29 =	sshrl.u32 s26, $0x3;
	s25 =	sadd.s32 $0x10000, s28;
	[smem:$0x7F9] =	sst s23  }
0x24: {  	s30 =	sadd.s32 s7, s29;
	[smem:$0x7FA] =	sst s25  }
0x25: {  	s17 =	sshrl.u32 s16, $0x3;
	s9 =	sadd.s32 s8, s29;
	[dreg:$0x1a] =	wrdreg s30  }
0x26: {  	s11 =	sshll.u32 s16, $0x4;
	s16 =	sadd.s32 $0x9000, s28;
	[dreg:$0x1b] =	wrdreg s9  }
0x27: {  	s29 =	sadd.s32 $0x12000, s28;
	[smem:$0x7F3] =	sst s16  }
0x28: {  	s31 =	simm.s32 $0x80;
	s19 =	sadd.s32 s8, s17;
	[smem:$0x7FC] =	sst s29  }
0x29: {  	s14 =	simm.s32 $0x6;
	s20 =	sadd.s32 s10, s17;
	[dreg:$0x12] =	wrdreg s19  }
0x2a: {  	s1 =	simm.s32 $0x3;
	s4 =	sadd.s32 s13, s17;
	[dreg:$0x13] =	wrdreg s20  }
0x2b: {  	s23 =	simm.s32 $0x200;
	s21 =	sadd.s32 s6, s11;
	[dreg:$0x14] =	wrdreg s4  }
0x2c: {  	s12 =	simm.s32 $0x5300;
	s9 =	sadd.s32 $0x2000, s28;
	[dreg:$0x15] =	wrdreg s21  }
0x2d: {  	s15 =	simm.s32 $0x20;
	s10 =	sadd.s32 $0x3000, s28;
	[smem:$0x7EC] =	sst s9  }
0x2e: {  	s24 =	sadd.s32 s7, s17;
	s11 =	sadd.s32 $0x4000, s28;
	[smem:$0x7ED] =	sst s10  }
0x2f: {  	s13 =	sadd.s32 $0x6000, s28;
	s17 =	sadd.s32 $0xA000, s28;
	[smem:$0x7EE] =	sst s11  }
0x30: {  	s30 =	sadd.s32 $0x13000, s28;
	s16 =	simm.s32 $0x5;
	[smem:$0x7F0] =	sst s13  }
0x31: {  	s4 =	sshll.u32 s26, $0x4;
	s19 =	sadd.s32 $0x6F800, s0;
	[smem:$0x7F4] =	sst s17  }
0x32: {  	s20 =	sadd.s32 $0xC000, s28;
	s21 =	sadd.s32 $0xD000, s28;
	[smem:$0x7FD] =	sst s30  }
0x33: {  	s26 =	sadd.s32 $0x11000, s28;
	s0 =	simm.s32 $0x300;
	[dreg:$0x11] =	wrdreg s24  }
0x34: {  	s11 =	simm.s32 $0x280;
	s13 =	simm.s32 $0x1;
	[smem:$0x7F6] =	sst s20  }
0x35: {  	s9 =	simm.s32 $0x2;
	s17 =	simm.s32 $0x8;
	[smem:$0x7F7] =	sst s21  }
0x36: {  	s10 =	simm.s32 $0x0;
	s4 =	sadd.s32 s6, s4;
	[smem:$0x7FB] =	sst s26  }
0x37: {  	s20 =	simm.s32 $0x4;
	[dreg:$0x1c] =	wrdreg s4;
	s4 =	sadd.s32 $0x1000, s28  }
0x38: {  	v0 =	vimm.f32 $0.0e+00;
	s21 =	simm.s32 $0x7;
	[dreg:$0x1f] =	wrdreg s4;
	s4 =	simm.s32 $0x9  }
.LBB2_1:
0x39: {  	[smem:$0x7EA] =	sst s10;
	s18 =	simm.s32 $0x0;
	s22 =	simm.s32 $0x200  }
.LBB2_2:
0x3a: {  	p0 =	sne.s32 s22, $0x3E00;
	[tilespmem:s18+$0x370] =	vst v0  }
0x3b: {  	[tilespmem:s18+$0x300] =	vst v0  }
0x3c: {  	[tilespmem:s18+$0x310] =	vst v0  }
.Ltmp0:
0x3d: {  	[tilespmem:s18+$0x320] =	vst v0;
	(pc) =	sbr.rel @p0 .LBB2_2-.Ltmp0, $4  }
0x3e: {  	[tilespmem:s18+$0x330] =	vst v0  }
0x3f: {  	[tilespmem:s18+$0x340] =	vst v0  }
0x40: {  	[tilespmem:s18+$0x350] =	vst v0  }
0x41: {  	[tilespmem:s18+$0x360] =	vst v0;
	s18 =	sshra.s32 s22, $0x2;
	s22 =	sadd.s32 $0x200, s22  }
0x42: {  	[tilespmem:s18+$0x370] =	vst v0  }
0x43: {  	[tilespmem:s18+$0x300] =	vst v0  }
0x44: {  	[tilespmem:s18+$0x310] =	vst v0  }
0x45: {  	[tilespmem:s18+$0x320] =	vst v0  }
0x46: {  	[tilespmem:s18+$0x330] =	vst v0  }
0x47: {  	[tilespmem:s18+$0x340] =	vst v0  }
0x48: {  	[tilespmem:s18+$0x350] =	vst v0  }
0x49: {  	[tilespmem:s18+$0x360] =	vst v0  }
0x4a: {  	[spmem:s28] =	stream.linear.scatter [tilespmem:s0], [sflag:$0x9], $0x1000, $0x38;
	[tilespmem:$0x1E600] =	vst v63  }
0x4b: {  	_ =	swait.ge [sflag:s4], $0x1000  }
0x4c: {  	[sflag:s4] =	ssyncset.done $0x0  }
0x4d: {  	s30 =	rddreg [dreg:$0x1f];
	[sflag:s4] =	ssyncadd.s32 $0xFFFFF000  }
0x4e: {  	[spmem:s30] =	stream.linear.scatter [tilespmem:s0], [sflag:$0x9], $0x1000, $0x38;
	[tilespmem:$0x1E600] =	vst v63  }
0x4f: {  	_ =	swait.ge [sflag:s4], $0x1000  }
0x50: {  	s10 =	sld [smem:$0x7EC]  }
0x51: {  	[sflag:s4] =	ssyncset.done $0x0  }
0x52: {  	[sflag:s4] =	ssyncadd.s32 $0xFFFFF000  }
0x53: {  	[spmem:s10] =	stream.linear.scatter [tilespmem:s0], [sflag:$0x9], $0x1000, $0x38;
	[tilespmem:$0x1E600] =	vst v63  }
0x54: {  	_ =	swait.ge [sflag:s4], $0x1000  }
0x55: {  	s22 =	sld [smem:$0x7ED]  }
0x56: {  	[sflag:s4] =	ssyncset.done $0x0  }
0x57: {  	[sflag:s4] =	ssyncadd.s32 $0xFFFFF000  }
0x58: {  	[spmem:s22] =	stream.linear.scatter [tilespmem:s0], [sflag:$0x9], $0x1000, $0x38;
	[tilespmem:$0x1E600] =	vst v63  }
0x59: {  	_ =	swait.ge [sflag:s4], $0x1000  }
0x5a: {  	s25 =	sld [smem:$0x7EE]  }
0x5b: {  	[sflag:s4] =	ssyncset.done $0x0  }
0x5c: {  	[sflag:s4] =	ssyncadd.s32 $0xFFFFF000  }
0x5d: {  	[spmem:s25] =	stream.linear.scatter [tilespmem:s0], [sflag:$0x9], $0x1000, $0x38;
	[tilespmem:$0x1E600] =	vst v63  }
0x5e: {  	_ =	swait.ge [sflag:s4], $0x1000  }
0x5f: {  	s26 =	sld [smem:$0x7EF]  }
0x60: {  	[sflag:s4] =	ssyncset.done $0x0  }
0x61: {  	[sflag:s4] =	ssyncadd.s32 $0xFFFFF000  }
0x62: {  	[spmem:s26] =	stream.linear.scatter [tilespmem:s0], [sflag:$0x9], $0x1000, $0x38;
	[tilespmem:$0x1E600] =	vst v63  }
0x63: {  	_ =	swait.ge [sflag:s4], $0x1000  }
0x64: {  	s29 =	sld [smem:$0x7F0]  }
0x65: {  	[sflag:s4] =	ssyncset.done $0x0  }
0x66: {  	[sflag:s4] =	ssyncadd.s32 $0xFFFFF000  }
0x67: {  	[spmem:s29] =	stream.linear.scatter [tilespmem:s0], [sflag:$0x9], $0x1000, $0x38;
	[tilespmem:$0x1E600] =	vst v63  }
0x68: {  	_ =	swait.ge [sflag:s4], $0x1000  }
0x69: {  	s30 =	sld [smem:$0x7F1]  }
0x6a: {  	[sflag:s4] =	ssyncset.done $0x0  }
0x6b: {  	[sflag:s4] =	ssyncadd.s32 $0xFFFFF000  }
0x6c: {  	[spmem:s30] =	stream.linear.scatter [tilespmem:s0], [sflag:$0x9], $0x1000, $0x38;
	[tilespmem:$0x1E600] =	vst v63  }
0x6d: {  	_ =	swait.ge [sflag:s4], $0x1000  }
0x6e: {  	s10 =	sld [smem:$0x7F2]  }
0x6f: {  	[sflag:s4] =	ssyncset.done $0x0  }
0x70: {  	[sflag:s4] =	ssyncadd.s32 $0xFFFFF000  }
0x71: {  	[spmem:s10] =	stream.linear.scatter [tilespmem:s0], [sflag:$0x9], $0x1000, $0x38;
	[tilespmem:$0x1E600] =	vst v63  }
0x72: {  	_ =	swait.ge [sflag:s4], $0x1000  }
0x73: {  	s22 =	sld [smem:$0x7F3]  }
0x74: {  	[sflag:s4] =	ssyncset.done $0x0  }
0x75: {  	[sflag:s4] =	ssyncadd.s32 $0xFFFFF000  }
0x76: {  	[spmem:s22] =	stream.linear.scatter [tilespmem:s0], [sflag:$0x9], $0x1000, $0x38;
	[tilespmem:$0x1E600] =	vst v63  }
0x77: {  	_ =	swait.ge [sflag:s4], $0x1000  }
0x78: {  	s25 =	sld [smem:$0x7F4]  }
0x79: {  	[sflag:s4] =	ssyncset.done $0x0  }
0x7a: {  	[sflag:s4] =	ssyncadd.s32 $0xFFFFF000  }
0x7b: {  	[spmem:s25] =	stream.linear.scatter [tilespmem:s0], [sflag:$0x9], $0x1000, $0x38;
	[tilespmem:$0x1E600] =	vst v63  }
0x7c: {  	_ =	swait.ge [sflag:s4], $0x1000  }
0x7d: {  	s26 =	sld [smem:$0x7F5]  }
0x7e: {  	[sflag:s4] =	ssyncset.done $0x0  }
0x7f: {  	[sflag:s4] =	ssyncadd.s32 $0xFFFFF000  }
0x80: {  	[spmem:s26] =	stream.linear.scatter [tilespmem:s0], [sflag:$0x9], $0x1000, $0x38;
	[tilespmem:$0x1E600] =	vst v63  }
0x81: {  	_ =	swait.ge [sflag:s4], $0x1000  }
0x82: {  	s29 =	sld [smem:$0x7F6]  }
0x83: {  	[sflag:s4] =	ssyncset.done $0x0  }
0x84: {  	[sflag:s4] =	ssyncadd.s32 $0xFFFFF000  }
0x85: {  	[spmem:s29] =	stream.linear.scatter [tilespmem:s0], [sflag:$0x9], $0x1000, $0x38;
	[tilespmem:$0x1E600] =	vst v63  }
0x86: {  	_ =	swait.ge [sflag:s4], $0x1000  }
0x87: {  	s30 =	sld [smem:$0x7F7]  }
0x88: {  	[sflag:s4] =	ssyncset.done $0x0  }
0x89: {  	[sflag:s4] =	ssyncadd.s32 $0xFFFFF000  }
0x8a: {  	[spmem:s30] =	stream.linear.scatter [tilespmem:s0], [sflag:$0x9], $0x1000, $0x38;
	[tilespmem:$0x1E600] =	vst v63  }
0x8b: {  	_ =	swait.ge [sflag:s4], $0x1000  }
0x8c: {  	s10 =	sld [smem:$0x7F8]  }
0x8d: {  	[sflag:s4] =	ssyncset.done $0x0  }
0x8e: {  	[sflag:s4] =	ssyncadd.s32 $0xFFFFF000  }
0x8f: {  	[spmem:s10] =	stream.linear.scatter [tilespmem:s0], [sflag:$0x9], $0x1000, $0x38;
	[tilespmem:$0x1E600] =	vst v63  }
0x90: {  	_ =	swait.ge [sflag:s4], $0x1000  }
0x91: {  	s22 =	sld [smem:$0x7F9]  }
0x92: {  	[sflag:s4] =	ssyncset.done $0x0  }
0x93: {  	[sflag:s4] =	ssyncadd.s32 $0xFFFFF000  }
0x94: {  	[spmem:s22] =	stream.linear.scatter [tilespmem:s0], [sflag:$0x9], $0x1000, $0x38;
	[tilespmem:$0x1E600] =	vst v63  }
0x95: {  	_ =	swait.ge [sflag:s4], $0x1000  }
0x96: {  	s25 =	sld [smem:$0x7FA]  }
0x97: {  	[sflag:s4] =	ssyncset.done $0x0  }
0x98: {  	[sflag:s4] =	ssyncadd.s32 $0xFFFFF000  }
0x99: {  	[spmem:s25] =	stream.linear.scatter [tilespmem:s0], [sflag:$0x9], $0x1000, $0x38;
	[tilespmem:$0x1E600] =	vst v63  }
0x9a: {  	_ =	swait.ge [sflag:s4], $0x1000  }
0x9b: {  	s26 =	sld [smem:$0x7FB]  }
0x9c: {  	[sflag:s4] =	ssyncset.done $0x0  }
0x9d: {  	[sflag:s4] =	ssyncadd.s32 $0xFFFFF000  }
0x9e: {  	[spmem:s26] =	stream.linear.scatter [tilespmem:s0], [sflag:$0x9], $0x1000, $0x38;
	[tilespmem:$0x1E600] =	vst v63  }
0x9f: {  	_ =	swait.ge [sflag:s4], $0x1000  }
0xa0: {  	s29 =	sld [smem:$0x7FC]  }
0xa1: {  	[sflag:s4] =	ssyncset.done $0x0  }
0xa2: {  	[sflag:s4] =	ssyncadd.s32 $0xFFFFF000  }
0xa3: {  	[spmem:s29] =	stream.linear.scatter [tilespmem:s0], [sflag:$0x9], $0x1000, $0x38;
	[tilespmem:$0x1E600] =	vst v63  }
0xa4: {  	_ =	swait.ge [sflag:s4], $0x1000  }
0xa5: {  	s30 =	sld [smem:$0x7FD]  }
0xa6: {  	[sflag:s4] =	ssyncset.done $0x0  }
0xa7: {  	[sflag:s4] =	ssyncadd.s32 $0xFFFFF000  }
0xa8: {  	[spmem:s30] =	stream.linear.scatter [tilespmem:s0], [sflag:$0x9], $0x1000, $0x38;
	[tilespmem:$0x1E600] =	vst v63  }
0xa9: {  	_ =	swait.ge [sflag:s4], $0x1000  }
0xaa: {  	[sflag:s4] =	ssyncset.done $0x0  }
0xab: {  	[sflag:s4] =	ssyncadd.s32 $0xFFFFF000  }
0xac: {  	[bflag:$0x0] =	sbarrier.arrive $0xFFFF  }
0xad: {  	s18 =	simm.s32 $0x0;
	s22 =	rddreg [dreg:$0x6]  }
0xae: {  	[tilespmem:s18], [sflag:$0x1] =	stream.linear.gather [hbm4b:s22+s18], $0x20, $0x38;
	[tilespmem:$0x1E600] =	vst v63  }
0xaf: {  	s25 =	rddreg [dreg:$0x7]  }
0xb0: {  	[tilespmem:s31], [sflag:$0x1] =	stream.linear.gather [hbm4b:s25+s18], $0x20, $0x38;
	[tilespmem:$0x1E600] =	vst v63  }
0xb1: {  	s29 =	simm.s32 $0x100;
	s28 =	rddreg [dreg:$0x8]  }
0xb2: {  	[tilespmem:s29], [sflag:$0x1] =	stream.linear.gather [hbm4b:s28+s18], $0x20, $0x38;
	[tilespmem:$0x1E600] =	vst v63  }
0xb3: {  	s30 =	simm.s32 $0x180;
	s28 =	rddreg [dreg:$0x10]  }
0xb4: {  	[tilespmem:s30], [sflag:$0x1] =	stream.linear.gather [hbm4b:s28+s18], $0x20, $0x38;
	[tilespmem:$0x1E600] =	vst v63  }
0xb5: {  	_ = 	snop  }
0xb6: {  	[tilespmem:s23], [sflag:$0x2] =	stream.linear.gather [hbm4b:s22+s18], $0x20, $0x38;
	[tilespmem:$0x1E600] =	vst v63  }
0xb7: {  	_ = 	snop  }
0xb8: {  	[tilespmem:s11], [sflag:$0x2] =	stream.linear.gather [hbm4b:s25+s18], $0x20, $0x38;
	[tilespmem:$0x1E600] =	vst v63  }
0xb9: {  	s10 =	rddreg [dreg:$0x9]  }
0xba: {  	[tilespmem:s12], [sflag:$0x5] =	stream.linear.gather [hbm4b:s10+s18], $0x20, $0x38;
	[tilespmem:$0x1E600] =	vst v63  }
0xbb: {  	s26 =	simm.s32 $0x5380;
	s25 =	rddreg [dreg:$0xa]  }
0xbc: {  	[tilespmem:s26], [sflag:$0x5] =	stream.linear.gather [hbm4b:s25+s18], $0x20, $0x38;
	[tilespmem:$0x1E600] =	vst v63  }
0xbd: {  	s28 =	rddreg [dreg:$0xb];
	s11 =	simm.s32 $0x5400  }
0xbe: {  	[tilespmem:s11], [sflag:$0x5] =	stream.linear.gather [hbm4b:s28+s18], $0x20, $0x38;
	[tilespmem:$0x1E600] =	vst v63  }
0xbf: {  	s23 =	simm.s32 $0x5480;
	s28 =	rddreg [dreg:$0xc]  }
0xc0: {  	[tilespmem:s23], [sflag:$0x5] =	stream.linear.gather [hbm4b:s28+s18], $0x20, $0x38;
	[tilespmem:$0x1E600] =	vst v63  }
0xc1: {  	s26 =	simm.s32 $0x5500  }
0xc2: {  	[tilespmem:s26], [sflag:$0x6] =	stream.linear.gather [hbm4b:s10+s18], $0x20, $0x38;
	[tilespmem:$0x1E600] =	vst v63  }
0xc3: {  	s10 =	simm.s32 $0x5580  }
0xc4: {  	[tilespmem:s10], [sflag:$0x6] =	stream.linear.gather [hbm4b:s25+s18], $0x20, $0x38;
	[tilespmem:$0x1E600] =	vst v63  }
0xc5: {  	_ =	swait.ge [sflag:s13], $0x20  }
0xc6: {  	[sflag:s13] =	ssyncset.done $0x0  }
0xc7: {  	[sflag:s13] =	ssyncadd.s32 $0xFFFFFFE0  }
0xc8: {  	_ =	swait.ge [sflag:s13], $0x20  }
0xc9: {  	[sflag:s13] =	ssyncset.done $0x0  }
0xca: {  	[sflag:s13] =	ssyncadd.s32 $0xFFFFFFE0  }
0xcb: {  	_ =	swait.ge [sflag:s13], $0x20  }
0xcc: {  	[sflag:s13] =	ssyncset.done $0x0  }
0xcd: {  	[sflag:s13] =	ssyncadd.s32 $0xFFFFFFE0  }
0xce: {  	_ =	swait.ge [sflag:s13], $0x20  }
0xcf: {  	[sflag:s13] =	ssyncset.done $0x0  }
0xd0: {  	[sflag:s13] =	ssyncadd.s32 $0xFFFFFFE0  }
0xd1: {  	[tilespmem:s0], [sflag:$0x3] =	stream.indirect.gather [hbm4b:s5+s15], $0x80, s18, s15, $0xb8;
	[tilespmem:$0x1E600] =	vst v63  }
0xd2: {  	s26 =	simm.s32 $0x1300  }
0xd3: {  	[tilespmem:s26], [sflag:$0x3] =	stream.indirect.gather [hbm4b:s5+s15], $0x80, s30, s15, $0xb8;
	[tilespmem:$0x1E600] =	vst v63  }
0xd4: {  	s10 =	simm.s32 $0x2300  }
0xd5: {  	[tilespmem:s10], [sflag:$0x3] =	stream.indirect.gather [hbm4b:s5+s15], $0x80, s31, s15, $0xb8;
	[tilespmem:$0x1E600] =	vst v63  }
0xd6: {  	s10 =	simm.s32 $0x3300  }
0xd7: {  	[tilespmem:s10], [sflag:$0x3] =	stream.indirect.gather [hbm4b:s5+s15], $0x80, s29, s15, $0xb8;
	[tilespmem:$0x1E600] =	vst v63  }
0xd8: {  	s25 =	rddreg [dreg:$0xd];
	s26 =	simm.s32 $0x4300  }
0xd9: {  	[tilespmem:s26], [sflag:$0x3] =	stream.linear.gather [hbm4b:s25+s18], $0x1000, $0x38;
	[tilespmem:$0x1E600] =	vst v63  }
0xda: {  	_ =	swait.ge [sflag:s16], $0x20  }
0xdb: {  	[sflag:s16] =	ssyncset.done $0x0  }
0xdc: {  	[sflag:s16] =	ssyncadd.s32 $0xFFFFFFE0  }
0xdd: {  	_ =	swait.ge [sflag:s16], $0x20  }
0xde: {  	[sflag:s16] =	ssyncset.done $0x0  }
0xdf: {  	[sflag:s16] =	ssyncadd.s32 $0xFFFFFFE0  }
0xe0: {  	_ =	swait.ge [sflag:s16], $0x20  }
0xe1: {  	[sflag:s16] =	ssyncset.done $0x0  }
0xe2: {  	[sflag:s16] =	ssyncadd.s32 $0xFFFFFFE0  }
0xe3: {  	_ =	swait.ge [sflag:s16], $0x20  }
0xe4: {  	[sflag:s16] =	ssyncset.done $0x0  }
0xe5: {  	s26 =	simm.s32 $0x5600;
	[sflag:s16] =	ssyncadd.s32 $0xFFFFFFE0  }
0xe6: {  	[tilespmem:s26], [sflag:$0x7] =	stream.indirect.gather [hbm4b:s5+s15], $0x80, s12, s15, $0xb8;
	[tilespmem:$0x1E600] =	vst v63  }
0xe7: {  	s22 =	simm.s32 $0x6600  }
0xe8: {  	[tilespmem:s22], [sflag:$0x7] =	stream.indirect.gather [hbm4b:s5+s15], $0x80, s23, s15, $0xb8;
	[tilespmem:$0x1E600] =	vst v63  }
0xe9: {  	s28 =	simm.s32 $0x5380;
	s23 =	simm.s32 $0x7600  }
0xea: {  	[tilespmem:s23], [sflag:$0x7] =	stream.indirect.gather [hbm4b:s5+s15], $0x80, s28, s15, $0xb8;
	[tilespmem:$0x1E600] =	vst v63  }
0xeb: {  	s25 =	simm.s32 $0x8600  }
0xec: {  	[tilespmem:s25], [sflag:$0x7] =	stream.indirect.gather [hbm4b:s5+s15], $0x80, s11, s15, $0xb8;
	[tilespmem:$0x1E600] =	vst v63  }
0xed: {  	s12 =	rddreg [dreg:$0xf];
	s23 =	simm.s32 $0x9600  }
0xee: {  	[tilespmem:s23], [sflag:$0x7] =	stream.linear.gather [hbm4b:s12+s18], $0x1000, $0x38;
	[tilespmem:$0x1E600] =	vst v63  }
0xef: {  	_ =	swait.ge [sflag:s1], $0x1000  }
0xf0: {  	[sflag:s1] =	ssyncset.done $0x0  }
0xf1: {  	[sflag:s1] =	ssyncadd.s32 $0xFFFFF000  }
0xf2: {  	_ =	swait.ge [sflag:s1], $0x1000  }
0xf3: {  	[sflag:s1] =	ssyncset.done $0x0  }
0xf4: {  	[sflag:s1] =	ssyncadd.s32 $0xFFFFF000  }
0xf5: {  	_ =	swait.ge [sflag:s1], $0x1000  }
0xf6: {  	[sflag:s1] =	ssyncset.done $0x0  }
0xf7: {  	[sflag:s1] =	ssyncadd.s32 $0xFFFFF000  }
0xf8: {  	_ =	swait.ge [sflag:s1], $0x1000  }
0xf9: {  	[sflag:s1] =	ssyncset.done $0x0  }
0xfa: {  	[sflag:s1] =	ssyncadd.s32 $0xFFFFF000  }
0xfb: {  	_ =	swait.ge [sflag:s1], $0x1000  }
0xfc: {  	[sflag:s1] =	ssyncset.done $0x0  }
0xfd: {  	[sflag:s1] =	ssyncadd.s32 $0xFFFFF000  }
0xfe: {  	[tilespmem:s18], [sflag:$0x1] =	stream.linear.gather [hbm4b:s24+s18], $0x20, $0x38;
	[tilespmem:$0x1E600] =	vst v63  }
0xff: {  	s24 =	rddreg [dreg:$0x12]  }
0x100: {  	[tilespmem:s31], [sflag:$0x1] =	stream.linear.gather [hbm4b:s24+s18], $0x20, $0x38;
	[tilespmem:$0x1E600] =	vst v63  }
0x101: {  	s25 =	rddreg [dreg:$0x13]  }
0x102: {  	[tilespmem:s29], [sflag:$0x1] =	stream.linear.gather [hbm4b:s25+s18], $0x20, $0x38;
	[tilespmem:$0x1E600] =	vst v63  }
0x103: {  	s29 =	rddreg [dreg:$0x14]  }
0x104: {  	[tilespmem:s30], [sflag:$0x1] =	stream.linear.gather [hbm4b:s29+s18], $0x20, $0x38;
	[tilespmem:$0x1E600] =	vst v63  }
0x105: {  	s18 =	simm.s32 $0x0  }
0x106: {  	v7 =	vld [tilespmem:s18+$0x4300]  }
0x107: {  	v9 =	vld [tilespmem:s18+$0x4310]  }
0x108: {  	v11 =	vld [tilespmem:s18+$0x4320]  }
0x109: {  	v12 =	vld [tilespmem:s18+$0x4330]  }
0x10a: {  	v13 =	vld [tilespmem:s18+$0x4340]  }
0x10b: {  	v2 =	vld [tilespmem:s18+$0x4350]  }
0x10c: {  	v1 =	vld [tilespmem:s18+$0x4360]  }
0x10d: {  	v8 =	vld [tilespmem:s18+$0x1300]  }
0x10e: {  	v10 =	vld [tilespmem:s18+$0x2300]  }
0x10f: {  	v14 =	vld [tilespmem:s18+$0x1310]  }
0x110: {  	v15 =	vld [tilespmem:s18+$0x2310]  }
0x111: {  	v16 =	vld [tilespmem:s18+$0x1320]  }
0x112: {  	v17 =	vld [tilespmem:s18+$0x2320]  }
0x113: {  	v18 =	vld [tilespmem:s18+$0x1330]  }
0x114: {  	v19 =	vld [tilespmem:s18+$0x2330]  }
0x115: {  	v20 =	vld [tilespmem:s18+$0x1340]  }
0x116: {  	v21 =	vld [tilespmem:s18+$0x2340]  }
0x117: {  	v6 =	vld [tilespmem:s18+$0x1350]  }
0x118: {  	v4 =	vld [tilespmem:s18+$0x2350]  }
0x119: {  	v22 =	vld [tilespmem:s18+$0x300]  }
0x11a: {  	v23 =	vld [tilespmem:s18+$0x3300]  }
0x11b: {  	v27 =	vld [tilespmem:s18+$0x3320]  }
0x11c: {  	v24 =	vld [tilespmem:s18+$0x310]  }
0x11d: {  	v25 =	vld [tilespmem:s18+$0x3310]  }
0x11e: {  	v26 =	vld [tilespmem:s18+$0x320]  }
0x11f: {  	v59 =	vld [tilespmem:s18+$0x340];
	v8 =	vadd.f32 v8, v22  }
0x120: {  	v22 =	vld [tilespmem:s18+$0x330];
	v10 =	vadd.f32 v23, v10;
	v17 =	vadd.f32 v27, v17  }
0x121: {  	v23 =	vld [tilespmem:s18+$0x3330];
	v28 =	vadd.f32 v7, v8;
	v8 =	vadd.f32 v14, v24  }
0x122: {  	v5 =	vld [tilespmem:s18+$0x1360];
	v14 =	vadd.f32 v7, v10;
	v7 =	vadd.f32 v25, v15  }
0x123: {  	v3 =	vld [tilespmem:s18+$0x2360];
	v16 =	vadd.f32 v16, v26;
	v17 =	vadd.f32 v11, v17;
	v10 =	vmul.f32 $9.999999770e-03, v28  }
0x124: {  	v15 =	vld [tilespmem:s18+$0x3340];
	v60 =	vadd.f32 v9, v8;
	v29 =	vmul.f32 $9.999999770e-03, v14;
	v30 =	vadd.f32 v9, v7  }
0x125: {  	v8 =	vld [tilespmem:s18+$0x1370];
	v62 =	vmul.f32 $9.999999770e-03, v17;
	v18 =	vadd.f32 v18, v22;
	v22 =	vadd.f32 v11, v16  }
0x126: {  	v7 =	vld [tilespmem:s18+$0x2370];
	v16 =	vadd.f32 v23, v19;
	v23 =	vadd.f32 v20, v59;
	v28 =	vmax.f32 v28, v10  }
0x127: {  	v31 =	vmul.f32 $9.999999770e-03, v60;
	v10 =	vld [tilespmem:s18+$0x350];
	v61 =	vmax.f32 v14, v29;
	v14 =	vmul.f32 $9.999999770e-03, v30  }
0x128: {  	v9 =	vld [tilespmem:s18+$0x3350];
	v19 =	vmul.f32 $9.999999770e-03, v22;
	v18 =	vadd.f32 v12, v18;
	v16 =	vadd.f32 v12, v16  }
0x129: {  	v11 =	vld [tilespmem:s18+$0x360];
	[tilespmem:s18+$0x300] =	vst v28;
	v63 =	vadd.f32 v15, v21;
	v15 =	vadd.f32 v13, v23;
	v25 =	vmax.f32 v60, v31  }
0x12a: {  	[tilespmem:s18+$0x3300] =	vst v61;
	v12 =	vld [tilespmem:s18+$0x3360];
	v14 =	vmax.f32 v30, v14;
	v20 =	vmax.f32 v22, v19;
	v22 =	vmul.f32 $9.999999770e-03, v18  }
0x12b: {  	s22 =	simm.s32 $0x200;
	[tilespmem:s18+$0x310] =	vst v25;
	v19 =	vmax.f32 v17, v62;
	v21 =	vmul.f32 $9.999999770e-03, v16;
	v17 =	vadd.f32 v13, v63;
	v13 =	vld [tilespmem:s18+$0x370]  }
.LBB2_4:
0x12c: {  	p0 =	sne.s32 s22, $0x3E00;
	[tilespmem:s18+$0x3310] =	vst v14;
	v14 =	vmax.f32 v18, v22;
	v18 =	vmul.f32 $9.999999770e-03, v15;
	v6 =	vadd.f32 v6, v10;
	v10 =	vld [tilespmem:s18+$0x3370]  }
0x12d: {  	s25 =	sshra.s32 s22, $0x2;
	[tilespmem:s18+$0x320] =	vst v20;
	v16 =	vmax.f32 v16, v21;
	v20 =	vmul.f32 $9.999999770e-03, v17;
	v4 =	vadd.f32 v9, v4;
	v9 =	vld [tilespmem:s18+$0x4370]  }
0x12e: {  	v21 =	vld [tilespmem:s25+$0x4300];
	[tilespmem:s18+$0x3320] =	vst v19;
	v15 =	vmax.f32 v15, v18;
	v6 =	vadd.f32 v2, v6;
	v5 =	vadd.f32 v5, v11  }
0x12f: {  	v11 =	vld [tilespmem:s25+$0x4310];
	[tilespmem:s18+$0x330] =	vst v14;
	v14 =	vmax.f32 v17, v20;
	v4 =	vadd.f32 v2, v4;
	v2 =	vadd.f32 v12, v3  }
0x130: {  	v12 =	vld [tilespmem:s25+$0x4320];
	[tilespmem:s18+$0x3330] =	vst v16;
	v3 =	vmul.f32 $9.999999770e-03, v6;
	v5 =	vadd.f32 v1, v5;
	v8 =	vadd.f32 v8, v13  }
0x131: {  	v13 =	vld [tilespmem:s25+$0x4330];
	[tilespmem:s18+$0x340] =	vst v15;
	v15 =	vmul.f32 $9.999999770e-03, v4;
	v16 =	vadd.f32 v1, v2;
	v1 =	vadd.f32 v10, v7  }
0x132: {  	v17 =	vld [tilespmem:s25+$0x4340];
	[tilespmem:s18+$0x3340] =	vst v14;
	v3 =	vmax.f32 v6, v3;
	v6 =	vmul.f32 $9.999999770e-03, v5;
	v7 =	vadd.f32 v9, v8  }
0x133: {  	v2 =	vld [tilespmem:s25+$0x4350];
	[tilespmem:s18+$0x350] =	vst v3;
	v3 =	vmax.f32 v4, v15;
	v4 =	vmul.f32 $9.999999770e-03, v16;
	v8 =	vadd.f32 v9, v1  }
0x134: {  	v1 =	vld [tilespmem:s25+$0x4360];
	[tilespmem:s18+$0x3350] =	vst v3;
	v3 =	vmax.f32 v5, v6;
	v5 =	vmul.f32 $9.999999770e-03, v7  }
0x135: {  	v9 =	vld [tilespmem:s25+$0x1300];
	[tilespmem:s18+$0x360] =	vst v3;
	v3 =	vmax.f32 v16, v4;
	v4 =	vmul.f32 $9.999999770e-03, v8  }
0x136: {  	v10 =	vld [tilespmem:s25+$0x2300];
	[tilespmem:s18+$0x3360] =	vst v3;
	v3 =	vmax.f32 v7, v5  }
0x137: {  	v7 =	vld [tilespmem:s25+$0x1310];
	[tilespmem:s18+$0x370] =	vst v3;
	v3 =	vmax.f32 v8, v4  }
0x138: {  	v8 =	vld [tilespmem:s25+$0x2310];
	[tilespmem:s18+$0x3370] =	vst v3;
	s18 =	smov.u32 s25  }
0x139: {  	v14 =	vld [tilespmem:s18+$0x1320]  }
0x13a: {  	v15 =	vld [tilespmem:s18+$0x2320]  }
0x13b: {  	v16 =	vld [tilespmem:s18+$0x1330]  }
0x13c: {  	v18 =	vld [tilespmem:s18+$0x2330]  }
0x13d: {  	v19 =	vld [tilespmem:s18+$0x1340]  }
0x13e: {  	v20 =	vld [tilespmem:s18+$0x2340]  }
0x13f: {  	v6 =	vld [tilespmem:s18+$0x1350]  }
0x140: {  	v4 =	vld [tilespmem:s18+$0x2350]  }
0x141: {  	v3 =	vld [tilespmem:s18+$0x300]  }
0x142: {  	v22 =	vld [tilespmem:s18+$0x3300]  }
0x143: {  	v23 =	vld [tilespmem:s18+$0x310]  }
0x144: {  	v24 =	vld [tilespmem:s18+$0x3310]  }
0x145: {  	v5 =	vld [tilespmem:s18+$0x1360]  }
0x146: {  	v9 =	vadd.f32 v9, v3;
	v3 =	vld [tilespmem:s18+$0x2360]  }
0x147: {  	v10 =	vadd.f32 v22, v10;
	v22 =	vld [tilespmem:s18+$0x320]  }
0x148: {  	v9 =	vadd.f32 v21, v9;
	v7 =	vadd.f32 v7, v23;
	v23 =	vld [tilespmem:s18+$0x3320]  }
0x149: {  	v10 =	vadd.f32 v21, v10;
	v8 =	vadd.f32 v24, v8;
	v21 =	vld [tilespmem:s18+$0x330]  }
0x14a: {  	v24 =	vmul.f32 $9.999999770e-03, v9;
	v7 =	vadd.f32 v11, v7;
	v25 =	vld [tilespmem:s18+$0x3330]  }
0x14b: {  	v26 =	vmul.f32 $9.999999770e-03, v10;
	v11 =	vadd.f32 v11, v8;
	v27 =	vld [tilespmem:s18+$0x340]  }
0x14c: {  	v24 =	vmax.f32 v9, v24;
	v9 =	vmul.f32 $9.999999770e-03, v7;
	v14 =	vadd.f32 v14, v22;
	v22 =	vld [tilespmem:s18+$0x3340]  }
0x14d: {  	v26 =	vmax.f32 v10, v26;
	v10 =	vmul.f32 $9.999999770e-03, v11;
	v15 =	vadd.f32 v23, v15;
	v8 =	vld [tilespmem:s18+$0x1370]  }
0x14e: {  	v23 =	vmax.f32 v7, v9;
	v28 =	vadd.f32 v12, v14;
	v9 =	vadd.f32 v16, v21;
	v7 =	vld [tilespmem:s18+$0x2370]  }
.Ltmp1:
0x14f: {  	v14 =	vmax.f32 v11, v10;
	v21 =	vadd.f32 v12, v15;
	v11 =	vadd.f32 v25, v18;
	v10 =	vld [tilespmem:s18+$0x350];
	(pc) =	sbr.rel @p0 .LBB2_4-.Ltmp1, $4  }
0x150: {  	v12 =	vmul.f32 $9.999999770e-03, v28;
	v18 =	vadd.f32 v13, v9;
	v15 =	vadd.f32 v19, v27;
	v9 =	vld [tilespmem:s18+$0x3350]  }
0x151: {  	[tilespmem:s18+$0x300] =	vst v24;
	v19 =	vmul.f32 $9.999999770e-03, v21;
	v16 =	vadd.f32 v13, v11;
	v13 =	vadd.f32 v22, v20;
	v11 =	vld [tilespmem:s18+$0x360]  }
0x152: {  	[tilespmem:s18+$0x3300] =	vst v26;
	v20 =	vmax.f32 v28, v12;
	v22 =	vmul.f32 $9.999999770e-03, v18;
	v15 =	vadd.f32 v17, v15;
	v12 =	vld [tilespmem:s18+$0x3360]  }
0x153: {  	s22 =	sadd.s32 $0x200, s22;
	[tilespmem:s18+$0x310] =	vst v23;
	v19 =	vmax.f32 v21, v19;
	v21 =	vmul.f32 $9.999999770e-03, v16;
	v17 =	vadd.f32 v17, v13;
	v13 =	vld [tilespmem:s18+$0x370]  }
0x154: {  	[tilespmem:s18+$0x3310] =	vst v14;
	v14 =	vld [tilespmem:s18+$0x3370];
	v18 =	vmax.f32 v18, v22;
	v22 =	vmul.f32 $9.999999770e-03, v15;
	v6 =	vadd.f32 v6, v10  }
0x155: {  	[tilespmem:s18+$0x320] =	vst v20;
	v10 =	vmax.f32 v16, v21;
	v16 =	vmul.f32 $9.999999770e-03, v17;
	v4 =	vadd.f32 v9, v4;
	v9 =	vld [tilespmem:s18+$0x4370]  }
0x156: {  	[tilespmem:s18+$0x3320] =	vst v19;
	v15 =	vmax.f32 v15, v22;
	v6 =	vadd.f32 v2, v6;
	v5 =	vadd.f32 v5, v11  }
0x157: {  	[tilespmem:s18+$0x330] =	vst v18;
	v11 =	vmax.f32 v17, v16;
	v2 =	vadd.f32 v2, v4;
	v3 =	vadd.f32 v12, v3  }
0x158: {  	[tilespmem:s18+$0x3330] =	vst v10;
	v4 =	vmul.f32 $9.999999770e-03, v6;
	v5 =	vadd.f32 v1, v5;
	v8 =	vadd.f32 v8, v13  }
0x159: {  	[tilespmem:s18+$0x340] =	vst v15;
	v10 =	vmul.f32 $9.999999770e-03, v2;
	v1 =	vadd.f32 v1, v3;
	v3 =	vadd.f32 v14, v7  }
0x15a: {  	[tilespmem:s18+$0x3340] =	vst v11;
	v4 =	vmax.f32 v6, v4;
	v6 =	vmul.f32 $9.999999770e-03, v5;
	v7 =	vadd.f32 v9, v8  }
0x15b: {  	[tilespmem:s18+$0x350] =	vst v4;
	v2 =	vmax.f32 v2, v10;
	v4 =	vmul.f32 $9.999999770e-03, v1;
	v3 =	vadd.f32 v9, v3  }
0x15c: {  	[tilespmem:s18+$0x3350] =	vst v2;
	v2 =	vmax.f32 v5, v6;
	v5 =	vmul.f32 $9.999999770e-03, v7  }
0x15d: {  	[tilespmem:s18+$0x360] =	vst v2;
	v1 =	vmax.f32 v1, v4;
	v2 =	vmul.f32 $9.999999770e-03, v3  }
0x15e: {  	[tilespmem:s18+$0x3360] =	vst v1;
	v1 =	vmax.f32 v7, v5  }
0x15f: {  	[tilespmem:s18+$0x370] =	vst v1;
	v1 =	vmax.f32 v3, v2  }
0x160: {  	[tilespmem:s18+$0x3370] =	vst v1  }
0x161: {  	_ =	swait.ge [sflag:s9], $0x20  }
0x162: {  	[sflag:s9] =	ssyncset.done $0x0  }
0x163: {  	[sflag:s9] =	ssyncadd.s32 $0xFFFFFFE0  }
0x164: {  	_ =	swait.ge [sflag:s9], $0x20  }
0x165: {  	[sflag:s9] =	ssyncset.done $0x0  }
0x166: {  	s11 =	simm.s32 $0x280;
	[sflag:s9] =	ssyncadd.s32 $0xFFFFFFE0  }
0x167: {  	[spmem:s2] =	stream.indirect.scatter.add.f32 [tilespmem:s0], [sflag:$0x4], $0x80, s11, s15, $0xb8;
	[tilespmem:$0x1E600] =	vst v63  }
0x168: {  	s23 =	simm.s32 $0x200;
	s24 =	simm.s32 $0x3300  }
0x169: {  	[spmem:s2] =	stream.indirect.scatter.add.f32 [tilespmem:s24], [sflag:$0x4], $0x80, s23, s15, $0xb8;
	[tilespmem:$0x1E600] =	vst v63  }
0x16a: {  	_ =	swait.ge [sflag:s13], $0x20  }
0x16b: {  	[sflag:s13] =	ssyncset.done $0x0  }
0x16c: {  	[sflag:s13] =	ssyncadd.s32 $0xFFFFFFE0  }
0x16d: {  	_ =	swait.ge [sflag:s13], $0x20  }
0x16e: {  	[sflag:s13] =	ssyncset.done $0x0  }
0x16f: {  	[sflag:s13] =	ssyncadd.s32 $0xFFFFFFE0  }
0x170: {  	_ =	swait.ge [sflag:s13], $0x20  }
0x171: {  	[sflag:s13] =	ssyncset.done $0x0  }
0x172: {  	[sflag:s13] =	ssyncadd.s32 $0xFFFFFFE0  }
0x173: {  	_ =	swait.ge [sflag:s13], $0x20  }
0x174: {  	[sflag:s13] =	ssyncset.done $0x0  }
0x175: {  	[sflag:s13] =	ssyncadd.s32 $0xFFFFFFE0  }
0x176: {  	_ =	swait.ge [sflag:s20], $0x1000  }
0x177: {  	[sflag:s20] =	ssyncset.done $0x0  }
0x178: {  	[sflag:s20] =	ssyncadd.s32 $0xFFFFF000  }
0x179: {  	_ =	swait.ge [sflag:s20], $0x1000  }
0x17a: {  	[sflag:s20] =	ssyncset.done $0x0  }
0x17b: {  	s18 =	simm.s32 $0x0;
	[sflag:s20] =	ssyncadd.s32 $0xFFFFF000  }
0x17c: {  	[tilespmem:s0], [sflag:$0x3] =	stream.indirect.gather [hbm4b:s5+s15], $0x80, s18, s15, $0xb8;
	[tilespmem:$0x1E600] =	vst v63  }
0x17d: {  	s12 =	simm.s32 $0x1300;
	s22 =	simm.s32 $0x180  }
0x17e: {  	[tilespmem:s12], [sflag:$0x3] =	stream.indirect.gather [hbm4b:s5+s15], $0x80, s22, s15, $0xb8;
	[tilespmem:$0x1E600] =	vst v63  }
0x17f: {  	s10 =	simm.s32 $0x2300  }
0x180: {  	[tilespmem:s10], [sflag:$0x3] =	stream.indirect.gather [hbm4b:s5+s15], $0x80, s31, s15, $0xb8;
	[tilespmem:$0x1E600] =	vst v63  }
0x181: {  	s22 =	simm.s32 $0x100  }
0x182: {  	[tilespmem:s24], [sflag:$0x3] =	stream.indirect.gather [hbm4b:s5+s15], $0x80, s22, s15, $0xb8;
	[tilespmem:$0x1E600] =	vst v63  }
0x183: {  	s25 =	rddreg [dreg:$0x15];
	s10 =	simm.s32 $0x4300  }
0x184: {  	[tilespmem:s10], [sflag:$0x3] =	stream.linear.gather [hbm4b:s25+s18], $0x1000, $0x38;
	[tilespmem:$0x1E600] =	vst v63  }
0x185: {  	s29 =	rddreg [dreg:$0x11]  }
0x186: {  	[tilespmem:s23], [sflag:$0x2] =	stream.linear.gather [hbm4b:s29+s18], $0x20, $0x38;
	[tilespmem:$0x1E600] =	vst v63  }
0x187: {  	s30 =	rddreg [dreg:$0x12]  }
0x188: {  	[tilespmem:s11], [sflag:$0x2] =	stream.linear.gather [hbm4b:s30+s18], $0x20, $0x38;
	[tilespmem:$0x1E600] =	vst v63  }
0x189: {  	_ =	swait.ge [sflag:s21], $0x1000  }
0x18a: {  	[sflag:s21] =	ssyncset.done $0x0  }
0x18b: {  	[sflag:s21] =	ssyncadd.s32 $0xFFFFF000  }
0x18c: {  	_ =	swait.ge [sflag:s21], $0x1000  }
0x18d: {  	[sflag:s21] =	ssyncset.done $0x0  }
0x18e: {  	[sflag:s21] =	ssyncadd.s32 $0xFFFFF000  }
0x18f: {  	_ =	swait.ge [sflag:s21], $0x1000  }
0x190: {  	[sflag:s21] =	ssyncset.done $0x0  }
0x191: {  	[sflag:s21] =	ssyncadd.s32 $0xFFFFF000  }
0x192: {  	_ =	swait.ge [sflag:s21], $0x1000  }
0x193: {  	[sflag:s21] =	ssyncset.done $0x0  }
0x194: {  	[sflag:s21] =	ssyncadd.s32 $0xFFFFF000  }
0x195: {  	_ =	swait.ge [sflag:s21], $0x1000  }
0x196: {  	[sflag:s21] =	ssyncset.done $0x0  }
0x197: {  	s12 =	simm.s32 $0x5300;
	s11 =	rddreg [dreg:$0x16];
	[sflag:s21] =	ssyncadd.s32 $0xFFFFF000  }
0x198: {  	[tilespmem:s12], [sflag:$0x5] =	stream.linear.gather [hbm4b:s11+s18], $0x20, $0x38;
	[tilespmem:$0x1E600] =	vst v63  }
0x199: {  	s23 =	rddreg [dreg:$0x17]  }
0x19a: {  	[tilespmem:s28], [sflag:$0x5] =	stream.linear.gather [hbm4b:s23+s18], $0x20, $0x38;
	[tilespmem:$0x1E600] =	vst v63  }
0x19b: {  	s25 =	simm.s32 $0x5400;
	s24 =	rddreg [dreg:$0x18]  }
0x19c: {  	[tilespmem:s25], [sflag:$0x5] =	stream.linear.gather [hbm4b:s24+s18], $0x20, $0x38;
	[tilespmem:$0x1E600] =	vst v63  }
0x19d: {  	s30 =	simm.s32 $0x5480;
	s29 =	rddreg [dreg:$0x19]  }
0x19e: {  	[tilespmem:s30], [sflag:$0x5] =	stream.linear.gather [hbm4b:s29+s18], $0x20, $0x38;
	[tilespmem:$0x1E600] =	vst v63  }
0x19f: {  	s18 =	simm.s32 $0x0  }
0x1a0: {  	v7 =	vld [tilespmem:s18+$0x9600]  }
0x1a1: {  	v9 =	vld [tilespmem:s18+$0x9610]  }
0x1a2: {  	v11 =	vld [tilespmem:s18+$0x9620]  }
0x1a3: {  	v12 =	vld [tilespmem:s18+$0x9630]  }
0x1a4: {  	v13 =	vld [tilespmem:s18+$0x9640]  }
0x1a5: {  	v2 =	vld [tilespmem:s18+$0x9650]  }
0x1a6: {  	v1 =	vld [tilespmem:s18+$0x9660]  }
0x1a7: {  	v8 =	vld [tilespmem:s18+$0x6600]  }
0x1a8: {  	v10 =	vld [tilespmem:s18+$0x7600]  }
0x1a9: {  	v14 =	vld [tilespmem:s18+$0x6610]  }
0x1aa: {  	v15 =	vld [tilespmem:s18+$0x7610]  }
0x1ab: {  	v16 =	vld [tilespmem:s18+$0x6620]  }
0x1ac: {  	v17 =	vld [tilespmem:s18+$0x7620]  }
0x1ad: {  	v18 =	vld [tilespmem:s18+$0x6630]  }
0x1ae: {  	v19 =	vld [tilespmem:s18+$0x7630]  }
0x1af: {  	v20 =	vld [tilespmem:s18+$0x6640]  }
0x1b0: {  	v21 =	vld [tilespmem:s18+$0x7640]  }
0x1b1: {  	v6 =	vld [tilespmem:s18+$0x6650]  }
0x1b2: {  	v4 =	vld [tilespmem:s18+$0x7650]  }
0x1b3: {  	v22 =	vld [tilespmem:s18+$0x5600]  }
0x1b4: {  	v23 =	vld [tilespmem:s18+$0x8600]  }
0x1b5: {  	v27 =	vld [tilespmem:s18+$0x8620]  }
0x1b6: {  	v24 =	vld [tilespmem:s18+$0x5610]  }
0x1b7: {  	v25 =	vld [tilespmem:s18+$0x8610]  }
0x1b8: {  	v26 =	vld [tilespmem:s18+$0x5620]  }
0x1b9: {  	v59 =	vld [tilespmem:s18+$0x5640];
	v8 =	vadd.f32 v8, v22  }
0x1ba: {  	v22 =	vld [tilespmem:s18+$0x5630];
	v10 =	vadd.f32 v23, v10;
	v17 =	vadd.f32 v27, v17  }
0x1bb: {  	v23 =	vld [tilespmem:s18+$0x8630];
	v28 =	vadd.f32 v7, v8;
	v8 =	vadd.f32 v14, v24  }
0x1bc: {  	v5 =	vld [tilespmem:s18+$0x6660];
	v14 =	vadd.f32 v7, v10;
	v7 =	vadd.f32 v25, v15  }
0x1bd: {  	v3 =	vld [tilespmem:s18+$0x7660];
	v16 =	vadd.f32 v16, v26;
	v17 =	vadd.f32 v11, v17;
	v10 =	vmul.f32 $9.999999770e-03, v28  }
0x1be: {  	v15 =	vld [tilespmem:s18+$0x8640];
	v60 =	vadd.f32 v9, v8;
	v29 =	vmul.f32 $9.999999770e-03, v14;
	v30 =	vadd.f32 v9, v7  }
0x1bf: {  	v8 =	vld [tilespmem:s18+$0x6670];
	v62 =	vmul.f32 $9.999999770e-03, v17;
	v18 =	vadd.f32 v18, v22;
	v22 =	vadd.f32 v11, v16  }
0x1c0: {  	v7 =	vld [tilespmem:s18+$0x7670];
	v16 =	vadd.f32 v23, v19;
	v23 =	vadd.f32 v20, v59;
	v28 =	vmax.f32 v28, v10  }
0x1c1: {  	v31 =	vmul.f32 $9.999999770e-03, v60;
	v10 =	vld [tilespmem:s18+$0x5650];
	v61 =	vmax.f32 v14, v29;
	v14 =	vmul.f32 $9.999999770e-03, v30  }
0x1c2: {  	v9 =	vld [tilespmem:s18+$0x8650];
	v19 =	vmul.f32 $9.999999770e-03, v22;
	v18 =	vadd.f32 v12, v18;
	v16 =	vadd.f32 v12, v16  }
0x1c3: {  	v11 =	vld [tilespmem:s18+$0x5660];
	[tilespmem:s18+$0x5600] =	vst v28;
	v63 =	vadd.f32 v15, v21;
	v15 =	vadd.f32 v13, v23;
	v25 =	vmax.f32 v60, v31  }
0x1c4: {  	[tilespmem:s18+$0x8600] =	vst v61;
	v12 =	vld [tilespmem:s18+$0x8660];
	v14 =	vmax.f32 v30, v14;
	v20 =	vmax.f32 v22, v19;
	v22 =	vmul.f32 $9.999999770e-03, v18  }
0x1c5: {  	s22 =	simm.s32 $0x200;
	[tilespmem:s18+$0x5610] =	vst v25;
	v19 =	vmax.f32 v17, v62;
	v21 =	vmul.f32 $9.999999770e-03, v16;
	v17 =	vadd.f32 v13, v63;
	v13 =	vld [tilespmem:s18+$0x5670]  }
.LBB2_6:
0x1c6: {  	p0 =	sne.s32 s22, $0x3E00;
	[tilespmem:s18+$0x8610] =	vst v14;
	v14 =	vmax.f32 v18, v22;
	v18 =	vmul.f32 $9.999999770e-03, v15;
	v6 =	vadd.f32 v6, v10;
	v10 =	vld [tilespmem:s18+$0x8670]  }
0x1c7: {  	s25 =	sshra.s32 s22, $0x2;
	[tilespmem:s18+$0x5620] =	vst v20;
	v16 =	vmax.f32 v16, v21;
	v20 =	vmul.f32 $9.999999770e-03, v17;
	v4 =	vadd.f32 v9, v4;
	v9 =	vld [tilespmem:s18+$0x9670]  }
0x1c8: {  	v21 =	vld [tilespmem:s25+$0x9600];
	[tilespmem:s18+$0x8620] =	vst v19;
	v15 =	vmax.f32 v15, v18;
	v6 =	vadd.f32 v2, v6;
	v5 =	vadd.f32 v5, v11  }
0x1c9: {  	v11 =	vld [tilespmem:s25+$0x9610];
	[tilespmem:s18+$0x5630] =	vst v14;
	v14 =	vmax.f32 v17, v20;
	v4 =	vadd.f32 v2, v4;
	v2 =	vadd.f32 v12, v3  }
0x1ca: {  	v12 =	vld [tilespmem:s25+$0x9620];
	[tilespmem:s18+$0x8630] =	vst v16;
	v3 =	vmul.f32 $9.999999770e-03, v6;
	v5 =	vadd.f32 v1, v5;
	v8 =	vadd.f32 v8, v13  }
0x1cb: {  	v13 =	vld [tilespmem:s25+$0x9630];
	[tilespmem:s18+$0x5640] =	vst v15;
	v15 =	vmul.f32 $9.999999770e-03, v4;
	v16 =	vadd.f32 v1, v2;
	v1 =	vadd.f32 v10, v7  }
0x1cc: {  	v17 =	vld [tilespmem:s25+$0x9640];
	[tilespmem:s18+$0x8640] =	vst v14;
	v3 =	vmax.f32 v6, v3;
	v6 =	vmul.f32 $9.999999770e-03, v5;
	v7 =	vadd.f32 v9, v8  }
0x1cd: {  	v2 =	vld [tilespmem:s25+$0x9650];
	[tilespmem:s18+$0x5650] =	vst v3;
	v3 =	vmax.f32 v4, v15;
	v4 =	vmul.f32 $9.999999770e-03, v16;
	v8 =	vadd.f32 v9, v1  }
0x1ce: {  	v1 =	vld [tilespmem:s25+$0x9660];
	[tilespmem:s18+$0x8650] =	vst v3;
	v3 =	vmax.f32 v5, v6;
	v5 =	vmul.f32 $9.999999770e-03, v7  }
0x1cf: {  	v9 =	vld [tilespmem:s25+$0x6600];
	[tilespmem:s18+$0x5660] =	vst v3;
	v3 =	vmax.f32 v16, v4;
	v4 =	vmul.f32 $9.999999770e-03, v8  }
0x1d0: {  	v10 =	vld [tilespmem:s25+$0x7600];
	[tilespmem:s18+$0x8660] =	vst v3;
	v3 =	vmax.f32 v7, v5  }
0x1d1: {  	v7 =	vld [tilespmem:s25+$0x6610];
	[tilespmem:s18+$0x5670] =	vst v3;
	v3 =	vmax.f32 v8, v4  }
0x1d2: {  	v8 =	vld [tilespmem:s25+$0x7610];
	[tilespmem:s18+$0x8670] =	vst v3;
	s18 =	smov.u32 s25  }
0x1d3: {  	v14 =	vld [tilespmem:s18+$0x6620]  }
0x1d4: {  	v15 =	vld [tilespmem:s18+$0x7620]  }
0x1d5: {  	v16 =	vld [tilespmem:s18+$0x6630]  }
0x1d6: {  	v18 =	vld [tilespmem:s18+$0x7630]  }
0x1d7: {  	v19 =	vld [tilespmem:s18+$0x6640]  }
0x1d8: {  	v20 =	vld [tilespmem:s18+$0x7640]  }
0x1d9: {  	v6 =	vld [tilespmem:s18+$0x6650]  }
0x1da: {  	v4 =	vld [tilespmem:s18+$0x7650]  }
0x1db: {  	v3 =	vld [tilespmem:s18+$0x5600]  }
0x1dc: {  	v22 =	vld [tilespmem:s18+$0x8600]  }
0x1dd: {  	v23 =	vld [tilespmem:s18+$0x5610]  }
0x1de: {  	v24 =	vld [tilespmem:s18+$0x8610]  }
0x1df: {  	v5 =	vld [tilespmem:s18+$0x6660]  }
0x1e0: {  	v9 =	vadd.f32 v9, v3;
	v3 =	vld [tilespmem:s18+$0x7660]  }
0x1e1: {  	v10 =	vadd.f32 v22, v10;
	v22 =	vld [tilespmem:s18+$0x5620]  }
0x1e2: {  	v9 =	vadd.f32 v21, v9;
	v7 =	vadd.f32 v7, v23;
	v23 =	vld [tilespmem:s18+$0x8620]  }
0x1e3: {  	v10 =	vadd.f32 v21, v10;
	v8 =	vadd.f32 v24, v8;
	v21 =	vld [tilespmem:s18+$0x5630]  }
0x1e4: {  	v24 =	vmul.f32 $9.999999770e-03, v9;
	v7 =	vadd.f32 v11, v7;
	v25 =	vld [tilespmem:s18+$0x8630]  }
0x1e5: {  	v26 =	vmul.f32 $9.999999770e-03, v10;
	v11 =	vadd.f32 v11, v8;
	v27 =	vld [tilespmem:s18+$0x5640]  }
0x1e6: {  	v24 =	vmax.f32 v9, v24;
	v9 =	vmul.f32 $9.999999770e-03, v7;
	v14 =	vadd.f32 v14, v22;
	v22 =	vld [tilespmem:s18+$0x8640]  }
0x1e7: {  	v26 =	vmax.f32 v10, v26;
	v10 =	vmul.f32 $9.999999770e-03, v11;
	v15 =	vadd.f32 v23, v15;
	v8 =	vld [tilespmem:s18+$0x6670]  }
0x1e8: {  	v23 =	vmax.f32 v7, v9;
	v28 =	vadd.f32 v12, v14;
	v9 =	vadd.f32 v16, v21;
	v7 =	vld [tilespmem:s18+$0x7670]  }
.Ltmp2:
0x1e9: {  	v14 =	vmax.f32 v11, v10;
	v21 =	vadd.f32 v12, v15;
	v11 =	vadd.f32 v25, v18;
	v10 =	vld [tilespmem:s18+$0x5650];
	(pc) =	sbr.rel @p0 .LBB2_6-.Ltmp2, $4  }
0x1ea: {  	v12 =	vmul.f32 $9.999999770e-03, v28;
	v18 =	vadd.f32 v13, v9;
	v15 =	vadd.f32 v19, v27;
	v9 =	vld [tilespmem:s18+$0x8650]  }
0x1eb: {  	[tilespmem:s18+$0x5600] =	vst v24;
	v19 =	vmul.f32 $9.999999770e-03, v21;
	v16 =	vadd.f32 v13, v11;
	v13 =	vadd.f32 v22, v20;
	v11 =	vld [tilespmem:s18+$0x5660]  }
0x1ec: {  	[tilespmem:s18+$0x8600] =	vst v26;
	v20 =	vmax.f32 v28, v12;
	v22 =	vmul.f32 $9.999999770e-03, v18;
	v15 =	vadd.f32 v17, v15;
	v12 =	vld [tilespmem:s18+$0x8660]  }
0x1ed: {  	s22 =	sadd.s32 $0x200, s22;
	[tilespmem:s18+$0x5610] =	vst v23;
	v19 =	vmax.f32 v21, v19;
	v21 =	vmul.f32 $9.999999770e-03, v16;
	v17 =	vadd.f32 v17, v13;
	v13 =	vld [tilespmem:s18+$0x5670]  }
0x1ee: {  	[tilespmem:s18+$0x8610] =	vst v14;
	v52 =	vld [tilespmem:s18+$0x8670];
	v18 =	vmax.f32 v18, v22;
	v53 =	vmul.f32 $9.999999770e-03, v15;
	v6 =	vadd.f32 v6, v10  }
0x1ef: {  	[tilespmem:s18+$0x5620] =	vst v20;
	v56 =	vld [tilespmem:s18+$0x9670];
	v54 =	vmax.f32 v16, v21;
	v55 =	vmul.f32 $9.999999770e-03, v17;
	v4 =	vadd.f32 v9, v4  }
0x1f0: {  	[tilespmem:s18+$0x8620] =	vst v19;
	v15 =	vmax.f32 v15, v53;
	v6 =	vadd.f32 v2, v6;
	v5 =	vadd.f32 v5, v11  }
0x1f1: {  	[tilespmem:s18+$0x5630] =	vst v18;
	v57 =	vmax.f32 v17, v55;
	v2 =	vadd.f32 v2, v4;
	v3 =	vadd.f32 v12, v3  }
0x1f2: {  	[tilespmem:s18+$0x8630] =	vst v54;
	v58 =	vmul.f32 $9.999999770e-03, v6;
	v5 =	vadd.f32 v1, v5;
	v8 =	vadd.f32 v8, v13  }
0x1f3: {  	[tilespmem:s18+$0x5640] =	vst v15;
	v59 =	vmul.f32 $9.999999770e-03, v2;
	v1 =	vadd.f32 v1, v3;
	v3 =	vadd.f32 v52, v7  }
0x1f4: {  	[tilespmem:s18+$0x8640] =	vst v57;
	v4 =	vmax.f32 v6, v58;
	v60 =	vmul.f32 $9.999999770e-03, v5;
	v61 =	vadd.f32 v56, v8  }
0x1f5: {  	[tilespmem:s18+$0x5650] =	vst v4;
	v2 =	vmax.f32 v2, v59;
	v62 =	vmul.f32 $9.999999770e-03, v1;
	v3 =	vadd.f32 v56, v3  }
0x1f6: {  	[tilespmem:s18+$0x8650] =	vst v2;
	v2 =	vmax.f32 v5, v60;
	v63 =	vmul.f32 $9.999999770e-03, v61  }
0x1f7: {  	[tilespmem:s18+$0x5660] =	vst v2;
	v1 =	vmax.f32 v1, v62;
	v2 =	vmul.f32 $9.999999770e-03, v3  }
0x1f8: {  	[tilespmem:s18+$0x8660] =	vst v1;
	v1 =	vmax.f32 v61, v63  }
0x1f9: {  	[tilespmem:s18+$0x5670] =	vst v1;
	v1 =	vmax.f32 v3, v2  }
0x1fa: {  	[tilespmem:s18+$0x8670] =	vst v1  }
0x1fb: {  	_ =	swait.ge [sflag:s14], $0x20  }
0x1fc: {  	[sflag:s14] =	ssyncset.done $0x0  }
0x1fd: {  	[sflag:s14] =	ssyncadd.s32 $0xFFFFFFE0  }
0x1fe: {  	_ =	swait.ge [sflag:s14], $0x20  }
0x1ff: {  	[sflag:s14] =	ssyncset.done $0x0  }
0x200: {  	s11 =	simm.s32 $0x5580;
	[sflag:s14] =	ssyncadd.s32 $0xFFFFFFE0  }
0x201: {  	[spmem:s2] =	stream.indirect.scatter.add.f32 [tilespmem:s26], [sflag:$0x8], $0x80, s11, s15, $0xb8;
	[tilespmem:$0x1E600] =	vst v63  }
0x202: {  	s30 =	simm.s32 $0x5500;
	s24 =	simm.s32 $0x8600;
	s18 =	simm.s32 $0x1  }
0x203: {  	[spmem:s2] =	stream.indirect.scatter.add.f32 [tilespmem:s24], [sflag:$0x8], $0x80, s30, s15, $0xb8;
	[tilespmem:$0x1E600] =	vst v63  }
.LBB2_8:
0x204: {  	_ =	swait.ge [sflag:s16], $0x20  }
0x205: {  	[sflag:s16] =	ssyncset.done $0x0  }
0x206: {  	[sflag:s16] =	ssyncadd.s32 $0xFFFFFFE0  }
0x207: {  	_ =	swait.ge [sflag:s16], $0x20  }
0x208: {  	[sflag:s16] =	ssyncset.done $0x0  }
0x209: {  	[sflag:s16] =	ssyncadd.s32 $0xFFFFFFE0  }
0x20a: {  	_ =	swait.ge [sflag:s16], $0x20  }
0x20b: {  	[sflag:s16] =	ssyncset.done $0x0  }
0x20c: {  	[sflag:s16] =	ssyncadd.s32 $0xFFFFFFE0  }
0x20d: {  	_ =	swait.ge [sflag:s16], $0x20  }
0x20e: {  	[sflag:s16] =	ssyncset.done $0x0  }
0x20f: {  	[sflag:s16] =	ssyncadd.s32 $0xFFFFFFE0  }
0x210: {  	_ =	swait.ge [sflag:s17], $0x1000  }
0x211: {  	[sflag:s17] =	ssyncset.done $0x0  }
0x212: {  	[sflag:s17] =	ssyncadd.s32 $0xFFFFF000  }
0x213: {  	_ =	swait.ge [sflag:s17], $0x1000  }
0x214: {  	[sflag:s17] =	ssyncset.done $0x0  }
0x215: {  	s22 =	sshll.u32 s18, $0x6;
	s25 =	rddreg [dreg:$0x4];
	[sflag:s17] =	ssyncadd.s32 $0xFFFFF000  }
0x216: {  	[tilespmem:s26], [sflag:$0x7] =	stream.indirect.gather [hbm4b:s5+s15], $0x80, s12, s15, $0xb8;
	[tilespmem:$0x1E600] =	vst v63  }
0x217: {  	s11 =	simm.s32 $0x5480;
	s10 =	simm.s32 $0x6600;
	s25 =	sadd.s32 s22, s25  }
0x218: {  	[tilespmem:s10], [sflag:$0x7] =	stream.indirect.gather [hbm4b:s5+s15], $0x80, s11, s15, $0xb8;
	[tilespmem:$0x1E600] =	vst v63  }
0x219: {  	s26 =	simm.s32 $0x7600;
	s25 =	sadd.s32 $0x20, s25  }
0x21a: {  	[tilespmem:s26], [sflag:$0x7] =	stream.indirect.gather [hbm4b:s5+s15], $0x80, s28, s15, $0xb8;
	[tilespmem:$0x1E600] =	vst v63  }
0x21b: {  	s29 =	simm.s32 $0x0;
	s10 =	simm.s32 $0x5400;
	s11 =	sshll.u32 s25, $0x4  }
0x21c: {  	[tilespmem:s24], [sflag:$0x7] =	stream.indirect.gather [hbm4b:s5+s15], $0x80, s10, s15, $0xb8;
	[tilespmem:$0x1E600] =	vst v63  }
0x21d: {  	s23 =	simm.s32 $0x9600;
	s25 =	sshrl.u32 s25, $0x3;
	s26 =	sadd.s32 s6, s11  }
0x21e: {  	[tilespmem:s23], [sflag:$0x7] =	stream.linear.gather [hbm4b:s26+s29], $0x1000, $0x38;
	[tilespmem:$0x1E600] =	vst v63  }
0x21f: {  	s24 =	sadd.s32 s7, s25  }
0x220: {  	[tilespmem:s30], [sflag:$0x6] =	stream.linear.gather [hbm4b:s24+s29], $0x20, $0x38;
	[tilespmem:$0x1E600] =	vst v63  }
0x221: {  	s12 =	simm.s32 $0x5580;
	s25 =	sadd.s32 s8, s25  }
0x222: {  	[tilespmem:s12], [sflag:$0x6] =	stream.linear.gather [hbm4b:s25+s29], $0x20, $0x38;
	[tilespmem:$0x1E600] =	vst v63  }
0x223: {  	_ =	swait.ge [sflag:s1], $0x1000  }
0x224: {  	[sflag:s1] =	ssyncset.done $0x0  }
0x225: {  	[sflag:s1] =	ssyncadd.s32 $0xFFFFF000  }
0x226: {  	_ =	swait.ge [sflag:s1], $0x1000  }
0x227: {  	[sflag:s1] =	ssyncset.done $0x0  }
0x228: {  	[sflag:s1] =	ssyncadd.s32 $0xFFFFF000  }
0x229: {  	_ =	swait.ge [sflag:s1], $0x1000  }
0x22a: {  	[sflag:s1] =	ssyncset.done $0x0  }
0x22b: {  	[sflag:s1] =	ssyncadd.s32 $0xFFFFF000  }
0x22c: {  	_ =	swait.ge [sflag:s1], $0x1000  }
0x22d: {  	[sflag:s1] =	ssyncset.done $0x0  }
0x22e: {  	[sflag:s1] =	ssyncadd.s32 $0xFFFFF000  }
0x22f: {  	_ =	swait.ge [sflag:s1], $0x1000  }
0x230: {  	s10 =	smov.u32 s6;
	s6 =	rddreg [dreg:$0xe]  }
0x231: {  	s25 =	sadd.s32 s22, s6  }
0x232: {  	[sflag:s1] =	ssyncset.done $0x0;
	s30 =	sshrl.u32 s25, $0x3  }
0x233: {  	s11 =	sld [smem:$0x7EB];
	[sflag:s1] =	ssyncadd.s32 $0xFFFFF000;
	s26 =	sadd.s32 s7, s30  }
0x234: {  	[tilespmem:s29], [sflag:$0x1] =	stream.linear.gather [hbm4b:s26+s29], $0x20, $0x38;
	[tilespmem:$0x1E600] =	vst v63  }
0x235: {  	s28 =	sadd.s32 s8, s30  }
0x236: {  	[tilespmem:s31], [sflag:$0x1] =	stream.linear.gather [hbm4b:s28+s29], $0x20, $0x38;
	[tilespmem:$0x1E600] =	vst v63  }
0x237: {  	s23 =	simm.s32 $0x100;
	s24 =	rddreg [dreg:$0x1];
	s12 =	sadd.s32 s11, s30  }
0x238: {  	[tilespmem:s23], [sflag:$0x1] =	stream.linear.gather [hbm4b:s12+s29], $0x20, $0x38;
	[tilespmem:$0x1E600] =	vst v63  }
0x239: {  	s30 =	sadd.s32 s24, s30;
	s31 =	simm.s32 $0x180  }
0x23a: {  	[tilespmem:s31], [sflag:$0x1] =	stream.linear.gather [hbm4b:s30+s29], $0x20, $0x38;
	[tilespmem:$0x1E600] =	vst v63  }
0x23b: {  	s29 =	simm.s32 $0x0  }
0x23c: {  	v7 =	vld [tilespmem:s29+$0x4300]  }
0x23d: {  	v9 =	vld [tilespmem:s29+$0x4310]  }
0x23e: {  	v11 =	vld [tilespmem:s29+$0x4320]  }
0x23f: {  	v12 =	vld [tilespmem:s29+$0x4330]  }
0x240: {  	v13 =	vld [tilespmem:s29+$0x4340]  }
0x241: {  	v2 =	vld [tilespmem:s29+$0x4350]  }
0x242: {  	v1 =	vld [tilespmem:s29+$0x4360]  }
0x243: {  	v8 =	vld [tilespmem:s29+$0x1300]  }
0x244: {  	v10 =	vld [tilespmem:s29+$0x2300]  }
0x245: {  	v14 =	vld [tilespmem:s29+$0x1310]  }
0x246: {  	v15 =	vld [tilespmem:s29+$0x2310]  }
0x247: {  	v16 =	vld [tilespmem:s29+$0x1320]  }
0x248: {  	v17 =	vld [tilespmem:s29+$0x2320]  }
0x249: {  	v18 =	vld [tilespmem:s29+$0x1330]  }
0x24a: {  	v19 =	vld [tilespmem:s29+$0x2330]  }
0x24b: {  	v20 =	vld [tilespmem:s29+$0x1340]  }
0x24c: {  	v21 =	vld [tilespmem:s29+$0x2340]  }
0x24d: {  	v6 =	vld [tilespmem:s29+$0x1350]  }
0x24e: {  	v4 =	vld [tilespmem:s29+$0x2350]  }
0x24f: {  	v22 =	vld [tilespmem:s29+$0x300]  }
0x250: {  	v23 =	vld [tilespmem:s29+$0x3300]  }
0x251: {  	v27 =	vld [tilespmem:s29+$0x3320]  }
0x252: {  	v24 =	vld [tilespmem:s29+$0x310]  }
0x253: {  	v25 =	vld [tilespmem:s29+$0x3310]  }
0x254: {  	v26 =	vld [tilespmem:s29+$0x320]  }
0x255: {  	v59 =	vld [tilespmem:s29+$0x340];
	v8 =	vadd.f32 v8, v22  }
0x256: {  	v22 =	vld [tilespmem:s29+$0x330];
	v10 =	vadd.f32 v23, v10;
	v17 =	vadd.f32 v27, v17  }
0x257: {  	v23 =	vld [tilespmem:s29+$0x3330];
	v28 =	vadd.f32 v7, v8;
	v8 =	vadd.f32 v14, v24  }
0x258: {  	v5 =	vld [tilespmem:s29+$0x1360];
	v14 =	vadd.f32 v7, v10;
	v7 =	vadd.f32 v25, v15  }
0x259: {  	v3 =	vld [tilespmem:s29+$0x2360];
	v16 =	vadd.f32 v16, v26;
	v17 =	vadd.f32 v11, v17;
	v10 =	vmul.f32 $9.999999770e-03, v28  }
0x25a: {  	v15 =	vld [tilespmem:s29+$0x3340];
	v60 =	vadd.f32 v9, v8;
	v29 =	vmul.f32 $9.999999770e-03, v14;
	v30 =	vadd.f32 v9, v7  }
0x25b: {  	v8 =	vld [tilespmem:s29+$0x1370];
	v62 =	vmul.f32 $9.999999770e-03, v17;
	v18 =	vadd.f32 v18, v22;
	v22 =	vadd.f32 v11, v16  }
0x25c: {  	v7 =	vld [tilespmem:s29+$0x2370];
	v16 =	vadd.f32 v23, v19;
	v23 =	vadd.f32 v20, v59;
	v28 =	vmax.f32 v28, v10  }
0x25d: {  	v31 =	vmul.f32 $9.999999770e-03, v60;
	v10 =	vld [tilespmem:s29+$0x350];
	v61 =	vmax.f32 v14, v29;
	v14 =	vmul.f32 $9.999999770e-03, v30  }
0x25e: {  	v9 =	vld [tilespmem:s29+$0x3350];
	v19 =	vmul.f32 $9.999999770e-03, v22;
	v18 =	vadd.f32 v12, v18;
	v16 =	vadd.f32 v12, v16  }
0x25f: {  	v11 =	vld [tilespmem:s29+$0x360];
	[tilespmem:s29+$0x300] =	vst v28;
	v63 =	vadd.f32 v15, v21;
	v15 =	vadd.f32 v13, v23;
	v25 =	vmax.f32 v60, v31  }
0x260: {  	[tilespmem:s29+$0x3300] =	vst v61;
	v12 =	vld [tilespmem:s29+$0x3360];
	v14 =	vmax.f32 v30, v14;
	v20 =	vmax.f32 v22, v19;
	v22 =	vmul.f32 $9.999999770e-03, v18  }
0x261: {  	s30 =	simm.s32 $0x200;
	[tilespmem:s29+$0x310] =	vst v25;
	v19 =	vmax.f32 v17, v62;
	v21 =	vmul.f32 $9.999999770e-03, v16;
	v17 =	vadd.f32 v13, v63;
	v13 =	vld [tilespmem:s29+$0x370]  }
.LBB2_9:
0x262: {  	p0 =	sne.s32 s30, $0x3E00;
	[tilespmem:s29+$0x3310] =	vst v14;
	v14 =	vmax.f32 v18, v22;
	v18 =	vmul.f32 $9.999999770e-03, v15;
	v6 =	vadd.f32 v6, v10;
	v10 =	vld [tilespmem:s29+$0x3370]  }
0x263: {  	s31 =	sshra.s32 s30, $0x2;
	[tilespmem:s29+$0x320] =	vst v20;
	v16 =	vmax.f32 v16, v21;
	v20 =	vmul.f32 $9.999999770e-03, v17;
	v4 =	vadd.f32 v9, v4;
	v9 =	vld [tilespmem:s29+$0x4370]  }
0x264: {  	v21 =	vld [tilespmem:s31+$0x4300];
	[tilespmem:s29+$0x3320] =	vst v19;
	v15 =	vmax.f32 v15, v18;
	v6 =	vadd.f32 v2, v6;
	v5 =	vadd.f32 v5, v11  }
0x265: {  	v11 =	vld [tilespmem:s31+$0x4310];
	[tilespmem:s29+$0x330] =	vst v14;
	v14 =	vmax.f32 v17, v20;
	v4 =	vadd.f32 v2, v4;
	v2 =	vadd.f32 v12, v3  }
0x266: {  	v12 =	vld [tilespmem:s31+$0x4320];
	[tilespmem:s29+$0x3330] =	vst v16;
	v3 =	vmul.f32 $9.999999770e-03, v6;
	v5 =	vadd.f32 v1, v5;
	v8 =	vadd.f32 v8, v13  }
0x267: {  	v13 =	vld [tilespmem:s31+$0x4330];
	[tilespmem:s29+$0x340] =	vst v15;
	v15 =	vmul.f32 $9.999999770e-03, v4;
	v16 =	vadd.f32 v1, v2;
	v1 =	vadd.f32 v10, v7  }
0x268: {  	v17 =	vld [tilespmem:s31+$0x4340];
	[tilespmem:s29+$0x3340] =	vst v14;
	v3 =	vmax.f32 v6, v3;
	v6 =	vmul.f32 $9.999999770e-03, v5;
	v7 =	vadd.f32 v9, v8  }
0x269: {  	v2 =	vld [tilespmem:s31+$0x4350];
	[tilespmem:s29+$0x350] =	vst v3;
	v3 =	vmax.f32 v4, v15;
	v4 =	vmul.f32 $9.999999770e-03, v16;
	v8 =	vadd.f32 v9, v1  }
0x26a: {  	v1 =	vld [tilespmem:s31+$0x4360];
	[tilespmem:s29+$0x3350] =	vst v3;
	v3 =	vmax.f32 v5, v6;
	v5 =	vmul.f32 $9.999999770e-03, v7  }
0x26b: {  	v9 =	vld [tilespmem:s31+$0x1300];
	[tilespmem:s29+$0x360] =	vst v3;
	v3 =	vmax.f32 v16, v4;
	v4 =	vmul.f32 $9.999999770e-03, v8  }
0x26c: {  	v10 =	vld [tilespmem:s31+$0x2300];
	[tilespmem:s29+$0x3360] =	vst v3;
	v3 =	vmax.f32 v7, v5  }
0x26d: {  	v7 =	vld [tilespmem:s31+$0x1310];
	[tilespmem:s29+$0x370] =	vst v3;
	v3 =	vmax.f32 v8, v4  }
0x26e: {  	v8 =	vld [tilespmem:s31+$0x2310];
	[tilespmem:s29+$0x3370] =	vst v3;
	s29 =	smov.u32 s31  }
0x26f: {  	v14 =	vld [tilespmem:s29+$0x1320]  }
0x270: {  	v15 =	vld [tilespmem:s29+$0x2320]  }
0x271: {  	v16 =	vld [tilespmem:s29+$0x1330]  }
0x272: {  	v18 =	vld [tilespmem:s29+$0x2330]  }
0x273: {  	v19 =	vld [tilespmem:s29+$0x1340]  }
0x274: {  	v20 =	vld [tilespmem:s29+$0x2340]  }
0x275: {  	v6 =	vld [tilespmem:s29+$0x1350]  }
0x276: {  	v4 =	vld [tilespmem:s29+$0x2350]  }
0x277: {  	v3 =	vld [tilespmem:s29+$0x300]  }
0x278: {  	v22 =	vld [tilespmem:s29+$0x3300]  }
0x279: {  	v23 =	vld [tilespmem:s29+$0x310]  }
0x27a: {  	v24 =	vld [tilespmem:s29+$0x3310]  }
0x27b: {  	v5 =	vld [tilespmem:s29+$0x1360]  }
0x27c: {  	v9 =	vadd.f32 v9, v3;
	v3 =	vld [tilespmem:s29+$0x2360]  }
0x27d: {  	v10 =	vadd.f32 v22, v10;
	v22 =	vld [tilespmem:s29+$0x320]  }
0x27e: {  	v9 =	vadd.f32 v21, v9;
	v7 =	vadd.f32 v7, v23;
	v23 =	vld [tilespmem:s29+$0x3320]  }
0x27f: {  	v10 =	vadd.f32 v21, v10;
	v8 =	vadd.f32 v24, v8;
	v21 =	vld [tilespmem:s29+$0x330]  }
0x280: {  	v24 =	vmul.f32 $9.999999770e-03, v9;
	v7 =	vadd.f32 v11, v7;
	v25 =	vld [tilespmem:s29+$0x3330]  }
0x281: {  	v26 =	vmul.f32 $9.999999770e-03, v10;
	v11 =	vadd.f32 v11, v8;
	v27 =	vld [tilespmem:s29+$0x340]  }
0x282: {  	v24 =	vmax.f32 v9, v24;
	v9 =	vmul.f32 $9.999999770e-03, v7;
	v14 =	vadd.f32 v14, v22;
	v22 =	vld [tilespmem:s29+$0x3340]  }
0x283: {  	v26 =	vmax.f32 v10, v26;
	v10 =	vmul.f32 $9.999999770e-03, v11;
	v15 =	vadd.f32 v23, v15;
	v8 =	vld [tilespmem:s29+$0x1370]  }
0x284: {  	v23 =	vmax.f32 v7, v9;
	v28 =	vadd.f32 v12, v14;
	v9 =	vadd.f32 v16, v21;
	v7 =	vld [tilespmem:s29+$0x2370]  }
.Ltmp3:
0x285: {  	v14 =	vmax.f32 v11, v10;
	v21 =	vadd.f32 v12, v15;
	v11 =	vadd.f32 v25, v18;
	v10 =	vld [tilespmem:s29+$0x350];
	(pc) =	sbr.rel @p0 .LBB2_9-.Ltmp3, $4  }
0x286: {  	v12 =	vmul.f32 $9.999999770e-03, v28;
	v18 =	vadd.f32 v13, v9;
	v15 =	vadd.f32 v19, v27;
	v9 =	vld [tilespmem:s29+$0x3350]  }
0x287: {  	[tilespmem:s29+$0x300] =	vst v24;
	v19 =	vmul.f32 $9.999999770e-03, v21;
	v16 =	vadd.f32 v13, v11;
	v13 =	vadd.f32 v22, v20;
	v11 =	vld [tilespmem:s29+$0x360]  }
0x288: {  	[tilespmem:s29+$0x3300] =	vst v26;
	v20 =	vmax.f32 v28, v12;
	v22 =	vmul.f32 $9.999999770e-03, v18;
	v15 =	vadd.f32 v17, v15;
	v12 =	vld [tilespmem:s29+$0x3360]  }
0x289: {  	s30 =	sadd.s32 $0x200, s30;
	[tilespmem:s29+$0x310] =	vst v23;
	v19 =	vmax.f32 v21, v19;
	v21 =	vmul.f32 $9.999999770e-03, v16;
	v17 =	vadd.f32 v17, v13;
	v13 =	vld [tilespmem:s29+$0x370]  }
0x28a: {  	[tilespmem:s29+$0x3310] =	vst v14;
	v14 =	vld [tilespmem:s29+$0x3370];
	v18 =	vmax.f32 v18, v22;
	v22 =	vmul.f32 $9.999999770e-03, v15;
	v6 =	vadd.f32 v6, v10  }
0x28b: {  	[tilespmem:s29+$0x320] =	vst v20;
	v10 =	vmax.f32 v16, v21;
	v16 =	vmul.f32 $9.999999770e-03, v17;
	v4 =	vadd.f32 v9, v4;
	v9 =	vld [tilespmem:s29+$0x4370]  }
0x28c: {  	[tilespmem:s29+$0x3320] =	vst v19;
	v15 =	vmax.f32 v15, v22;
	v6 =	vadd.f32 v2, v6;
	v5 =	vadd.f32 v5, v11  }
0x28d: {  	[tilespmem:s29+$0x330] =	vst v18;
	v11 =	vmax.f32 v17, v16;
	v2 =	vadd.f32 v2, v4;
	v3 =	vadd.f32 v12, v3  }
0x28e: {  	[tilespmem:s29+$0x3330] =	vst v10;
	v4 =	vmul.f32 $9.999999770e-03, v6;
	v5 =	vadd.f32 v1, v5;
	v8 =	vadd.f32 v8, v13  }
0x28f: {  	[tilespmem:s29+$0x340] =	vst v15;
	v10 =	vmul.f32 $9.999999770e-03, v2;
	v1 =	vadd.f32 v1, v3;
	v3 =	vadd.f32 v14, v7  }
0x290: {  	[tilespmem:s29+$0x3340] =	vst v11;
	v4 =	vmax.f32 v6, v4;
	v6 =	vmul.f32 $9.999999770e-03, v5;
	v7 =	vadd.f32 v9, v8  }
0x291: {  	[tilespmem:s29+$0x350] =	vst v4;
	v2 =	vmax.f32 v2, v10;
	v4 =	vmul.f32 $9.999999770e-03, v1;
	v3 =	vadd.f32 v9, v3  }
0x292: {  	[tilespmem:s29+$0x3350] =	vst v2;
	v2 =	vmax.f32 v5, v6;
	v5 =	vmul.f32 $9.999999770e-03, v7  }
0x293: {  	[tilespmem:s29+$0x360] =	vst v2;
	v1 =	vmax.f32 v1, v4;
	v2 =	vmul.f32 $9.999999770e-03, v3  }
0x294: {  	[tilespmem:s29+$0x3360] =	vst v1;
	v1 =	vmax.f32 v7, v5  }
0x295: {  	[tilespmem:s29+$0x370] =	vst v1;
	v1 =	vmax.f32 v3, v2  }
0x296: {  	[tilespmem:s29+$0x3370] =	vst v1  }
0x297: {  	_ =	swait.ge [sflag:s9], $0x20  }
0x298: {  	[sflag:s9] =	ssyncset.done $0x0  }
0x299: {  	[sflag:s9] =	ssyncadd.s32 $0xFFFFFFE0  }
0x29a: {  	_ =	swait.ge [sflag:s9], $0x20  }
0x29b: {  	[sflag:s9] =	ssyncset.done $0x0  }
0x29c: {  	s12 =	simm.s32 $0x280;
	[sflag:s9] =	ssyncadd.s32 $0xFFFFFFE0  }
0x29d: {  	[spmem:s2] =	stream.indirect.scatter.add.f32 [tilespmem:s0], [sflag:$0x4], $0x80, s12, s15, $0xb8;
	[tilespmem:$0x1E600] =	vst v63  }
0x29e: {  	s30 =	simm.s32 $0x200;
	s6 =	simm.s32 $0x3300  }
0x29f: {  	[spmem:s2] =	stream.indirect.scatter.add.f32 [tilespmem:s6], [sflag:$0x4], $0x80, s30, s15, $0xb8;
	[tilespmem:$0x1E600] =	vst v63  }
0x2a0: {  	_ =	swait.ge [sflag:s13], $0x20  }
0x2a1: {  	[sflag:s13] =	ssyncset.done $0x0  }
0x2a2: {  	[sflag:s13] =	ssyncadd.s32 $0xFFFFFFE0  }
0x2a3: {  	_ =	swait.ge [sflag:s13], $0x20  }
0x2a4: {  	[sflag:s13] =	ssyncset.done $0x0  }
0x2a5: {  	[sflag:s13] =	ssyncadd.s32 $0xFFFFFFE0  }
0x2a6: {  	_ =	swait.ge [sflag:s13], $0x20  }
0x2a7: {  	[sflag:s13] =	ssyncset.done $0x0  }
0x2a8: {  	[sflag:s13] =	ssyncadd.s32 $0xFFFFFFE0  }
0x2a9: {  	_ =	swait.ge [sflag:s13], $0x20  }
0x2aa: {  	[sflag:s13] =	ssyncset.done $0x0  }
0x2ab: {  	[sflag:s13] =	ssyncadd.s32 $0xFFFFFFE0  }
0x2ac: {  	_ =	swait.ge [sflag:s20], $0x1000  }
0x2ad: {  	[sflag:s20] =	ssyncset.done $0x0  }
0x2ae: {  	[sflag:s20] =	ssyncadd.s32 $0xFFFFF000  }
0x2af: {  	_ =	swait.ge [sflag:s20], $0x1000  }
0x2b0: {  	[sflag:s20] =	ssyncset.done $0x0  }
0x2b1: {  	s29 =	simm.s32 $0x0;
	[sflag:s20] =	ssyncadd.s32 $0xFFFFF000  }
0x2b2: {  	[tilespmem:s0], [sflag:$0x3] =	stream.indirect.gather [hbm4b:s5+s15], $0x80, s29, s15, $0xb8;
	[tilespmem:$0x1E600] =	vst v63  }
0x2b3: {  	s11 =	simm.s32 $0x1300;
	s23 =	simm.s32 $0x180  }
0x2b4: {  	[tilespmem:s11], [sflag:$0x3] =	stream.indirect.gather [hbm4b:s5+s15], $0x80, s23, s15, $0xb8;
	[tilespmem:$0x1E600] =	vst v63  }
0x2b5: {  	s31 =	simm.s32 $0x80;
	s23 =	simm.s32 $0x2300  }
0x2b6: {  	[tilespmem:s23], [sflag:$0x3] =	stream.indirect.gather [hbm4b:s5+s15], $0x80, s31, s15, $0xb8;
	[tilespmem:$0x1E600] =	vst v63  }
0x2b7: {  	s24 =	simm.s32 $0x100;
	s25 =	sshll.u32 s25, $0x4  }
0x2b8: {  	[tilespmem:s6], [sflag:$0x3] =	stream.indirect.gather [hbm4b:s5+s15], $0x80, s24, s15, $0xb8;
	[tilespmem:$0x1E600] =	vst v63  }
0x2b9: {  	s25 =	sadd.s32 s10, s25;
	s11 =	simm.s32 $0x4300  }
0x2ba: {  	[tilespmem:s11], [sflag:$0x3] =	stream.linear.gather [hbm4b:s25+s29], $0x1000, $0x38;
	[tilespmem:$0x1E600] =	vst v63  }
0x2bb: {  	_ = 	snop  }
0x2bc: {  	[tilespmem:s30], [sflag:$0x2] =	stream.linear.gather [hbm4b:s26+s29], $0x20, $0x38;
	[tilespmem:$0x1E600] =	vst v63  }
0x2bd: {  	_ = 	snop  }
0x2be: {  	[tilespmem:s12], [sflag:$0x2] =	stream.linear.gather [hbm4b:s28+s29], $0x20, $0x38;
	[tilespmem:$0x1E600] =	vst v63  }
0x2bf: {  	_ =	swait.ge [sflag:s21], $0x1000  }
0x2c0: {  	[sflag:s21] =	ssyncset.done $0x0  }
0x2c1: {  	[sflag:s21] =	ssyncadd.s32 $0xFFFFF000  }
0x2c2: {  	_ =	swait.ge [sflag:s21], $0x1000  }
0x2c3: {  	[sflag:s21] =	ssyncset.done $0x0  }
0x2c4: {  	[sflag:s21] =	ssyncadd.s32 $0xFFFFF000  }
0x2c5: {  	_ =	swait.ge [sflag:s21], $0x1000  }
0x2c6: {  	[sflag:s21] =	ssyncset.done $0x0  }
0x2c7: {  	[sflag:s21] =	ssyncadd.s32 $0xFFFFF000  }
0x2c8: {  	_ =	swait.ge [sflag:s21], $0x1000  }
0x2c9: {  	[sflag:s21] =	ssyncset.done $0x0  }
0x2ca: {  	[sflag:s21] =	ssyncadd.s32 $0xFFFFF000  }
0x2cb: {  	_ =	swait.ge [sflag:s21], $0x1000  }
0x2cc: {  	s12 =	rddreg [dreg:$0x1e]  }
0x2cd: {  	s22 =	sadd.s32 s22, s12  }
0x2ce: {  	[sflag:s21] =	ssyncset.done $0x0;
	s30 =	sld [smem:$0x7EB];
	s22 =	sshrl.u32 s22, $0x3  }
0x2cf: {  	[sflag:s21] =	ssyncadd.s32 $0xFFFFF000;
	s12 =	simm.s32 $0x5300;
	s24 =	sadd.s32 s7, s22  }
0x2d0: {  	[tilespmem:s12], [sflag:$0x5] =	stream.linear.gather [hbm4b:s24+s29], $0x20, $0x38;
	[tilespmem:$0x1E600] =	vst v63  }
0x2d1: {  	s6 =	smov.u32 s10;
	s28 =	simm.s32 $0x5380;
	s26 =	sadd.s32 s8, s22  }
0x2d2: {  	[tilespmem:s28], [sflag:$0x5] =	stream.linear.gather [hbm4b:s26+s29], $0x20, $0x38;
	[tilespmem:$0x1E600] =	vst v63  }
0x2d3: {  	s10 =	sadd.s32 s30, s22;
	s24 =	simm.s32 $0x5400;
	s26 =	rddreg [dreg:$0x1]  }
0x2d4: {  	[tilespmem:s24], [sflag:$0x5] =	stream.linear.gather [hbm4b:s10+s29], $0x20, $0x38;
	[tilespmem:$0x1E600] =	vst v63  }
0x2d5: {  	s30 =	simm.s32 $0x5480;
	s22 =	sadd.s32 s26, s22  }
0x2d6: {  	[tilespmem:s30], [sflag:$0x5] =	stream.linear.gather [hbm4b:s22+s29], $0x20, $0x38;
	[tilespmem:$0x1E600] =	vst v63  }
0x2d7: {  	s22 =	simm.s32 $0x0  }
0x2d8: {  	v7 =	vld [tilespmem:s22+$0x9600]  }
0x2d9: {  	v9 =	vld [tilespmem:s22+$0x9610]  }
0x2da: {  	v11 =	vld [tilespmem:s22+$0x9620]  }
0x2db: {  	v12 =	vld [tilespmem:s22+$0x9630]  }
0x2dc: {  	v13 =	vld [tilespmem:s22+$0x9640]  }
0x2dd: {  	v2 =	vld [tilespmem:s22+$0x9650]  }
0x2de: {  	v1 =	vld [tilespmem:s22+$0x9660]  }
0x2df: {  	v8 =	vld [tilespmem:s22+$0x6600]  }
0x2e0: {  	v10 =	vld [tilespmem:s22+$0x7600]  }
0x2e1: {  	v14 =	vld [tilespmem:s22+$0x6610]  }
0x2e2: {  	v15 =	vld [tilespmem:s22+$0x7610]  }
0x2e3: {  	v16 =	vld [tilespmem:s22+$0x6620]  }
0x2e4: {  	v17 =	vld [tilespmem:s22+$0x7620]  }
0x2e5: {  	v18 =	vld [tilespmem:s22+$0x6630]  }
0x2e6: {  	v19 =	vld [tilespmem:s22+$0x7630]  }
0x2e7: {  	v20 =	vld [tilespmem:s22+$0x6640]  }
0x2e8: {  	v21 =	vld [tilespmem:s22+$0x7640]  }
0x2e9: {  	v6 =	vld [tilespmem:s22+$0x6650]  }
0x2ea: {  	v4 =	vld [tilespmem:s22+$0x7650]  }
0x2eb: {  	v22 =	vld [tilespmem:s22+$0x5600]  }
0x2ec: {  	v23 =	vld [tilespmem:s22+$0x8600]  }
0x2ed: {  	v27 =	vld [tilespmem:s22+$0x8620]  }
0x2ee: {  	v24 =	vld [tilespmem:s22+$0x5610]  }
0x2ef: {  	v25 =	vld [tilespmem:s22+$0x8610]  }
0x2f0: {  	v26 =	vld [tilespmem:s22+$0x5620]  }
0x2f1: {  	v59 =	vld [tilespmem:s22+$0x5640];
	v8 =	vadd.f32 v8, v22  }
0x2f2: {  	v22 =	vld [tilespmem:s22+$0x5630];
	v10 =	vadd.f32 v23, v10;
	v17 =	vadd.f32 v27, v17  }
0x2f3: {  	v23 =	vld [tilespmem:s22+$0x8630];
	v28 =	vadd.f32 v7, v8;
	v8 =	vadd.f32 v14, v24  }
0x2f4: {  	v5 =	vld [tilespmem:s22+$0x6660];
	v14 =	vadd.f32 v7, v10;
	v7 =	vadd.f32 v25, v15  }
0x2f5: {  	v3 =	vld [tilespmem:s22+$0x7660];
	v16 =	vadd.f32 v16, v26;
	v17 =	vadd.f32 v11, v17;
	v10 =	vmul.f32 $9.999999770e-03, v28  }
0x2f6: {  	v15 =	vld [tilespmem:s22+$0x8640];
	v60 =	vadd.f32 v9, v8;
	v29 =	vmul.f32 $9.999999770e-03, v14;
	v30 =	vadd.f32 v9, v7  }
0x2f7: {  	v8 =	vld [tilespmem:s22+$0x6670];
	v62 =	vmul.f32 $9.999999770e-03, v17;
	v18 =	vadd.f32 v18, v22;
	v22 =	vadd.f32 v11, v16  }
0x2f8: {  	v7 =	vld [tilespmem:s22+$0x7670];
	v16 =	vadd.f32 v23, v19;
	v23 =	vadd.f32 v20, v59;
	v28 =	vmax.f32 v28, v10  }
0x2f9: {  	v31 =	vmul.f32 $9.999999770e-03, v60;
	v10 =	vld [tilespmem:s22+$0x5650];
	v61 =	vmax.f32 v14, v29;
	v14 =	vmul.f32 $9.999999770e-03, v30  }
0x2fa: {  	v9 =	vld [tilespmem:s22+$0x8650];
	v19 =	vmul.f32 $9.999999770e-03, v22;
	v18 =	vadd.f32 v12, v18;
	v16 =	vadd.f32 v12, v16  }
0x2fb: {  	v11 =	vld [tilespmem:s22+$0x5660];
	[tilespmem:s22+$0x5600] =	vst v28;
	v63 =	vadd.f32 v15, v21;
	v15 =	vadd.f32 v13, v23;
	v25 =	vmax.f32 v60, v31  }
0x2fc: {  	[tilespmem:s22+$0x8600] =	vst v61;
	v12 =	vld [tilespmem:s22+$0x8660];
	v14 =	vmax.f32 v30, v14;
	v20 =	vmax.f32 v22, v19;
	v22 =	vmul.f32 $9.999999770e-03, v18  }
0x2fd: {  	s23 =	simm.s32 $0x200;
	s11 =	simm.s32 $0x280;
	s25 =	simm.s32 $0x200;
	[tilespmem:s22+$0x5610] =	vst v25;
	v19 =	vmax.f32 v17, v62;
	v21 =	vmul.f32 $9.999999770e-03, v16;
	v17 =	vadd.f32 v13, v63;
	v13 =	vld [tilespmem:s22+$0x5670]  }
.LBB2_11:
0x2fe: {  	p0 =	sne.s32 s25, $0x3E00;
	[tilespmem:s22+$0x8610] =	vst v14;
	v14 =	vmax.f32 v18, v22;
	v18 =	vmul.f32 $9.999999770e-03, v15;
	v6 =	vadd.f32 v6, v10;
	v10 =	vld [tilespmem:s22+$0x8670]  }
0x2ff: {  	s26 =	sshra.s32 s25, $0x2;
	[tilespmem:s22+$0x5620] =	vst v20;
	v16 =	vmax.f32 v16, v21;
	v20 =	vmul.f32 $9.999999770e-03, v17;
	v4 =	vadd.f32 v9, v4;
	v9 =	vld [tilespmem:s22+$0x9670]  }
0x300: {  	v21 =	vld [tilespmem:s26+$0x9600];
	[tilespmem:s22+$0x8620] =	vst v19;
	v15 =	vmax.f32 v15, v18;
	v6 =	vadd.f32 v2, v6;
	v5 =	vadd.f32 v5, v11  }
0x301: {  	v11 =	vld [tilespmem:s26+$0x9610];
	[tilespmem:s22+$0x5630] =	vst v14;
	v14 =	vmax.f32 v17, v20;
	v4 =	vadd.f32 v2, v4;
	v2 =	vadd.f32 v12, v3  }
0x302: {  	v12 =	vld [tilespmem:s26+$0x9620];
	[tilespmem:s22+$0x8630] =	vst v16;
	v3 =	vmul.f32 $9.999999770e-03, v6;
	v5 =	vadd.f32 v1, v5;
	v8 =	vadd.f32 v8, v13  }
0x303: {  	v13 =	vld [tilespmem:s26+$0x9630];
	[tilespmem:s22+$0x5640] =	vst v15;
	v15 =	vmul.f32 $9.999999770e-03, v4;
	v16 =	vadd.f32 v1, v2;
	v1 =	vadd.f32 v10, v7  }
0x304: {  	v17 =	vld [tilespmem:s26+$0x9640];
	[tilespmem:s22+$0x8640] =	vst v14;
	v3 =	vmax.f32 v6, v3;
	v6 =	vmul.f32 $9.999999770e-03, v5;
	v7 =	vadd.f32 v9, v8  }
0x305: {  	v2 =	vld [tilespmem:s26+$0x9650];
	[tilespmem:s22+$0x5650] =	vst v3;
	v3 =	vmax.f32 v4, v15;
	v4 =	vmul.f32 $9.999999770e-03, v16;
	v8 =	vadd.f32 v9, v1  }
0x306: {  	v1 =	vld [tilespmem:s26+$0x9660];
	[tilespmem:s22+$0x8650] =	vst v3;
	v3 =	vmax.f32 v5, v6;
	v5 =	vmul.f32 $9.999999770e-03, v7  }
0x307: {  	v9 =	vld [tilespmem:s26+$0x6600];
	[tilespmem:s22+$0x5660] =	vst v3;
	v3 =	vmax.f32 v16, v4;
	v4 =	vmul.f32 $9.999999770e-03, v8  }
0x308: {  	v10 =	vld [tilespmem:s26+$0x7600];
	[tilespmem:s22+$0x8660] =	vst v3;
	v3 =	vmax.f32 v7, v5  }
0x309: {  	v7 =	vld [tilespmem:s26+$0x6610];
	[tilespmem:s22+$0x5670] =	vst v3;
	v3 =	vmax.f32 v8, v4  }
0x30a: {  	v8 =	vld [tilespmem:s26+$0x7610];
	[tilespmem:s22+$0x8670] =	vst v3;
	s22 =	smov.u32 s26  }
0x30b: {  	v14 =	vld [tilespmem:s22+$0x6620]  }
0x30c: {  	v15 =	vld [tilespmem:s22+$0x7620]  }
0x30d: {  	v16 =	vld [tilespmem:s22+$0x6630]  }
0x30e: {  	v18 =	vld [tilespmem:s22+$0x7630]  }
0x30f: {  	v19 =	vld [tilespmem:s22+$0x6640]  }
0x310: {  	v20 =	vld [tilespmem:s22+$0x7640]  }
0x311: {  	v6 =	vld [tilespmem:s22+$0x6650]  }
0x312: {  	v4 =	vld [tilespmem:s22+$0x7650]  }
0x313: {  	v3 =	vld [tilespmem:s22+$0x5600]  }
0x314: {  	v22 =	vld [tilespmem:s22+$0x8600]  }
0x315: {  	v23 =	vld [tilespmem:s22+$0x5610]  }
0x316: {  	v24 =	vld [tilespmem:s22+$0x8610]  }
0x317: {  	v5 =	vld [tilespmem:s22+$0x6660]  }
0x318: {  	v9 =	vadd.f32 v9, v3;
	v3 =	vld [tilespmem:s22+$0x7660]  }
0x319: {  	v10 =	vadd.f32 v22, v10;
	v22 =	vld [tilespmem:s22+$0x5620]  }
0x31a: {  	v9 =	vadd.f32 v21, v9;
	v7 =	vadd.f32 v7, v23;
	v23 =	vld [tilespmem:s22+$0x8620]  }
0x31b: {  	v10 =	vadd.f32 v21, v10;
	v8 =	vadd.f32 v24, v8;
	v21 =	vld [tilespmem:s22+$0x5630]  }
0x31c: {  	v24 =	vmul.f32 $9.999999770e-03, v9;
	v7 =	vadd.f32 v11, v7;
	v25 =	vld [tilespmem:s22+$0x8630]  }
0x31d: {  	v26 =	vmul.f32 $9.999999770e-03, v10;
	v11 =	vadd.f32 v11, v8;
	v27 =	vld [tilespmem:s22+$0x5640]  }
0x31e: {  	v24 =	vmax.f32 v9, v24;
	v9 =	vmul.f32 $9.999999770e-03, v7;
	v14 =	vadd.f32 v14, v22;
	v22 =	vld [tilespmem:s22+$0x8640]  }
0x31f: {  	v26 =	vmax.f32 v10, v26;
	v10 =	vmul.f32 $9.999999770e-03, v11;
	v15 =	vadd.f32 v23, v15;
	v8 =	vld [tilespmem:s22+$0x6670]  }
0x320: {  	v23 =	vmax.f32 v7, v9;
	v28 =	vadd.f32 v12, v14;
	v9 =	vadd.f32 v16, v21;
	v7 =	vld [tilespmem:s22+$0x7670]  }
.Ltmp4:
0x321: {  	v14 =	vmax.f32 v11, v10;
	v21 =	vadd.f32 v12, v15;
	v11 =	vadd.f32 v25, v18;
	v10 =	vld [tilespmem:s22+$0x5650];
	(pc) =	sbr.rel @p0 .LBB2_11-.Ltmp4, $4  }
0x322: {  	v12 =	vmul.f32 $9.999999770e-03, v28;
	v18 =	vadd.f32 v13, v9;
	v15 =	vadd.f32 v19, v27;
	v9 =	vld [tilespmem:s22+$0x8650]  }
0x323: {  	[tilespmem:s22+$0x5600] =	vst v24;
	v19 =	vmul.f32 $9.999999770e-03, v21;
	v16 =	vadd.f32 v13, v11;
	v13 =	vadd.f32 v22, v20;
	v11 =	vld [tilespmem:s22+$0x5660]  }
0x324: {  	[tilespmem:s22+$0x8600] =	vst v26;
	v20 =	vmax.f32 v28, v12;
	v22 =	vmul.f32 $9.999999770e-03, v18;
	v15 =	vadd.f32 v17, v15;
	v12 =	vld [tilespmem:s22+$0x8660]  }
0x325: {  	s25 =	sadd.s32 $0x200, s25;
	[tilespmem:s22+$0x5610] =	vst v23;
	v19 =	vmax.f32 v21, v19;
	v21 =	vmul.f32 $9.999999770e-03, v16;
	v17 =	vadd.f32 v17, v13;
	v13 =	vld [tilespmem:s22+$0x5670]  }
0x326: {  	[tilespmem:s22+$0x8610] =	vst v14;
	v52 =	vld [tilespmem:s22+$0x8670];
	v18 =	vmax.f32 v18, v22;
	v53 =	vmul.f32 $9.999999770e-03, v15;
	v6 =	vadd.f32 v6, v10  }
0x327: {  	[tilespmem:s22+$0x5620] =	vst v20;
	v56 =	vld [tilespmem:s22+$0x9670];
	v54 =	vmax.f32 v16, v21;
	v55 =	vmul.f32 $9.999999770e-03, v17;
	v4 =	vadd.f32 v9, v4  }
0x328: {  	[tilespmem:s22+$0x8620] =	vst v19;
	v15 =	vmax.f32 v15, v53;
	v6 =	vadd.f32 v2, v6;
	v5 =	vadd.f32 v5, v11  }
0x329: {  	[tilespmem:s22+$0x5630] =	vst v18;
	v57 =	vmax.f32 v17, v55;
	v2 =	vadd.f32 v2, v4;
	v3 =	vadd.f32 v12, v3  }
0x32a: {  	[tilespmem:s22+$0x8630] =	vst v54;
	v58 =	vmul.f32 $9.999999770e-03, v6;
	v5 =	vadd.f32 v1, v5;
	v8 =	vadd.f32 v8, v13  }
0x32b: {  	[tilespmem:s22+$0x5640] =	vst v15;
	v59 =	vmul.f32 $9.999999770e-03, v2;
	v1 =	vadd.f32 v1, v3;
	v3 =	vadd.f32 v52, v7  }
0x32c: {  	[tilespmem:s22+$0x8640] =	vst v57;
	v4 =	vmax.f32 v6, v58;
	v60 =	vmul.f32 $9.999999770e-03, v5;
	v61 =	vadd.f32 v56, v8  }
0x32d: {  	[tilespmem:s22+$0x5650] =	vst v4;
	v2 =	vmax.f32 v2, v59;
	v62 =	vmul.f32 $9.999999770e-03, v1;
	v3 =	vadd.f32 v56, v3  }
0x32e: {  	[tilespmem:s22+$0x8650] =	vst v2;
	v2 =	vmax.f32 v5, v60;
	v63 =	vmul.f32 $9.999999770e-03, v61  }
0x32f: {  	[tilespmem:s22+$0x5660] =	vst v2;
	v1 =	vmax.f32 v1, v62;
	v2 =	vmul.f32 $9.999999770e-03, v3  }
0x330: {  	[tilespmem:s22+$0x8660] =	vst v1;
	v1 =	vmax.f32 v61, v63  }
0x331: {  	[tilespmem:s22+$0x5670] =	vst v1;
	v1 =	vmax.f32 v3, v2  }
0x332: {  	[tilespmem:s22+$0x8670] =	vst v1  }
0x333: {  	_ =	swait.ge [sflag:s14], $0x20  }
0x334: {  	[sflag:s14] =	ssyncset.done $0x0  }
0x335: {  	s18 =	sadd.s32 $0x1, s18;
	[sflag:s14] =	ssyncadd.s32 $0xFFFFFFE0  }
0x336: {  	p0 =	sne.s32 s18, $0x9F;
	_ =	swait.ge [sflag:s14], $0x20  }
.Ltmp5:
0x337: {  	[sflag:s14] =	ssyncset.done $0x0;
	(pc) =	sbr.rel @p0 .LBB2_8-.Ltmp5, $4  }
0x338: {  	s29 =	simm.s32 $0x5580;
	s26 =	simm.s32 $0x5600;
	[sflag:s14] =	ssyncadd.s32 $0xFFFFFFE0  }
0x339: {  	[spmem:s2] =	stream.indirect.scatter.add.f32 [tilespmem:s26], [sflag:$0x8], $0x80, s29, s15, $0xb8;
	[tilespmem:$0x1E600] =	vst v63  }
0x33a: {  	s30 =	simm.s32 $0x5500;
	s24 =	simm.s32 $0x8600  }
0x33b: {  	[spmem:s2] =	stream.indirect.scatter.add.f32 [tilespmem:s24], [sflag:$0x8], $0x80, s30, s15, $0xb8;
	[tilespmem:$0x1E600] =	vst v63  }
0x33c: {  	_ =	swait.ge [sflag:s16], $0x20  }
0x33d: {  	[sflag:s16] =	ssyncset.done $0x0  }
0x33e: {  	[sflag:s16] =	ssyncadd.s32 $0xFFFFFFE0  }
0x33f: {  	_ =	swait.ge [sflag:s16], $0x20  }
0x340: {  	[sflag:s16] =	ssyncset.done $0x0  }
0x341: {  	[sflag:s16] =	ssyncadd.s32 $0xFFFFFFE0  }
0x342: {  	_ =	swait.ge [sflag:s16], $0x20  }
0x343: {  	[sflag:s16] =	ssyncset.done $0x0  }
0x344: {  	[sflag:s16] =	ssyncadd.s32 $0xFFFFFFE0  }
0x345: {  	_ =	swait.ge [sflag:s16], $0x20  }
0x346: {  	[sflag:s16] =	ssyncset.done $0x0  }
0x347: {  	[sflag:s16] =	ssyncadd.s32 $0xFFFFFFE0  }
0x348: {  	_ =	swait.ge [sflag:s17], $0x1000  }
0x349: {  	[sflag:s17] =	ssyncset.done $0x0  }
0x34a: {  	[sflag:s17] =	ssyncadd.s32 $0xFFFFF000  }
0x34b: {  	_ =	swait.ge [sflag:s17], $0x1000  }
0x34c: {  	[sflag:s17] =	ssyncset.done $0x0  }
0x34d: {  	[sflag:s17] =	ssyncadd.s32 $0xFFFFF000  }
0x34e: {  	[tilespmem:s26], [sflag:$0x7] =	stream.indirect.gather [hbm4b:s5+s15], $0x80, s12, s15, $0xb8;
	[tilespmem:$0x1E600] =	vst v63  }
0x34f: {  	s18 =	simm.s32 $0x5480;
	s10 =	simm.s32 $0x6600  }
0x350: {  	[tilespmem:s10], [sflag:$0x7] =	stream.indirect.gather [hbm4b:s5+s15], $0x80, s18, s15, $0xb8;
	[tilespmem:$0x1E600] =	vst v63  }
0x351: {  	s18 =	simm.s32 $0x7600  }
0x352: {  	[tilespmem:s18], [sflag:$0x7] =	stream.indirect.gather [hbm4b:s5+s15], $0x80, s28, s15, $0xb8;
	[tilespmem:$0x1E600] =	vst v63  }
0x353: {  	s22 =	simm.s32 $0x5400  }
0x354: {  	[tilespmem:s24], [sflag:$0x7] =	stream.indirect.gather [hbm4b:s5+s15], $0x80, s22, s15, $0xb8;
	[tilespmem:$0x1E600] =	vst v63  }
0x355: {  	s18 =	simm.s32 $0x0;
	s22 =	rddreg [dreg:$0x1c];
	s24 =	simm.s32 $0x9600  }
0x356: {  	[tilespmem:s24], [sflag:$0x7] =	stream.linear.gather [hbm4b:s22+s18], $0x1000, $0x38;
	[tilespmem:$0x1E600] =	vst v63  }
0x357: {  	s25 =	rddreg [dreg:$0x1a]  }
0x358: {  	[tilespmem:s30], [sflag:$0x6] =	stream.linear.gather [hbm4b:s25+s18], $0x20, $0x38;
	[tilespmem:$0x1E600] =	vst v63  }
0x359: {  	s28 =	rddreg [dreg:$0x1b]  }
0x35a: {  	[tilespmem:s29], [sflag:$0x6] =	stream.linear.gather [hbm4b:s28+s18], $0x20, $0x38;
	[tilespmem:$0x1E600] =	vst v63  }
0x35b: {  	_ =	swait.ge [sflag:s1], $0x1000  }
0x35c: {  	[sflag:s1] =	ssyncset.done $0x0  }
0x35d: {  	[sflag:s1] =	ssyncadd.s32 $0xFFFFF000  }
0x35e: {  	_ =	swait.ge [sflag:s1], $0x1000  }
0x35f: {  	[sflag:s1] =	ssyncset.done $0x0  }
0x360: {  	[sflag:s1] =	ssyncadd.s32 $0xFFFFF000  }
0x361: {  	_ =	swait.ge [sflag:s1], $0x1000  }
0x362: {  	[sflag:s1] =	ssyncset.done $0x0  }
0x363: {  	[sflag:s1] =	ssyncadd.s32 $0xFFFFF000  }
0x364: {  	_ =	swait.ge [sflag:s1], $0x1000  }
0x365: {  	[sflag:s1] =	ssyncset.done $0x0  }
0x366: {  	[sflag:s1] =	ssyncadd.s32 $0xFFFFF000  }
0x367: {  	_ =	swait.ge [sflag:s1], $0x1000  }
0x368: {  	[sflag:s1] =	ssyncset.done $0x0  }
0x369: {  	s18 =	simm.s32 $0x0;
	[sflag:s1] =	ssyncadd.s32 $0xFFFFF000  }
0x36a: {  	v7 =	vld [tilespmem:s18+$0x4300]  }
0x36b: {  	v9 =	vld [tilespmem:s18+$0x4310]  }
0x36c: {  	v11 =	vld [tilespmem:s18+$0x4320]  }
0x36d: {  	v12 =	vld [tilespmem:s18+$0x4330]  }
0x36e: {  	v13 =	vld [tilespmem:s18+$0x4340]  }
0x36f: {  	v2 =	vld [tilespmem:s18+$0x4350]  }
0x370: {  	v1 =	vld [tilespmem:s18+$0x4360]  }
0x371: {  	v8 =	vld [tilespmem:s18+$0x1300]  }
0x372: {  	v10 =	vld [tilespmem:s18+$0x2300]  }
0x373: {  	v14 =	vld [tilespmem:s18+$0x1310]  }
0x374: {  	v15 =	vld [tilespmem:s18+$0x2310]  }
0x375: {  	v16 =	vld [tilespmem:s18+$0x1320]  }
0x376: {  	v17 =	vld [tilespmem:s18+$0x2320]  }
0x377: {  	v18 =	vld [tilespmem:s18+$0x1330]  }
0x378: {  	v19 =	vld [tilespmem:s18+$0x2330]  }
0x379: {  	v20 =	vld [tilespmem:s18+$0x1340]  }
0x37a: {  	v21 =	vld [tilespmem:s18+$0x2340]  }
0x37b: {  	v6 =	vld [tilespmem:s18+$0x1350]  }
0x37c: {  	v4 =	vld [tilespmem:s18+$0x2350]  }
0x37d: {  	v22 =	vld [tilespmem:s18+$0x300]  }
0x37e: {  	v23 =	vld [tilespmem:s18+$0x3300]  }
0x37f: {  	v27 =	vld [tilespmem:s18+$0x3320]  }
0x380: {  	v24 =	vld [tilespmem:s18+$0x310]  }
0x381: {  	v25 =	vld [tilespmem:s18+$0x3310]  }
0x382: {  	v26 =	vld [tilespmem:s18+$0x320]  }
0x383: {  	v59 =	vld [tilespmem:s18+$0x340];
	v8 =	vadd.f32 v8, v22  }
0x384: {  	v22 =	vld [tilespmem:s18+$0x330];
	v10 =	vadd.f32 v23, v10;
	v17 =	vadd.f32 v27, v17  }
0x385: {  	v23 =	vld [tilespmem:s18+$0x3330];
	v28 =	vadd.f32 v7, v8;
	v8 =	vadd.f32 v14, v24  }
0x386: {  	v5 =	vld [tilespmem:s18+$0x1360];
	v14 =	vadd.f32 v7, v10;
	v7 =	vadd.f32 v25, v15  }
0x387: {  	v3 =	vld [tilespmem:s18+$0x2360];
	v16 =	vadd.f32 v16, v26;
	v17 =	vadd.f32 v11, v17;
	v10 =	vmul.f32 $9.999999770e-03, v28  }
0x388: {  	v15 =	vld [tilespmem:s18+$0x3340];
	v60 =	vadd.f32 v9, v8;
	v29 =	vmul.f32 $9.999999770e-03, v14;
	v30 =	vadd.f32 v9, v7  }
0x389: {  	v8 =	vld [tilespmem:s18+$0x1370];
	v62 =	vmul.f32 $9.999999770e-03, v17;
	v18 =	vadd.f32 v18, v22;
	v22 =	vadd.f32 v11, v16  }
0x38a: {  	v7 =	vld [tilespmem:s18+$0x2370];
	v16 =	vadd.f32 v23, v19;
	v23 =	vadd.f32 v20, v59;
	v28 =	vmax.f32 v28, v10  }
0x38b: {  	v31 =	vmul.f32 $9.999999770e-03, v60;
	v10 =	vld [tilespmem:s18+$0x350];
	v61 =	vmax.f32 v14, v29;
	v14 =	vmul.f32 $9.999999770e-03, v30  }
0x38c: {  	v9 =	vld [tilespmem:s18+$0x3350];
	v19 =	vmul.f32 $9.999999770e-03, v22;
	v18 =	vadd.f32 v12, v18;
	v16 =	vadd.f32 v12, v16  }
0x38d: {  	v11 =	vld [tilespmem:s18+$0x360];
	[tilespmem:s18+$0x300] =	vst v28;
	v63 =	vadd.f32 v15, v21;
	v15 =	vadd.f32 v13, v23;
	v25 =	vmax.f32 v60, v31  }
0x38e: {  	[tilespmem:s18+$0x3300] =	vst v61;
	v12 =	vld [tilespmem:s18+$0x3360];
	v14 =	vmax.f32 v30, v14;
	v20 =	vmax.f32 v22, v19;
	v22 =	vmul.f32 $9.999999770e-03, v18  }
0x38f: {  	s10 =	simm.s32 $0x8600;
	s22 =	simm.s32 $0x200;
	[tilespmem:s18+$0x310] =	vst v25;
	v19 =	vmax.f32 v17, v62;
	v21 =	vmul.f32 $9.999999770e-03, v16;
	v17 =	vadd.f32 v13, v63;
	v13 =	vld [tilespmem:s18+$0x370]  }
.LBB2_14:
0x390: {  	p0 =	sne.s32 s22, $0x3E00;
	[tilespmem:s18+$0x3310] =	vst v14;
	v14 =	vmax.f32 v18, v22;
	v18 =	vmul.f32 $9.999999770e-03, v15;
	v6 =	vadd.f32 v6, v10;
	v10 =	vld [tilespmem:s18+$0x3370]  }
0x391: {  	s25 =	sshra.s32 s22, $0x2;
	[tilespmem:s18+$0x320] =	vst v20;
	v16 =	vmax.f32 v16, v21;
	v20 =	vmul.f32 $9.999999770e-03, v17;
	v4 =	vadd.f32 v9, v4;
	v9 =	vld [tilespmem:s18+$0x4370]  }
0x392: {  	v21 =	vld [tilespmem:s25+$0x4300];
	[tilespmem:s18+$0x3320] =	vst v19;
	v15 =	vmax.f32 v15, v18;
	v6 =	vadd.f32 v2, v6;
	v5 =	vadd.f32 v5, v11  }
0x393: {  	v11 =	vld [tilespmem:s25+$0x4310];
	[tilespmem:s18+$0x330] =	vst v14;
	v14 =	vmax.f32 v17, v20;
	v4 =	vadd.f32 v2, v4;
	v2 =	vadd.f32 v12, v3  }
0x394: {  	v12 =	vld [tilespmem:s25+$0x4320];
	[tilespmem:s18+$0x3330] =	vst v16;
	v3 =	vmul.f32 $9.999999770e-03, v6;
	v5 =	vadd.f32 v1, v5;
	v8 =	vadd.f32 v8, v13  }
0x395: {  	v13 =	vld [tilespmem:s25+$0x4330];
	[tilespmem:s18+$0x340] =	vst v15;
	v15 =	vmul.f32 $9.999999770e-03, v4;
	v16 =	vadd.f32 v1, v2;
	v1 =	vadd.f32 v10, v7  }
0x396: {  	v17 =	vld [tilespmem:s25+$0x4340];
	[tilespmem:s18+$0x3340] =	vst v14;
	v3 =	vmax.f32 v6, v3;
	v6 =	vmul.f32 $9.999999770e-03, v5;
	v7 =	vadd.f32 v9, v8  }
0x397: {  	v2 =	vld [tilespmem:s25+$0x4350];
	[tilespmem:s18+$0x350] =	vst v3;
	v3 =	vmax.f32 v4, v15;
	v4 =	vmul.f32 $9.999999770e-03, v16;
	v8 =	vadd.f32 v9, v1  }
0x398: {  	v1 =	vld [tilespmem:s25+$0x4360];
	[tilespmem:s18+$0x3350] =	vst v3;
	v3 =	vmax.f32 v5, v6;
	v5 =	vmul.f32 $9.999999770e-03, v7  }
0x399: {  	v9 =	vld [tilespmem:s25+$0x1300];
	[tilespmem:s18+$0x360] =	vst v3;
	v3 =	vmax.f32 v16, v4;
	v4 =	vmul.f32 $9.999999770e-03, v8  }
0x39a: {  	v10 =	vld [tilespmem:s25+$0x2300];
	[tilespmem:s18+$0x3360] =	vst v3;
	v3 =	vmax.f32 v7, v5  }
0x39b: {  	v7 =	vld [tilespmem:s25+$0x1310];
	[tilespmem:s18+$0x370] =	vst v3;
	v3 =	vmax.f32 v8, v4  }
0x39c: {  	v8 =	vld [tilespmem:s25+$0x2310];
	[tilespmem:s18+$0x3370] =	vst v3;
	s18 =	smov.u32 s25  }
0x39d: {  	v14 =	vld [tilespmem:s18+$0x1320]  }
0x39e: {  	v15 =	vld [tilespmem:s18+$0x2320]  }
0x39f: {  	v16 =	vld [tilespmem:s18+$0x1330]  }
0x3a0: {  	v18 =	vld [tilespmem:s18+$0x2330]  }
0x3a1: {  	v19 =	vld [tilespmem:s18+$0x1340]  }
0x3a2: {  	v20 =	vld [tilespmem:s18+$0x2340]  }
0x3a3: {  	v6 =	vld [tilespmem:s18+$0x1350]  }
0x3a4: {  	v4 =	vld [tilespmem:s18+$0x2350]  }
0x3a5: {  	v3 =	vld [tilespmem:s18+$0x300]  }
0x3a6: {  	v22 =	vld [tilespmem:s18+$0x3300]  }
0x3a7: {  	v23 =	vld [tilespmem:s18+$0x310]  }
0x3a8: {  	v24 =	vld [tilespmem:s18+$0x3310]  }
0x3a9: {  	v5 =	vld [tilespmem:s18+$0x1360]  }
0x3aa: {  	v9 =	vadd.f32 v9, v3;
	v3 =	vld [tilespmem:s18+$0x2360]  }
0x3ab: {  	v10 =	vadd.f32 v22, v10;
	v22 =	vld [tilespmem:s18+$0x320]  }
0x3ac: {  	v9 =	vadd.f32 v21, v9;
	v7 =	vadd.f32 v7, v23;
	v23 =	vld [tilespmem:s18+$0x3320]  }
0x3ad: {  	v10 =	vadd.f32 v21, v10;
	v8 =	vadd.f32 v24, v8;
	v21 =	vld [tilespmem:s18+$0x330]  }
0x3ae: {  	v24 =	vmul.f32 $9.999999770e-03, v9;
	v7 =	vadd.f32 v11, v7;
	v25 =	vld [tilespmem:s18+$0x3330]  }
0x3af: {  	v26 =	vmul.f32 $9.999999770e-03, v10;
	v11 =	vadd.f32 v11, v8;
	v27 =	vld [tilespmem:s18+$0x340]  }
0x3b0: {  	v24 =	vmax.f32 v9, v24;
	v9 =	vmul.f32 $9.999999770e-03, v7;
	v14 =	vadd.f32 v14, v22;
	v22 =	vld [tilespmem:s18+$0x3340]  }
0x3b1: {  	v26 =	vmax.f32 v10, v26;
	v10 =	vmul.f32 $9.999999770e-03, v11;
	v15 =	vadd.f32 v23, v15;
	v8 =	vld [tilespmem:s18+$0x1370]  }
0x3b2: {  	v23 =	vmax.f32 v7, v9;
	v28 =	vadd.f32 v12, v14;
	v9 =	vadd.f32 v16, v21;
	v7 =	vld [tilespmem:s18+$0x2370]  }
.Ltmp6:
0x3b3: {  	v14 =	vmax.f32 v11, v10;
	v21 =	vadd.f32 v12, v15;
	v11 =	vadd.f32 v25, v18;
	v10 =	vld [tilespmem:s18+$0x350];
	(pc) =	sbr.rel @p0 .LBB2_14-.Ltmp6, $4  }
0x3b4: {  	v12 =	vmul.f32 $9.999999770e-03, v28;
	v18 =	vadd.f32 v13, v9;
	v15 =	vadd.f32 v19, v27;
	v9 =	vld [tilespmem:s18+$0x3350]  }
0x3b5: {  	[tilespmem:s18+$0x300] =	vst v24;
	v19 =	vmul.f32 $9.999999770e-03, v21;
	v16 =	vadd.f32 v13, v11;
	v13 =	vadd.f32 v22, v20;
	v11 =	vld [tilespmem:s18+$0x360]  }
0x3b6: {  	[tilespmem:s18+$0x3300] =	vst v26;
	v20 =	vmax.f32 v28, v12;
	v22 =	vmul.f32 $9.999999770e-03, v18;
	v15 =	vadd.f32 v17, v15;
	v12 =	vld [tilespmem:s18+$0x3360]  }
0x3b7: {  	s22 =	sadd.s32 $0x200, s22;
	[tilespmem:s18+$0x310] =	vst v23;
	v19 =	vmax.f32 v21, v19;
	v21 =	vmul.f32 $9.999999770e-03, v16;
	v17 =	vadd.f32 v17, v13;
	v13 =	vld [tilespmem:s18+$0x370]  }
0x3b8: {  	[tilespmem:s18+$0x3310] =	vst v14;
	v14 =	vld [tilespmem:s18+$0x3370];
	v18 =	vmax.f32 v18, v22;
	v22 =	vmul.f32 $9.999999770e-03, v15;
	v6 =	vadd.f32 v6, v10  }
0x3b9: {  	[tilespmem:s18+$0x320] =	vst v20;
	v10 =	vmax.f32 v16, v21;
	v16 =	vmul.f32 $9.999999770e-03, v17;
	v4 =	vadd.f32 v9, v4;
	v9 =	vld [tilespmem:s18+$0x4370]  }
0x3ba: {  	[tilespmem:s18+$0x3320] =	vst v19;
	v15 =	vmax.f32 v15, v22;
	v6 =	vadd.f32 v2, v6;
	v5 =	vadd.f32 v5, v11  }
0x3bb: {  	[tilespmem:s18+$0x330] =	vst v18;
	v11 =	vmax.f32 v17, v16;
	v2 =	vadd.f32 v2, v4;
	v3 =	vadd.f32 v12, v3  }
0x3bc: {  	[tilespmem:s18+$0x3330] =	vst v10;
	v4 =	vmul.f32 $9.999999770e-03, v6;
	v5 =	vadd.f32 v1, v5;
	v8 =	vadd.f32 v8, v13  }
0x3bd: {  	[tilespmem:s18+$0x340] =	vst v15;
	v10 =	vmul.f32 $9.999999770e-03, v2;
	v1 =	vadd.f32 v1, v3;
	v3 =	vadd.f32 v14, v7  }
0x3be: {  	[tilespmem:s18+$0x3340] =	vst v11;
	v4 =	vmax.f32 v6, v4;
	v6 =	vmul.f32 $9.999999770e-03, v5;
	v7 =	vadd.f32 v9, v8  }
0x3bf: {  	[tilespmem:s18+$0x350] =	vst v4;
	v2 =	vmax.f32 v2, v10;
	v4 =	vmul.f32 $9.999999770e-03, v1;
	v3 =	vadd.f32 v9, v3  }
0x3c0: {  	[tilespmem:s18+$0x3350] =	vst v2;
	v2 =	vmax.f32 v5, v6;
	v5 =	vmul.f32 $9.999999770e-03, v7  }
0x3c1: {  	[tilespmem:s18+$0x360] =	vst v2;
	v1 =	vmax.f32 v1, v4;
	v2 =	vmul.f32 $9.999999770e-03, v3  }
0x3c2: {  	[tilespmem:s18+$0x3360] =	vst v1;
	v1 =	vmax.f32 v7, v5  }
0x3c3: {  	[tilespmem:s18+$0x370] =	vst v1;
	v1 =	vmax.f32 v3, v2  }
0x3c4: {  	[tilespmem:s18+$0x3370] =	vst v1  }
0x3c5: {  	_ =	swait.ge [sflag:s9], $0x20  }
0x3c6: {  	[sflag:s9] =	ssyncset.done $0x0  }
0x3c7: {  	[sflag:s9] =	ssyncadd.s32 $0xFFFFFFE0  }
0x3c8: {  	_ =	swait.ge [sflag:s9], $0x20  }
0x3c9: {  	[sflag:s9] =	ssyncset.done $0x0  }
0x3ca: {  	[sflag:s9] =	ssyncadd.s32 $0xFFFFFFE0  }
0x3cb: {  	[spmem:s2] =	stream.indirect.scatter.add.f32 [tilespmem:s0], [sflag:$0x4], $0x80, s11, s15, $0xb8;
	[tilespmem:$0x1E600] =	vst v63  }
0x3cc: {  	s25 =	simm.s32 $0x3300  }
0x3cd: {  	[spmem:s2] =	stream.indirect.scatter.add.f32 [tilespmem:s25], [sflag:$0x4], $0x80, s23, s15, $0xb8;
	[tilespmem:$0x1E600] =	vst v63  }
0x3ce: {  	_ =	swait.ge [sflag:s20], $0x1000  }
0x3cf: {  	[sflag:s20] =	ssyncset.done $0x0  }
0x3d0: {  	[sflag:s20] =	ssyncadd.s32 $0xFFFFF000  }
0x3d1: {  	_ =	swait.ge [sflag:s20], $0x1000  }
0x3d2: {  	[sflag:s20] =	ssyncset.done $0x0  }
0x3d3: {  	[sflag:s20] =	ssyncadd.s32 $0xFFFFF000  }
0x3d4: {  	_ =	swait.ge [sflag:s21], $0x1000  }
0x3d5: {  	[sflag:s21] =	ssyncset.done $0x0  }
0x3d6: {  	[sflag:s21] =	ssyncadd.s32 $0xFFFFF000  }
0x3d7: {  	_ =	swait.ge [sflag:s21], $0x1000  }
0x3d8: {  	[sflag:s21] =	ssyncset.done $0x0  }
0x3d9: {  	[sflag:s21] =	ssyncadd.s32 $0xFFFFF000  }
0x3da: {  	_ =	swait.ge [sflag:s21], $0x1000  }
0x3db: {  	[sflag:s21] =	ssyncset.done $0x0  }
0x3dc: {  	[sflag:s21] =	ssyncadd.s32 $0xFFFFF000  }
0x3dd: {  	_ =	swait.ge [sflag:s21], $0x1000  }
0x3de: {  	[sflag:s21] =	ssyncset.done $0x0  }
0x3df: {  	[sflag:s21] =	ssyncadd.s32 $0xFFFFF000  }
0x3e0: {  	_ =	swait.ge [sflag:s21], $0x1000  }
0x3e1: {  	[sflag:s21] =	ssyncset.done $0x0  }
0x3e2: {  	s18 =	simm.s32 $0x0;
	[sflag:s21] =	ssyncadd.s32 $0xFFFFF000  }
0x3e3: {  	v7 =	vld [tilespmem:s18+$0x9600]  }
0x3e4: {  	v9 =	vld [tilespmem:s18+$0x9610]  }
0x3e5: {  	v11 =	vld [tilespmem:s18+$0x9620]  }
0x3e6: {  	v12 =	vld [tilespmem:s18+$0x9630]  }
0x3e7: {  	v13 =	vld [tilespmem:s18+$0x9640]  }
0x3e8: {  	v2 =	vld [tilespmem:s18+$0x9650]  }
0x3e9: {  	v1 =	vld [tilespmem:s18+$0x9660]  }
0x3ea: {  	v8 =	vld [tilespmem:s18+$0x6600]  }
0x3eb: {  	v10 =	vld [tilespmem:s18+$0x7600]  }
0x3ec: {  	v14 =	vld [tilespmem:s18+$0x6610]  }
0x3ed: {  	v15 =	vld [tilespmem:s18+$0x7610]  }
0x3ee: {  	v16 =	vld [tilespmem:s18+$0x6620]  }
0x3ef: {  	v17 =	vld [tilespmem:s18+$0x7620]  }
0x3f0: {  	v18 =	vld [tilespmem:s18+$0x6630]  }
0x3f1: {  	v19 =	vld [tilespmem:s18+$0x7630]  }
0x3f2: {  	v20 =	vld [tilespmem:s18+$0x6640]  }
0x3f3: {  	v21 =	vld [tilespmem:s18+$0x7640]  }
0x3f4: {  	v6 =	vld [tilespmem:s18+$0x6650]  }
0x3f5: {  	v4 =	vld [tilespmem:s18+$0x7650]  }
0x3f6: {  	v22 =	vld [tilespmem:s18+$0x5600]  }
0x3f7: {  	v23 =	vld [tilespmem:s18+$0x8600]  }
0x3f8: {  	v27 =	vld [tilespmem:s18+$0x8620]  }
0x3f9: {  	v24 =	vld [tilespmem:s18+$0x5610]  }
0x3fa: {  	v25 =	vld [tilespmem:s18+$0x8610]  }
0x3fb: {  	v26 =	vld [tilespmem:s18+$0x5620]  }
0x3fc: {  	v59 =	vld [tilespmem:s18+$0x5640];
	v8 =	vadd.f32 v8, v22  }
0x3fd: {  	v22 =	vld [tilespmem:s18+$0x5630];
	v10 =	vadd.f32 v23, v10;
	v17 =	vadd.f32 v27, v17  }
0x3fe: {  	v23 =	vld [tilespmem:s18+$0x8630];
	v28 =	vadd.f32 v7, v8;
	v8 =	vadd.f32 v14, v24  }
0x3ff: {  	v5 =	vld [tilespmem:s18+$0x6660];
	v14 =	vadd.f32 v7, v10;
	v7 =	vadd.f32 v25, v15  }
0x400: {  	v3 =	vld [tilespmem:s18+$0x7660];
	v16 =	vadd.f32 v16, v26;
	v17 =	vadd.f32 v11, v17;
	v10 =	vmul.f32 $9.999999770e-03, v28  }
0x401: {  	v15 =	vld [tilespmem:s18+$0x8640];
	v60 =	vadd.f32 v9, v8;
	v29 =	vmul.f32 $9.999999770e-03, v14;
	v30 =	vadd.f32 v9, v7  }
0x402: {  	v8 =	vld [tilespmem:s18+$0x6670];
	v62 =	vmul.f32 $9.999999770e-03, v17;
	v18 =	vadd.f32 v18, v22;
	v22 =	vadd.f32 v11, v16  }
0x403: {  	v7 =	vld [tilespmem:s18+$0x7670];
	v16 =	vadd.f32 v23, v19;
	v23 =	vadd.f32 v20, v59;
	v28 =	vmax.f32 v28, v10  }
0x404: {  	v31 =	vmul.f32 $9.999999770e-03, v60;
	v10 =	vld [tilespmem:s18+$0x5650];
	v61 =	vmax.f32 v14, v29;
	v14 =	vmul.f32 $9.999999770e-03, v30  }
0x405: {  	v9 =	vld [tilespmem:s18+$0x8650];
	v19 =	vmul.f32 $9.999999770e-03, v22;
	v18 =	vadd.f32 v12, v18;
	v16 =	vadd.f32 v12, v16  }
0x406: {  	v11 =	vld [tilespmem:s18+$0x5660];
	[tilespmem:s18+$0x5600] =	vst v28;
	v63 =	vadd.f32 v15, v21;
	v15 =	vadd.f32 v13, v23;
	v25 =	vmax.f32 v60, v31  }
0x407: {  	s28 =	rddreg [dreg:$0x5];
	[tilespmem:s18+$0x8600] =	vst v61;
	v12 =	vld [tilespmem:s18+$0x8660];
	v14 =	vmax.f32 v30, v14;
	v20 =	vmax.f32 v22, v19;
	v22 =	vmul.f32 $9.999999770e-03, v18  }
0x408: {  	s22 =	simm.s32 $0x200;
	s24 =	rddreg [dreg:$0x11];
	[tilespmem:s18+$0x5610] =	vst v25;
	v19 =	vmax.f32 v17, v62;
	v21 =	vmul.f32 $9.999999770e-03, v16;
	v17 =	vadd.f32 v13, v63;
	v13 =	vld [tilespmem:s18+$0x5670]  }
.LBB2_16:
0x409: {  	p0 =	sne.s32 s22, $0x3E00;
	[tilespmem:s18+$0x8610] =	vst v14;
	v14 =	vmax.f32 v18, v22;
	v18 =	vmul.f32 $9.999999770e-03, v15;
	v6 =	vadd.f32 v6, v10;
	v10 =	vld [tilespmem:s18+$0x8670]  }
0x40a: {  	s25 =	sshra.s32 s22, $0x2;
	[tilespmem:s18+$0x5620] =	vst v20;
	v16 =	vmax.f32 v16, v21;
	v20 =	vmul.f32 $9.999999770e-03, v17;
	v4 =	vadd.f32 v9, v4;
	v9 =	vld [tilespmem:s18+$0x9670]  }
0x40b: {  	v21 =	vld [tilespmem:s25+$0x9600];
	[tilespmem:s18+$0x8620] =	vst v19;
	v15 =	vmax.f32 v15, v18;
	v6 =	vadd.f32 v2, v6;
	v5 =	vadd.f32 v5, v11  }
0x40c: {  	v11 =	vld [tilespmem:s25+$0x9610];
	[tilespmem:s18+$0x5630] =	vst v14;
	v14 =	vmax.f32 v17, v20;
	v4 =	vadd.f32 v2, v4;
	v2 =	vadd.f32 v12, v3  }
0x40d: {  	v12 =	vld [tilespmem:s25+$0x9620];
	[tilespmem:s18+$0x8630] =	vst v16;
	v3 =	vmul.f32 $9.999999770e-03, v6;
	v5 =	vadd.f32 v1, v5;
	v8 =	vadd.f32 v8, v13  }
0x40e: {  	v13 =	vld [tilespmem:s25+$0x9630];
	[tilespmem:s18+$0x5640] =	vst v15;
	v15 =	vmul.f32 $9.999999770e-03, v4;
	v16 =	vadd.f32 v1, v2;
	v1 =	vadd.f32 v10, v7  }
0x40f: {  	v17 =	vld [tilespmem:s25+$0x9640];
	[tilespmem:s18+$0x8640] =	vst v14;
	v3 =	vmax.f32 v6, v3;
	v6 =	vmul.f32 $9.999999770e-03, v5;
	v7 =	vadd.f32 v9, v8  }
0x410: {  	v2 =	vld [tilespmem:s25+$0x9650];
	[tilespmem:s18+$0x5650] =	vst v3;
	v3 =	vmax.f32 v4, v15;
	v4 =	vmul.f32 $9.999999770e-03, v16;
	v8 =	vadd.f32 v9, v1  }
0x411: {  	v1 =	vld [tilespmem:s25+$0x9660];
	[tilespmem:s18+$0x8650] =	vst v3;
	v3 =	vmax.f32 v5, v6;
	v5 =	vmul.f32 $9.999999770e-03, v7  }
0x412: {  	v9 =	vld [tilespmem:s25+$0x6600];
	[tilespmem:s18+$0x5660] =	vst v3;
	v3 =	vmax.f32 v16, v4;
	v4 =	vmul.f32 $9.999999770e-03, v8  }
0x413: {  	v10 =	vld [tilespmem:s25+$0x7600];
	[tilespmem:s18+$0x8660] =	vst v3;
	v3 =	vmax.f32 v7, v5  }
0x414: {  	v7 =	vld [tilespmem:s25+$0x6610];
	[tilespmem:s18+$0x5670] =	vst v3;
	v3 =	vmax.f32 v8, v4  }
0x415: {  	v8 =	vld [tilespmem:s25+$0x7610];
	[tilespmem:s18+$0x8670] =	vst v3;
	s18 =	smov.u32 s25  }
0x416: {  	v14 =	vld [tilespmem:s18+$0x6620]  }
0x417: {  	v15 =	vld [tilespmem:s18+$0x7620]  }
0x418: {  	v16 =	vld [tilespmem:s18+$0x6630]  }
0x419: {  	v18 =	vld [tilespmem:s18+$0x7630]  }
0x41a: {  	v19 =	vld [tilespmem:s18+$0x6640]  }
0x41b: {  	v20 =	vld [tilespmem:s18+$0x7640]  }
0x41c: {  	v6 =	vld [tilespmem:s18+$0x6650]  }
0x41d: {  	v4 =	vld [tilespmem:s18+$0x7650]  }
0x41e: {  	v3 =	vld [tilespmem:s18+$0x5600]  }
0x41f: {  	v22 =	vld [tilespmem:s18+$0x8600]  }
0x420: {  	v23 =	vld [tilespmem:s18+$0x5610]  }
0x421: {  	v24 =	vld [tilespmem:s18+$0x8610]  }
0x422: {  	v5 =	vld [tilespmem:s18+$0x6660]  }
0x423: {  	v9 =	vadd.f32 v9, v3;
	v3 =	vld [tilespmem:s18+$0x7660]  }
0x424: {  	v10 =	vadd.f32 v22, v10;
	v22 =	vld [tilespmem:s18+$0x5620]  }
0x425: {  	v9 =	vadd.f32 v21, v9;
	v7 =	vadd.f32 v7, v23;
	v23 =	vld [tilespmem:s18+$0x8620]  }
0x426: {  	v10 =	vadd.f32 v21, v10;
	v8 =	vadd.f32 v24, v8;
	v21 =	vld [tilespmem:s18+$0x5630]  }
0x427: {  	v24 =	vmul.f32 $9.999999770e-03, v9;
	v7 =	vadd.f32 v11, v7;
	v25 =	vld [tilespmem:s18+$0x8630]  }
0x428: {  	v26 =	vmul.f32 $9.999999770e-03, v10;
	v11 =	vadd.f32 v11, v8;
	v27 =	vld [tilespmem:s18+$0x5640]  }
0x429: {  	v24 =	vmax.f32 v9, v24;
	v9 =	vmul.f32 $9.999999770e-03, v7;
	v14 =	vadd.f32 v14, v22;
	v22 =	vld [tilespmem:s18+$0x8640]  }
0x42a: {  	v26 =	vmax.f32 v10, v26;
	v10 =	vmul.f32 $9.999999770e-03, v11;
	v15 =	vadd.f32 v23, v15;
	v8 =	vld [tilespmem:s18+$0x6670]  }
0x42b: {  	v23 =	vmax.f32 v7, v9;
	v28 =	vadd.f32 v12, v14;
	v9 =	vadd.f32 v16, v21;
	v7 =	vld [tilespmem:s18+$0x7670]  }
.Ltmp7:
0x42c: {  	v14 =	vmax.f32 v11, v10;
	v21 =	vadd.f32 v12, v15;
	v11 =	vadd.f32 v25, v18;
	v10 =	vld [tilespmem:s18+$0x5650];
	(pc) =	sbr.rel @p0 .LBB2_16-.Ltmp7, $4  }
0x42d: {  	v12 =	vmul.f32 $9.999999770e-03, v28;
	v18 =	vadd.f32 v13, v9;
	v15 =	vadd.f32 v19, v27;
	v9 =	vld [tilespmem:s18+$0x8650]  }
0x42e: {  	[tilespmem:s18+$0x5600] =	vst v24;
	v19 =	vmul.f32 $9.999999770e-03, v21;
	v16 =	vadd.f32 v13, v11;
	v13 =	vadd.f32 v22, v20;
	v11 =	vld [tilespmem:s18+$0x5660]  }
0x42f: {  	[tilespmem:s18+$0x8600] =	vst v26;
	v20 =	vmax.f32 v28, v12;
	v22 =	vmul.f32 $9.999999770e-03, v18;
	v15 =	vadd.f32 v17, v15;
	v12 =	vld [tilespmem:s18+$0x8660]  }
0x430: {  	s22 =	sadd.s32 $0x200, s22;
	[tilespmem:s18+$0x5610] =	vst v23;
	v19 =	vmax.f32 v21, v19;
	v21 =	vmul.f32 $9.999999770e-03, v16;
	v17 =	vadd.f32 v17, v13;
	v13 =	vld [tilespmem:s18+$0x5670]  }
0x431: {  	[tilespmem:s18+$0x8610] =	vst v14;
	v52 =	vld [tilespmem:s18+$0x8670];
	v18 =	vmax.f32 v18, v22;
	v53 =	vmul.f32 $9.999999770e-03, v15;
	v6 =	vadd.f32 v6, v10  }
0x432: {  	[tilespmem:s18+$0x5620] =	vst v20;
	v56 =	vld [tilespmem:s18+$0x9670];
	v54 =	vmax.f32 v16, v21;
	v55 =	vmul.f32 $9.999999770e-03, v17;
	v4 =	vadd.f32 v9, v4  }
0x433: {  	[tilespmem:s18+$0x8620] =	vst v19;
	v15 =	vmax.f32 v15, v53;
	v6 =	vadd.f32 v2, v6;
	v5 =	vadd.f32 v5, v11  }
0x434: {  	[tilespmem:s18+$0x5630] =	vst v18;
	v57 =	vmax.f32 v17, v55;
	v2 =	vadd.f32 v2, v4;
	v3 =	vadd.f32 v12, v3  }
0x435: {  	[tilespmem:s18+$0x8630] =	vst v54;
	v58 =	vmul.f32 $9.999999770e-03, v6;
	v5 =	vadd.f32 v1, v5;
	v8 =	vadd.f32 v8, v13  }
0x436: {  	[tilespmem:s18+$0x5640] =	vst v15;
	v59 =	vmul.f32 $9.999999770e-03, v2;
	v1 =	vadd.f32 v1, v3;
	v3 =	vadd.f32 v52, v7  }
0x437: {  	[tilespmem:s18+$0x8640] =	vst v57;
	v4 =	vmax.f32 v6, v58;
	v60 =	vmul.f32 $9.999999770e-03, v5;
	v61 =	vadd.f32 v56, v8  }
0x438: {  	[tilespmem:s18+$0x5650] =	vst v4;
	v2 =	vmax.f32 v2, v59;
	v62 =	vmul.f32 $9.999999770e-03, v1;
	v3 =	vadd.f32 v56, v3  }
0x439: {  	[tilespmem:s18+$0x8650] =	vst v2;
	v2 =	vmax.f32 v5, v60;
	v63 =	vmul.f32 $9.999999770e-03, v61  }
0x43a: {  	[tilespmem:s18+$0x5660] =	vst v2;
	v1 =	vmax.f32 v1, v62;
	v2 =	vmul.f32 $9.999999770e-03, v3  }
0x43b: {  	[tilespmem:s18+$0x8660] =	vst v1;
	v1 =	vmax.f32 v61, v63  }
0x43c: {  	[tilespmem:s18+$0x5670] =	vst v1;
	v1 =	vmax.f32 v3, v2  }
0x43d: {  	[tilespmem:s18+$0x8670] =	vst v1  }
0x43e: {  	_ =	swait.ge [sflag:s14], $0x20  }
0x43f: {  	[sflag:s14] =	ssyncset.done $0x0  }
0x440: {  	[sflag:s14] =	ssyncadd.s32 $0xFFFFFFE0  }
0x441: {  	_ =	swait.ge [sflag:s14], $0x20  }
0x442: {  	[sflag:s14] =	ssyncset.done $0x0  }
0x443: {  	[sflag:s14] =	ssyncadd.s32 $0xFFFFFFE0  }
0x444: {  	[spmem:s2] =	stream.indirect.scatter.add.f32 [tilespmem:s26], [sflag:$0x8], $0x80, s29, s15, $0xb8;
	[tilespmem:$0x1E600] =	vst v63  }
0x445: {  	_ = 	snop  }
0x446: {  	[spmem:s2] =	stream.indirect.scatter.add.f32 [tilespmem:s10], [sflag:$0x8], $0x80, s30, s15, $0xb8;
	[tilespmem:$0x1E600] =	vst v63  }
0x447: {  	_ =	swait.ge [sflag:s17], $0x1000  }
0x448: {  	[sflag:s17] =	ssyncset.done $0x0  }
0x449: {  	[sflag:s17] =	ssyncadd.s32 $0xFFFFF000  }
0x44a: {  	_ =	swait.ge [sflag:s17], $0x1000  }
0x44b: {  	[sflag:s17] =	ssyncset.done $0x0  }
0x44c: {  	[sflag:s17] =	ssyncadd.s32 $0xFFFFF000  }
0x44d: {  	[bflag:$0x0] =	sbarrier.arrive $0xFFFF  }
0x44e: {  	[tilespmem:s0], [sflag:$0x9] =	stream.linear.gather [spmem:s28], $0x1000, $0x38;
	[tilespmem:$0x1E600] =	vst v63  }
0x44f: {  	_ =	swait.ge [sflag:s4], $0x1000  }
0x450: {  	[sflag:s4] =	ssyncset.done $0x0  }
0x451: {  	s30 =	sadd.s32 $0x0, s19;
	[sflag:s4] =	ssyncadd.s32 $0xFFFFF000  }
0x452: {  	[hbm4b:s30+s3] =	stream.linear.scatter [tilespmem:s0], [sflag:$0x9], $0x1000, $0x38;
	[tilespmem:$0x1E600] =	vst v63  }
0x453: {  	_ =	swait.ge [sflag:s4], $0x1000  }
0x454: {  	s22 =	smov.u32 s28;
	s18 =	simm.s32 $0x200;
	[sflag:s4] =	ssyncset.done $0x0  }
.LBB2_18:
0x455: {  	p0 =	sne.s32 s18, $0x2600;
	[sflag:s4] =	ssyncadd.s32 $0xFFFFF000;
	s22 =	sadd.s32 $0x1000, s22  }
0x456: {  	[tilespmem:s0], [sflag:$0x9] =	stream.linear.gather [spmem:s22], $0x1000, $0x38;
	[tilespmem:$0x1E600] =	vst v63  }
0x457: {  	s25 =	smov.u32 s18;
	s18 =	sadd.s32 $0x200, s18;
	_ =	swait.ge [sflag:s4], $0x1000  }
.Ltmp8:
0x458: {  	[sflag:s4] =	ssyncset.done $0x0;
	(pc) =	sbr.rel @p0 .LBB2_18-.Ltmp8, $4  }
0x459: {  	s25 =	sadd.s32 s25, s19;
	[sflag:s4] =	ssyncadd.s32 $0xFFFFF000  }
0x45a: {  	[hbm4b:s25+s3] =	stream.linear.scatter [tilespmem:s0], [sflag:$0x9], $0x1000, $0x38;
	[tilespmem:$0x1E600] =	vst v63  }
0x45b: {  	_ =	swait.ge [sflag:s4], $0x1000  }
0x45c: {  	[sflag:s4] =	ssyncset.done $0x0  }
0x45d: {  	s10 =	sld [smem:$0x7EA];
	_ =	sdelay $0x2  }
0x45e: {  	s18 =	rddreg [dreg:$0x1d];
	s10 =	sadd.s32 $0x1, s10  }
0x45f: {  	p0 =	sne.s32 s10, s18  }
.Ltmp9:
0x460: {  	_ = 	snop;
	(pc) =	sbr.rel @p0 .LBB2_1-.Ltmp9, $2  }
0x461: {  	_ =	sdelay $0x2  }
0x462: {  	[sflag:s4] =	ssyncadd.s32 $0xFFFFF000  }
0x463: {  	_ =	sfence.sel $0x180000  }
0x464: {  	[bflag:$0x0] =	sbarrier.arrive $0xFFFF  }
0x465: {  	_ =	strace $0x90000047  }
0x466: {  	s0 =	stileid.u32;
	[bflag:$0x2] =	sbarrier.arrive $0xFFFF  }
0x467: {  	p0 =	sne.s32 s0, $0x0;
	s0 =	rddreg [dreg:$0x3]  }
0x468: {  	s0 =	sadd.s32 @!p0 $0x100000, s0  }
0x469: {  	[sflag:s0] =	ssyncadd.tile.s32 @!p0 $0x1;
	_ =	shalt  }
.Lfunc_end2:
_tile_overlayer_lowered:
.L_overlay_start_2:
0x46a: {  	(tag) =	ssettag $0x2  }
0x46b: {  	s0 =	rddreg [dreg:$0x0];
	s2 =	stileid.u32  }
0x46c: {  	s1 =	rddreg [dreg:$0x1];
	p0 =	sne.s32 s2, $0x0  }
0x46d: {  	s3 =	rddreg [dreg:$0x2];
	[bflag:$0x3] =	sbarrier.arrive $0xFFFF;
	s2 =	simm.s32 @!p0 $0x1C09  }
0x46e: {  	[timem:s3], [sflag:s2] =	dma.local @!p0 [hbm:s0], s1  }
0x46f: {  	s0 =	simm.s32 @!p0 $0x9  }
0x470: {  	_ =	swait.ge @!p0 [sflag:s0], s1  }
0x471: {  	s1 =	ssub.s32 @!p0 $0x0, s1;
	[sflag:s0] =	ssyncset.done @!p0 $0x0  }
0x472: {  	[sflag:s0] =	ssyncadd.s32 @!p0 s1  }
0x473: {  	[bflag:$0x3] =	sbarrier.arrive $0xFFFF  }
0x474: {  	_ =	shalt  }

</sc_bundles>
